<compile_context>
chip_gen: v7x
topology: tpu7x:2x2x1
jax: 0.10.2.dev20260603
libtpu: 0.0.44.dev20260713+nightly
codegen_flags: <defaults>
</compile_context>

<pallas_src>
import jax
import jax.numpy as jnp
from jax import lax
from jax.experimental import pallas as pl
from jax.experimental.pallas import tpu as pltpu
from jax.experimental.pallas import tpu_sc as plsc

N_NODES = 100000
MAX_DEG = 32
D_IN = 256
N_CLASSES = 40
B = 1024
S1, S2 = 25, 10
H = 128

NC, NS = 2, 16
NW = NC * NS
SPW = B // NW
E1 = SPW * S1
E2 = E1 * S2
CH = 400
CHA = 200
LB = H // 16


def _bf16_bits(x):
    u = jax.lax.bitcast_convert_type(x, jnp.uint32)
    return (u + jnp.uint32(0x7FFF) + ((u >> 16) & jnp.uint32(1))) >> 16


def _proj_body(f_ref, w_ref, b_ref, pxn_ref):
    acc = jnp.dot(f_ref[...].astype(jnp.bfloat16), w_ref[...],
                  preferred_element_type=jnp.float32)
    acc = acc + b_ref[...]
    px = _bf16_bits(acc[:, :H])
    pn = _bf16_bits(acc[:, H:])
    pxn_ref[...] = px | (pn << 16)


def _project(feats, wcat, bcat):
    rows = 10000
    grid = N_NODES // rows
    return pl.pallas_call(
        _proj_body,
        grid=(grid,),
        in_specs=[
            pl.BlockSpec((rows, D_IN), lambda i: (i, 0)),
            pl.BlockSpec((D_IN, 2 * H), lambda i: (0, 0)),
            pl.BlockSpec((1, 2 * H), lambda i: (0, 0)),
        ],
        out_specs=pl.BlockSpec((rows, H), lambda i: (i, 0)),
        out_shape=jax.ShapeDtypeStruct((N_NODES, H), jnp.uint32),
    )(feats, wcat, bcat)


def _gather_rows(table_hbm, idx_ref, dst_ref, sem):
    pltpu.async_copy(table_hbm.at[idx_ref], dst_ref, sem).wait()


def _issue_gather(table_hbm, idx_ref, dst_ref, sem):
    pltpu.async_copy(table_hbm.at[idx_ref], dst_ref, sem)


def _drain_gather(dummy_hbm, dst_ref, sem):
    pltpu.make_async_copy(dummy_hbm, dst_ref, sem).wait()


def _worker_id():
    return lax.axis_index("s") * NC + lax.axis_index("c")


def _load_pair(buf, row):
    pxs, pns = [], []
    for blk in range(LB):
        w = buf[row, pl.ds(blk * 16, 16)]
        pxs.append(plsc.bitcast(w << 16, jnp.float32))
        pns.append(plsc.bitcast(w & jnp.uint32(0xFFFF0000), jnp.float32))
    return pxs, pns


def _ids_body(ids_hbm, adjq_hbm, p1_hbm, p2_hbm,
              ids1_hbm, ids2_hbm,
              ids0_v, ids0q_v, p1_v, p2_v, adj0_v, ids1_v, ids1q_v, adjc_v,
              ids2_v, sem):
    wid = _worker_id()
    seed_base = wid * SPW

    pltpu.sync_copy(p1_hbm, p1_v)
    pltpu.sync_copy(p2_hbm, p2_v)
    pltpu.sync_copy(ids_hbm.at[pl.ds(seed_base, SPW)], ids0_v)

    def q0(i, c):
        ids0q_v[pl.ds(i * 16, 16)] = ids0_v[pl.ds(i * 16, 16)] // 4
        return c
    lax.fori_loop(0, SPW // 16, q0, 0)

    _gather_rows(adjq_hbm, ids0q_v, adj0_v, sem)

    def b1(i, c):
        mv = i * 16 + lax.iota(jnp.int32, 16)
        e = mv // S1
        nid = plsc.load_gather(ids0_v, [e])
        col = (nid % 4) * MAX_DEG + plsc.load_gather(p1_v, [mv % S1])
        val = plsc.load_gather(adj0_v, [e, col])
        ids1_v[pl.ds(i * 16, 16)] = val
        ids1q_v[pl.ds(i * 16, 16)] = val // 4
        return c
    lax.fori_loop(0, E1 // 16, b1, 0)

    for kc in range(E1 // CHA):
        _gather_rows(adjq_hbm, ids1q_v.at[pl.ds(kc * CHA, CHA)], adjc_v, sem)

        def b2(i, c):
            mg = kc * CHA * S2 + i * 16
            mv = mg + lax.iota(jnp.int32, 16)
            ent = mv // S2
            nid = plsc.load_gather(ids1_v, [ent])
            col = (nid % 4) * MAX_DEG + plsc.load_gather(p2_v, [mv % S2])
            ids2_v[pl.ds(mg, 16)] = plsc.load_gather(
                adjc_v, [ent - kc * CHA, col])
            return c
        lax.fori_loop(0, CHA * S2 // 16, b2, 0)

    pltpu.sync_copy(ids1_v, ids1_hbm.at[pl.ds(wid * E1, E1)])
    pltpu.sync_copy(ids2_v, ids2_hbm.at[pl.ds(wid * E2, E2)])


def _sc_ids(ids, adjq, p1, p2):
    mesh = plsc.VectorSubcoreMesh(core_axis_name="c", subcore_axis_name="s")
    i32 = jnp.int32
    k = pl.kernel(
        _ids_body,
        out_type=[jax.ShapeDtypeStruct((B * S1,), i32),
                  jax.ShapeDtypeStruct((B * S1 * S2,), i32)],
        mesh=mesh,
        compiler_params=pltpu.CompilerParams(needs_layout_passes=False),
        scratch_types=[
            pltpu.VMEM((SPW,), i32),
            pltpu.VMEM((SPW,), i32),
            pltpu.VMEM((32,), i32),
            pltpu.VMEM((16,), i32),
            pltpu.VMEM((SPW, 128), i32),
            pltpu.VMEM((E1,), i32),
            pltpu.VMEM((E1,), i32),
            pltpu.VMEM((CHA, 128), i32),
            pltpu.VMEM((E2,), i32),
            pltpu.SemaphoreType.DMA,
        ],
    )
    return k(ids, adjq, p1, p2)


def _sc_body(ids_hbm, ids1_hbm, ids2_hbm, pxn_hbm,
             h0x_hbm, h0n_hbm, m1x_hbm, m1n_hbm,
             ids0_v, ids1_v, ids2_v,
             rows_v, rows2_v, h0x_v, h0n_v, m1x_v, m1n_v, sem, sem2):
    wid = _worker_id()
    seed_base = wid * SPW

    pltpu.sync_copy(ids_hbm.at[pl.ds(seed_base, SPW)], ids0_v)
    pltpu.sync_copy(ids1_hbm.at[pl.ds(wid * E1, E1)], ids1_v)
    pltpu.sync_copy(ids2_hbm.at[pl.ds(wid * E2, E2)], ids2_v)

    bufs = (rows_v, rows2_v)
    sems = (sem, sem2)

    def seed_mean2(buf, k):
        spc = CH // S1

        def sb(s, c):
            def eb(e, accs):
                row = s * S1 + e
                pxs, pns = _load_pair(buf, row)
                ax = tuple(a + jnp.maximum(v, 0.0)
                           for a, v in zip(accs[:LB], pxs))
                an = tuple(a + v for a, v in zip(accs[LB:], pns))
                return ax + an
            accs = lax.fori_loop(
                0, S1, eb, tuple(jnp.zeros((16,), jnp.float32)
                                 for _ in range(2 * LB)))
            srow = k * spc + s
            for l in range(LB):
                m1x_v[srow, pl.ds(l * 16, 16)] = accs[l] * (1.0 / S1)
                h0n_v[srow, pl.ds(l * 16, 16)] = jnp.maximum(
                    accs[LB + l] * (1.0 / S1), 0.0)
            return c
        lax.fori_loop(0, spc, sb, 0)

    epc = CH // S2
    nch = E2 // CH

    def pc_start(k, b):
        koff = pl.multiple_of(k * CH, CH)
        _issue_gather(pxn_hbm, ids2_v.at[pl.ds(koff, CH)], bufs[b], sems[b])

    def pc_compute(buf, k, accs):
        def eb(e, accs):
            rowb = e * S2
            eg = k * epc + e
            srow = eg // S1
            _, vs = _load_pair(buf, rowb)
            for r in range(1, S2):
                _, vr = _load_pair(buf, rowb + r)
                vs = [a + b2 for a, b2 in zip(vs, vr)]
            accs = tuple(
                a + jnp.maximum(v * (1.0 / S2), 0.0) * (1.0 / S1)
                for a, v in zip(accs, vs))
            is_last = (eg % S1) == (S1 - 1)

            @pl.when(is_last)
            def _():
                for l in range(LB):
                    m1n_v[srow, pl.ds(l * 16, 16)] = accs[l]
            return tuple(
                jnp.where(is_last, jnp.zeros((16,), jnp.float32), a)
                for a in accs)
        return lax.fori_loop(0, epc, eb, accs)

    def drain(b):
        _drain_gather(pxn_hbm.at[pl.ds(0, CH)], bufs[b], sems[b])

    dsub = rows_v.at[pl.ds(0, SPW)]

    _issue_gather(pxn_hbm, ids0_v, dsub, sems[0])
    _issue_gather(pxn_hbm, ids1_v.at[pl.ds(0, CH)], bufs[1], sems[1])
    _drain_gather(pxn_hbm.at[pl.ds(0, SPW)], dsub, sems[0])

    def pd(r, c):
        pxs, _ = _load_pair(rows_v, r)
        for l in range(LB):
            h0x_v[r, pl.ds(l * 16, 16)] = jnp.maximum(pxs[l], 0.0)
        return c
    lax.fori_loop(0, SPW, pd, 0)

    _issue_gather(pxn_hbm, ids1_v.at[pl.ds(CH, CH)], bufs[0], sems[0])
    drain(1)
    seed_mean2(bufs[1], 0)
    pc_start(0, 1)
    drain(0)
    seed_mean2(bufs[0], 1)
    pc_start(1, 0)

    def pc_pair(kp, accs):
        k0 = pl.multiple_of(kp * 2, 2)
        drain(1)
        accs = pc_compute(bufs[1], k0, accs)

        @pl.when(kp < nch // 2 - 1)
        def _():
            pc_start(k0 + 2, 1)
        drain(0)
        accs = pc_compute(bufs[0], k0 + 1, accs)

        @pl.when(kp < nch // 2 - 1)
        def _():
            pc_start(k0 + 3, 0)
        return accs
    lax.fori_loop(0, nch // 2, pc_pair,
                  tuple(jnp.zeros((16,), jnp.float32) for _ in range(LB)))

    pltpu.sync_copy(h0x_v, h0x_hbm.at[pl.ds(seed_base, SPW)])
    pltpu.sync_copy(h0n_v, h0n_hbm.at[pl.ds(seed_base, SPW)])
    pltpu.sync_copy(m1x_v, m1x_hbm.at[pl.ds(seed_base, SPW)])
    pltpu.sync_copy(m1n_v, m1n_hbm.at[pl.ds(seed_base, SPW)])


def _sc_gather(ids, ids1, ids2, pxn):
    mesh = plsc.VectorSubcoreMesh(core_axis_name="c", subcore_axis_name="s")
    f32, i32 = jnp.float32, jnp.int32
    out = jax.ShapeDtypeStruct((B, H), f32)
    k = pl.kernel(
        _sc_body,
        out_type=[out, out, out, out],
        mesh=mesh,
        compiler_params=pltpu.CompilerParams(needs_layout_passes=False),
        scratch_types=[
            pltpu.VMEM((SPW,), i32),
            pltpu.VMEM((E1,), i32),
            pltpu.VMEM((E2,), i32),
            pltpu.VMEM((CH, H), jnp.uint32),
            pltpu.VMEM((CH, H), jnp.uint32),
            pltpu.VMEM((SPW, H), f32),
            pltpu.VMEM((SPW, H), f32),
            pltpu.VMEM((SPW, H), f32),
            pltpu.VMEM((SPW, H), f32),
            pltpu.SemaphoreType.DMA,
            pltpu.SemaphoreType.DMA,
        ],
    )
    return k(ids, ids1, ids2, pxn)


def _head_body(h0x, h0n, m1x, m1n, wx2, wn2, wfc, bx2, bn2, bfc, out):
    gx = (jnp.dot(h0x[...], wx2[:H, :], preferred_element_type=jnp.float32)
          + jnp.dot(h0n[...], wx2[H:, :], preferred_element_type=jnp.float32)
          + bx2[...])
    gn = (jnp.dot(m1x[...], wn2[:H, :], preferred_element_type=jnp.float32)
          + jnp.dot(m1n[...], wn2[H:, :], preferred_element_type=jnp.float32)
          + bn2[...])
    nrm = (jnp.sum(gx * gx, axis=1, keepdims=True)
           + jnp.sum(gn * gn, axis=1, keepdims=True))
    s = 1.0 / jnp.maximum(jnp.sqrt(nrm), 1e-12)
    out[...] = (jnp.dot(gx * s, wfc[:H, :], preferred_element_type=jnp.float32)
                + jnp.dot(gn * s, wfc[H:, :],
                          preferred_element_type=jnp.float32)
                + bfc[...])


def _head(h0x, h0n, m1x, m1n, wx2, wn2, wfc, bx2, bn2, bfc):
    return pl.pallas_call(
        _head_body,
        out_shape=jax.ShapeDtypeStruct((B, N_CLASSES), jnp.float32),
    )(h0x, h0n, m1x, m1n, wx2, wn2, wfc, bx2, bn2, bfc)


def kernel(ids, feats, adj, perm1, perm2, W_x1, b_x1, W_n1, b_n1,
           W_x2, b_x2, W_n2, b_n2, W_fc, b_fc):
    wcat = jnp.concatenate([W_x1, W_n1], axis=1).astype(jnp.bfloat16)
    bcat = jnp.concatenate([b_x1, b_n1]).reshape(1, 2 * H)
    pxn = _project(feats, wcat, bcat)
    p1 = jnp.pad(perm1, (0, 32 - S1))
    p2 = jnp.pad(perm2, (0, 16 - S2))
    ids1, ids2 = _sc_ids(ids, adj.reshape(N_NODES // 4, 4 * MAX_DEG), p1, p2)
    h0x, h0n, m1x, m1n = _sc_gather(ids, ids1, ids2, pxn)
    return _head(h0x, h0n, m1x, m1n, W_x2, W_n2, W_fc,
                 b_x2.reshape(1, H), b_n2.reshape(1, H),
                 b_fc.reshape(1, N_CLASSES))

# --- scband reference (transcript-rebuilt; emitter-appended) ---
"""Pipeline reference for scband-gssupervised-50869592654943 (READ-ONLY COPY).

The authoritative reference and input builder live on the scoring server;
editing this copy changes nothing except your own understanding.
"""

import jax, jax.numpy as jnp
import numpy as np

N_NODES = 100000
MAX_DEG = 32
D_IN = 256
N_CLASSES = 40
B = 1024
S1, S2 = 25, 10
H = 128


def setup_inputs(seed: int = 0) -> dict:
    key = jax.random.key(seed)
    ks = jax.random.split(key, 12)
    sc = 0.05
    inp = {}
    inp["ids"] = jax.random.randint(ks[0], (B,), 0, N_NODES, dtype=jnp.int32)
    inp["feats"] = jax.random.normal(ks[1], (N_NODES, D_IN), dtype=jnp.float32)
    inp["adj"] = jax.random.randint(ks[2], (N_NODES, MAX_DEG), 0, N_NODES, dtype=jnp.int32)
    inp["perm1"] = jax.random.permutation(ks[3], MAX_DEG)[:S1].astype(jnp.int32)
    inp["perm2"] = jax.random.permutation(ks[4], MAX_DEG)[:S2].astype(jnp.int32)
    inp["W_x1"] = jax.random.normal(ks[5], (D_IN, H), dtype=jnp.float32) * sc
    inp["b_x1"] = jnp.zeros((H,), dtype=jnp.float32)
    inp["W_n1"] = jax.random.normal(ks[6], (D_IN, H), dtype=jnp.float32) * sc
    inp["b_n1"] = jnp.zeros((H,), dtype=jnp.float32)
    inp["W_x2"] = jax.random.normal(ks[7], (2 * H, H), dtype=jnp.float32) * sc
    inp["b_x2"] = jnp.zeros((H,), dtype=jnp.float32)
    inp["W_n2"] = jax.random.normal(ks[8], (2 * H, H), dtype=jnp.float32) * sc
    inp["b_n2"] = jnp.zeros((H,), dtype=jnp.float32)
    inp["W_fc"] = jax.random.normal(ks[9], (2 * H, N_CLASSES), dtype=jnp.float32) * sc
    inp["b_fc"] = jnp.zeros((N_CLASSES,), dtype=jnp.float32)
    return inp


def _mean_agg(x, neibs, W_x, b_x, W_n, b_n, use_relu):
    # neibs: [x.shape[0] * n_samples, d] -> mean over sampled neighbors
    agg_neib = neibs.reshape(x.shape[0], -1, neibs.shape[1]).mean(axis=1)
    out = jnp.concatenate([x @ W_x + b_x, agg_neib @ W_n + b_n], axis=1)
    if use_relu:
        out = jax.nn.relu(out)
    return out


def reference(ids, feats, adj, perm1, perm2, W_x1, b_x1, W_n1, b_n1,
              W_x2, b_x2, W_n2, b_n2, W_fc, b_fc):
    # UniformNeighborSampler: gather padded neighbor rows, pick a fixed column permutation
    ids0 = ids
    ids1 = adj[ids0][:, perm1].reshape(-1)                # [B*S1]
    ids2 = adj[ids1][:, perm2].reshape(-1)                # [B*S1*S2]
    # IdentityPrep: feats[ids]
    all_feats = [jnp.take(feats, ids0, axis=0),
                 jnp.take(feats, ids1, axis=0),
                 jnp.take(feats, ids2, axis=0)]
    # agg layer 1 (relu)
    all_feats = [_mean_agg(all_feats[k], all_feats[k + 1], W_x1, b_x1, W_n1, b_n1, True)
                 for k in range(len(all_feats) - 1)]
    # agg layer 2 (linear)
    all_feats = [_mean_agg(all_feats[k], all_feats[k + 1], W_x2, b_x2, W_n2, b_n2, False)
                 for k in range(len(all_feats) - 1)]
    assert len(all_feats) == 1
    out = all_feats[0]
    out = out / jnp.maximum(jnp.linalg.norm(out, axis=1, keepdims=True), 1e-12)
    return out @ W_fc + b_fc

if __name__ == "__main__":
    import jax
    _d = setup_inputs()
    print(jax.jit(kernel)(*tuple(_d.values())))

</pallas_src>

<mosaic_0001>
#map = affine_map<(d0, d1) -> (0)>
#map1 = affine_map<(d0, d1) -> (0, 0)>
module attributes {stable_mosaic.version = 14 : i64} {
  func.func @_sc_body(%arg0: i32, %arg1: i32, %arg2: memref<1024xi32, #tpu.memory_space<hbm>>, %arg3: memref<25600xi32, #tpu.memory_space<hbm>>, %arg4: memref<256000xi32, #tpu.memory_space<hbm>>, %arg5: memref<100000x128xi32, #tpu.memory_space<hbm>>, %arg6: memref<1024x128xf32, #tpu.memory_space<hbm>>, %arg7: memref<1024x128xf32, #tpu.memory_space<hbm>>, %arg8: memref<1024x128xf32, #tpu.memory_space<hbm>>, %arg9: memref<1024x128xf32, #tpu.memory_space<hbm>>, %arg10: memref<32xi32, #tpu.memory_space<vmem>>, %arg11: memref<800xi32, #tpu.memory_space<vmem>>, %arg12: memref<8000xi32, #tpu.memory_space<vmem>>, %arg13: memref<400x128xi32, #tpu.memory_space<vmem>>, %arg14: memref<400x128xi32, #tpu.memory_space<vmem>>, %arg15: memref<32x128xf32, #tpu.memory_space<vmem>>, %arg16: memref<32x128xf32, #tpu.memory_space<vmem>>, %arg17: memref<32x128xf32, #tpu.memory_space<vmem>>, %arg18: memref<32x128xf32, #tpu.memory_space<vmem>>, %arg19: memref<!tpu.dma_semaphore, #tpu.memory_space<semaphore_mem>>, %arg20: memref<!tpu.dma_semaphore, #tpu.memory_space<semaphore_mem>>) attributes {dimension_semantics = [#tpu.dimension_semantics<core_parallel>, #tpu.dimension_semantics<subcore_parallel>], iteration_bounds = array<i64: 2, 16>, scalar_prefetch = 0 : i64, scratch_operands = 11 : i64, tpu.core_type = #tpu.core_type<sc_vector_subcore>, window_params = [{transform_indices = #map}, {transform_indices = #map}, {transform_indices = #map}, {transform_indices = #map1}, {transform_indices = #map1}, {transform_indices = #map1}, {transform_indices = #map1}, {transform_indices = #map1}]} {
    %mul3A = arith.constant 2 : i32
    %mul3A_0 = arith.muli %arg1, %mul3A : i32
    %add3A = arith.addi %mul3A_0, %arg0 : i32
    %mul3A_1 = arith.constant 32 : i32
    %mul3A_2 = arith.muli %add3A, %mul3A_1 : i32
    "tpu.region"() ({
      %run_scoped3A = tpu.sem_alloc : memref<!tpu.dma_semaphore, #tpu.memory_space<semaphore_mem>>
      %dma_start3A_94 = tpu.memref_slice %arg2[%mul3A_2] : memref<1024xi32, #tpu.memory_space<hbm>> -> memref<32xi32, #tpu.memory_space<hbm>>
      %dma_start3A_95 = tpu.memref_slice %arg2[%mul3A_2] : memref<1024xi32, #tpu.memory_space<hbm>> -> memref<32xi32, #tpu.memory_space<hbm>>
      tpu.enqueue_dma source(%dma_start3A_95 : memref<32xi32, #tpu.memory_space<hbm>>) target(%arg10 : memref<32xi32, #tpu.memory_space<vmem>>) target_semaphore(%run_scoped3A : memref<!tpu.dma_semaphore, #tpu.memory_space<semaphore_mem>>)
      %dma_wait3A_96 = tpu.memref_slice %arg2[%mul3A_2] : memref<1024xi32, #tpu.memory_space<hbm>> -> memref<32xi32, #tpu.memory_space<hbm>>
      %dma_wait3A_97 = tpu.memref_slice %arg2[%mul3A_2] : memref<1024xi32, #tpu.memory_space<hbm>> -> memref<32xi32, #tpu.memory_space<hbm>>
      tpu.wait_dma2 semaphore(%run_scoped3A : memref<!tpu.dma_semaphore, #tpu.memory_space<semaphore_mem>>) src(%dma_wait3A_97 : memref<32xi32, #tpu.memory_space<hbm>>) dst(%arg10 : memref<32xi32, #tpu.memory_space<vmem>>)
      tpu.yield
    }) : () -> ()
    %mul3A_3 = arith.constant 800 : i32
    %mul3A_4 = arith.muli %add3A, %mul3A_3 : i32
    "tpu.region"() ({
      %run_scoped3A = tpu.sem_alloc : memref<!tpu.dma_semaphore, #tpu.memory_space<semaphore_mem>>
      %dma_start3A_94 = tpu.memref_slice %arg3[%mul3A_4] : memref<25600xi32, #tpu.memory_space<hbm>> -> memref<800xi32, #tpu.memory_space<hbm>>
      %dma_start3A_95 = tpu.memref_slice %arg3[%mul3A_4] : memref<25600xi32, #tpu.memory_space<hbm>> -> memref<800xi32, #tpu.memory_space<hbm>>
      tpu.enqueue_dma source(%dma_start3A_95 : memref<800xi32, #tpu.memory_space<hbm>>) target(%arg11 : memref<800xi32, #tpu.memory_space<vmem>>) target_semaphore(%run_scoped3A : memref<!tpu.dma_semaphore, #tpu.memory_space<semaphore_mem>>)
      %dma_wait3A_96 = tpu.memref_slice %arg3[%mul3A_4] : memref<25600xi32, #tpu.memory_space<hbm>> -> memref<800xi32, #tpu.memory_space<hbm>>
      %dma_wait3A_97 = tpu.memref_slice %arg3[%mul3A_4] : memref<25600xi32, #tpu.memory_space<hbm>> -> memref<800xi32, #tpu.memory_space<hbm>>
      tpu.wait_dma2 semaphore(%run_scoped3A : memref<!tpu.dma_semaphore, #tpu.memory_space<semaphore_mem>>) src(%dma_wait3A_97 : memref<800xi32, #tpu.memory_space<hbm>>) dst(%arg11 : memref<800xi32, #tpu.memory_space<vmem>>)
      tpu.yield
    }) : () -> ()
    %mul3A_5 = arith.constant 8000 : i32
    %mul3A_6 = arith.muli %add3A, %mul3A_5 : i32
    "tpu.region"() ({
      %run_scoped3A = tpu.sem_alloc : memref<!tpu.dma_semaphore, #tpu.memory_space<semaphore_mem>>
      %dma_start3A_94 = tpu.memref_slice %arg4[%mul3A_6] : memref<256000xi32, #tpu.memory_space<hbm>> -> memref<8000xi32, #tpu.memory_space<hbm>>
      %dma_start3A_95 = tpu.memref_slice %arg4[%mul3A_6] : memref<256000xi32, #tpu.memory_space<hbm>> -> memref<8000xi32, #tpu.memory_space<hbm>>
      tpu.enqueue_dma source(%dma_start3A_95 : memref<8000xi32, #tpu.memory_space<hbm>>) target(%arg12 : memref<8000xi32, #tpu.memory_space<vmem>>) target_semaphore(%run_scoped3A : memref<!tpu.dma_semaphore, #tpu.memory_space<semaphore_mem>>)
      %dma_wait3A_96 = tpu.memref_slice %arg4[%mul3A_6] : memref<256000xi32, #tpu.memory_space<hbm>> -> memref<8000xi32, #tpu.memory_space<hbm>>
      %dma_wait3A_97 = tpu.memref_slice %arg4[%mul3A_6] : memref<256000xi32, #tpu.memory_space<hbm>> -> memref<8000xi32, #tpu.memory_space<hbm>>
      tpu.wait_dma2 semaphore(%run_scoped3A : memref<!tpu.dma_semaphore, #tpu.memory_space<semaphore_mem>>) src(%dma_wait3A_97 : memref<8000xi32, #tpu.memory_space<hbm>>) dst(%arg12 : memref<8000xi32, #tpu.memory_space<vmem>>)
      tpu.yield
    }) : () -> ()
    %dma_start3A = arith.constant 0 : i32
    %dma_start3A_7 = arith.constant 0 : i32
    %dma_start3A_8 = tpu.memref_slice %arg13[%dma_start3A, %dma_start3A_7] : memref<400x128xi32, #tpu.memory_space<vmem>> -> memref<32x128xi32, #tpu.memory_space<vmem>>
    %dma_start3A_9 = arith.constant 0 : i32
    %dma_start3A_10 = arith.constant 0 : i32
    %dma_start3A_11 = tpu.memref_slice %arg5[%dma_start3A_9, %dma_start3A_10] : memref<100000x128xi32, #tpu.memory_space<hbm>> -> memref<100000x128xi32, #tpu.memory_space<hbm>>
    tpu.enqueue_indirect_dma source(%dma_start3A_11 : memref<100000x128xi32, #tpu.memory_space<hbm>>) target(%dma_start3A_8 : memref<32x128xi32, #tpu.memory_space<vmem>>) offsets(%arg10 : memref<32xi32, #tpu.memory_space<vmem>>) semaphore(%arg19 : memref<!tpu.dma_semaphore, #tpu.memory_space<semaphore_mem>>)
    %dma_start3A_12 = arith.constant 0 : i32
    %dma_start3A_13 = tpu.memref_slice %arg11[%dma_start3A_12] : memref<800xi32, #tpu.memory_space<vmem>> -> memref<400xi32, #tpu.memory_space<vmem>>
    %dma_start3A_14 = arith.constant 0 : i32
    %dma_start3A_15 = arith.constant 0 : i32
    %dma_start3A_16 = tpu.memref_slice %arg5[%dma_start3A_14, %dma_start3A_15] : memref<100000x128xi32, #tpu.memory_space<hbm>> -> memref<100000x128xi32, #tpu.memory_space<hbm>>
    tpu.enqueue_indirect_dma source(%dma_start3A_16 : memref<100000x128xi32, #tpu.memory_space<hbm>>) target(%arg14 : memref<400x128xi32, #tpu.memory_space<vmem>>) offsets(%dma_start3A_13 : memref<400xi32, #tpu.memory_space<vmem>>) semaphore(%arg20 : memref<!tpu.dma_semaphore, #tpu.memory_space<semaphore_mem>>)
    %dma_wait3A = arith.constant 0 : i32
    %dma_wait3A_17 = arith.constant 0 : i32
    %dma_wait3A_18 = tpu.memref_slice %arg13[%dma_wait3A, %dma_wait3A_17] : memref<400x128xi32, #tpu.memory_space<vmem>> -> memref<32x128xi32, #tpu.memory_space<vmem>>
    %dma_wait3A_19 = arith.constant 0 : i32
    %dma_wait3A_20 = arith.constant 0 : i32
    %dma_wait3A_21 = tpu.memref_slice %arg5[%dma_wait3A_19, %dma_wait3A_20] : memref<100000x128xi32, #tpu.memory_space<hbm>> -> memref<32x128xi32, #tpu.memory_space<hbm>>
    %dma_wait3A_22 = arith.constant 0 : i32
    %dma_wait3A_23 = arith.constant 0 : i32
    %dma_wait3A_24 = tpu.memref_slice %arg13[%dma_wait3A_22, %dma_wait3A_23] : memref<400x128xi32, #tpu.memory_space<vmem>> -> memref<32x128xi32, #tpu.memory_space<vmem>>
    %dma_wait3A_25 = arith.constant 0 : i32
    %dma_wait3A_26 = arith.constant 0 : i32
    %dma_wait3A_27 = tpu.memref_slice %arg5[%dma_wait3A_25, %dma_wait3A_26] : memref<100000x128xi32, #tpu.memory_space<hbm>> -> memref<32x128xi32, #tpu.memory_space<hbm>>
    tpu.wait_dma2 semaphore(%arg19 : memref<!tpu.dma_semaphore, #tpu.memory_space<semaphore_mem>>) src(%dma_wait3A_27 : memref<32x128xi32, #tpu.memory_space<hbm>>) dst(%dma_wait3A_24 : memref<32x128xi32, #tpu.memory_space<vmem>>)
    %scan3A = arith.constant 0 : i32
    %scan3A_28 = arith.constant 0 : i32
    %scan3A_29 = arith.constant 32 : i32
    %scan3A_30 = arith.addi %scan3A_28, %scan3A_29 : i32
    %scan3A_31 = arith.constant 1 : i32
    scf.for %scan3A_94 = %scan3A_28 to %scan3A_30 step %scan3A_31  : i32 {
      %get3A = arith.index_cast %scan3A_94 : i32 to index
      %get3A_95 = arith.constant 0 : index
      %get3A_96 = tpu.vector_load %arg13[%get3A, %get3A_95] {strides = array<i32>} : memref<400x128xi32, #tpu.memory_space<vmem>>, vector<16xi32>,
      %shift_left3A = arith.constant 16 : i32
      %shift_left3A_97 = vector.broadcast %shift_left3A : i32 to vector<16xi32>
      %shift_left3A_98 = arith.shli %get3A_96, %shift_left3A_97 : vector<16xi32>
      %bitcast3A = vector.bitcast %shift_left3A_98 : vector<16xi32> to vector<16xf32>
      %and3A = arith.constant -65536 : i32
      %and3A_99 = vector.broadcast %and3A : i32 to vector<16xi32>
      %and3A_100 = arith.andi %get3A_96, %and3A_99 : vector<16xi32>
      %bitcast3A_101 = vector.bitcast %and3A_100 : vector<16xi32> to vector<16xf32>
      %get3A_102 = arith.index_cast %scan3A_94 : i32 to index
      %get3A_103 = arith.constant 16 : index
      %get3A_104 = tpu.vector_load %arg13[%get3A_102, %get3A_103] {strides = array<i32>} : memref<400x128xi32, #tpu.memory_space<vmem>>, vector<16xi32>,
      %shift_left3A_105 = arith.constant 16 : i32
      %shift_left3A_106 = vector.broadcast %shift_left3A_105 : i32 to vector<16xi32>
      %shift_left3A_107 = arith.shli %get3A_104, %shift_left3A_106 : vector<16xi32>
      %bitcast3A_108 = vector.bitcast %shift_left3A_107 : vector<16xi32> to vector<16xf32>
      %and3A_109 = arith.constant -65536 : i32
      %and3A_110 = vector.broadcast %and3A_109 : i32 to vector<16xi32>
      %and3A_111 = arith.andi %get3A_104, %and3A_110 : vector<16xi32>
      %bitcast3A_112 = vector.bitcast %and3A_111 : vector<16xi32> to vector<16xf32>
      %get3A_113 = arith.index_cast %scan3A_94 : i32 to index
      %get3A_114 = arith.constant 32 : index
      %get3A_115 = tpu.vector_load %arg13[%get3A_113, %get3A_114] {strides = array<i32>} : memref<400x128xi32, #tpu.memory_space<vmem>>, vector<16xi32>,
      %shift_left3A_116 = arith.constant 16 : i32
      %shift_left3A_117 = vector.broadcast %shift_left3A_116 : i32 to vector<16xi32>
      %shift_left3A_118 = arith.shli %get3A_115, %shift_left3A_117 : vector<16xi32>
      %bitcast3A_119 = vector.bitcast %shift_left3A_118 : vector<16xi32> to vector<16xf32>
      %and3A_120 = arith.constant -65536 : i32
      %and3A_121 = vector.broadcast %and3A_120 : i32 to vector<16xi32>
      %and3A_122 = arith.andi %get3A_115, %and3A_121 : vector<16xi32>
      %bitcast3A_123 = vector.bitcast %and3A_122 : vector<16xi32> to vector<16xf32>
      %get3A_124 = arith.index_cast %scan3A_94 : i32 to index
      %get3A_125 = arith.constant 48 : index
      %get3A_126 = tpu.vector_load %arg13[%get3A_124, %get3A_125] {strides = array<i32>} : memref<400x128xi32, #tpu.memory_space<vmem>>, vector<16xi32>,
      %shift_left3A_127 = arith.constant 16 : i32
      %shift_left3A_128 = vector.broadcast %shift_left3A_127 : i32 to vector<16xi32>
      %shift_left3A_129 = arith.shli %get3A_126, %shift_left3A_128 : vector<16xi32>
      %bitcast3A_130 = vector.bitcast %shift_left3A_129 : vector<16xi32> to vector<16xf32>
      %and3A_131 = arith.constant -65536 : i32
      %and3A_132 = vector.broadcast %and3A_131 : i32 to vector<16xi32>
      %and3A_133 = arith.andi %get3A_126, %and3A_132 : vector<16xi32>
      %bitcast3A_134 = vector.bitcast %and3A_133 : vector<16xi32> to vector<16xf32>
      %get3A_135 = arith.index_cast %scan3A_94 : i32 to index
      %get3A_136 = arith.constant 64 : index
      %get3A_137 = tpu.vector_load %arg13[%get3A_135, %get3A_136] {strides = array<i32>} : memref<400x128xi32, #tpu.memory_space<vmem>>, vector<16xi32>,
      %shift_left3A_138 = arith.constant 16 : i32
      %shift_left3A_139 = vector.broadcast %shift_left3A_138 : i32 to vector<16xi32>
      %shift_left3A_140 = arith.shli %get3A_137, %shift_left3A_139 : vector<16xi32>
      %bitcast3A_141 = vector.bitcast %shift_left3A_140 : vector<16xi32> to vector<16xf32>
      %and3A_142 = arith.constant -65536 : i32
      %and3A_143 = vector.broadcast %and3A_142 : i32 to vector<16xi32>
      %and3A_144 = arith.andi %get3A_137, %and3A_143 : vector<16xi32>
      %bitcast3A_145 = vector.bitcast %and3A_144 : vector<16xi32> to vector<16xf32>
      %get3A_146 = arith.index_cast %scan3A_94 : i32 to index
      %get3A_147 = arith.constant 80 : index
      %get3A_148 = tpu.vector_load %arg13[%get3A_146, %get3A_147] {strides = array<i32>} : memref<400x128xi32, #tpu.memory_space<vmem>>, vector<16xi32>,
      %shift_left3A_149 = arith.constant 16 : i32
      %shift_left3A_150 = vector.broadcast %shift_left3A_149 : i32 to vector<16xi32>
      %shift_left3A_151 = arith.shli %get3A_148, %shift_left3A_150 : vector<16xi32>
      %bitcast3A_152 = vector.bitcast %shift_left3A_151 : vector<16xi32> to vector<16xf32>
      %and3A_153 = arith.constant -65536 : i32
      %and3A_154 = vector.broadcast %and3A_153 : i32 to vector<16xi32>
      %and3A_155 = arith.andi %get3A_148, %and3A_154 : vector<16xi32>
      %bitcast3A_156 = vector.bitcast %and3A_155 : vector<16xi32> to vector<16xf32>
      %get3A_157 = arith.index_cast %scan3A_94 : i32 to index
      %get3A_158 = arith.constant 96 : index
      %get3A_159 = tpu.vector_load %arg13[%get3A_157, %get3A_158] {strides = array<i32>} : memref<400x128xi32, #tpu.memory_space<vmem>>, vector<16xi32>,
      %shift_left3A_160 = arith.constant 16 : i32
      %shift_left3A_161 = vector.broadcast %shift_left3A_160 : i32 to vector<16xi32>
      %shift_left3A_162 = arith.shli %get3A_159, %shift_left3A_161 : vector<16xi32>
      %bitcast3A_163 = vector.bitcast %shift_left3A_162 : vector<16xi32> to vector<16xf32>
      %and3A_164 = arith.constant -65536 : i32
      %and3A_165 = vector.broadcast %and3A_164 : i32 to vector<16xi32>
      %and3A_166 = arith.andi %get3A_159, %and3A_165 : vector<16xi32>
      %bitcast3A_167 = vector.bitcast %and3A_166 : vector<16xi32> to vector<16xf32>
      %get3A_168 = arith.index_cast %scan3A_94 : i32 to index
      %get3A_169 = arith.constant 112 : index
      %get3A_170 = tpu.vector_load %arg13[%get3A_168, %get3A_169] {strides = array<i32>} : memref<400x128xi32, #tpu.memory_space<vmem>>, vector<16xi32>,
      %shift_left3A_171 = arith.constant 16 : i32
      %shift_left3A_172 = vector.broadcast %shift_left3A_171 : i32 to vector<16xi32>
      %shift_left3A_173 = arith.shli %get3A_170, %shift_left3A_172 : vector<16xi32>
      %bitcast3A_174 = vector.bitcast %shift_left3A_173 : vector<16xi32> to vector<16xf32>
      %and3A_175 = arith.constant -65536 : i32
      %and3A_176 = vector.broadcast %and3A_175 : i32 to vector<16xi32>
      %and3A_177 = arith.andi %get3A_170, %and3A_176 : vector<16xi32>
      %bitcast3A_178 = vector.bitcast %and3A_177 : vector<16xi32> to vector<16xf32>
      %max3A = arith.constant 0.000000e+00 : f32
      %max3A_179 = vector.broadcast %max3A : f32 to vector<16xf32>
      %max3A_180 = arith.maximumf %bitcast3A, %max3A_179 : vector<16xf32>
      %swap3A = arith.index_cast %scan3A_94 : i32 to index
      %swap3A_181 = arith.constant 0 : index
      %swap3A_182 = tpu.vector_load %arg15[%swap3A, %swap3A_181] {strides = array<i32>} : memref<32x128xf32, #tpu.memory_space<vmem>>, vector<16xf32>,
      tpu.vector_store %arg15[%swap3A, %swap3A_181], %max3A_180 {strides = array<i32>} : memref<32x128xf32, #tpu.memory_space<vmem>>, vector<16xf32>,
      %max3A_183 = arith.constant 0.000000e+00 : f32
      %max3A_184 = vector.broadcast %max3A_183 : f32 to vector<16xf32>
      %max3A_185 = arith.maximumf %bitcast3A_108, %max3A_184 : vector<16xf32>
      %swap3A_186 = arith.index_cast %scan3A_94 : i32 to index
      %swap3A_187 = arith.constant 16 : index
      %swap3A_188 = tpu.vector_load %arg15[%swap3A_186, %swap3A_187] {strides = array<i32>} : memref<32x128xf32, #tpu.memory_space<vmem>>, vector<16xf32>,
      tpu.vector_store %arg15[%swap3A_186, %swap3A_187], %max3A_185 {strides = array<i32>} : memref<32x128xf32, #tpu.memory_space<vmem>>, vector<16xf32>,
      %max3A_189 = arith.constant 0.000000e+00 : f32
      %max3A_190 = vector.broadcast %max3A_189 : f32 to vector<16xf32>
      %max3A_191 = arith.maximumf %bitcast3A_119, %max3A_190 : vector<16xf32>
      %swap3A_192 = arith.index_cast %scan3A_94 : i32 to index
      %swap3A_193 = arith.constant 32 : index
      %swap3A_194 = tpu.vector_load %arg15[%swap3A_192, %swap3A_193] {strides = array<i32>} : memref<32x128xf32, #tpu.memory_space<vmem>>, vector<16xf32>,
      tpu.vector_store %arg15[%swap3A_192, %swap3A_193], %max3A_191 {strides = array<i32>} : memref<32x128xf32, #tpu.memory_space<vmem>>, vector<16xf32>,
      %max3A_195 = arith.constant 0.000000e+00 : f32
      %max3A_196 = vector.broadcast %max3A_195 : f32 to vector<16xf32>
      %max3A_197 = arith.maximumf %bitcast3A_130, %max3A_196 : vector<16xf32>
      %swap3A_198 = arith.index_cast %scan3A_94 : i32 to index
      %swap3A_199 = arith.constant 48 : index
      %swap3A_200 = tpu.vector_load %arg15[%swap3A_198, %swap3A_199] {strides = array<i32>} : memref<32x128xf32, #tpu.memory_space<vmem>>, vector<16xf32>,
      tpu.vector_store %arg15[%swap3A_198, %swap3A_199], %max3A_197 {strides = array<i32>} : memref<32x128xf32, #tpu.memory_space<vmem>>, vector<16xf32>,
      %max3A_201 = arith.constant 0.000000e+00 : f32
      %max3A_202 = vector.broadcast %max3A_201 : f32 to vector<16xf32>
      %max3A_203 = arith.maximumf %bitcast3A_141, %max3A_202 : vector<16xf32>
      %swap3A_204 = arith.index_cast %scan3A_94 : i32 to index
      %swap3A_205 = arith.constant 64 : index
      %swap3A_206 = tpu.vector_load %arg15[%swap3A_204, %swap3A_205] {strides = array<i32>} : memref<32x128xf32, #tpu.memory_space<vmem>>, vector<16xf32>,
      tpu.vector_store %arg15[%swap3A_204, %swap3A_205], %max3A_203 {strides = array<i32>} : memref<32x128xf32, #tpu.memory_space<vmem>>, vector<16xf32>,
      %max3A_207 = arith.constant 0.000000e+00 : f32
      %max3A_208 = vector.broadcast %max3A_207 : f32 to vector<16xf32>
      %max3A_209 = arith.maximumf %bitcast3A_152, %max3A_208 : vector<16xf32>
      %swap3A_210 = arith.index_cast %scan3A_94 : i32 to index
      %swap3A_211 = arith.constant 80 : index
      %swap3A_212 = tpu.vector_load %arg15[%swap3A_210, %swap3A_211] {strides = array<i32>} : memref<32x128xf32, #tpu.memory_space<vmem>>, vector<16xf32>,
      tpu.vector_store %arg15[%swap3A_210, %swap3A_211], %max3A_209 {strides = array<i32>} : memref<32x128xf32, #tpu.memory_space<vmem>>, vector<16xf32>,
      %max3A_213 = arith.constant 0.000000e+00 : f32
      %max3A_214 = vector.broadcast %max3A_213 : f32 to vector<16xf32>
      %max3A_215 = arith.maximumf %bitcast3A_163, %max3A_214 : vector<16xf32>
      %swap3A_216 = arith.index_cast %scan3A_94 : i32 to index
      %swap3A_217 = arith.constant 96 : index
      %swap3A_218 = tpu.vector_load %arg15[%swap3A_216, %swap3A_217] {strides = array<i32>} : memref<32x128xf32, #tpu.memory_space<vmem>>, vector<16xf32>,
      tpu.vector_store %arg15[%swap3A_216, %swap3A_217], %max3A_215 {strides = array<i32>} : memref<32x128xf32, #tpu.memory_space<vmem>>, vector<16xf32>,
      %max3A_219 = arith.constant 0.000000e+00 : f32
      %max3A_220 = vector.broadcast %max3A_219 : f32 to vector<16xf32>
      %max3A_221 = arith.maximumf %bitcast3A_174, %max3A_220 : vector<16xf32>
      %swap3A_222 = arith.index_cast %scan3A_94 : i32 to index
      %swap3A_223 = arith.constant 112 : index
      %swap3A_224 = tpu.vector_load %arg15[%swap3A_222, %swap3A_223] {strides = array<i32>} : memref<32x128xf32, #tpu.memory_space<vmem>>, vector<16xf32>,
      tpu.vector_store %arg15[%swap3A_222, %swap3A_223], %max3A_221 {strides = array<i32>} : memref<32x128xf32, #tpu.memory_space<vmem>>, vector<16xf32>,
    }
    %scan3A_32 = arith.constant 32 : i32
    %dma_start3A_33 = arith.constant 400 : i32
    %dma_start3A_34 = tpu.memref_slice %arg11[%dma_start3A_33] : memref<800xi32, #tpu.memory_space<vmem>> -> memref<400xi32, #tpu.memory_space<vmem>>
    %dma_start3A_35 = arith.constant 0 : i32
    %dma_start3A_36 = arith.constant 0 : i32
    %dma_start3A_37 = tpu.memref_slice %arg5[%dma_start3A_35, %dma_start3A_36] : memref<100000x128xi32, #tpu.memory_space<hbm>> -> memref<100000x128xi32, #tpu.memory_space<hbm>>
    tpu.enqueue_indirect_dma source(%dma_start3A_37 : memref<100000x128xi32, #tpu.memory_space<hbm>>) target(%arg13 : memref<400x128xi32, #tpu.memory_space<vmem>>) offsets(%dma_start3A_34 : memref<400xi32, #tpu.memory_space<vmem>>) semaphore(%arg19 : memref<!tpu.dma_semaphore, #tpu.memory_space<semaphore_mem>>)
    %dma_wait3A_38 = arith.constant 0 : i32
    %dma_wait3A_39 = arith.constant 0 : i32
    %dma_wait3A_40 = tpu.memref_slice %arg5[%dma_wait3A_38, %dma_wait3A_39] : memref<100000x128xi32, #tpu.memory_space<hbm>> -> memref<400x128xi32, #tpu.memory_space<hbm>>
    %dma_wait3A_41 = arith.constant 0 : i32
    %dma_wait3A_42 = arith.constant 0 : i32
    %dma_wait3A_43 = tpu.memref_slice %arg5[%dma_wait3A_41, %dma_wait3A_42] : memref<100000x128xi32, #tpu.memory_space<hbm>> -> memref<400x128xi32, #tpu.memory_space<hbm>>
    tpu.wait_dma2 semaphore(%arg20 : memref<!tpu.dma_semaphore, #tpu.memory_space<semaphore_mem>>) src(%dma_wait3A_43 : memref<400x128xi32, #tpu.memory_space<hbm>>) dst(%arg14 : memref<400x128xi32, #tpu.memory_space<vmem>>)
    %scan3A_44 = arith.constant 0 : i32
    %scan3A_45 = arith.constant 0 : i32
    %scan3A_46 = arith.constant 16 : i32
    %scan3A_47 = arith.addi %scan3A_45, %scan3A_46 : i32
    %scan3A_48 = arith.constant 1 : i32
    scf.for %scan3A_94 = %scan3A_45 to %scan3A_47 step %scan3A_48  : i32 {
      %broadcast_in_dim3A_95 = arith.constant 0.000000e+00 : f32
      %broadcast_in_dim3A_96 = vector.broadcast %broadcast_in_dim3A_95 : f32 to vector<16xf32>
      %broadcast_in_dim3A_97 = arith.constant 0.000000e+00 : f32
      %broadcast_in_dim3A_98 = vector.broadcast %broadcast_in_dim3A_97 : f32 to vector<16xf32>
      %broadcast_in_dim3A_99 = arith.constant 0.000000e+00 : f32
      %broadcast_in_dim3A_100 = vector.broadcast %broadcast_in_dim3A_99 : f32 to vector<16xf32>
      %broadcast_in_dim3A_101 = arith.constant 0.000000e+00 : f32
      %broadcast_in_dim3A_102 = vector.broadcast %broadcast_in_dim3A_101 : f32 to vector<16xf32>
      %broadcast_in_dim3A_103 = arith.constant 0.000000e+00 : f32
      %broadcast_in_dim3A_104 = vector.broadcast %broadcast_in_dim3A_103 : f32 to vector<16xf32>
      %broadcast_in_dim3A_105 = arith.constant 0.000000e+00 : f32
      %broadcast_in_dim3A_106 = vector.broadcast %broadcast_in_dim3A_105 : f32 to vector<16xf32>
      %broadcast_in_dim3A_107 = arith.constant 0.000000e+00 : f32
      %broadcast_in_dim3A_108 = vector.broadcast %broadcast_in_dim3A_107 : f32 to vector<16xf32>
      %broadcast_in_dim3A_109 = arith.constant 0.000000e+00 : f32
      %broadcast_in_dim3A_110 = vector.broadcast %broadcast_in_dim3A_109 : f32 to vector<16xf32>
      %broadcast_in_dim3A_111 = arith.constant 0.000000e+00 : f32
      %broadcast_in_dim3A_112 = vector.broadcast %broadcast_in_dim3A_111 : f32 to vector<16xf32>
      %broadcast_in_dim3A_113 = arith.constant 0.000000e+00 : f32
      %broadcast_in_dim3A_114 = vector.broadcast %broadcast_in_dim3A_113 : f32 to vector<16xf32>
      %broadcast_in_dim3A_115 = arith.constant 0.000000e+00 : f32
      %broadcast_in_dim3A_116 = vector.broadcast %broadcast_in_dim3A_115 : f32 to vector<16xf32>
      %broadcast_in_dim3A_117 = arith.constant 0.000000e+00 : f32
      %broadcast_in_dim3A_118 = vector.broadcast %broadcast_in_dim3A_117 : f32 to vector<16xf32>
      %broadcast_in_dim3A_119 = arith.constant 0.000000e+00 : f32
      %broadcast_in_dim3A_120 = vector.broadcast %broadcast_in_dim3A_119 : f32 to vector<16xf32>
      %broadcast_in_dim3A_121 = arith.constant 0.000000e+00 : f32
      %broadcast_in_dim3A_122 = vector.broadcast %broadcast_in_dim3A_121 : f32 to vector<16xf32>
      %broadcast_in_dim3A_123 = arith.constant 0.000000e+00 : f32
      %broadcast_in_dim3A_124 = vector.broadcast %broadcast_in_dim3A_123 : f32 to vector<16xf32>
      %broadcast_in_dim3A_125 = arith.constant 0.000000e+00 : f32
      %broadcast_in_dim3A_126 = vector.broadcast %broadcast_in_dim3A_125 : f32 to vector<16xf32>
      %scan3A_127 = arith.constant 0 : i32
      %scan3A_128 = arith.constant 25 : i32
      %scan3A_129 = arith.addi %scan3A_127, %scan3A_128 : i32
      %scan3A_130 = arith.constant 1 : i32
      %scan3A_131:16 = scf.for %scan3A_253 = %scan3A_127 to %scan3A_129 step %scan3A_130 iter_args(%scan3A_254 = %broadcast_in_dim3A_96, %scan3A_255 = %broadcast_in_dim3A_98, %scan3A_256 = %broadcast_in_dim3A_100, %scan3A_257 = %broadcast_in_dim3A_102, %scan3A_258 = %broadcast_in_dim3A_104, %scan3A_259 = %broadcast_in_dim3A_106, %scan3A_260 = %broadcast_in_dim3A_108, %scan3A_261 = %broadcast_in_dim3A_110, %scan3A_262 = %broadcast_in_dim3A_112, %scan3A_263 = %broadcast_in_dim3A_114, %scan3A_264 = %broadcast_in_dim3A_116, %scan3A_265 = %broadcast_in_dim3A_118, %scan3A_266 = %broadcast_in_dim3A_120, %scan3A_267 = %broadcast_in_dim3A_122, %scan3A_268 = %broadcast_in_dim3A_124, %scan3A_269 = %broadcast_in_dim3A_126) -> (vector<16xf32>, vector<16xf32>, vector<16xf32>, vector<16xf32>, vector<16xf32>, vector<16xf32>, vector<16xf32>, vector<16xf32>, vector<16xf32>, vector<16xf32>, vector<16xf32>, vector<16xf32>, vector<16xf32>, vector<16xf32>, vector<16xf32>, vector<16xf32>)  : i32 {
        %mul3A_270 = arith.constant 25 : i32
        %mul3A_271 = arith.muli %scan3A_94, %mul3A_270 : i32
        %add3A_272 = arith.addi %mul3A_271, %scan3A_253 : i32
        %get3A = arith.index_cast %add3A_272 : i32 to index
        %get3A_273 = arith.constant 0 : index
        %get3A_274 = tpu.vector_load %arg14[%get3A, %get3A_273] {strides = array<i32>} : memref<400x128xi32, #tpu.memory_space<vmem>>, vector<16xi32>,
        %shift_left3A = arith.constant 16 : i32
        %shift_left3A_275 = vector.broadcast %shift_left3A : i32 to vector<16xi32>
        %shift_left3A_276 = arith.shli %get3A_274, %shift_left3A_275 : vector<16xi32>
        %bitcast3A = vector.bitcast %shift_left3A_276 : vector<16xi32> to vector<16xf32>
        %and3A = arith.constant -65536 : i32
        %and3A_277 = vector.broadcast %and3A : i32 to vector<16xi32>
        %and3A_278 = arith.andi %get3A_274, %and3A_277 : vector<16xi32>
        %bitcast3A_279 = vector.bitcast %and3A_278 : vector<16xi32> to vector<16xf32>
        %get3A_280 = arith.index_cast %add3A_272 : i32 to index
        %get3A_281 = arith.constant 16 : index
        %get3A_282 = tpu.vector_load %arg14[%get3A_280, %get3A_281] {strides = array<i32>} : memref<400x128xi32, #tpu.memory_space<vmem>>, vector<16xi32>,
        %shift_left3A_283 = arith.constant 16 : i32
        %shift_left3A_284 = vector.broadcast %shift_left3A_283 : i32 to vector<16xi32>
        %shift_left3A_285 = arith.shli %get3A_282, %shift_left3A_284 : vector<16xi32>
        %bitcast3A_286 = vector.bitcast %shift_left3A_285 : vector<16xi32> to vector<16xf32>
        %and3A_287 = arith.constant -65536 : i32
        %and3A_288 = vector.broadcast %and3A_287 : i32 to vector<16xi32>
        %and3A_289 = arith.andi %get3A_282, %and3A_288 : vector<16xi32>
        %bitcast3A_290 = vector.bitcast %and3A_289 : vector<16xi32> to vector<16xf32>
        %get3A_291 = arith.index_cast %add3A_272 : i32 to index
        %get3A_292 = arith.constant 32 : index
        %get3A_293 = tpu.vector_load %arg14[%get3A_291, %get3A_292] {strides = array<i32>} : memref<400x128xi32, #tpu.memory_space<vmem>>, vector<16xi32>,
        %shift_left3A_294 = arith.constant 16 : i32
        %shift_left3A_295 = vector.broadcast %shift_left3A_294 : i32 to vector<16xi32>
        %shift_left3A_296 = arith.shli %get3A_293, %shift_left3A_295 : vector<16xi32>
        %bitcast3A_297 = vector.bitcast %shift_left3A_296 : vector<16xi32> to vector<16xf32>
        %and3A_298 = arith.constant -65536 : i32
        %and3A_299 = vector.broadcast %and3A_298 : i32 to vector<16xi32>
        %and3A_300 = arith.andi %get3A_293, %and3A_299 : vector<16xi32>
        %bitcast3A_301 = vector.bitcast %and3A_300 : vector<16xi32> to vector<16xf32>
        %get3A_302 = arith.index_cast %add3A_272 : i32 to index
        %get3A_303 = arith.constant 48 : index
        %get3A_304 = tpu.vector_load %arg14[%get3A_302, %get3A_303] {strides = array<i32>} : memref<400x128xi32, #tpu.memory_space<vmem>>, vector<16xi32>,
        %shift_left3A_305 = arith.constant 16 : i32
        %shift_left3A_306 = vector.broadcast %shift_left3A_305 : i32 to vector<16xi32>
        %shift_left3A_307 = arith.shli %get3A_304, %shift_left3A_306 : vector<16xi32>
        %bitcast3A_308 = vector.bitcast %shift_left3A_307 : vector<16xi32> to vector<16xf32>
        %and3A_309 = arith.constant -65536 : i32
        %and3A_310 = vector.broadcast %and3A_309 : i32 to vector<16xi32>
        %and3A_311 = arith.andi %get3A_304, %and3A_310 : vector<16xi32>
        %bitcast3A_312 = vector.bitcast %and3A_311 : vector<16xi32> to vector<16xf32>
        %get3A_313 = arith.index_cast %add3A_272 : i32 to index
        %get3A_314 = arith.constant 64 : index
        %get3A_315 = tpu.vector_load %arg14[%get3A_313, %get3A_314] {strides = array<i32>} : memref<400x128xi32, #tpu.memory_space<vmem>>, vector<16xi32>,
        %shift_left3A_316 = arith.constant 16 : i32
        %shift_left3A_317 = vector.broadcast %shift_left3A_316 : i32 to vector<16xi32>
        %shift_left3A_318 = arith.shli %get3A_315, %shift_left3A_317 : vector<16xi32>
        %bitcast3A_319 = vector.bitcast %shift_left3A_318 : vector<16xi32> to vector<16xf32>
        %and3A_320 = arith.constant -65536 : i32
        %and3A_321 = vector.broadcast %and3A_320 : i32 to vector<16xi32>
        %and3A_322 = arith.andi %get3A_315, %and3A_321 : vector<16xi32>
        %bitcast3A_323 = vector.bitcast %and3A_322 : vector<16xi32> to vector<16xf32>
        %get3A_324 = arith.index_cast %add3A_272 : i32 to index
        %get3A_325 = arith.constant 80 : index
        %get3A_326 = tpu.vector_load %arg14[%get3A_324, %get3A_325] {strides = array<i32>} : memref<400x128xi32, #tpu.memory_space<vmem>>, vector<16xi32>,
        %shift_left3A_327 = arith.constant 16 : i32
        %shift_left3A_328 = vector.broadcast %shift_left3A_327 : i32 to vector<16xi32>
        %shift_left3A_329 = arith.shli %get3A_326, %shift_left3A_328 : vector<16xi32>
        %bitcast3A_330 = vector.bitcast %shift_left3A_329 : vector<16xi32> to vector<16xf32>
        %and3A_331 = arith.constant -65536 : i32
        %and3A_332 = vector.broadcast %and3A_331 : i32 to vector<16xi32>
        %and3A_333 = arith.andi %get3A_326, %and3A_332 : vector<16xi32>
        %bitcast3A_334 = vector.bitcast %and3A_333 : vector<16xi32> to vector<16xf32>
        %get3A_335 = arith.index_cast %add3A_272 : i32 to index
        %get3A_336 = arith.constant 96 : index
        %get3A_337 = tpu.vector_load %arg14[%get3A_335, %get3A_336] {strides = array<i32>} : memref<400x128xi32, #tpu.memory_space<vmem>>, vector<16xi32>,
        %shift_left3A_338 = arith.constant 16 : i32
        %shift_left3A_339 = vector.broadcast %shift_left3A_338 : i32 to vector<16xi32>
        %shift_left3A_340 = arith.shli %get3A_337, %shift_left3A_339 : vector<16xi32>
        %bitcast3A_341 = vector.bitcast %shift_left3A_340 : vector<16xi32> to vector<16xf32>
        %and3A_342 = arith.constant -65536 : i32
        %and3A_343 = vector.broadcast %and3A_342 : i32 to vector<16xi32>
        %and3A_344 = arith.andi %get3A_337, %and3A_343 : vector<16xi32>
        %bitcast3A_345 = vector.bitcast %and3A_344 : vector<16xi32> to vector<16xf32>
        %get3A_346 = arith.index_cast %add3A_272 : i32 to index
        %get3A_347 = arith.constant 112 : index
        %get3A_348 = tpu.vector_load %arg14[%get3A_346, %get3A_347] {strides = array<i32>} : memref<400x128xi32, #tpu.memory_space<vmem>>, vector<16xi32>,
        %shift_left3A_349 = arith.constant 16 : i32
        %shift_left3A_350 = vector.broadcast %shift_left3A_349 : i32 to vector<16xi32>
        %shift_left3A_351 = arith.shli %get3A_348, %shift_left3A_350 : vector<16xi32>
        %bitcast3A_352 = vector.bitcast %shift_left3A_351 : vector<16xi32> to vector<16xf32>
        %and3A_353 = arith.constant -65536 : i32
        %and3A_354 = vector.broadcast %and3A_353 : i32 to vector<16xi32>
        %and3A_355 = arith.andi %get3A_348, %and3A_354 : vector<16xi32>
        %bitcast3A_356 = vector.bitcast %and3A_355 : vector<16xi32> to vector<16xf32>
        %max3A_357 = arith.constant 0.000000e+00 : f32
        %max3A_358 = vector.broadcast %max3A_357 : f32 to vector<16xf32>
        %max3A_359 = arith.maximumf %bitcast3A, %max3A_358 : vector<16xf32>
        %add3A_360 = arith.addf %scan3A_254, %max3A_359 : vector<16xf32>
        %max3A_361 = arith.constant 0.000000e+00 : f32
        %max3A_362 = vector.broadcast %max3A_361 : f32 to vector<16xf32>
        %max3A_363 = arith.maximumf %bitcast3A_286, %max3A_362 : vector<16xf32>
        %add3A_364 = arith.addf %scan3A_255, %max3A_363 : vector<16xf32>
        %max3A_365 = arith.constant 0.000000e+00 : f32
        %max3A_366 = vector.broadcast %max3A_365 : f32 to vector<16xf32>
        %max3A_367 = arith.maximumf %bitcast3A_297, %max3A_366 : vector<16xf32>
        %add3A_368 = arith.addf %scan3A_256, %max3A_367 : vector<16xf32>
        %max3A_369 = arith.constant 0.000000e+00 : f32
        %max3A_370 = vector.broadcast %max3A_369 : f32 to vector<16xf32>
        %max3A_371 = arith.maximumf %bitcast3A_308, %max3A_370 : vector<16xf32>
        %add3A_372 = arith.addf %scan3A_257, %max3A_371 : vector<16xf32>
        %max3A_373 = arith.constant 0.000000e+00 : f32
        %max3A_374 = vector.broadcast %max3A_373 : f32 to vector<16xf32>
        %max3A_375 = arith.maximumf %bitcast3A_319, %max3A_374 : vector<16xf32>
        %add3A_376 = arith.addf %scan3A_258, %max3A_375 : vector<16xf32>
        %max3A_377 = arith.constant 0.000000e+00 : f32
        %max3A_378 = vector.broadcast %max3A_377 : f32 to vector<16xf32>
        %max3A_379 = arith.maximumf %bitcast3A_330, %max3A_378 : vector<16xf32>
        %add3A_380 = arith.addf %scan3A_259, %max3A_379 : vector<16xf32>
        %max3A_381 = arith.constant 0.000000e+00 : f32
        %max3A_382 = vector.broadcast %max3A_381 : f32 to vector<16xf32>
        %max3A_383 = arith.maximumf %bitcast3A_341, %max3A_382 : vector<16xf32>
        %add3A_384 = arith.addf %scan3A_260, %max3A_383 : vector<16xf32>
        %max3A_385 = arith.constant 0.000000e+00 : f32
        %max3A_386 = vector.broadcast %max3A_385 : f32 to vector<16xf32>
        %max3A_387 = arith.maximumf %bitcast3A_352, %max3A_386 : vector<16xf32>
        %add3A_388 = arith.addf %scan3A_261, %max3A_387 : vector<16xf32>
        %add3A_389 = arith.addf %scan3A_262, %bitcast3A_279 : vector<16xf32>
        %add3A_390 = arith.addf %scan3A_263, %bitcast3A_290 : vector<16xf32>
        %add3A_391 = arith.addf %scan3A_264, %bitcast3A_301 : vector<16xf32>
        %add3A_392 = arith.addf %scan3A_265, %bitcast3A_312 : vector<16xf32>
        %add3A_393 = arith.addf %scan3A_266, %bitcast3A_323 : vector<16xf32>
        %add3A_394 = arith.addf %scan3A_267, %bitcast3A_334 : vector<16xf32>
        %add3A_395 = arith.addf %scan3A_268, %bitcast3A_345 : vector<16xf32>
        %add3A_396 = arith.addf %scan3A_269, %bitcast3A_356 : vector<16xf32>
        scf.yield %add3A_360, %add3A_364, %add3A_368, %add3A_372, %add3A_376, %add3A_380, %add3A_384, %add3A_388, %add3A_389, %add3A_390, %add3A_391, %add3A_392, %add3A_393, %add3A_394, %add3A_395, %add3A_396 : vector<16xf32>, vector<16xf32>, vector<16xf32>, vector<16xf32>, vector<16xf32>, vector<16xf32>, vector<16xf32>, vector<16xf32>, vector<16xf32>, vector<16xf32>, vector<16xf32>, vector<16xf32>, vector<16xf32>, vector<16xf32>, vector<16xf32>, vector<16xf32>
      }
      %scan3A_132 = arith.constant 25 : i32
      %add3A_133 = arith.constant 0 : i32
      %add3A_134 = arith.addi %add3A_133, %scan3A_94 : i32
      %mul3A_135 = arith.constant 4.000000e-02 : f32
      %mul3A_136 = vector.broadcast %mul3A_135 : f32 to vector<16xf32>
      %mul3A_137 = arith.mulf %scan3A_131#0, %mul3A_136 : vector<16xf32>
      %swap3A = arith.index_cast %add3A_134 : i32 to index
      %swap3A_138 = arith.constant 0 : index
      %swap3A_139 = tpu.vector_load %arg17[%swap3A, %swap3A_138] {strides = array<i32>} : memref<32x128xf32, #tpu.memory_space<vmem>>, vector<16xf32>,
      tpu.vector_store %arg17[%swap3A, %swap3A_138], %mul3A_137 {strides = array<i32>} : memref<32x128xf32, #tpu.memory_space<vmem>>, vector<16xf32>,
      %mul3A_140 = arith.constant 4.000000e-02 : f32
      %mul3A_141 = vector.broadcast %mul3A_140 : f32 to vector<16xf32>
      %mul3A_142 = arith.mulf %scan3A_131#8, %mul3A_141 : vector<16xf32>
      %max3A = arith.constant 0.000000e+00 : f32
      %max3A_143 = vector.broadcast %max3A : f32 to vector<16xf32>
      %max3A_144 = arith.maximumf %mul3A_142, %max3A_143 : vector<16xf32>
      %swap3A_145 = arith.index_cast %add3A_134 : i32 to index
      %swap3A_146 = arith.constant 0 : index
      %swap3A_147 = tpu.vector_load %arg16[%swap3A_145, %swap3A_146] {strides = array<i32>} : memref<32x128xf32, #tpu.memory_space<vmem>>, vector<16xf32>,
      tpu.vector_store %arg16[%swap3A_145, %swap3A_146], %max3A_144 {strides = array<i32>} : memref<32x128xf32, #tpu.memory_space<vmem>>, vector<16xf32>,
      %mul3A_148 = arith.constant 4.000000e-02 : f32
      %mul3A_149 = vector.broadcast %mul3A_148 : f32 to vector<16xf32>
      %mul3A_150 = arith.mulf %scan3A_131#1, %mul3A_149 : vector<16xf32>
      %swap3A_151 = arith.index_cast %add3A_134 : i32 to index
      %swap3A_152 = arith.constant 16 : index
      %swap3A_153 = tpu.vector_load %arg17[%swap3A_151, %swap3A_152] {strides = array<i32>} : memref<32x128xf32, #tpu.memory_space<vmem>>, vector<16xf32>,
      tpu.vector_store %arg17[%swap3A_151, %swap3A_152], %mul3A_150 {strides = array<i32>} : memref<32x128xf32, #tpu.memory_space<vmem>>, vector<16xf32>,
      %mul3A_154 = arith.constant 4.000000e-02 : f32
      %mul3A_155 = vector.broadcast %mul3A_154 : f32 to vector<16xf32>
      %mul3A_156 = arith.mulf %scan3A_131#9, %mul3A_155 : vector<16xf32>
      %max3A_157 = arith.constant 0.000000e+00 : f32
      %max3A_158 = vector.broadcast %max3A_157 : f32 to vector<16xf32>
      %max3A_159 = arith.maximumf %mul3A_156, %max3A_158 : vector<16xf32>
      %swap3A_160 = arith.index_cast %add3A_134 : i32 to index
      %swap3A_161 = arith.constant 16 : index
      %swap3A_162 = tpu.vector_load %arg16[%swap3A_160, %swap3A_161] {strides = array<i32>} : memref<32x128xf32, #tpu.memory_space<vmem>>, vector<16xf32>,
      tpu.vector_store %arg16[%swap3A_160, %swap3A_161], %max3A_159 {strides = array<i32>} : memref<32x128xf32, #tpu.memory_space<vmem>>, vector<16xf32>,
      %mul3A_163 = arith.constant 4.000000e-02 : f32
      %mul3A_164 = vector.broadcast %mul3A_163 : f32 to vector<16xf32>
      %mul3A_165 = arith.mulf %scan3A_131#2, %mul3A_164 : vector<16xf32>
      %swap3A_166 = arith.index_cast %add3A_134 : i32 to index
      %swap3A_167 = arith.constant 32 : index
      %swap3A_168 = tpu.vector_load %arg17[%swap3A_166, %swap3A_167] {strides = array<i32>} : memref<32x128xf32, #tpu.memory_space<vmem>>, vector<16xf32>,
      tpu.vector_store %arg17[%swap3A_166, %swap3A_167], %mul3A_165 {strides = array<i32>} : memref<32x128xf32, #tpu.memory_space<vmem>>, vector<16xf32>,
      %mul3A_169 = arith.constant 4.000000e-02 : f32
      %mul3A_170 = vector.broadcast %mul3A_169 : f32 to vector<16xf32>
      %mul3A_171 = arith.mulf %scan3A_131#10, %mul3A_170 : vector<16xf32>
      %max3A_172 = arith.constant 0.000000e+00 : f32
      %max3A_173 = vector.broadcast %max3A_172 : f32 to vector<16xf32>
      %max3A_174 = arith.maximumf %mul3A_171, %max3A_173 : vector<16xf32>
      %swap3A_175 = arith.index_cast %add3A_134 : i32 to index
      %swap3A_176 = arith.constant 32 : index
      %swap3A_177 = tpu.vector_load %arg16[%swap3A_175, %swap3A_176] {strides = array<i32>} : memref<32x128xf32, #tpu.memory_space<vmem>>, vector<16xf32>,
      tpu.vector_store %arg16[%swap3A_175, %swap3A_176], %max3A_174 {strides = array<i32>} : memref<32x128xf32, #tpu.memory_space<vmem>>, vector<16xf32>,
      %mul3A_178 = arith.constant 4.000000e-02 : f32
      %mul3A_179 = vector.broadcast %mul3A_178 : f32 to vector<16xf32>
      %mul3A_180 = arith.mulf %scan3A_131#3, %mul3A_179 : vector<16xf32>
      %swap3A_181 = arith.index_cast %add3A_134 : i32 to index
      %swap3A_182 = arith.constant 48 : index
      %swap3A_183 = tpu.vector_load %arg17[%swap3A_181, %swap3A_182] {strides = array<i32>} : memref<32x128xf32, #tpu.memory_space<vmem>>, vector<16xf32>,
      tpu.vector_store %arg17[%swap3A_181, %swap3A_182], %mul3A_180 {strides = array<i32>} : memref<32x128xf32, #tpu.memory_space<vmem>>, vector<16xf32>,
      %mul3A_184 = arith.constant 4.000000e-02 : f32
      %mul3A_185 = vector.broadcast %mul3A_184 : f32 to vector<16xf32>
      %mul3A_186 = arith.mulf %scan3A_131#11, %mul3A_185 : vector<16xf32>
      %max3A_187 = arith.constant 0.000000e+00 : f32
      %max3A_188 = vector.broadcast %max3A_187 : f32 to vector<16xf32>
      %max3A_189 = arith.maximumf %mul3A_186, %max3A_188 : vector<16xf32>
      %swap3A_190 = arith.index_cast %add3A_134 : i32 to index
      %swap3A_191 = arith.constant 48 : index
      %swap3A_192 = tpu.vector_load %arg16[%swap3A_190, %swap3A_191] {strides = array<i32>} : memref<32x128xf32, #tpu.memory_space<vmem>>, vector<16xf32>,
      tpu.vector_store %arg16[%swap3A_190, %swap3A_191], %max3A_189 {strides = array<i32>} : memref<32x128xf32, #tpu.memory_space<vmem>>, vector<16xf32>,
      %mul3A_193 = arith.constant 4.000000e-02 : f32
      %mul3A_194 = vector.broadcast %mul3A_193 : f32 to vector<16xf32>
      %mul3A_195 = arith.mulf %scan3A_131#4, %mul3A_194 : vector<16xf32>
      %swap3A_196 = arith.index_cast %add3A_134 : i32 to index
      %swap3A_197 = arith.constant 64 : index
      %swap3A_198 = tpu.vector_load %arg17[%swap3A_196, %swap3A_197] {strides = array<i32>} : memref<32x128xf32, #tpu.memory_space<vmem>>, vector<16xf32>,
      tpu.vector_store %arg17[%swap3A_196, %swap3A_197], %mul3A_195 {strides = array<i32>} : memref<32x128xf32, #tpu.memory_space<vmem>>, vector<16xf32>,
      %mul3A_199 = arith.constant 4.000000e-02 : f32
      %mul3A_200 = vector.broadcast %mul3A_199 : f32 to vector<16xf32>
      %mul3A_201 = arith.mulf %scan3A_131#12, %mul3A_200 : vector<16xf32>
      %max3A_202 = arith.constant 0.000000e+00 : f32
      %max3A_203 = vector.broadcast %max3A_202 : f32 to vector<16xf32>
      %max3A_204 = arith.maximumf %mul3A_201, %max3A_203 : vector<16xf32>
      %swap3A_205 = arith.index_cast %add3A_134 : i32 to index
      %swap3A_206 = arith.constant 64 : index
      %swap3A_207 = tpu.vector_load %arg16[%swap3A_205, %swap3A_206] {strides = array<i32>} : memref<32x128xf32, #tpu.memory_space<vmem>>, vector<16xf32>,
      tpu.vector_store %arg16[%swap3A_205, %swap3A_206], %max3A_204 {strides = array<i32>} : memref<32x128xf32, #tpu.memory_space<vmem>>, vector<16xf32>,
      %mul3A_208 = arith.constant 4.000000e-02 : f32
      %mul3A_209 = vector.broadcast %mul3A_208 : f32 to vector<16xf32>
      %mul3A_210 = arith.mulf %scan3A_131#5, %mul3A_209 : vector<16xf32>
      %swap3A_211 = arith.index_cast %add3A_134 : i32 to index
      %swap3A_212 = arith.constant 80 : index
      %swap3A_213 = tpu.vector_load %arg17[%swap3A_211, %swap3A_212] {strides = array<i32>} : memref<32x128xf32, #tpu.memory_space<vmem>>, vector<16xf32>,
      tpu.vector_store %arg17[%swap3A_211, %swap3A_212], %mul3A_210 {strides = array<i32>} : memref<32x128xf32, #tpu.memory_space<vmem>>, vector<16xf32>,
      %mul3A_214 = arith.constant 4.000000e-02 : f32
      %mul3A_215 = vector.broadcast %mul3A_214 : f32 to vector<16xf32>
      %mul3A_216 = arith.mulf %scan3A_131#13, %mul3A_215 : vector<16xf32>
      %max3A_217 = arith.constant 0.000000e+00 : f32
      %max3A_218 = vector.broadcast %max3A_217 : f32 to vector<16xf32>
      %max3A_219 = arith.maximumf %mul3A_216, %max3A_218 : vector<16xf32>
      %swap3A_220 = arith.index_cast %add3A_134 : i32 to index
      %swap3A_221 = arith.constant 80 : index
      %swap3A_222 = tpu.vector_load %arg16[%swap3A_220, %swap3A_221] {strides = array<i32>} : memref<32x128xf32, #tpu.memory_space<vmem>>, vector<16xf32>,
      tpu.vector_store %arg16[%swap3A_220, %swap3A_221], %max3A_219 {strides = array<i32>} : memref<32x128xf32, #tpu.memory_space<vmem>>, vector<16xf32>,
      %mul3A_223 = arith.constant 4.000000e-02 : f32
      %mul3A_224 = vector.broadcast %mul3A_223 : f32 to vector<16xf32>
      %mul3A_225 = arith.mulf %scan3A_131#6, %mul3A_224 : vector<16xf32>
      %swap3A_226 = arith.index_cast %add3A_134 : i32 to index
      %swap3A_227 = arith.constant 96 : index
      %swap3A_228 = tpu.vector_load %arg17[%swap3A_226, %swap3A_227] {strides = array<i32>} : memref<32x128xf32, #tpu.memory_space<vmem>>, vector<16xf32>,
      tpu.vector_store %arg17[%swap3A_226, %swap3A_227], %mul3A_225 {strides = array<i32>} : memref<32x128xf32, #tpu.memory_space<vmem>>, vector<16xf32>,
      %mul3A_229 = arith.constant 4.000000e-02 : f32
      %mul3A_230 = vector.broadcast %mul3A_229 : f32 to vector<16xf32>
      %mul3A_231 = arith.mulf %scan3A_131#14, %mul3A_230 : vector<16xf32>
      %max3A_232 = arith.constant 0.000000e+00 : f32
      %max3A_233 = vector.broadcast %max3A_232 : f32 to vector<16xf32>
      %max3A_234 = arith.maximumf %mul3A_231, %max3A_233 : vector<16xf32>
      %swap3A_235 = arith.index_cast %add3A_134 : i32 to index
      %swap3A_236 = arith.constant 96 : index
      %swap3A_237 = tpu.vector_load %arg16[%swap3A_235, %swap3A_236] {strides = array<i32>} : memref<32x128xf32, #tpu.memory_space<vmem>>, vector<16xf32>,
      tpu.vector_store %arg16[%swap3A_235, %swap3A_236], %max3A_234 {strides = array<i32>} : memref<32x128xf32, #tpu.memory_space<vmem>>, vector<16xf32>,
      %mul3A_238 = arith.constant 4.000000e-02 : f32
      %mul3A_239 = vector.broadcast %mul3A_238 : f32 to vector<16xf32>
      %mul3A_240 = arith.mulf %scan3A_131#7, %mul3A_239 : vector<16xf32>
      %swap3A_241 = arith.index_cast %add3A_134 : i32 to index
      %swap3A_242 = arith.constant 112 : index
      %swap3A_243 = tpu.vector_load %arg17[%swap3A_241, %swap3A_242] {strides = array<i32>} : memref<32x128xf32, #tpu.memory_space<vmem>>, vector<16xf32>,
      tpu.vector_store %arg17[%swap3A_241, %swap3A_242], %mul3A_240 {strides = array<i32>} : memref<32x128xf32, #tpu.memory_space<vmem>>, vector<16xf32>,
      %mul3A_244 = arith.constant 4.000000e-02 : f32
      %mul3A_245 = vector.broadcast %mul3A_244 : f32 to vector<16xf32>
      %mul3A_246 = arith.mulf %scan3A_131#15, %mul3A_245 : vector<16xf32>
      %max3A_247 = arith.constant 0.000000e+00 : f32
      %max3A_248 = vector.broadcast %max3A_247 : f32 to vector<16xf32>
      %max3A_249 = arith.maximumf %mul3A_246, %max3A_248 : vector<16xf32>
      %swap3A_250 = arith.index_cast %add3A_134 : i32 to index
      %swap3A_251 = arith.constant 112 : index
      %swap3A_252 = tpu.vector_load %arg16[%swap3A_250, %swap3A_251] {strides = array<i32>} : memref<32x128xf32, #tpu.memory_space<vmem>>, vector<16xf32>,
      tpu.vector_store %arg16[%swap3A_250, %swap3A_251], %max3A_249 {strides = array<i32>} : memref<32x128xf32, #tpu.memory_space<vmem>>, vector<16xf32>,
    }
    %scan3A_49 = arith.constant 16 : i32
    %multiple_of3A = arith.constant 0 : i32
    %multiple_of3A_50 = tpu.assume_multiple %multiple_of3A, 400 : i32
    %dma_start3A_51 = tpu.memref_slice %arg12[%multiple_of3A_50] : memref<8000xi32, #tpu.memory_space<vmem>> -> memref<400xi32, #tpu.memory_space<vmem>>
    %dma_start3A_52 = arith.constant 0 : i32
    %dma_start3A_53 = arith.constant 0 : i32
    %dma_start3A_54 = tpu.memref_slice %arg5[%dma_start3A_52, %dma_start3A_53] : memref<100000x128xi32, #tpu.memory_space<hbm>> -> memref<100000x128xi32, #tpu.memory_space<hbm>>
    tpu.enqueue_indirect_dma source(%dma_start3A_54 : memref<100000x128xi32, #tpu.memory_space<hbm>>) target(%arg14 : memref<400x128xi32, #tpu.memory_space<vmem>>) offsets(%dma_start3A_51 : memref<400xi32, #tpu.memory_space<vmem>>) semaphore(%arg20 : memref<!tpu.dma_semaphore, #tpu.memory_space<semaphore_mem>>)
    %dma_wait3A_55 = arith.constant 0 : i32
    %dma_wait3A_56 = arith.constant 0 : i32
    %dma_wait3A_57 = tpu.memref_slice %arg5[%dma_wait3A_55, %dma_wait3A_56] : memref<100000x128xi32, #tpu.memory_space<hbm>> -> memref<400x128xi32, #tpu.memory_space<hbm>>
    %dma_wait3A_58 = arith.constant 0 : i32
    %dma_wait3A_59 = arith.constant 0 : i32
    %dma_wait3A_60 = tpu.memref_slice %arg5[%dma_wait3A_58, %dma_wait3A_59] : memref<100000x128xi32, #tpu.memory_space<hbm>> -> memref<400x128xi32, #tpu.memory_space<hbm>>
    tpu.wait_dma2 semaphore(%arg19 : memref<!tpu.dma_semaphore, #tpu.memory_space<semaphore_mem>>) src(%dma_wait3A_60 : memref<400x128xi32, #tpu.memory_space<hbm>>) dst(%arg13 : memref<400x128xi32, #tpu.memory_space<vmem>>)
    %scan3A_61 = arith.constant 0 : i32
    %scan3A_62 = arith.constant 0 : i32
    %scan3A_63 = arith.constant 16 : i32
    %scan3A_64 = arith.addi %scan3A_62, %scan3A_63 : i32
    %scan3A_65 = arith.constant 1 : i32
    scf.for %scan3A_94 = %scan3A_62 to %scan3A_64 step %scan3A_65  : i32 {
      %broadcast_in_dim3A_95 = arith.constant 0.000000e+00 : f32
      %broadcast_in_dim3A_96 = vector.broadcast %broadcast_in_dim3A_95 : f32 to vector<16xf32>
      %broadcast_in_dim3A_97 = arith.constant 0.000000e+00 : f32
      %broadcast_in_dim3A_98 = vector.broadcast %broadcast_in_dim3A_97 : f32 to vector<16xf32>
      %broadcast_in_dim3A_99 = arith.constant 0.000000e+00 : f32
      %broadcast_in_dim3A_100 = vector.broadcast %broadcast_in_dim3A_99 : f32 to vector<16xf32>
      %broadcast_in_dim3A_101 = arith.constant 0.000000e+00 : f32
      %broadcast_in_dim3A_102 = vector.broadcast %broadcast_in_dim3A_101 : f32 to vector<16xf32>
      %broadcast_in_dim3A_103 = arith.constant 0.000000e+00 : f32
      %broadcast_in_dim3A_104 = vector.broadcast %broadcast_in_dim3A_103 : f32 to vector<16xf32>
      %broadcast_in_dim3A_105 = arith.constant 0.000000e+00 : f32
      %broadcast_in_dim3A_106 = vector.broadcast %broadcast_in_dim3A_105 : f32 to vector<16xf32>
      %broadcast_in_dim3A_107 = arith.constant 0.000000e+00 : f32
      %broadcast_in_dim3A_108 = vector.broadcast %broadcast_in_dim3A_107 : f32 to vector<16xf32>
      %broadcast_in_dim3A_109 = arith.constant 0.000000e+00 : f32
      %broadcast_in_dim3A_110 = vector.broadcast %broadcast_in_dim3A_109 : f32 to vector<16xf32>
      %broadcast_in_dim3A_111 = arith.constant 0.000000e+00 : f32
      %broadcast_in_dim3A_112 = vector.broadcast %broadcast_in_dim3A_111 : f32 to vector<16xf32>
      %broadcast_in_dim3A_113 = arith.constant 0.000000e+00 : f32
      %broadcast_in_dim3A_114 = vector.broadcast %broadcast_in_dim3A_113 : f32 to vector<16xf32>
      %broadcast_in_dim3A_115 = arith.constant 0.000000e+00 : f32
      %broadcast_in_dim3A_116 = vector.broadcast %broadcast_in_dim3A_115 : f32 to vector<16xf32>
      %broadcast_in_dim3A_117 = arith.constant 0.000000e+00 : f32
      %broadcast_in_dim3A_118 = vector.broadcast %broadcast_in_dim3A_117 : f32 to vector<16xf32>
      %broadcast_in_dim3A_119 = arith.constant 0.000000e+00 : f32
      %broadcast_in_dim3A_120 = vector.broadcast %broadcast_in_dim3A_119 : f32 to vector<16xf32>
      %broadcast_in_dim3A_121 = arith.constant 0.000000e+00 : f32
      %broadcast_in_dim3A_122 = vector.broadcast %broadcast_in_dim3A_121 : f32 to vector<16xf32>
      %broadcast_in_dim3A_123 = arith.constant 0.000000e+00 : f32
      %broadcast_in_dim3A_124 = vector.broadcast %broadcast_in_dim3A_123 : f32 to vector<16xf32>
      %broadcast_in_dim3A_125 = arith.constant 0.000000e+00 : f32
      %broadcast_in_dim3A_126 = vector.broadcast %broadcast_in_dim3A_125 : f32 to vector<16xf32>
      %scan3A_127 = arith.constant 0 : i32
      %scan3A_128 = arith.constant 25 : i32
      %scan3A_129 = arith.addi %scan3A_127, %scan3A_128 : i32
      %scan3A_130 = arith.constant 1 : i32
      %scan3A_131:16 = scf.for %scan3A_253 = %scan3A_127 to %scan3A_129 step %scan3A_130 iter_args(%scan3A_254 = %broadcast_in_dim3A_96, %scan3A_255 = %broadcast_in_dim3A_98, %scan3A_256 = %broadcast_in_dim3A_100, %scan3A_257 = %broadcast_in_dim3A_102, %scan3A_258 = %broadcast_in_dim3A_104, %scan3A_259 = %broadcast_in_dim3A_106, %scan3A_260 = %broadcast_in_dim3A_108, %scan3A_261 = %broadcast_in_dim3A_110, %scan3A_262 = %broadcast_in_dim3A_112, %scan3A_263 = %broadcast_in_dim3A_114, %scan3A_264 = %broadcast_in_dim3A_116, %scan3A_265 = %broadcast_in_dim3A_118, %scan3A_266 = %broadcast_in_dim3A_120, %scan3A_267 = %broadcast_in_dim3A_122, %scan3A_268 = %broadcast_in_dim3A_124, %scan3A_269 = %broadcast_in_dim3A_126) -> (vector<16xf32>, vector<16xf32>, vector<16xf32>, vector<16xf32>, vector<16xf32>, vector<16xf32>, vector<16xf32>, vector<16xf32>, vector<16xf32>, vector<16xf32>, vector<16xf32>, vector<16xf32>, vector<16xf32>, vector<16xf32>, vector<16xf32>, vector<16xf32>)  : i32 {
        %mul3A_270 = arith.constant 25 : i32
        %mul3A_271 = arith.muli %scan3A_94, %mul3A_270 : i32
        %add3A_272 = arith.addi %mul3A_271, %scan3A_253 : i32
        %get3A = arith.index_cast %add3A_272 : i32 to index
        %get3A_273 = arith.constant 0 : index
        %get3A_274 = tpu.vector_load %arg13[%get3A, %get3A_273] {strides = array<i32>} : memref<400x128xi32, #tpu.memory_space<vmem>>, vector<16xi32>,
        %shift_left3A = arith.constant 16 : i32
        %shift_left3A_275 = vector.broadcast %shift_left3A : i32 to vector<16xi32>
        %shift_left3A_276 = arith.shli %get3A_274, %shift_left3A_275 : vector<16xi32>
        %bitcast3A = vector.bitcast %shift_left3A_276 : vector<16xi32> to vector<16xf32>
        %and3A = arith.constant -65536 : i32
        %and3A_277 = vector.broadcast %and3A : i32 to vector<16xi32>
        %and3A_278 = arith.andi %get3A_274, %and3A_277 : vector<16xi32>
        %bitcast3A_279 = vector.bitcast %and3A_278 : vector<16xi32> to vector<16xf32>
        %get3A_280 = arith.index_cast %add3A_272 : i32 to index
        %get3A_281 = arith.constant 16 : index
        %get3A_282 = tpu.vector_load %arg13[%get3A_280, %get3A_281] {strides = array<i32>} : memref<400x128xi32, #tpu.memory_space<vmem>>, vector<16xi32>,
        %shift_left3A_283 = arith.constant 16 : i32
        %shift_left3A_284 = vector.broadcast %shift_left3A_283 : i32 to vector<16xi32>
        %shift_left3A_285 = arith.shli %get3A_282, %shift_left3A_284 : vector<16xi32>
        %bitcast3A_286 = vector.bitcast %shift_left3A_285 : vector<16xi32> to vector<16xf32>
        %and3A_287 = arith.constant -65536 : i32
        %and3A_288 = vector.broadcast %and3A_287 : i32 to vector<16xi32>
        %and3A_289 = arith.andi %get3A_282, %and3A_288 : vector<16xi32>
        %bitcast3A_290 = vector.bitcast %and3A_289 : vector<16xi32> to vector<16xf32>
        %get3A_291 = arith.index_cast %add3A_272 : i32 to index
        %get3A_292 = arith.constant 32 : index
        %get3A_293 = tpu.vector_load %arg13[%get3A_291, %get3A_292] {strides = array<i32>} : memref<400x128xi32, #tpu.memory_space<vmem>>, vector<16xi32>,
        %shift_left3A_294 = arith.constant 16 : i32
        %shift_left3A_295 = vector.broadcast %shift_left3A_294 : i32 to vector<16xi32>
        %shift_left3A_296 = arith.shli %get3A_293, %shift_left3A_295 : vector<16xi32>
        %bitcast3A_297 = vector.bitcast %shift_left3A_296 : vector<16xi32> to vector<16xf32>
        %and3A_298 = arith.constant -65536 : i32
        %and3A_299 = vector.broadcast %and3A_298 : i32 to vector<16xi32>
        %and3A_300 = arith.andi %get3A_293, %and3A_299 : vector<16xi32>
        %bitcast3A_301 = vector.bitcast %and3A_300 : vector<16xi32> to vector<16xf32>
        %get3A_302 = arith.index_cast %add3A_272 : i32 to index
        %get3A_303 = arith.constant 48 : index
        %get3A_304 = tpu.vector_load %arg13[%get3A_302, %get3A_303] {strides = array<i32>} : memref<400x128xi32, #tpu.memory_space<vmem>>, vector<16xi32>,
        %shift_left3A_305 = arith.constant 16 : i32
        %shift_left3A_306 = vector.broadcast %shift_left3A_305 : i32 to vector<16xi32>
        %shift_left3A_307 = arith.shli %get3A_304, %shift_left3A_306 : vector<16xi32>
        %bitcast3A_308 = vector.bitcast %shift_left3A_307 : vector<16xi32> to vector<16xf32>
        %and3A_309 = arith.constant -65536 : i32
        %and3A_310 = vector.broadcast %and3A_309 : i32 to vector<16xi32>
        %and3A_311 = arith.andi %get3A_304, %and3A_310 : vector<16xi32>
        %bitcast3A_312 = vector.bitcast %and3A_311 : vector<16xi32> to vector<16xf32>
        %get3A_313 = arith.index_cast %add3A_272 : i32 to index
        %get3A_314 = arith.constant 64 : index
        %get3A_315 = tpu.vector_load %arg13[%get3A_313, %get3A_314] {strides = array<i32>} : memref<400x128xi32, #tpu.memory_space<vmem>>, vector<16xi32>,
        %shift_left3A_316 = arith.constant 16 : i32
        %shift_left3A_317 = vector.broadcast %shift_left3A_316 : i32 to vector<16xi32>
        %shift_left3A_318 = arith.shli %get3A_315, %shift_left3A_317 : vector<16xi32>
        %bitcast3A_319 = vector.bitcast %shift_left3A_318 : vector<16xi32> to vector<16xf32>
        %and3A_320 = arith.constant -65536 : i32
        %and3A_321 = vector.broadcast %and3A_320 : i32 to vector<16xi32>
        %and3A_322 = arith.andi %get3A_315, %and3A_321 : vector<16xi32>
        %bitcast3A_323 = vector.bitcast %and3A_322 : vector<16xi32> to vector<16xf32>
        %get3A_324 = arith.index_cast %add3A_272 : i32 to index
        %get3A_325 = arith.constant 80 : index
        %get3A_326 = tpu.vector_load %arg13[%get3A_324, %get3A_325] {strides = array<i32>} : memref<400x128xi32, #tpu.memory_space<vmem>>, vector<16xi32>,
        %shift_left3A_327 = arith.constant 16 : i32
        %shift_left3A_328 = vector.broadcast %shift_left3A_327 : i32 to vector<16xi32>
        %shift_left3A_329 = arith.shli %get3A_326, %shift_left3A_328 : vector<16xi32>
        %bitcast3A_330 = vector.bitcast %shift_left3A_329 : vector<16xi32> to vector<16xf32>
        %and3A_331 = arith.constant -65536 : i32
        %and3A_332 = vector.broadcast %and3A_331 : i32 to vector<16xi32>
        %and3A_333 = arith.andi %get3A_326, %and3A_332 : vector<16xi32>
        %bitcast3A_334 = vector.bitcast %and3A_333 : vector<16xi32> to vector<16xf32>
        %get3A_335 = arith.index_cast %add3A_272 : i32 to index
        %get3A_336 = arith.constant 96 : index
        %get3A_337 = tpu.vector_load %arg13[%get3A_335, %get3A_336] {strides = array<i32>} : memref<400x128xi32, #tpu.memory_space<vmem>>, vector<16xi32>,
        %shift_left3A_338 = arith.constant 16 : i32
        %shift_left3A_339 = vector.broadcast %shift_left3A_338 : i32 to vector<16xi32>
        %shift_left3A_340 = arith.shli %get3A_337, %shift_left3A_339 : vector<16xi32>
        %bitcast3A_341 = vector.bitcast %shift_left3A_340 : vector<16xi32> to vector<16xf32>
        %and3A_342 = arith.constant -65536 : i32
        %and3A_343 = vector.broadcast %and3A_342 : i32 to vector<16xi32>
        %and3A_344 = arith.andi %get3A_337, %and3A_343 : vector<16xi32>
        %bitcast3A_345 = vector.bitcast %and3A_344 : vector<16xi32> to vector<16xf32>
        %get3A_346 = arith.index_cast %add3A_272 : i32 to index
        %get3A_347 = arith.constant 112 : index
        %get3A_348 = tpu.vector_load %arg13[%get3A_346, %get3A_347] {strides = array<i32>} : memref<400x128xi32, #tpu.memory_space<vmem>>, vector<16xi32>,
        %shift_left3A_349 = arith.constant 16 : i32
        %shift_left3A_350 = vector.broadcast %shift_left3A_349 : i32 to vector<16xi32>
        %shift_left3A_351 = arith.shli %get3A_348, %shift_left3A_350 : vector<16xi32>
        %bitcast3A_352 = vector.bitcast %shift_left3A_351 : vector<16xi32> to vector<16xf32>
        %and3A_353 = arith.constant -65536 : i32
        %and3A_354 = vector.broadcast %and3A_353 : i32 to vector<16xi32>
        %and3A_355 = arith.andi %get3A_348, %and3A_354 : vector<16xi32>
        %bitcast3A_356 = vector.bitcast %and3A_355 : vector<16xi32> to vector<16xf32>
        %max3A_357 = arith.constant 0.000000e+00 : f32
        %max3A_358 = vector.broadcast %max3A_357 : f32 to vector<16xf32>
        %max3A_359 = arith.maximumf %bitcast3A, %max3A_358 : vector<16xf32>
        %add3A_360 = arith.addf %scan3A_254, %max3A_359 : vector<16xf32>
        %max3A_361 = arith.constant 0.000000e+00 : f32
        %max3A_362 = vector.broadcast %max3A_361 : f32 to vector<16xf32>
        %max3A_363 = arith.maximumf %bitcast3A_286, %max3A_362 : vector<16xf32>
        %add3A_364 = arith.addf %scan3A_255, %max3A_363 : vector<16xf32>
        %max3A_365 = arith.constant 0.000000e+00 : f32
        %max3A_366 = vector.broadcast %max3A_365 : f32 to vector<16xf32>
        %max3A_367 = arith.maximumf %bitcast3A_297, %max3A_366 : vector<16xf32>
        %add3A_368 = arith.addf %scan3A_256, %max3A_367 : vector<16xf32>
        %max3A_369 = arith.constant 0.000000e+00 : f32
        %max3A_370 = vector.broadcast %max3A_369 : f32 to vector<16xf32>
        %max3A_371 = arith.maximumf %bitcast3A_308, %max3A_370 : vector<16xf32>
        %add3A_372 = arith.addf %scan3A_257, %max3A_371 : vector<16xf32>
        %max3A_373 = arith.constant 0.000000e+00 : f32
        %max3A_374 = vector.broadcast %max3A_373 : f32 to vector<16xf32>
        %max3A_375 = arith.maximumf %bitcast3A_319, %max3A_374 : vector<16xf32>
        %add3A_376 = arith.addf %scan3A_258, %max3A_375 : vector<16xf32>
        %max3A_377 = arith.constant 0.000000e+00 : f32
        %max3A_378 = vector.broadcast %max3A_377 : f32 to vector<16xf32>
        %max3A_379 = arith.maximumf %bitcast3A_330, %max3A_378 : vector<16xf32>
        %add3A_380 = arith.addf %scan3A_259, %max3A_379 : vector<16xf32>
        %max3A_381 = arith.constant 0.000000e+00 : f32
        %max3A_382 = vector.broadcast %max3A_381 : f32 to vector<16xf32>
        %max3A_383 = arith.maximumf %bitcast3A_341, %max3A_382 : vector<16xf32>
        %add3A_384 = arith.addf %scan3A_260, %max3A_383 : vector<16xf32>
        %max3A_385 = arith.constant 0.000000e+00 : f32
        %max3A_386 = vector.broadcast %max3A_385 : f32 to vector<16xf32>
        %max3A_387 = arith.maximumf %bitcast3A_352, %max3A_386 : vector<16xf32>
        %add3A_388 = arith.addf %scan3A_261, %max3A_387 : vector<16xf32>
        %add3A_389 = arith.addf %scan3A_262, %bitcast3A_279 : vector<16xf32>
        %add3A_390 = arith.addf %scan3A_263, %bitcast3A_290 : vector<16xf32>
        %add3A_391 = arith.addf %scan3A_264, %bitcast3A_301 : vector<16xf32>
        %add3A_392 = arith.addf %scan3A_265, %bitcast3A_312 : vector<16xf32>
        %add3A_393 = arith.addf %scan3A_266, %bitcast3A_323 : vector<16xf32>
        %add3A_394 = arith.addf %scan3A_267, %bitcast3A_334 : vector<16xf32>
        %add3A_395 = arith.addf %scan3A_268, %bitcast3A_345 : vector<16xf32>
        %add3A_396 = arith.addf %scan3A_269, %bitcast3A_356 : vector<16xf32>
        scf.yield %add3A_360, %add3A_364, %add3A_368, %add3A_372, %add3A_376, %add3A_380, %add3A_384, %add3A_388, %add3A_389, %add3A_390, %add3A_391, %add3A_392, %add3A_393, %add3A_394, %add3A_395, %add3A_396 : vector<16xf32>, vector<16xf32>, vector<16xf32>, vector<16xf32>, vector<16xf32>, vector<16xf32>, vector<16xf32>, vector<16xf32>, vector<16xf32>, vector<16xf32>, vector<16xf32>, vector<16xf32>, vector<16xf32>, vector<16xf32>, vector<16xf32>, vector<16xf32>
      }
      %scan3A_132 = arith.constant 25 : i32
      %add3A_133 = arith.constant 16 : i32
      %add3A_134 = arith.addi %add3A_133, %scan3A_94 : i32
      %mul3A_135 = arith.constant 4.000000e-02 : f32
      %mul3A_136 = vector.broadcast %mul3A_135 : f32 to vector<16xf32>
      %mul3A_137 = arith.mulf %scan3A_131#0, %mul3A_136 : vector<16xf32>
      %swap3A = arith.index_cast %add3A_134 : i32 to index
      %swap3A_138 = arith.constant 0 : index
      %swap3A_139 = tpu.vector_load %arg17[%swap3A, %swap3A_138] {strides = array<i32>} : memref<32x128xf32, #tpu.memory_space<vmem>>, vector<16xf32>,
      tpu.vector_store %arg17[%swap3A, %swap3A_138], %mul3A_137 {strides = array<i32>} : memref<32x128xf32, #tpu.memory_space<vmem>>, vector<16xf32>,
      %mul3A_140 = arith.constant 4.000000e-02 : f32
      %mul3A_141 = vector.broadcast %mul3A_140 : f32 to vector<16xf32>
      %mul3A_142 = arith.mulf %scan3A_131#8, %mul3A_141 : vector<16xf32>
      %max3A = arith.constant 0.000000e+00 : f32
      %max3A_143 = vector.broadcast %max3A : f32 to vector<16xf32>
      %max3A_144 = arith.maximumf %mul3A_142, %max3A_143 : vector<16xf32>
      %swap3A_145 = arith.index_cast %add3A_134 : i32 to index
      %swap3A_146 = arith.constant 0 : index
      %swap3A_147 = tpu.vector_load %arg16[%swap3A_145, %swap3A_146] {strides = array<i32>} : memref<32x128xf32, #tpu.memory_space<vmem>>, vector<16xf32>,
      tpu.vector_store %arg16[%swap3A_145, %swap3A_146], %max3A_144 {strides = array<i32>} : memref<32x128xf32, #tpu.memory_space<vmem>>, vector<16xf32>,
      %mul3A_148 = arith.constant 4.000000e-02 : f32
      %mul3A_149 = vector.broadcast %mul3A_148 : f32 to vector<16xf32>
      %mul3A_150 = arith.mulf %scan3A_131#1, %mul3A_149 : vector<16xf32>
      %swap3A_151 = arith.index_cast %add3A_134 : i32 to index
      %swap3A_152 = arith.constant 16 : index
      %swap3A_153 = tpu.vector_load %arg17[%swap3A_151, %swap3A_152] {strides = array<i32>} : memref<32x128xf32, #tpu.memory_space<vmem>>, vector<16xf32>,
      tpu.vector_store %arg17[%swap3A_151, %swap3A_152], %mul3A_150 {strides = array<i32>} : memref<32x128xf32, #tpu.memory_space<vmem>>, vector<16xf32>,
      %mul3A_154 = arith.constant 4.000000e-02 : f32
      %mul3A_155 = vector.broadcast %mul3A_154 : f32 to vector<16xf32>
      %mul3A_156 = arith.mulf %scan3A_131#9, %mul3A_155 : vector<16xf32>
      %max3A_157 = arith.constant 0.000000e+00 : f32
      %max3A_158 = vector.broadcast %max3A_157 : f32 to vector<16xf32>
      %max3A_159 = arith.maximumf %mul3A_156, %max3A_158 : vector<16xf32>
      %swap3A_160 = arith.index_cast %add3A_134 : i32 to index
      %swap3A_161 = arith.constant 16 : index
      %swap3A_162 = tpu.vector_load %arg16[%swap3A_160, %swap3A_161] {strides = array<i32>} : memref<32x128xf32, #tpu.memory_space<vmem>>, vector<16xf32>,
      tpu.vector_store %arg16[%swap3A_160, %swap3A_161], %max3A_159 {strides = array<i32>} : memref<32x128xf32, #tpu.memory_space<vmem>>, vector<16xf32>,
      %mul3A_163 = arith.constant 4.000000e-02 : f32
      %mul3A_164 = vector.broadcast %mul3A_163 : f32 to vector<16xf32>
      %mul3A_165 = arith.mulf %scan3A_131#2, %mul3A_164 : vector<16xf32>
      %swap3A_166 = arith.index_cast %add3A_134 : i32 to index
      %swap3A_167 = arith.constant 32 : index
      %swap3A_168 = tpu.vector_load %arg17[%swap3A_166, %swap3A_167] {strides = array<i32>} : memref<32x128xf32, #tpu.memory_space<vmem>>, vector<16xf32>,
      tpu.vector_store %arg17[%swap3A_166, %swap3A_167], %mul3A_165 {strides = array<i32>} : memref<32x128xf32, #tpu.memory_space<vmem>>, vector<16xf32>,
      %mul3A_169 = arith.constant 4.000000e-02 : f32
      %mul3A_170 = vector.broadcast %mul3A_169 : f32 to vector<16xf32>
      %mul3A_171 = arith.mulf %scan3A_131#10, %mul3A_170 : vector<16xf32>
      %max3A_172 = arith.constant 0.000000e+00 : f32
      %max3A_173 = vector.broadcast %max3A_172 : f32 to vector<16xf32>
      %max3A_174 = arith.maximumf %mul3A_171, %max3A_173 : vector<16xf32>
      %swap3A_175 = arith.index_cast %add3A_134 : i32 to index
      %swap3A_176 = arith.constant 32 : index
      %swap3A_177 = tpu.vector_load %arg16[%swap3A_175, %swap3A_176] {strides = array<i32>} : memref<32x128xf32, #tpu.memory_space<vmem>>, vector<16xf32>,
      tpu.vector_store %arg16[%swap3A_175, %swap3A_176], %max3A_174 {strides = array<i32>} : memref<32x128xf32, #tpu.memory_space<vmem>>, vector<16xf32>,
      %mul3A_178 = arith.constant 4.000000e-02 : f32
      %mul3A_179 = vector.broadcast %mul3A_178 : f32 to vector<16xf32>
      %mul3A_180 = arith.mulf %scan3A_131#3, %mul3A_179 : vector<16xf32>
      %swap3A_181 = arith.index_cast %add3A_134 : i32 to index
      %swap3A_182 = arith.constant 48 : index
      %swap3A_183 = tpu.vector_load %arg17[%swap3A_181, %swap3A_182] {strides = array<i32>} : memref<32x128xf32, #tpu.memory_space<vmem>>, vector<16xf32>,
      tpu.vector_store %arg17[%swap3A_181, %swap3A_182], %mul3A_180 {strides = array<i32>} : memref<32x128xf32, #tpu.memory_space<vmem>>, vector<16xf32>,
      %mul3A_184 = arith.constant 4.000000e-02 : f32
      %mul3A_185 = vector.broadcast %mul3A_184 : f32 to vector<16xf32>
      %mul3A_186 = arith.mulf %scan3A_131#11, %mul3A_185 : vector<16xf32>
      %max3A_187 = arith.constant 0.000000e+00 : f32
      %max3A_188 = vector.broadcast %max3A_187 : f32 to vector<16xf32>
      %max3A_189 = arith.maximumf %mul3A_186, %max3A_188 : vector<16xf32>
      %swap3A_190 = arith.index_cast %add3A_134 : i32 to index
      %swap3A_191 = arith.constant 48 : index
      %swap3A_192 = tpu.vector_load %arg16[%swap3A_190, %swap3A_191] {strides = array<i32>} : memref<32x128xf32, #tpu.memory_space<vmem>>, vector<16xf32>,
      tpu.vector_store %arg16[%swap3A_190, %swap3A_191], %max3A_189 {strides = array<i32>} : memref<32x128xf32, #tpu.memory_space<vmem>>, vector<16xf32>,
      %mul3A_193 = arith.constant 4.000000e-02 : f32
      %mul3A_194 = vector.broadcast %mul3A_193 : f32 to vector<16xf32>
      %mul3A_195 = arith.mulf %scan3A_131#4, %mul3A_194 : vector<16xf32>
      %swap3A_196 = arith.index_cast %add3A_134 : i32 to index
      %swap3A_197 = arith.constant 64 : index
      %swap3A_198 = tpu.vector_load %arg17[%swap3A_196, %swap3A_197] {strides = array<i32>} : memref<32x128xf32, #tpu.memory_space<vmem>>, vector<16xf32>,
      tpu.vector_store %arg17[%swap3A_196, %swap3A_197], %mul3A_195 {strides = array<i32>} : memref<32x128xf32, #tpu.memory_space<vmem>>, vector<16xf32>,
      %mul3A_199 = arith.constant 4.000000e-02 : f32
      %mul3A_200 = vector.broadcast %mul3A_199 : f32 to vector<16xf32>
      %mul3A_201 = arith.mulf %scan3A_131#12, %mul3A_200 : vector<16xf32>
      %max3A_202 = arith.constant 0.000000e+00 : f32
      %max3A_203 = vector.broadcast %max3A_202 : f32 to vector<16xf32>
      %max3A_204 = arith.maximumf %mul3A_201, %max3A_203 : vector<16xf32>
      %swap3A_205 = arith.index_cast %add3A_134 : i32 to index
      %swap3A_206 = arith.constant 64 : index
      %swap3A_207 = tpu.vector_load %arg16[%swap3A_205, %swap3A_206] {strides = array<i32>} : memref<32x128xf32, #tpu.memory_space<vmem>>, vector<16xf32>,
      tpu.vector_store %arg16[%swap3A_205, %swap3A_206], %max3A_204 {strides = array<i32>} : memref<32x128xf32, #tpu.memory_space<vmem>>, vector<16xf32>,
      %mul3A_208 = arith.constant 4.000000e-02 : f32
      %mul3A_209 = vector.broadcast %mul3A_208 : f32 to vector<16xf32>
      %mul3A_210 = arith.mulf %scan3A_131#5, %mul3A_209 : vector<16xf32>
      %swap3A_211 = arith.index_cast %add3A_134 : i32 to index
      %swap3A_212 = arith.constant 80 : index
      %swap3A_213 = tpu.vector_load %arg17[%swap3A_211, %swap3A_212] {strides = array<i32>} : memref<32x128xf32, #tpu.memory_space<vmem>>, vector<16xf32>,
      tpu.vector_store %arg17[%swap3A_211, %swap3A_212], %mul3A_210 {strides = array<i32>} : memref<32x128xf32, #tpu.memory_space<vmem>>, vector<16xf32>,
      %mul3A_214 = arith.constant 4.000000e-02 : f32
      %mul3A_215 = vector.broadcast %mul3A_214 : f32 to vector<16xf32>
      %mul3A_216 = arith.mulf %scan3A_131#13, %mul3A_215 : vector<16xf32>
      %max3A_217 = arith.constant 0.000000e+00 : f32
      %max3A_218 = vector.broadcast %max3A_217 : f32 to vector<16xf32>
      %max3A_219 = arith.maximumf %mul3A_216, %max3A_218 : vector<16xf32>
      %swap3A_220 = arith.index_cast %add3A_134 : i32 to index
      %swap3A_221 = arith.constant 80 : index
      %swap3A_222 = tpu.vector_load %arg16[%swap3A_220, %swap3A_221] {strides = array<i32>} : memref<32x128xf32, #tpu.memory_space<vmem>>, vector<16xf32>,
      tpu.vector_store %arg16[%swap3A_220, %swap3A_221], %max3A_219 {strides = array<i32>} : memref<32x128xf32, #tpu.memory_space<vmem>>, vector<16xf32>,
      %mul3A_223 = arith.constant 4.000000e-02 : f32
      %mul3A_224 = vector.broadcast %mul3A_223 : f32 to vector<16xf32>
      %mul3A_225 = arith.mulf %scan3A_131#6, %mul3A_224 : vector<16xf32>
      %swap3A_226 = arith.index_cast %add3A_134 : i32 to index
      %swap3A_227 = arith.constant 96 : index
      %swap3A_228 = tpu.vector_load %arg17[%swap3A_226, %swap3A_227] {strides = array<i32>} : memref<32x128xf32, #tpu.memory_space<vmem>>, vector<16xf32>,
      tpu.vector_store %arg17[%swap3A_226, %swap3A_227], %mul3A_225 {strides = array<i32>} : memref<32x128xf32, #tpu.memory_space<vmem>>, vector<16xf32>,
      %mul3A_229 = arith.constant 4.000000e-02 : f32
      %mul3A_230 = vector.broadcast %mul3A_229 : f32 to vector<16xf32>
      %mul3A_231 = arith.mulf %scan3A_131#14, %mul3A_230 : vector<16xf32>
      %max3A_232 = arith.constant 0.000000e+00 : f32
      %max3A_233 = vector.broadcast %max3A_232 : f32 to vector<16xf32>
      %max3A_234 = arith.maximumf %mul3A_231, %max3A_233 : vector<16xf32>
      %swap3A_235 = arith.index_cast %add3A_134 : i32 to index
      %swap3A_236 = arith.constant 96 : index
      %swap3A_237 = tpu.vector_load %arg16[%swap3A_235, %swap3A_236] {strides = array<i32>} : memref<32x128xf32, #tpu.memory_space<vmem>>, vector<16xf32>,
      tpu.vector_store %arg16[%swap3A_235, %swap3A_236], %max3A_234 {strides = array<i32>} : memref<32x128xf32, #tpu.memory_space<vmem>>, vector<16xf32>,
      %mul3A_238 = arith.constant 4.000000e-02 : f32
      %mul3A_239 = vector.broadcast %mul3A_238 : f32 to vector<16xf32>
      %mul3A_240 = arith.mulf %scan3A_131#7, %mul3A_239 : vector<16xf32>
      %swap3A_241 = arith.index_cast %add3A_134 : i32 to index
      %swap3A_242 = arith.constant 112 : index
      %swap3A_243 = tpu.vector_load %arg17[%swap3A_241, %swap3A_242] {strides = array<i32>} : memref<32x128xf32, #tpu.memory_space<vmem>>, vector<16xf32>,
      tpu.vector_store %arg17[%swap3A_241, %swap3A_242], %mul3A_240 {strides = array<i32>} : memref<32x128xf32, #tpu.memory_space<vmem>>, vector<16xf32>,
      %mul3A_244 = arith.constant 4.000000e-02 : f32
      %mul3A_245 = vector.broadcast %mul3A_244 : f32 to vector<16xf32>
      %mul3A_246 = arith.mulf %scan3A_131#15, %mul3A_245 : vector<16xf32>
      %max3A_247 = arith.constant 0.000000e+00 : f32
      %max3A_248 = vector.broadcast %max3A_247 : f32 to vector<16xf32>
      %max3A_249 = arith.maximumf %mul3A_246, %max3A_248 : vector<16xf32>
      %swap3A_250 = arith.index_cast %add3A_134 : i32 to index
      %swap3A_251 = arith.constant 112 : index
      %swap3A_252 = tpu.vector_load %arg16[%swap3A_250, %swap3A_251] {strides = array<i32>} : memref<32x128xf32, #tpu.memory_space<vmem>>, vector<16xf32>,
      tpu.vector_store %arg16[%swap3A_250, %swap3A_251], %max3A_249 {strides = array<i32>} : memref<32x128xf32, #tpu.memory_space<vmem>>, vector<16xf32>,
    }
    %scan3A_66 = arith.constant 16 : i32
    %multiple_of3A_67 = arith.constant 400 : i32
    %multiple_of3A_68 = tpu.assume_multiple %multiple_of3A_67, 400 : i32
    %dma_start3A_69 = tpu.memref_slice %arg12[%multiple_of3A_68] : memref<8000xi32, #tpu.memory_space<vmem>> -> memref<400xi32, #tpu.memory_space<vmem>>
    %dma_start3A_70 = arith.constant 0 : i32
    %dma_start3A_71 = arith.constant 0 : i32
    %dma_start3A_72 = tpu.memref_slice %arg5[%dma_start3A_70, %dma_start3A_71] : memref<100000x128xi32, #tpu.memory_space<hbm>> -> memref<100000x128xi32, #tpu.memory_space<hbm>>
    tpu.enqueue_indirect_dma source(%dma_start3A_72 : memref<100000x128xi32, #tpu.memory_space<hbm>>) target(%arg13 : memref<400x128xi32, #tpu.memory_space<vmem>>) offsets(%dma_start3A_69 : memref<400xi32, #tpu.memory_space<vmem>>) semaphore(%arg19 : memref<!tpu.dma_semaphore, #tpu.memory_space<semaphore_mem>>)
    %broadcast_in_dim3A = arith.constant 0.000000e+00 : f32
    %broadcast_in_dim3A_73 = vector.broadcast %broadcast_in_dim3A : f32 to vector<16xf32>
    %broadcast_in_dim3A_74 = arith.constant 0.000000e+00 : f32
    %broadcast_in_dim3A_75 = vector.broadcast %broadcast_in_dim3A_74 : f32 to vector<16xf32>
    %broadcast_in_dim3A_76 = arith.constant 0.000000e+00 : f32
    %broadcast_in_dim3A_77 = vector.broadcast %broadcast_in_dim3A_76 : f32 to vector<16xf32>
    %broadcast_in_dim3A_78 = arith.constant 0.000000e+00 : f32
    %broadcast_in_dim3A_79 = vector.broadcast %broadcast_in_dim3A_78 : f32 to vector<16xf32>
    %broadcast_in_dim3A_80 = arith.constant 0.000000e+00 : f32
    %broadcast_in_dim3A_81 = vector.broadcast %broadcast_in_dim3A_80 : f32 to vector<16xf32>
    %broadcast_in_dim3A_82 = arith.constant 0.000000e+00 : f32
    %broadcast_in_dim3A_83 = vector.broadcast %broadcast_in_dim3A_82 : f32 to vector<16xf32>
    %broadcast_in_dim3A_84 = arith.constant 0.000000e+00 : f32
    %broadcast_in_dim3A_85 = vector.broadcast %broadcast_in_dim3A_84 : f32 to vector<16xf32>
    %broadcast_in_dim3A_86 = arith.constant 0.000000e+00 : f32
    %broadcast_in_dim3A_87 = vector.broadcast %broadcast_in_dim3A_86 : f32 to vector<16xf32>
    %scan3A_88 = arith.constant 0 : i32
    %scan3A_89 = arith.constant 10 : i32
    %scan3A_90 = arith.addi %scan3A_88, %scan3A_89 : i32
    %scan3A_91 = arith.constant 1 : i32
    %scan3A_92:8 = scf.for %scan3A_94 = %scan3A_88 to %scan3A_90 step %scan3A_91 iter_args(%scan3A_95 = %broadcast_in_dim3A_73, %scan3A_96 = %broadcast_in_dim3A_75, %scan3A_97 = %broadcast_in_dim3A_77, %scan3A_98 = %broadcast_in_dim3A_79, %scan3A_99 = %broadcast_in_dim3A_81, %scan3A_100 = %broadcast_in_dim3A_83, %scan3A_101 = %broadcast_in_dim3A_85, %scan3A_102 = %broadcast_in_dim3A_87) -> (vector<16xf32>, vector<16xf32>, vector<16xf32>, vector<16xf32>, vector<16xf32>, vector<16xf32>, vector<16xf32>, vector<16xf32>)  : i32 {
      %mul3A_103 = arith.constant 2 : i32
      %mul3A_104 = arith.muli %scan3A_94, %mul3A_103 : i32
      %multiple_of3A_105 = tpu.assume_multiple %mul3A_104, 2 : i32
      %dma_wait3A_106 = arith.constant 0 : i32
      %dma_wait3A_107 = arith.constant 0 : i32
      %dma_wait3A_108 = tpu.memref_slice %arg5[%dma_wait3A_106, %dma_wait3A_107] : memref<100000x128xi32, #tpu.memory_space<hbm>> -> memref<400x128xi32, #tpu.memory_space<hbm>>
      %dma_wait3A_109 = arith.constant 0 : i32
      %dma_wait3A_110 = arith.constant 0 : i32
      %dma_wait3A_111 = tpu.memref_slice %arg5[%dma_wait3A_109, %dma_wait3A_110] : memref<100000x128xi32, #tpu.memory_space<hbm>> -> memref<400x128xi32, #tpu.memory_space<hbm>>
      tpu.wait_dma2 semaphore(%arg20 : memref<!tpu.dma_semaphore, #tpu.memory_space<semaphore_mem>>) src(%dma_wait3A_111 : memref<400x128xi32, #tpu.memory_space<hbm>>) dst(%arg14 : memref<400x128xi32, #tpu.memory_space<vmem>>)
      %scan3A_112 = arith.constant 0 : i32
      %scan3A_113 = arith.constant 40 : i32
      %scan3A_114 = arith.addi %scan3A_112, %scan3A_113 : i32
      %scan3A_115 = arith.constant 1 : i32
      %scan3A_116:8 = scf.for %scan3A_139 = %scan3A_112 to %scan3A_114 step %scan3A_115 iter_args(%scan3A_140 = %scan3A_95, %scan3A_141 = %scan3A_96, %scan3A_142 = %scan3A_97, %scan3A_143 = %scan3A_98, %scan3A_144 = %scan3A_99, %scan3A_145 = %scan3A_100, %scan3A_146 = %scan3A_101, %scan3A_147 = %scan3A_102) -> (vector<16xf32>, vector<16xf32>, vector<16xf32>, vector<16xf32>, vector<16xf32>, vector<16xf32>, vector<16xf32>, vector<16xf32>)  : i32 {
        %mul3A_148 = arith.constant 10 : i32
        %mul3A_149 = arith.muli %scan3A_139, %mul3A_148 : i32
        %mul3A_150 = arith.constant 40 : i32
        %mul3A_151 = arith.muli %multiple_of3A_105, %mul3A_150 : i32
        %add3A_152 = arith.addi %mul3A_151, %scan3A_139 : i32
        %jit3A = arith.constant 25 : i32
        %div3A = arith.divsi %add3A_152, %jit3A : i32
        %sign3A = arith.constant 0 : i32
        %sign3A_153 = arith.cmpi sgt, %add3A_152, %sign3A : i32
        %sign3A_154 = arith.extui %sign3A_153 : i1 to i32
        %sign3A_155 = arith.constant 0 : i32
        %sign3A_156 = arith.cmpi slt, %add3A_152, %sign3A_155 : i32
        %sign3A_157 = arith.extui %sign3A_156 : i1 to i32
        %sign3A_158 = arith.subi %sign3A_154, %sign3A_157 : i32
        %sign3A_159 = arith.constant 0 : i32
        %sign3A_160 = arith.cmpi sgt, %jit3A, %sign3A_159 : i32
        %sign3A_161 = arith.extui %sign3A_160 : i1 to i32
        %sign3A_162 = arith.constant 0 : i32
        %sign3A_163 = arith.cmpi slt, %jit3A, %sign3A_162 : i32
        %sign3A_164 = arith.extui %sign3A_163 : i1 to i32
        %sign3A_165 = arith.subi %sign3A_161, %sign3A_164 : i32
        %ne3A = arith.cmpi ne, %sign3A_158, %sign3A_165 : i32
        %rem3A = arith.remsi %add3A_152, %jit3A : i32
        %ne3A_166 = arith.constant 0 : i32
        %ne3A_167 = arith.cmpi ne, %rem3A, %ne3A_166 : i32
        %and3A = arith.andi %ne3A, %ne3A_167 : i1
        %sub3A = arith.constant 1 : i32
        %sub3A_168 = arith.subi %div3A, %sub3A : i32
        %select_n3A = arith.select %and3A, %sub3A_168, %div3A : i32
        %get3A = arith.index_cast %mul3A_149 : i32 to index
        %get3A_169 = arith.constant 0 : index
        %get3A_170 = tpu.vector_load %arg14[%get3A, %get3A_169] {strides = array<i32>} : memref<400x128xi32, #tpu.memory_space<vmem>>, vector<16xi32>,
        %shift_left3A = arith.constant 16 : i32
        %shift_left3A_171 = vector.broadcast %shift_left3A : i32 to vector<16xi32>
        %shift_left3A_172 = arith.shli %get3A_170, %shift_left3A_171 : vector<16xi32>
        %bitcast3A = vector.bitcast %shift_left3A_172 : vector<16xi32> to vector<16xf32>
        %and3A_173 = arith.constant -65536 : i32
        %and3A_174 = vector.broadcast %and3A_173 : i32 to vector<16xi32>
        %and3A_175 = arith.andi %get3A_170, %and3A_174 : vector<16xi32>
        %bitcast3A_176 = vector.bitcast %and3A_175 : vector<16xi32> to vector<16xf32>
        %get3A_177 = arith.index_cast %mul3A_149 : i32 to index
        %get3A_178 = arith.constant 16 : index
        %get3A_179 = tpu.vector_load %arg14[%get3A_177, %get3A_178] {strides = array<i32>} : memref<400x128xi32, #tpu.memory_space<vmem>>, vector<16xi32>,
        %shift_left3A_180 = arith.constant 16 : i32
        %shift_left3A_181 = vector.broadcast %shift_left3A_180 : i32 to vector<16xi32>
        %shift_left3A_182 = arith.shli %get3A_179, %shift_left3A_181 : vector<16xi32>
        %bitcast3A_183 = vector.bitcast %shift_left3A_182 : vector<16xi32> to vector<16xf32>
        %and3A_184 = arith.constant -65536 : i32
        %and3A_185 = vector.broadcast %and3A_184 : i32 to vector<16xi32>
        %and3A_186 = arith.andi %get3A_179, %and3A_185 : vector<16xi32>
        %bitcast3A_187 = vector.bitcast %and3A_186 : vector<16xi32> to vector<16xf32>
        %get3A_188 = arith.index_cast %mul3A_149 : i32 to index
        %get3A_189 = arith.constant 32 : index
        %get3A_190 = tpu.vector_load %arg14[%get3A_188, %get3A_189] {strides = array<i32>} : memref<400x128xi32, #tpu.memory_space<vmem>>, vector<16xi32>,
        %shift_left3A_191 = arith.constant 16 : i32
        %shift_left3A_192 = vector.broadcast %shift_left3A_191 : i32 to vector<16xi32>
        %shift_left3A_193 = arith.shli %get3A_190, %shift_left3A_192 : vector<16xi32>
        %bitcast3A_194 = vector.bitcast %shift_left3A_193 : vector<16xi32> to vector<16xf32>
        %and3A_195 = arith.constant -65536 : i32
        %and3A_196 = vector.broadcast %and3A_195 : i32 to vector<16xi32>
        %and3A_197 = arith.andi %get3A_190, %and3A_196 : vector<16xi32>
        %bitcast3A_198 = vector.bitcast %and3A_197 : vector<16xi32> to vector<16xf32>
        %get3A_199 = arith.index_cast %mul3A_149 : i32 to index
        %get3A_200 = arith.constant 48 : index
        %get3A_201 = tpu.vector_load %arg14[%get3A_199, %get3A_200] {strides = array<i32>} : memref<400x128xi32, #tpu.memory_space<vmem>>, vector<16xi32>,
        %shift_left3A_202 = arith.constant 16 : i32
        %shift_left3A_203 = vector.broadcast %shift_left3A_202 : i32 to vector<16xi32>
        %shift_left3A_204 = arith.shli %get3A_201, %shift_left3A_203 : vector<16xi32>
        %bitcast3A_205 = vector.bitcast %shift_left3A_204 : vector<16xi32> to vector<16xf32>
        %and3A_206 = arith.constant -65536 : i32
        %and3A_207 = vector.broadcast %and3A_206 : i32 to vector<16xi32>
        %and3A_208 = arith.andi %get3A_201, %and3A_207 : vector<16xi32>
        %bitcast3A_209 = vector.bitcast %and3A_208 : vector<16xi32> to vector<16xf32>
        %get3A_210 = arith.index_cast %mul3A_149 : i32 to index
        %get3A_211 = arith.constant 64 : index
        %get3A_212 = tpu.vector_load %arg14[%get3A_210, %get3A_211] {strides = array<i32>} : memref<400x128xi32, #tpu.memory_space<vmem>>, vector<16xi32>,
        %shift_left3A_213 = arith.constant 16 : i32
        %shift_left3A_214 = vector.broadcast %shift_left3A_213 : i32 to vector<16xi32>
        %shift_left3A_215 = arith.shli %get3A_212, %shift_left3A_214 : vector<16xi32>
        %bitcast3A_216 = vector.bitcast %shift_left3A_215 : vector<16xi32> to vector<16xf32>
        %and3A_217 = arith.constant -65536 : i32
        %and3A_218 = vector.broadcast %and3A_217 : i32 to vector<16xi32>
        %and3A_219 = arith.andi %get3A_212, %and3A_218 : vector<16xi32>
        %bitcast3A_220 = vector.bitcast %and3A_219 : vector<16xi32> to vector<16xf32>
        %get3A_221 = arith.index_cast %mul3A_149 : i32 to index
        %get3A_222 = arith.constant 80 : index
        %get3A_223 = tpu.vector_load %arg14[%get3A_221, %get3A_222] {strides = array<i32>} : memref<400x128xi32, #tpu.memory_space<vmem>>, vector<16xi32>,
        %shift_left3A_224 = arith.constant 16 : i32
        %shift_left3A_225 = vector.broadcast %shift_left3A_224 : i32 to vector<16xi32>
        %shift_left3A_226 = arith.shli %get3A_223, %shift_left3A_225 : vector<16xi32>
        %bitcast3A_227 = vector.bitcast %shift_left3A_226 : vector<16xi32> to vector<16xf32>
        %and3A_228 = arith.constant -65536 : i32
        %and3A_229 = vector.broadcast %and3A_228 : i32 to vector<16xi32>
        %and3A_230 = arith.andi %get3A_223, %and3A_229 : vector<16xi32>
        %bitcast3A_231 = vector.bitcast %and3A_230 : vector<16xi32> to vector<16xf32>
        %get3A_232 = arith.index_cast %mul3A_149 : i32 to index
        %get3A_233 = arith.constant 96 : index
        %get3A_234 = tpu.vector_load %arg14[%get3A_232, %get3A_233] {strides = array<i32>} : memref<400x128xi32, #tpu.memory_space<vmem>>, vector<16xi32>,
        %shift_left3A_235 = arith.constant 16 : i32
        %shift_left3A_236 = vector.broadcast %shift_left3A_235 : i32 to vector<16xi32>
        %shift_left3A_237 = arith.shli %get3A_234, %shift_left3A_236 : vector<16xi32>
        %bitcast3A_238 = vector.bitcast %shift_left3A_237 : vector<16xi32> to vector<16xf32>
        %and3A_239 = arith.constant -65536 : i32
        %and3A_240 = vector.broadcast %and3A_239 : i32 to vector<16xi32>
        %and3A_241 = arith.andi %get3A_234, %and3A_240 : vector<16xi32>
        %bitcast3A_242 = vector.bitcast %and3A_241 : vector<16xi32> to vector<16xf32>
        %get3A_243 = arith.index_cast %mul3A_149 : i32 to index
        %get3A_244 = arith.constant 112 : index
        %get3A_245 = tpu.vector_load %arg14[%get3A_243, %get3A_244] {strides = array<i32>} : memref<400x128xi32, #tpu.memory_space<vmem>>, vector<16xi32>,
        %shift_left3A_246 = arith.constant 16 : i32
        %shift_left3A_247 = vector.broadcast %shift_left3A_246 : i32 to vector<16xi32>
        %shift_left3A_248 = arith.shli %get3A_245, %shift_left3A_247 : vector<16xi32>
        %bitcast3A_249 = vector.bitcast %shift_left3A_248 : vector<16xi32> to vector<16xf32>
        %and3A_250 = arith.constant -65536 : i32
        %and3A_251 = vector.broadcast %and3A_250 : i32 to vector<16xi32>
        %and3A_252 = arith.andi %get3A_245, %and3A_251 : vector<16xi32>
        %bitcast3A_253 = vector.bitcast %and3A_252 : vector<16xi32> to vector<16xf32>
        %add3A_254 = arith.constant 1 : i32
        %add3A_255 = arith.addi %mul3A_149, %add3A_254 : i32
        %get3A_256 = arith.index_cast %add3A_255 : i32 to index
        %get3A_257 = arith.constant 0 : index
        %get3A_258 = tpu.vector_load %arg14[%get3A_256, %get3A_257] {strides = array<i32>} : memref<400x128xi32, #tpu.memory_space<vmem>>, vector<16xi32>,
        %shift_left3A_259 = arith.constant 16 : i32
        %shift_left3A_260 = vector.broadcast %shift_left3A_259 : i32 to vector<16xi32>
        %shift_left3A_261 = arith.shli %get3A_258, %shift_left3A_260 : vector<16xi32>
        %bitcast3A_262 = vector.bitcast %shift_left3A_261 : vector<16xi32> to vector<16xf32>
        %and3A_263 = arith.constant -65536 : i32
        %and3A_264 = vector.broadcast %and3A_263 : i32 to vector<16xi32>
        %and3A_265 = arith.andi %get3A_258, %and3A_264 : vector<16xi32>
        %bitcast3A_266 = vector.bitcast %and3A_265 : vector<16xi32> to vector<16xf32>
        %get3A_267 = arith.index_cast %add3A_255 : i32 to index
        %get3A_268 = arith.constant 16 : index
        %get3A_269 = tpu.vector_load %arg14[%get3A_267, %get3A_268] {strides = array<i32>} : memref<400x128xi32, #tpu.memory_space<vmem>>, vector<16xi32>,
        %shift_left3A_270 = arith.constant 16 : i32
        %shift_left3A_271 = vector.broadcast %shift_left3A_270 : i32 to vector<16xi32>
        %shift_left3A_272 = arith.shli %get3A_269, %shift_left3A_271 : vector<16xi32>
        %bitcast3A_273 = vector.bitcast %shift_left3A_272 : vector<16xi32> to vector<16xf32>
        %and3A_274 = arith.constant -65536 : i32
        %and3A_275 = vector.broadcast %and3A_274 : i32 to vector<16xi32>
        %and3A_276 = arith.andi %get3A_269, %and3A_275 : vector<16xi32>
        %bitcast3A_277 = vector.bitcast %and3A_276 : vector<16xi32> to vector<16xf32>
        %get3A_278 = arith.index_cast %add3A_255 : i32 to index
        %get3A_279 = arith.constant 32 : index
        %get3A_280 = tpu.vector_load %arg14[%get3A_278, %get3A_279] {strides = array<i32>} : memref<400x128xi32, #tpu.memory_space<vmem>>, vector<16xi32>,
        %shift_left3A_281 = arith.constant 16 : i32
        %shift_left3A_282 = vector.broadcast %shift_left3A_281 : i32 to vector<16xi32>
        %shift_left3A_283 = arith.shli %get3A_280, %shift_left3A_282 : vector<16xi32>
        %bitcast3A_284 = vector.bitcast %shift_left3A_283 : vector<16xi32> to vector<16xf32>
        %and3A_285 = arith.constant -65536 : i32
        %and3A_286 = vector.broadcast %and3A_285 : i32 to vector<16xi32>
        %and3A_287 = arith.andi %get3A_280, %and3A_286 : vector<16xi32>
        %bitcast3A_288 = vector.bitcast %and3A_287 : vector<16xi32> to vector<16xf32>
        %get3A_289 = arith.index_cast %add3A_255 : i32 to index
        %get3A_290 = arith.constant 48 : index
        %get3A_291 = tpu.vector_load %arg14[%get3A_289, %get3A_290] {strides = array<i32>} : memref<400x128xi32, #tpu.memory_space<vmem>>, vector<16xi32>,
        %shift_left3A_292 = arith.constant 16 : i32
        %shift_left3A_293 = vector.broadcast %shift_left3A_292 : i32 to vector<16xi32>
        %shift_left3A_294 = arith.shli %get3A_291, %shift_left3A_293 : vector<16xi32>
        %bitcast3A_295 = vector.bitcast %shift_left3A_294 : vector<16xi32> to vector<16xf32>
        %and3A_296 = arith.constant -65536 : i32
        %and3A_297 = vector.broadcast %and3A_296 : i32 to vector<16xi32>
        %and3A_298 = arith.andi %get3A_291, %and3A_297 : vector<16xi32>
        %bitcast3A_299 = vector.bitcast %and3A_298 : vector<16xi32> to vector<16xf32>
        %get3A_300 = arith.index_cast %add3A_255 : i32 to index
        %get3A_301 = arith.constant 64 : index
        %get3A_302 = tpu.vector_load %arg14[%get3A_300, %get3A_301] {strides = array<i32>} : memref<400x128xi32, #tpu.memory_space<vmem>>, vector<16xi32>,
        %shift_left3A_303 = arith.constant 16 : i32
        %shift_left3A_304 = vector.broadcast %shift_left3A_303 : i32 to vector<16xi32>
        %shift_left3A_305 = arith.shli %get3A_302, %shift_left3A_304 : vector<16xi32>
        %bitcast3A_306 = vector.bitcast %shift_left3A_305 : vector<16xi32> to vector<16xf32>
        %and3A_307 = arith.constant -65536 : i32
        %and3A_308 = vector.broadcast %and3A_307 : i32 to vector<16xi32>
        %and3A_309 = arith.andi %get3A_302, %and3A_308 : vector<16xi32>
        %bitcast3A_310 = vector.bitcast %and3A_309 : vector<16xi32> to vector<16xf32>
        %get3A_311 = arith.index_cast %add3A_255 : i32 to index
        %get3A_312 = arith.constant 80 : index
        %get3A_313 = tpu.vector_load %arg14[%get3A_311, %get3A_312] {strides = array<i32>} : memref<400x128xi32, #tpu.memory_space<vmem>>, vector<16xi32>,
        %shift_left3A_314 = arith.constant 16 : i32
        %shift_left3A_315 = vector.broadcast %shift_left3A_314 : i32 to vector<16xi32>
        %shift_left3A_316 = arith.shli %get3A_313, %shift_left3A_315 : vector<16xi32>
        %bitcast3A_317 = vector.bitcast %shift_left3A_316 : vector<16xi32> to vector<16xf32>
        %and3A_318 = arith.constant -65536 : i32
        %and3A_319 = vector.broadcast %and3A_318 : i32 to vector<16xi32>
        %and3A_320 = arith.andi %get3A_313, %and3A_319 : vector<16xi32>
        %bitcast3A_321 = vector.bitcast %and3A_320 : vector<16xi32> to vector<16xf32>
        %get3A_322 = arith.index_cast %add3A_255 : i32 to index
        %get3A_323 = arith.constant 96 : index
        %get3A_324 = tpu.vector_load %arg14[%get3A_322, %get3A_323] {strides = array<i32>} : memref<400x128xi32, #tpu.memory_space<vmem>>, vector<16xi32>,
        %shift_left3A_325 = arith.constant 16 : i32
        %shift_left3A_326 = vector.broadcast %shift_left3A_325 : i32 to vector<16xi32>
        %shift_left3A_327 = arith.shli %get3A_324, %shift_left3A_326 : vector<16xi32>
        %bitcast3A_328 = vector.bitcast %shift_left3A_327 : vector<16xi32> to vector<16xf32>
        %and3A_329 = arith.constant -65536 : i32
        %and3A_330 = vector.broadcast %and3A_329 : i32 to vector<16xi32>
        %and3A_331 = arith.andi %get3A_324, %and3A_330 : vector<16xi32>
        %bitcast3A_332 = vector.bitcast %and3A_331 : vector<16xi32> to vector<16xf32>
        %get3A_333 = arith.index_cast %add3A_255 : i32 to index
        %get3A_334 = arith.constant 112 : index
        %get3A_335 = tpu.vector_load %arg14[%get3A_333, %get3A_334] {strides = array<i32>} : memref<400x128xi32, #tpu.memory_space<vmem>>, vector<16xi32>,
        %shift_left3A_336 = arith.constant 16 : i32
        %shift_left3A_337 = vector.broadcast %shift_left3A_336 : i32 to vector<16xi32>
        %shift_left3A_338 = arith.shli %get3A_335, %shift_left3A_337 : vector<16xi32>
        %bitcast3A_339 = vector.bitcast %shift_left3A_338 : vector<16xi32> to vector<16xf32>
        %and3A_340 = arith.constant -65536 : i32
        %and3A_341 = vector.broadcast %and3A_340 : i32 to vector<16xi32>
        %and3A_342 = arith.andi %get3A_335, %and3A_341 : vector<16xi32>
        %bitcast3A_343 = vector.bitcast %and3A_342 : vector<16xi32> to vector<16xf32>
        %add3A_344 = arith.addf %bitcast3A_176, %bitcast3A_266 : vector<16xf32>
        %add3A_345 = arith.addf %bitcast3A_187, %bitcast3A_277 : vector<16xf32>
        %add3A_346 = arith.addf %bitcast3A_198, %bitcast3A_288 : vector<16xf32>
        %add3A_347 = arith.addf %bitcast3A_209, %bitcast3A_299 : vector<16xf32>
        %add3A_348 = arith.addf %bitcast3A_220, %bitcast3A_310 : vector<16xf32>
        %add3A_349 = arith.addf %bitcast3A_231, %bitcast3A_321 : vector<16xf32>
        %add3A_350 = arith.addf %bitcast3A_242, %bitcast3A_332 : vector<16xf32>
        %add3A_351 = arith.addf %bitcast3A_253, %bitcast3A_343 : vector<16xf32>
        %add3A_352 = arith.constant 2 : i32
        %add3A_353 = arith.addi %mul3A_149, %add3A_352 : i32
        %get3A_354 = arith.index_cast %add3A_353 : i32 to index
        %get3A_355 = arith.constant 0 : index
        %get3A_356 = tpu.vector_load %arg14[%get3A_354, %get3A_355] {strides = array<i32>} : memref<400x128xi32, #tpu.memory_space<vmem>>, vector<16xi32>,
        %shift_left3A_357 = arith.constant 16 : i32
        %shift_left3A_358 = vector.broadcast %shift_left3A_357 : i32 to vector<16xi32>
        %shift_left3A_359 = arith.shli %get3A_356, %shift_left3A_358 : vector<16xi32>
        %bitcast3A_360 = vector.bitcast %shift_left3A_359 : vector<16xi32> to vector<16xf32>
        %and3A_361 = arith.constant -65536 : i32
        %and3A_362 = vector.broadcast %and3A_361 : i32 to vector<16xi32>
        %and3A_363 = arith.andi %get3A_356, %and3A_362 : vector<16xi32>
        %bitcast3A_364 = vector.bitcast %and3A_363 : vector<16xi32> to vector<16xf32>
        %get3A_365 = arith.index_cast %add3A_353 : i32 to index
        %get3A_366 = arith.constant 16 : index
        %get3A_367 = tpu.vector_load %arg14[%get3A_365, %get3A_366] {strides = array<i32>} : memref<400x128xi32, #tpu.memory_space<vmem>>, vector<16xi32>,
        %shift_left3A_368 = arith.constant 16 : i32
        %shift_left3A_369 = vector.broadcast %shift_left3A_368 : i32 to vector<16xi32>
        %shift_left3A_370 = arith.shli %get3A_367, %shift_left3A_369 : vector<16xi32>
        %bitcast3A_371 = vector.bitcast %shift_left3A_370 : vector<16xi32> to vector<16xf32>
        %and3A_372 = arith.constant -65536 : i32
        %and3A_373 = vector.broadcast %and3A_372 : i32 to vector<16xi32>
        %and3A_374 = arith.andi %get3A_367, %and3A_373 : vector<16xi32>
        %bitcast3A_375 = vector.bitcast %and3A_374 : vector<16xi32> to vector<16xf32>
        %get3A_376 = arith.index_cast %add3A_353 : i32 to index
        %get3A_377 = arith.constant 32 : index
        %get3A_378 = tpu.vector_load %arg14[%get3A_376, %get3A_377] {strides = array<i32>} : memref<400x128xi32, #tpu.memory_space<vmem>>, vector<16xi32>,
        %shift_left3A_379 = arith.constant 16 : i32
        %shift_left3A_380 = vector.broadcast %shift_left3A_379 : i32 to vector<16xi32>
        %shift_left3A_381 = arith.shli %get3A_378, %shift_left3A_380 : vector<16xi32>
        %bitcast3A_382 = vector.bitcast %shift_left3A_381 : vector<16xi32> to vector<16xf32>
        %and3A_383 = arith.constant -65536 : i32
        %and3A_384 = vector.broadcast %and3A_383 : i32 to vector<16xi32>
        %and3A_385 = arith.andi %get3A_378, %and3A_384 : vector<16xi32>
        %bitcast3A_386 = vector.bitcast %and3A_385 : vector<16xi32> to vector<16xf32>
        %get3A_387 = arith.index_cast %add3A_353 : i32 to index
        %get3A_388 = arith.constant 48 : index
        %get3A_389 = tpu.vector_load %arg14[%get3A_387, %get3A_388] {strides = array<i32>} : memref<400x128xi32, #tpu.memory_space<vmem>>, vector<16xi32>,
        %shift_left3A_390 = arith.constant 16 : i32
        %shift_left3A_391 = vector.broadcast %shift_left3A_390 : i32 to vector<16xi32>
        %shift_left3A_392 = arith.shli %get3A_389, %shift_left3A_391 : vector<16xi32>
        %bitcast3A_393 = vector.bitcast %shift_left3A_392 : vector<16xi32> to vector<16xf32>
        %and3A_394 = arith.constant -65536 : i32
        %and3A_395 = vector.broadcast %and3A_394 : i32 to vector<16xi32>
        %and3A_396 = arith.andi %get3A_389, %and3A_395 : vector<16xi32>
        %bitcast3A_397 = vector.bitcast %and3A_396 : vector<16xi32> to vector<16xf32>
        %get3A_398 = arith.index_cast %add3A_353 : i32 to index
        %get3A_399 = arith.constant 64 : index
        %get3A_400 = tpu.vector_load %arg14[%get3A_398, %get3A_399] {strides = array<i32>} : memref<400x128xi32, #tpu.memory_space<vmem>>, vector<16xi32>,
        %shift_left3A_401 = arith.constant 16 : i32
        %shift_left3A_402 = vector.broadcast %shift_left3A_401 : i32 to vector<16xi32>
        %shift_left3A_403 = arith.shli %get3A_400, %shift_left3A_402 : vector<16xi32>
        %bitcast3A_404 = vector.bitcast %shift_left3A_403 : vector<16xi32> to vector<16xf32>
        %and3A_405 = arith.constant -65536 : i32
        %and3A_406 = vector.broadcast %and3A_405 : i32 to vector<16xi32>
        %and3A_407 = arith.andi %get3A_400, %and3A_406 : vector<16xi32>
        %bitcast3A_408 = vector.bitcast %and3A_407 : vector<16xi32> to vector<16xf32>
        %get3A_409 = arith.index_cast %add3A_353 : i32 to index
        %get3A_410 = arith.constant 80 : index
        %get3A_411 = tpu.vector_load %arg14[%get3A_409, %get3A_410] {strides = array<i32>} : memref<400x128xi32, #tpu.memory_space<vmem>>, vector<16xi32>,
        %shift_left3A_412 = arith.constant 16 : i32
        %shift_left3A_413 = vector.broadcast %shift_left3A_412 : i32 to vector<16xi32>
        %shift_left3A_414 = arith.shli %get3A_411, %shift_left3A_413 : vector<16xi32>
        %bitcast3A_415 = vector.bitcast %shift_left3A_414 : vector<16xi32> to vector<16xf32>
        %and3A_416 = arith.constant -65536 : i32
        %and3A_417 = vector.broadcast %and3A_416 : i32 to vector<16xi32>
        %and3A_418 = arith.andi %get3A_411, %and3A_417 : vector<16xi32>
        %bitcast3A_419 = vector.bitcast %and3A_418 : vector<16xi32> to vector<16xf32>
        %get3A_420 = arith.index_cast %add3A_353 : i32 to index
        %get3A_421 = arith.constant 96 : index
        %get3A_422 = tpu.vector_load %arg14[%get3A_420, %get3A_421] {strides = array<i32>} : memref<400x128xi32, #tpu.memory_space<vmem>>, vector<16xi32>,
        %shift_left3A_423 = arith.constant 16 : i32
        %shift_left3A_424 = vector.broadcast %shift_left3A_423 : i32 to vector<16xi32>
        %shift_left3A_425 = arith.shli %get3A_422, %shift_left3A_424 : vector<16xi32>
        %bitcast3A_426 = vector.bitcast %shift_left3A_425 : vector<16xi32> to vector<16xf32>
        %and3A_427 = arith.constant -65536 : i32
        %and3A_428 = vector.broadcast %and3A_427 : i32 to vector<16xi32>
        %and3A_429 = arith.andi %get3A_422, %and3A_428 : vector<16xi32>
        %bitcast3A_430 = vector.bitcast %and3A_429 : vector<16xi32> to vector<16xf32>
        %get3A_431 = arith.index_cast %add3A_353 : i32 to index
        %get3A_432 = arith.constant 112 : index
        %get3A_433 = tpu.vector_load %arg14[%get3A_431, %get3A_432] {strides = array<i32>} : memref<400x128xi32, #tpu.memory_space<vmem>>, vector<16xi32>,
        %shift_left3A_434 = arith.constant 16 : i32
        %shift_left3A_435 = vector.broadcast %shift_left3A_434 : i32 to vector<16xi32>
        %shift_left3A_436 = arith.shli %get3A_433, %shift_left3A_435 : vector<16xi32>
        %bitcast3A_437 = vector.bitcast %shift_left3A_436 : vector<16xi32> to vector<16xf32>
        %and3A_438 = arith.constant -65536 : i32
        %and3A_439 = vector.broadcast %and3A_438 : i32 to vector<16xi32>
        %and3A_440 = arith.andi %get3A_433, %and3A_439 : vector<16xi32>
        %bitcast3A_441 = vector.bitcast %and3A_440 : vector<16xi32> to vector<16xf32>
        %add3A_442 = arith.addf %add3A_344, %bitcast3A_364 : vector<16xf32>
        %add3A_443 = arith.addf %add3A_345, %bitcast3A_375 : vector<16xf32>
        %add3A_444 = arith.addf %add3A_346, %bitcast3A_386 : vector<16xf32>
        %add3A_445 = arith.addf %add3A_347, %bitcast3A_397 : vector<16xf32>
        %add3A_446 = arith.addf %add3A_348, %bitcast3A_408 : vector<16xf32>
        %add3A_447 = arith.addf %add3A_349, %bitcast3A_419 : vector<16xf32>
        %add3A_448 = arith.addf %add3A_350, %bitcast3A_430 : vector<16xf32>
        %add3A_449 = arith.addf %add3A_351, %bitcast3A_441 : vector<16xf32>
        %add3A_450 = arith.constant 3 : i32
        %add3A_451 = arith.addi %mul3A_149, %add3A_450 : i32
        %get3A_452 = arith.index_cast %add3A_451 : i32 to index
        %get3A_453 = arith.constant 0 : index
        %get3A_454 = tpu.vector_load %arg14[%get3A_452, %get3A_453] {strides = array<i32>} : memref<400x128xi32, #tpu.memory_space<vmem>>, vector<16xi32>,
        %shift_left3A_455 = arith.constant 16 : i32
        %shift_left3A_456 = vector.broadcast %shift_left3A_455 : i32 to vector<16xi32>
        %shift_left3A_457 = arith.shli %get3A_454, %shift_left3A_456 : vector<16xi32>
        %bitcast3A_458 = vector.bitcast %shift_left3A_457 : vector<16xi32> to vector<16xf32>
        %and3A_459 = arith.constant -65536 : i32
        %and3A_460 = vector.broadcast %and3A_459 : i32 to vector<16xi32>
        %and3A_461 = arith.andi %get3A_454, %and3A_460 : vector<16xi32>
        %bitcast3A_462 = vector.bitcast %and3A_461 : vector<16xi32> to vector<16xf32>
        %get3A_463 = arith.index_cast %add3A_451 : i32 to index
        %get3A_464 = arith.constant 16 : index
        %get3A_465 = tpu.vector_load %arg14[%get3A_463, %get3A_464] {strides = array<i32>} : memref<400x128xi32, #tpu.memory_space<vmem>>, vector<16xi32>,
        %shift_left3A_466 = arith.constant 16 : i32
        %shift_left3A_467 = vector.broadcast %shift_left3A_466 : i32 to vector<16xi32>
        %shift_left3A_468 = arith.shli %get3A_465, %shift_left3A_467 : vector<16xi32>
        %bitcast3A_469 = vector.bitcast %shift_left3A_468 : vector<16xi32> to vector<16xf32>
        %and3A_470 = arith.constant -65536 : i32
        %and3A_471 = vector.broadcast %and3A_470 : i32 to vector<16xi32>
        %and3A_472 = arith.andi %get3A_465, %and3A_471 : vector<16xi32>
        %bitcast3A_473 = vector.bitcast %and3A_472 : vector<16xi32> to vector<16xf32>
        %get3A_474 = arith.index_cast %add3A_451 : i32 to index
        %get3A_475 = arith.constant 32 : index
        %get3A_476 = tpu.vector_load %arg14[%get3A_474, %get3A_475] {strides = array<i32>} : memref<400x128xi32, #tpu.memory_space<vmem>>, vector<16xi32>,
        %shift_left3A_477 = arith.constant 16 : i32
        %shift_left3A_478 = vector.broadcast %shift_left3A_477 : i32 to vector<16xi32>
        %shift_left3A_479 = arith.shli %get3A_476, %shift_left3A_478 : vector<16xi32>
        %bitcast3A_480 = vector.bitcast %shift_left3A_479 : vector<16xi32> to vector<16xf32>
        %and3A_481 = arith.constant -65536 : i32
        %and3A_482 = vector.broadcast %and3A_481 : i32 to vector<16xi32>
        %and3A_483 = arith.andi %get3A_476, %and3A_482 : vector<16xi32>
        %bitcast3A_484 = vector.bitcast %and3A_483 : vector<16xi32> to vector<16xf32>
        %get3A_485 = arith.index_cast %add3A_451 : i32 to index
        %get3A_486 = arith.constant 48 : index
        %get3A_487 = tpu.vector_load %arg14[%get3A_485, %get3A_486] {strides = array<i32>} : memref<400x128xi32, #tpu.memory_space<vmem>>, vector<16xi32>,
        %shift_left3A_488 = arith.constant 16 : i32
        %shift_left3A_489 = vector.broadcast %shift_left3A_488 : i32 to vector<16xi32>
        %shift_left3A_490 = arith.shli %get3A_487, %shift_left3A_489 : vector<16xi32>
        %bitcast3A_491 = vector.bitcast %shift_left3A_490 : vector<16xi32> to vector<16xf32>
        %and3A_492 = arith.constant -65536 : i32
        %and3A_493 = vector.broadcast %and3A_492 : i32 to vector<16xi32>
        %and3A_494 = arith.andi %get3A_487, %and3A_493 : vector<16xi32>
        %bitcast3A_495 = vector.bitcast %and3A_494 : vector<16xi32> to vector<16xf32>
        %get3A_496 = arith.index_cast %add3A_451 : i32 to index
        %get3A_497 = arith.constant 64 : index
        %get3A_498 = tpu.vector_load %arg14[%get3A_496, %get3A_497] {strides = array<i32>} : memref<400x128xi32, #tpu.memory_space<vmem>>, vector<16xi32>,
        %shift_left3A_499 = arith.constant 16 : i32
        %shift_left3A_500 = vector.broadcast %shift_left3A_499 : i32 to vector<16xi32>
        %shift_left3A_501 = arith.shli %get3A_498, %shift_left3A_500 : vector<16xi32>
        %bitcast3A_502 = vector.bitcast %shift_left3A_501 : vector<16xi32> to vector<16xf32>
        %and3A_503 = arith.constant -65536 : i32
        %and3A_504 = vector.broadcast %and3A_503 : i32 to vector<16xi32>
        %and3A_505 = arith.andi %get3A_498, %and3A_504 : vector<16xi32>
        %bitcast3A_506 = vector.bitcast %and3A_505 : vector<16xi32> to vector<16xf32>
        %get3A_507 = arith.index_cast %add3A_451 : i32 to index
        %get3A_508 = arith.constant 80 : index
        %get3A_509 = tpu.vector_load %arg14[%get3A_507, %get3A_508] {strides = array<i32>} : memref<400x128xi32, #tpu.memory_space<vmem>>, vector<16xi32>,
        %shift_left3A_510 = arith.constant 16 : i32
        %shift_left3A_511 = vector.broadcast %shift_left3A_510 : i32 to vector<16xi32>
        %shift_left3A_512 = arith.shli %get3A_509, %shift_left3A_511 : vector<16xi32>
        %bitcast3A_513 = vector.bitcast %shift_left3A_512 : vector<16xi32> to vector<16xf32>
        %and3A_514 = arith.constant -65536 : i32
        %and3A_515 = vector.broadcast %and3A_514 : i32 to vector<16xi32>
        %and3A_516 = arith.andi %get3A_509, %and3A_515 : vector<16xi32>
        %bitcast3A_517 = vector.bitcast %and3A_516 : vector<16xi32> to vector<16xf32>
        %get3A_518 = arith.index_cast %add3A_451 : i32 to index
        %get3A_519 = arith.constant 96 : index
        %get3A_520 = tpu.vector_load %arg14[%get3A_518, %get3A_519] {strides = array<i32>} : memref<400x128xi32, #tpu.memory_space<vmem>>, vector<16xi32>,
        %shift_left3A_521 = arith.constant 16 : i32
        %shift_left3A_522 = vector.broadcast %shift_left3A_521 : i32 to vector<16xi32>
        %shift_left3A_523 = arith.shli %get3A_520, %shift_left3A_522 : vector<16xi32>
        %bitcast3A_524 = vector.bitcast %shift_left3A_523 : vector<16xi32> to vector<16xf32>
        %and3A_525 = arith.constant -65536 : i32
        %and3A_526 = vector.broadcast %and3A_525 : i32 to vector<16xi32>
        %and3A_527 = arith.andi %get3A_520, %and3A_526 : vector<16xi32>
        %bitcast3A_528 = vector.bitcast %and3A_527 : vector<16xi32> to vector<16xf32>
        %get3A_529 = arith.index_cast %add3A_451 : i32 to index
        %get3A_530 = arith.constant 112 : index
        %get3A_531 = tpu.vector_load %arg14[%get3A_529, %get3A_530] {strides = array<i32>} : memref<400x128xi32, #tpu.memory_space<vmem>>, vector<16xi32>,
        %shift_left3A_532 = arith.constant 16 : i32
        %shift_left3A_533 = vector.broadcast %shift_left3A_532 : i32 to vector<16xi32>
        %shift_left3A_534 = arith.shli %get3A_531, %shift_left3A_533 : vector<16xi32>
        %bitcast3A_535 = vector.bitcast %shift_left3A_534 : vector<16xi32> to vector<16xf32>
        %and3A_536 = arith.constant -65536 : i32
        %and3A_537 = vector.broadcast %and3A_536 : i32 to vector<16xi32>
        %and3A_538 = arith.andi %get3A_531, %and3A_537 : vector<16xi32>
        %bitcast3A_539 = vector.bitcast %and3A_538 : vector<16xi32> to vector<16xf32>
        %add3A_540 = arith.addf %add3A_442, %bitcast3A_462 : vector<16xf32>
        %add3A_541 = arith.addf %add3A_443, %bitcast3A_473 : vector<16xf32>
        %add3A_542 = arith.addf %add3A_444, %bitcast3A_484 : vector<16xf32>
        %add3A_543 = arith.addf %add3A_445, %bitcast3A_495 : vector<16xf32>
        %add3A_544 = arith.addf %add3A_446, %bitcast3A_506 : vector<16xf32>
        %add3A_545 = arith.addf %add3A_447, %bitcast3A_517 : vector<16xf32>
        %add3A_546 = arith.addf %add3A_448, %bitcast3A_528 : vector<16xf32>
        %add3A_547 = arith.addf %add3A_449, %bitcast3A_539 : vector<16xf32>
        %add3A_548 = arith.constant 4 : i32
        %add3A_549 = arith.addi %mul3A_149, %add3A_548 : i32
        %get3A_550 = arith.index_cast %add3A_549 : i32 to index
        %get3A_551 = arith.constant 0 : index
        %get3A_552 = tpu.vector_load %arg14[%get3A_550, %get3A_551] {strides = array<i32>} : memref<400x128xi32, #tpu.memory_space<vmem>>, vector<16xi32>,
        %shift_left3A_553 = arith.constant 16 : i32
        %shift_left3A_554 = vector.broadcast %shift_left3A_553 : i32 to vector<16xi32>
        %shift_left3A_555 = arith.shli %get3A_552, %shift_left3A_554 : vector<16xi32>
        %bitcast3A_556 = vector.bitcast %shift_left3A_555 : vector<16xi32> to vector<16xf32>
        %and3A_557 = arith.constant -65536 : i32
        %and3A_558 = vector.broadcast %and3A_557 : i32 to vector<16xi32>
        %and3A_559 = arith.andi %get3A_552, %and3A_558 : vector<16xi32>
        %bitcast3A_560 = vector.bitcast %and3A_559 : vector<16xi32> to vector<16xf32>
        %get3A_561 = arith.index_cast %add3A_549 : i32 to index
        %get3A_562 = arith.constant 16 : index
        %get3A_563 = tpu.vector_load %arg14[%get3A_561, %get3A_562] {strides = array<i32>} : memref<400x128xi32, #tpu.memory_space<vmem>>, vector<16xi32>,
        %shift_left3A_564 = arith.constant 16 : i32
        %shift_left3A_565 = vector.broadcast %shift_left3A_564 : i32 to vector<16xi32>
        %shift_left3A_566 = arith.shli %get3A_563, %shift_left3A_565 : vector<16xi32>
        %bitcast3A_567 = vector.bitcast %shift_left3A_566 : vector<16xi32> to vector<16xf32>
        %and3A_568 = arith.constant -65536 : i32
        %and3A_569 = vector.broadcast %and3A_568 : i32 to vector<16xi32>
        %and3A_570 = arith.andi %get3A_563, %and3A_569 : vector<16xi32>
        %bitcast3A_571 = vector.bitcast %and3A_570 : vector<16xi32> to vector<16xf32>
        %get3A_572 = arith.index_cast %add3A_549 : i32 to index
        %get3A_573 = arith.constant 32 : index
        %get3A_574 = tpu.vector_load %arg14[%get3A_572, %get3A_573] {strides = array<i32>} : memref<400x128xi32, #tpu.memory_space<vmem>>, vector<16xi32>,
        %shift_left3A_575 = arith.constant 16 : i32
        %shift_left3A_576 = vector.broadcast %shift_left3A_575 : i32 to vector<16xi32>
        %shift_left3A_577 = arith.shli %get3A_574, %shift_left3A_576 : vector<16xi32>
        %bitcast3A_578 = vector.bitcast %shift_left3A_577 : vector<16xi32> to vector<16xf32>
        %and3A_579 = arith.constant -65536 : i32
        %and3A_580 = vector.broadcast %and3A_579 : i32 to vector<16xi32>
        %and3A_581 = arith.andi %get3A_574, %and3A_580 : vector<16xi32>
        %bitcast3A_582 = vector.bitcast %and3A_581 : vector<16xi32> to vector<16xf32>
        %get3A_583 = arith.index_cast %add3A_549 : i32 to index
        %get3A_584 = arith.constant 48 : index
        %get3A_585 = tpu.vector_load %arg14[%get3A_583, %get3A_584] {strides = array<i32>} : memref<400x128xi32, #tpu.memory_space<vmem>>, vector<16xi32>,
        %shift_left3A_586 = arith.constant 16 : i32
        %shift_left3A_587 = vector.broadcast %shift_left3A_586 : i32 to vector<16xi32>
        %shift_left3A_588 = arith.shli %get3A_585, %shift_left3A_587 : vector<16xi32>
        %bitcast3A_589 = vector.bitcast %shift_left3A_588 : vector<16xi32> to vector<16xf32>
        %and3A_590 = arith.constant -65536 : i32
        %and3A_591 = vector.broadcast %and3A_590 : i32 to vector<16xi32>
        %and3A_592 = arith.andi %get3A_585, %and3A_591 : vector<16xi32>
        %bitcast3A_593 = vector.bitcast %and3A_592 : vector<16xi32> to vector<16xf32>
        %get3A_594 = arith.index_cast %add3A_549 : i32 to index
        %get3A_595 = arith.constant 64 : index
        %get3A_596 = tpu.vector_load %arg14[%get3A_594, %get3A_595] {strides = array<i32>} : memref<400x128xi32, #tpu.memory_space<vmem>>, vector<16xi32>,
        %shift_left3A_597 = arith.constant 16 : i32
        %shift_left3A_598 = vector.broadcast %shift_left3A_597 : i32 to vector<16xi32>
        %shift_left3A_599 = arith.shli %get3A_596, %shift_left3A_598 : vector<16xi32>
        %bitcast3A_600 = vector.bitcast %shift_left3A_599 : vector<16xi32> to vector<16xf32>
        %and3A_601 = arith.constant -65536 : i32
        %and3A_602 = vector.broadcast %and3A_601 : i32 to vector<16xi32>
        %and3A_603 = arith.andi %get3A_596, %and3A_602 : vector<16xi32>
        %bitcast3A_604 = vector.bitcast %and3A_603 : vector<16xi32> to vector<16xf32>
        %get3A_605 = arith.index_cast %add3A_549 : i32 to index
        %get3A_606 = arith.constant 80 : index
        %get3A_607 = tpu.vector_load %arg14[%get3A_605, %get3A_606] {strides = array<i32>} : memref<400x128xi32, #tpu.memory_space<vmem>>, vector<16xi32>,
        %shift_left3A_608 = arith.constant 16 : i32
        %shift_left3A_609 = vector.broadcast %shift_left3A_608 : i32 to vector<16xi32>
        %shift_left3A_610 = arith.shli %get3A_607, %shift_left3A_609 : vector<16xi32>
        %bitcast3A_611 = vector.bitcast %shift_left3A_610 : vector<16xi32> to vector<16xf32>
        %and3A_612 = arith.constant -65536 : i32
        %and3A_613 = vector.broadcast %and3A_612 : i32 to vector<16xi32>
        %and3A_614 = arith.andi %get3A_607, %and3A_613 : vector<16xi32>
        %bitcast3A_615 = vector.bitcast %and3A_614 : vector<16xi32> to vector<16xf32>
        %get3A_616 = arith.index_cast %add3A_549 : i32 to index
        %get3A_617 = arith.constant 96 : index
        %get3A_618 = tpu.vector_load %arg14[%get3A_616, %get3A_617] {strides = array<i32>} : memref<400x128xi32, #tpu.memory_space<vmem>>, vector<16xi32>,
        %shift_left3A_619 = arith.constant 16 : i32
        %shift_left3A_620 = vector.broadcast %shift_left3A_619 : i32 to vector<16xi32>
        %shift_left3A_621 = arith.shli %get3A_618, %shift_left3A_620 : vector<16xi32>
        %bitcast3A_622 = vector.bitcast %shift_left3A_621 : vector<16xi32> to vector<16xf32>
        %and3A_623 = arith.constant -65536 : i32
        %and3A_624 = vector.broadcast %and3A_623 : i32 to vector<16xi32>
        %and3A_625 = arith.andi %get3A_618, %and3A_624 : vector<16xi32>
        %bitcast3A_626 = vector.bitcast %and3A_625 : vector<16xi32> to vector<16xf32>
        %get3A_627 = arith.index_cast %add3A_549 : i32 to index
        %get3A_628 = arith.constant 112 : index
        %get3A_629 = tpu.vector_load %arg14[%get3A_627, %get3A_628] {strides = array<i32>} : memref<400x128xi32, #tpu.memory_space<vmem>>, vector<16xi32>,
        %shift_left3A_630 = arith.constant 16 : i32
        %shift_left3A_631 = vector.broadcast %shift_left3A_630 : i32 to vector<16xi32>
        %shift_left3A_632 = arith.shli %get3A_629, %shift_left3A_631 : vector<16xi32>
        %bitcast3A_633 = vector.bitcast %shift_left3A_632 : vector<16xi32> to vector<16xf32>
        %and3A_634 = arith.constant -65536 : i32
        %and3A_635 = vector.broadcast %and3A_634 : i32 to vector<16xi32>
        %and3A_636 = arith.andi %get3A_629, %and3A_635 : vector<16xi32>
        %bitcast3A_637 = vector.bitcast %and3A_636 : vector<16xi32> to vector<16xf32>
        %add3A_638 = arith.addf %add3A_540, %bitcast3A_560 : vector<16xf32>
        %add3A_639 = arith.addf %add3A_541, %bitcast3A_571 : vector<16xf32>
        %add3A_640 = arith.addf %add3A_542, %bitcast3A_582 : vector<16xf32>
        %add3A_641 = arith.addf %add3A_543, %bitcast3A_593 : vector<16xf32>
        %add3A_642 = arith.addf %add3A_544, %bitcast3A_604 : vector<16xf32>
        %add3A_643 = arith.addf %add3A_545, %bitcast3A_615 : vector<16xf32>
        %add3A_644 = arith.addf %add3A_546, %bitcast3A_626 : vector<16xf32>
        %add3A_645 = arith.addf %add3A_547, %bitcast3A_637 : vector<16xf32>
        %add3A_646 = arith.constant 5 : i32
        %add3A_647 = arith.addi %mul3A_149, %add3A_646 : i32
        %get3A_648 = arith.index_cast %add3A_647 : i32 to index
        %get3A_649 = arith.constant 0 : index
        %get3A_650 = tpu.vector_load %arg14[%get3A_648, %get3A_649] {strides = array<i32>} : memref<400x128xi32, #tpu.memory_space<vmem>>, vector<16xi32>,
        %shift_left3A_651 = arith.constant 16 : i32
        %shift_left3A_652 = vector.broadcast %shift_left3A_651 : i32 to vector<16xi32>
        %shift_left3A_653 = arith.shli %get3A_650, %shift_left3A_652 : vector<16xi32>
        %bitcast3A_654 = vector.bitcast %shift_left3A_653 : vector<16xi32> to vector<16xf32>
        %and3A_655 = arith.constant -65536 : i32
        %and3A_656 = vector.broadcast %and3A_655 : i32 to vector<16xi32>
        %and3A_657 = arith.andi %get3A_650, %and3A_656 : vector<16xi32>
        %bitcast3A_658 = vector.bitcast %and3A_657 : vector<16xi32> to vector<16xf32>
        %get3A_659 = arith.index_cast %add3A_647 : i32 to index
        %get3A_660 = arith.constant 16 : index
        %get3A_661 = tpu.vector_load %arg14[%get3A_659, %get3A_660] {strides = array<i32>} : memref<400x128xi32, #tpu.memory_space<vmem>>, vector<16xi32>,
        %shift_left3A_662 = arith.constant 16 : i32
        %shift_left3A_663 = vector.broadcast %shift_left3A_662 : i32 to vector<16xi32>
        %shift_left3A_664 = arith.shli %get3A_661, %shift_left3A_663 : vector<16xi32>
        %bitcast3A_665 = vector.bitcast %shift_left3A_664 : vector<16xi32> to vector<16xf32>
        %and3A_666 = arith.constant -65536 : i32
        %and3A_667 = vector.broadcast %and3A_666 : i32 to vector<16xi32>
        %and3A_668 = arith.andi %get3A_661, %and3A_667 : vector<16xi32>
        %bitcast3A_669 = vector.bitcast %and3A_668 : vector<16xi32> to vector<16xf32>
        %get3A_670 = arith.index_cast %add3A_647 : i32 to index
        %get3A_671 = arith.constant 32 : index
        %get3A_672 = tpu.vector_load %arg14[%get3A_670, %get3A_671] {strides = array<i32>} : memref<400x128xi32, #tpu.memory_space<vmem>>, vector<16xi32>,
        %shift_left3A_673 = arith.constant 16 : i32
        %shift_left3A_674 = vector.broadcast %shift_left3A_673 : i32 to vector<16xi32>
        %shift_left3A_675 = arith.shli %get3A_672, %shift_left3A_674 : vector<16xi32>
        %bitcast3A_676 = vector.bitcast %shift_left3A_675 : vector<16xi32> to vector<16xf32>
        %and3A_677 = arith.constant -65536 : i32
        %and3A_678 = vector.broadcast %and3A_677 : i32 to vector<16xi32>
        %and3A_679 = arith.andi %get3A_672, %and3A_678 : vector<16xi32>
        %bitcast3A_680 = vector.bitcast %and3A_679 : vector<16xi32> to vector<16xf32>
        %get3A_681 = arith.index_cast %add3A_647 : i32 to index
        %get3A_682 = arith.constant 48 : index
        %get3A_683 = tpu.vector_load %arg14[%get3A_681, %get3A_682] {strides = array<i32>} : memref<400x128xi32, #tpu.memory_space<vmem>>, vector<16xi32>,
        %shift_left3A_684 = arith.constant 16 : i32
        %shift_left3A_685 = vector.broadcast %shift_left3A_684 : i32 to vector<16xi32>
        %shift_left3A_686 = arith.shli %get3A_683, %shift_left3A_685 : vector<16xi32>
        %bitcast3A_687 = vector.bitcast %shift_left3A_686 : vector<16xi32> to vector<16xf32>
        %and3A_688 = arith.constant -65536 : i32
        %and3A_689 = vector.broadcast %and3A_688 : i32 to vector<16xi32>
        %and3A_690 = arith.andi %get3A_683, %and3A_689 : vector<16xi32>
        %bitcast3A_691 = vector.bitcast %and3A_690 : vector<16xi32> to vector<16xf32>
        %get3A_692 = arith.index_cast %add3A_647 : i32 to index
        %get3A_693 = arith.constant 64 : index
        %get3A_694 = tpu.vector_load %arg14[%get3A_692, %get3A_693] {strides = array<i32>} : memref<400x128xi32, #tpu.memory_space<vmem>>, vector<16xi32>,
        %shift_left3A_695 = arith.constant 16 : i32
        %shift_left3A_696 = vector.broadcast %shift_left3A_695 : i32 to vector<16xi32>
        %shift_left3A_697 = arith.shli %get3A_694, %shift_left3A_696 : vector<16xi32>
        %bitcast3A_698 = vector.bitcast %shift_left3A_697 : vector<16xi32> to vector<16xf32>
        %and3A_699 = arith.constant -65536 : i32
        %and3A_700 = vector.broadcast %and3A_699 : i32 to vector<16xi32>
        %and3A_701 = arith.andi %get3A_694, %and3A_700 : vector<16xi32>
        %bitcast3A_702 = vector.bitcast %and3A_701 : vector<16xi32> to vector<16xf32>
        %get3A_703 = arith.index_cast %add3A_647 : i32 to index
        %get3A_704 = arith.constant 80 : index
        %get3A_705 = tpu.vector_load %arg14[%get3A_703, %get3A_704] {strides = array<i32>} : memref<400x128xi32, #tpu.memory_space<vmem>>, vector<16xi32>,
        %shift_left3A_706 = arith.constant 16 : i32
        %shift_left3A_707 = vector.broadcast %shift_left3A_706 : i32 to vector<16xi32>
        %shift_left3A_708 = arith.shli %get3A_705, %shift_left3A_707 : vector<16xi32>
        %bitcast3A_709 = vector.bitcast %shift_left3A_708 : vector<16xi32> to vector<16xf32>
        %and3A_710 = arith.constant -65536 : i32
        %and3A_711 = vector.broadcast %and3A_710 : i32 to vector<16xi32>
        %and3A_712 = arith.andi %get3A_705, %and3A_711 : vector<16xi32>
        %bitcast3A_713 = vector.bitcast %and3A_712 : vector<16xi32> to vector<16xf32>
        %get3A_714 = arith.index_cast %add3A_647 : i32 to index
        %get3A_715 = arith.constant 96 : index
        %get3A_716 = tpu.vector_load %arg14[%get3A_714, %get3A_715] {strides = array<i32>} : memref<400x128xi32, #tpu.memory_space<vmem>>, vector<16xi32>,
        %shift_left3A_717 = arith.constant 16 : i32
        %shift_left3A_718 = vector.broadcast %shift_left3A_717 : i32 to vector<16xi32>
        %shift_left3A_719 = arith.shli %get3A_716, %shift_left3A_718 : vector<16xi32>
        %bitcast3A_720 = vector.bitcast %shift_left3A_719 : vector<16xi32> to vector<16xf32>
        %and3A_721 = arith.constant -65536 : i32
        %and3A_722 = vector.broadcast %and3A_721 : i32 to vector<16xi32>
        %and3A_723 = arith.andi %get3A_716, %and3A_722 : vector<16xi32>
        %bitcast3A_724 = vector.bitcast %and3A_723 : vector<16xi32> to vector<16xf32>
        %get3A_725 = arith.index_cast %add3A_647 : i32 to index
        %get3A_726 = arith.constant 112 : index
        %get3A_727 = tpu.vector_load %arg14[%get3A_725, %get3A_726] {strides = array<i32>} : memref<400x128xi32, #tpu.memory_space<vmem>>, vector<16xi32>,
        %shift_left3A_728 = arith.constant 16 : i32
        %shift_left3A_729 = vector.broadcast %shift_left3A_728 : i32 to vector<16xi32>
        %shift_left3A_730 = arith.shli %get3A_727, %shift_left3A_729 : vector<16xi32>
        %bitcast3A_731 = vector.bitcast %shift_left3A_730 : vector<16xi32> to vector<16xf32>
        %and3A_732 = arith.constant -65536 : i32
        %and3A_733 = vector.broadcast %and3A_732 : i32 to vector<16xi32>
        %and3A_734 = arith.andi %get3A_727, %and3A_733 : vector<16xi32>
        %bitcast3A_735 = vector.bitcast %and3A_734 : vector<16xi32> to vector<16xf32>
        %add3A_736 = arith.addf %add3A_638, %bitcast3A_658 : vector<16xf32>
        %add3A_737 = arith.addf %add3A_639, %bitcast3A_669 : vector<16xf32>
        %add3A_738 = arith.addf %add3A_640, %bitcast3A_680 : vector<16xf32>
        %add3A_739 = arith.addf %add3A_641, %bitcast3A_691 : vector<16xf32>
        %add3A_740 = arith.addf %add3A_642, %bitcast3A_702 : vector<16xf32>
        %add3A_741 = arith.addf %add3A_643, %bitcast3A_713 : vector<16xf32>
        %add3A_742 = arith.addf %add3A_644, %bitcast3A_724 : vector<16xf32>
        %add3A_743 = arith.addf %add3A_645, %bitcast3A_735 : vector<16xf32>
        %add3A_744 = arith.constant 6 : i32
        %add3A_745 = arith.addi %mul3A_149, %add3A_744 : i32
        %get3A_746 = arith.index_cast %add3A_745 : i32 to index
        %get3A_747 = arith.constant 0 : index
        %get3A_748 = tpu.vector_load %arg14[%get3A_746, %get3A_747] {strides = array<i32>} : memref<400x128xi32, #tpu.memory_space<vmem>>, vector<16xi32>,
        %shift_left3A_749 = arith.constant 16 : i32
        %shift_left3A_750 = vector.broadcast %shift_left3A_749 : i32 to vector<16xi32>
        %shift_left3A_751 = arith.shli %get3A_748, %shift_left3A_750 : vector<16xi32>
        %bitcast3A_752 = vector.bitcast %shift_left3A_751 : vector<16xi32> to vector<16xf32>
        %and3A_753 = arith.constant -65536 : i32
        %and3A_754 = vector.broadcast %and3A_753 : i32 to vector<16xi32>
        %and3A_755 = arith.andi %get3A_748, %and3A_754 : vector<16xi32>
        %bitcast3A_756 = vector.bitcast %and3A_755 : vector<16xi32> to vector<16xf32>
        %get3A_757 = arith.index_cast %add3A_745 : i32 to index
        %get3A_758 = arith.constant 16 : index
        %get3A_759 = tpu.vector_load %arg14[%get3A_757, %get3A_758] {strides = array<i32>} : memref<400x128xi32, #tpu.memory_space<vmem>>, vector<16xi32>,
        %shift_left3A_760 = arith.constant 16 : i32
        %shift_left3A_761 = vector.broadcast %shift_left3A_760 : i32 to vector<16xi32>
        %shift_left3A_762 = arith.shli %get3A_759, %shift_left3A_761 : vector<16xi32>
        %bitcast3A_763 = vector.bitcast %shift_left3A_762 : vector<16xi32> to vector<16xf32>
        %and3A_764 = arith.constant -65536 : i32
        %and3A_765 = vector.broadcast %and3A_764 : i32 to vector<16xi32>
        %and3A_766 = arith.andi %get3A_759, %and3A_765 : vector<16xi32>
        %bitcast3A_767 = vector.bitcast %and3A_766 : vector<16xi32> to vector<16xf32>
        %get3A_768 = arith.index_cast %add3A_745 : i32 to index
        %get3A_769 = arith.constant 32 : index
        %get3A_770 = tpu.vector_load %arg14[%get3A_768, %get3A_769] {strides = array<i32>} : memref<400x128xi32, #tpu.memory_space<vmem>>, vector<16xi32>,
        %shift_left3A_771 = arith.constant 16 : i32
        %shift_left3A_772 = vector.broadcast %shift_left3A_771 : i32 to vector<16xi32>
        %shift_left3A_773 = arith.shli %get3A_770, %shift_left3A_772 : vector<16xi32>
        %bitcast3A_774 = vector.bitcast %shift_left3A_773 : vector<16xi32> to vector<16xf32>
        %and3A_775 = arith.constant -65536 : i32
        %and3A_776 = vector.broadcast %and3A_775 : i32 to vector<16xi32>
        %and3A_777 = arith.andi %get3A_770, %and3A_776 : vector<16xi32>
        %bitcast3A_778 = vector.bitcast %and3A_777 : vector<16xi32> to vector<16xf32>
        %get3A_779 = arith.index_cast %add3A_745 : i32 to index
        %get3A_780 = arith.constant 48 : index
        %get3A_781 = tpu.vector_load %arg14[%get3A_779, %get3A_780] {strides = array<i32>} : memref<400x128xi32, #tpu.memory_space<vmem>>, vector<16xi32>,
        %shift_left3A_782 = arith.constant 16 : i32
        %shift_left3A_783 = vector.broadcast %shift_left3A_782 : i32 to vector<16xi32>
        %shift_left3A_784 = arith.shli %get3A_781, %shift_left3A_783 : vector<16xi32>
        %bitcast3A_785 = vector.bitcast %shift_left3A_784 : vector<16xi32> to vector<16xf32>
        %and3A_786 = arith.constant -65536 : i32
        %and3A_787 = vector.broadcast %and3A_786 : i32 to vector<16xi32>
        %and3A_788 = arith.andi %get3A_781, %and3A_787 : vector<16xi32>
        %bitcast3A_789 = vector.bitcast %and3A_788 : vector<16xi32> to vector<16xf32>
        %get3A_790 = arith.index_cast %add3A_745 : i32 to index
        %get3A_791 = arith.constant 64 : index
        %get3A_792 = tpu.vector_load %arg14[%get3A_790, %get3A_791] {strides = array<i32>} : memref<400x128xi32, #tpu.memory_space<vmem>>, vector<16xi32>,
        %shift_left3A_793 = arith.constant 16 : i32
        %shift_left3A_794 = vector.broadcast %shift_left3A_793 : i32 to vector<16xi32>
        %shift_left3A_795 = arith.shli %get3A_792, %shift_left3A_794 : vector<16xi32>
        %bitcast3A_796 = vector.bitcast %shift_left3A_795 : vector<16xi32> to vector<16xf32>
        %and3A_797 = arith.constant -65536 : i32
        %and3A_798 = vector.broadcast %and3A_797 : i32 to vector<16xi32>
        %and3A_799 = arith.andi %get3A_792, %and3A_798 : vector<16xi32>
        %bitcast3A_800 = vector.bitcast %and3A_799 : vector<16xi32> to vector<16xf32>
        %get3A_801 = arith.index_cast %add3A_745 : i32 to index
        %get3A_802 = arith.constant 80 : index
        %get3A_803 = tpu.vector_load %arg14[%get3A_801, %get3A_802] {strides = array<i32>} : memref<400x128xi32, #tpu.memory_space<vmem>>, vector<16xi32>,
        %shift_left3A_804 = arith.constant 16 : i32
        %shift_left3A_805 = vector.broadcast %shift_left3A_804 : i32 to vector<16xi32>
        %shift_left3A_806 = arith.shli %get3A_803, %shift_left3A_805 : vector<16xi32>
        %bitcast3A_807 = vector.bitcast %shift_left3A_806 : vector<16xi32> to vector<16xf32>
        %and3A_808 = arith.constant -65536 : i32
        %and3A_809 = vector.broadcast %and3A_808 : i32 to vector<16xi32>
        %and3A_810 = arith.andi %get3A_803, %and3A_809 : vector<16xi32>
        %bitcast3A_811 = vector.bitcast %and3A_810 : vector<16xi32> to vector<16xf32>
        %get3A_812 = arith.index_cast %add3A_745 : i32 to index
        %get3A_813 = arith.constant 96 : index
        %get3A_814 = tpu.vector_load %arg14[%get3A_812, %get3A_813] {strides = array<i32>} : memref<400x128xi32, #tpu.memory_space<vmem>>, vector<16xi32>,
        %shift_left3A_815 = arith.constant 16 : i32
        %shift_left3A_816 = vector.broadcast %shift_left3A_815 : i32 to vector<16xi32>
        %shift_left3A_817 = arith.shli %get3A_814, %shift_left3A_816 : vector<16xi32>
        %bitcast3A_818 = vector.bitcast %shift_left3A_817 : vector<16xi32> to vector<16xf32>
        %and3A_819 = arith.constant -65536 : i32
        %and3A_820 = vector.broadcast %and3A_819 : i32 to vector<16xi32>
        %and3A_821 = arith.andi %get3A_814, %and3A_820 : vector<16xi32>
        %bitcast3A_822 = vector.bitcast %and3A_821 : vector<16xi32> to vector<16xf32>
        %get3A_823 = arith.index_cast %add3A_745 : i32 to index
        %get3A_824 = arith.constant 112 : index
        %get3A_825 = tpu.vector_load %arg14[%get3A_823, %get3A_824] {strides = array<i32>} : memref<400x128xi32, #tpu.memory_space<vmem>>, vector<16xi32>,
        %shift_left3A_826 = arith.constant 16 : i32
        %shift_left3A_827 = vector.broadcast %shift_left3A_826 : i32 to vector<16xi32>
        %shift_left3A_828 = arith.shli %get3A_825, %shift_left3A_827 : vector<16xi32>
        %bitcast3A_829 = vector.bitcast %shift_left3A_828 : vector<16xi32> to vector<16xf32>
        %and3A_830 = arith.constant -65536 : i32
        %and3A_831 = vector.broadcast %and3A_830 : i32 to vector<16xi32>
        %and3A_832 = arith.andi %get3A_825, %and3A_831 : vector<16xi32>
        %bitcast3A_833 = vector.bitcast %and3A_832 : vector<16xi32> to vector<16xf32>
        %add3A_834 = arith.addf %add3A_736, %bitcast3A_756 : vector<16xf32>
        %add3A_835 = arith.addf %add3A_737, %bitcast3A_767 : vector<16xf32>
        %add3A_836 = arith.addf %add3A_738, %bitcast3A_778 : vector<16xf32>
        %add3A_837 = arith.addf %add3A_739, %bitcast3A_789 : vector<16xf32>
        %add3A_838 = arith.addf %add3A_740, %bitcast3A_800 : vector<16xf32>
        %add3A_839 = arith.addf %add3A_741, %bitcast3A_811 : vector<16xf32>
        %add3A_840 = arith.addf %add3A_742, %bitcast3A_822 : vector<16xf32>
        %add3A_841 = arith.addf %add3A_743, %bitcast3A_833 : vector<16xf32>
        %add3A_842 = arith.constant 7 : i32
        %add3A_843 = arith.addi %mul3A_149, %add3A_842 : i32
        %get3A_844 = arith.index_cast %add3A_843 : i32 to index
        %get3A_845 = arith.constant 0 : index
        %get3A_846 = tpu.vector_load %arg14[%get3A_844, %get3A_845] {strides = array<i32>} : memref<400x128xi32, #tpu.memory_space<vmem>>, vector<16xi32>,
        %shift_left3A_847 = arith.constant 16 : i32
        %shift_left3A_848 = vector.broadcast %shift_left3A_847 : i32 to vector<16xi32>
        %shift_left3A_849 = arith.shli %get3A_846, %shift_left3A_848 : vector<16xi32>
        %bitcast3A_850 = vector.bitcast %shift_left3A_849 : vector<16xi32> to vector<16xf32>
        %and3A_851 = arith.constant -65536 : i32
        %and3A_852 = vector.broadcast %and3A_851 : i32 to vector<16xi32>
        %and3A_853 = arith.andi %get3A_846, %and3A_852 : vector<16xi32>
        %bitcast3A_854 = vector.bitcast %and3A_853 : vector<16xi32> to vector<16xf32>
        %get3A_855 = arith.index_cast %add3A_843 : i32 to index
        %get3A_856 = arith.constant 16 : index
        %get3A_857 = tpu.vector_load %arg14[%get3A_855, %get3A_856] {strides = array<i32>} : memref<400x128xi32, #tpu.memory_space<vmem>>, vector<16xi32>,
        %shift_left3A_858 = arith.constant 16 : i32
        %shift_left3A_859 = vector.broadcast %shift_left3A_858 : i32 to vector<16xi32>
        %shift_left3A_860 = arith.shli %get3A_857, %shift_left3A_859 : vector<16xi32>
        %bitcast3A_861 = vector.bitcast %shift_left3A_860 : vector<16xi32> to vector<16xf32>
        %and3A_862 = arith.constant -65536 : i32
        %and3A_863 = vector.broadcast %and3A_862 : i32 to vector<16xi32>
        %and3A_864 = arith.andi %get3A_857, %and3A_863 : vector<16xi32>
        %bitcast3A_865 = vector.bitcast %and3A_864 : vector<16xi32> to vector<16xf32>
        %get3A_866 = arith.index_cast %add3A_843 : i32 to index
        %get3A_867 = arith.constant 32 : index
        %get3A_868 = tpu.vector_load %arg14[%get3A_866, %get3A_867] {strides = array<i32>} : memref<400x128xi32, #tpu.memory_space<vmem>>, vector<16xi32>,
        %shift_left3A_869 = arith.constant 16 : i32
        %shift_left3A_870 = vector.broadcast %shift_left3A_869 : i32 to vector<16xi32>
        %shift_left3A_871 = arith.shli %get3A_868, %shift_left3A_870 : vector<16xi32>
        %bitcast3A_872 = vector.bitcast %shift_left3A_871 : vector<16xi32> to vector<16xf32>
        %and3A_873 = arith.constant -65536 : i32
        %and3A_874 = vector.broadcast %and3A_873 : i32 to vector<16xi32>
        %and3A_875 = arith.andi %get3A_868, %and3A_874 : vector<16xi32>
        %bitcast3A_876 = vector.bitcast %and3A_875 : vector<16xi32> to vector<16xf32>
        %get3A_877 = arith.index_cast %add3A_843 : i32 to index
        %get3A_878 = arith.constant 48 : index
        %get3A_879 = tpu.vector_load %arg14[%get3A_877, %get3A_878] {strides = array<i32>} : memref<400x128xi32, #tpu.memory_space<vmem>>, vector<16xi32>,
        %shift_left3A_880 = arith.constant 16 : i32
        %shift_left3A_881 = vector.broadcast %shift_left3A_880 : i32 to vector<16xi32>
        %shift_left3A_882 = arith.shli %get3A_879, %shift_left3A_881 : vector<16xi32>
        %bitcast3A_883 = vector.bitcast %shift_left3A_882 : vector<16xi32> to vector<16xf32>
        %and3A_884 = arith.constant -65536 : i32
        %and3A_885 = vector.broadcast %and3A_884 : i32 to vector<16xi32>
        %and3A_886 = arith.andi %get3A_879, %and3A_885 : vector<16xi32>
        %bitcast3A_887 = vector.bitcast %and3A_886 : vector<16xi32> to vector<16xf32>
        %get3A_888 = arith.index_cast %add3A_843 : i32 to index
        %get3A_889 = arith.constant 64 : index
        %get3A_890 = tpu.vector_load %arg14[%get3A_888, %get3A_889] {strides = array<i32>} : memref<400x128xi32, #tpu.memory_space<vmem>>, vector<16xi32>,
        %shift_left3A_891 = arith.constant 16 : i32
        %shift_left3A_892 = vector.broadcast %shift_left3A_891 : i32 to vector<16xi32>
        %shift_left3A_893 = arith.shli %get3A_890, %shift_left3A_892 : vector<16xi32>
        %bitcast3A_894 = vector.bitcast %shift_left3A_893 : vector<16xi32> to vector<16xf32>
        %and3A_895 = arith.constant -65536 : i32
        %and3A_896 = vector.broadcast %and3A_895 : i32 to vector<16xi32>
        %and3A_897 = arith.andi %get3A_890, %and3A_896 : vector<16xi32>
        %bitcast3A_898 = vector.bitcast %and3A_897 : vector<16xi32> to vector<16xf32>
        %get3A_899 = arith.index_cast %add3A_843 : i32 to index
        %get3A_900 = arith.constant 80 : index
        %get3A_901 = tpu.vector_load %arg14[%get3A_899, %get3A_900] {strides = array<i32>} : memref<400x128xi32, #tpu.memory_space<vmem>>, vector<16xi32>,
        %shift_left3A_902 = arith.constant 16 : i32
        %shift_left3A_903 = vector.broadcast %shift_left3A_902 : i32 to vector<16xi32>
        %shift_left3A_904 = arith.shli %get3A_901, %shift_left3A_903 : vector<16xi32>
        %bitcast3A_905 = vector.bitcast %shift_left3A_904 : vector<16xi32> to vector<16xf32>
        %and3A_906 = arith.constant -65536 : i32
        %and3A_907 = vector.broadcast %and3A_906 : i32 to vector<16xi32>
        %and3A_908 = arith.andi %get3A_901, %and3A_907 : vector<16xi32>
        %bitcast3A_909 = vector.bitcast %and3A_908 : vector<16xi32> to vector<16xf32>
        %get3A_910 = arith.index_cast %add3A_843 : i32 to index
        %get3A_911 = arith.constant 96 : index
        %get3A_912 = tpu.vector_load %arg14[%get3A_910, %get3A_911] {strides = array<i32>} : memref<400x128xi32, #tpu.memory_space<vmem>>, vector<16xi32>,
        %shift_left3A_913 = arith.constant 16 : i32
        %shift_left3A_914 = vector.broadcast %shift_left3A_913 : i32 to vector<16xi32>
        %shift_left3A_915 = arith.shli %get3A_912, %shift_left3A_914 : vector<16xi32>
        %bitcast3A_916 = vector.bitcast %shift_left3A_915 : vector<16xi32> to vector<16xf32>
        %and3A_917 = arith.constant -65536 : i32
        %and3A_918 = vector.broadcast %and3A_917 : i32 to vector<16xi32>
        %and3A_919 = arith.andi %get3A_912, %and3A_918 : vector<16xi32>
        %bitcast3A_920 = vector.bitcast %and3A_919 : vector<16xi32> to vector<16xf32>
        %get3A_921 = arith.index_cast %add3A_843 : i32 to index
        %get3A_922 = arith.constant 112 : index
        %get3A_923 = tpu.vector_load %arg14[%get3A_921, %get3A_922] {strides = array<i32>} : memref<400x128xi32, #tpu.memory_space<vmem>>, vector<16xi32>,
        %shift_left3A_924 = arith.constant 16 : i32
        %shift_left3A_925 = vector.broadcast %shift_left3A_924 : i32 to vector<16xi32>
        %shift_left3A_926 = arith.shli %get3A_923, %shift_left3A_925 : vector<16xi32>
        %bitcast3A_927 = vector.bitcast %shift_left3A_926 : vector<16xi32> to vector<16xf32>
        %and3A_928 = arith.constant -65536 : i32
        %and3A_929 = vector.broadcast %and3A_928 : i32 to vector<16xi32>
        %and3A_930 = arith.andi %get3A_923, %and3A_929 : vector<16xi32>
        %bitcast3A_931 = vector.bitcast %and3A_930 : vector<16xi32> to vector<16xf32>
        %add3A_932 = arith.addf %add3A_834, %bitcast3A_854 : vector<16xf32>
        %add3A_933 = arith.addf %add3A_835, %bitcast3A_865 : vector<16xf32>
        %add3A_934 = arith.addf %add3A_836, %bitcast3A_876 : vector<16xf32>
        %add3A_935 = arith.addf %add3A_837, %bitcast3A_887 : vector<16xf32>
        %add3A_936 = arith.addf %add3A_838, %bitcast3A_898 : vector<16xf32>
        %add3A_937 = arith.addf %add3A_839, %bitcast3A_909 : vector<16xf32>
        %add3A_938 = arith.addf %add3A_840, %bitcast3A_920 : vector<16xf32>
        %add3A_939 = arith.addf %add3A_841, %bitcast3A_931 : vector<16xf32>
        %add3A_940 = arith.constant 8 : i32
        %add3A_941 = arith.addi %mul3A_149, %add3A_940 : i32
        %get3A_942 = arith.index_cast %add3A_941 : i32 to index
        %get3A_943 = arith.constant 0 : index
        %get3A_944 = tpu.vector_load %arg14[%get3A_942, %get3A_943] {strides = array<i32>} : memref<400x128xi32, #tpu.memory_space<vmem>>, vector<16xi32>,
        %shift_left3A_945 = arith.constant 16 : i32
        %shift_left3A_946 = vector.broadcast %shift_left3A_945 : i32 to vector<16xi32>
        %shift_left3A_947 = arith.shli %get3A_944, %shift_left3A_946 : vector<16xi32>
        %bitcast3A_948 = vector.bitcast %shift_left3A_947 : vector<16xi32> to vector<16xf32>
        %and3A_949 = arith.constant -65536 : i32
        %and3A_950 = vector.broadcast %and3A_949 : i32 to vector<16xi32>
        %and3A_951 = arith.andi %get3A_944, %and3A_950 : vector<16xi32>
        %bitcast3A_952 = vector.bitcast %and3A_951 : vector<16xi32> to vector<16xf32>
        %get3A_953 = arith.index_cast %add3A_941 : i32 to index
        %get3A_954 = arith.constant 16 : index
        %get3A_955 = tpu.vector_load %arg14[%get3A_953, %get3A_954] {strides = array<i32>} : memref<400x128xi32, #tpu.memory_space<vmem>>, vector<16xi32>,
        %shift_left3A_956 = arith.constant 16 : i32
        %shift_left3A_957 = vector.broadcast %shift_left3A_956 : i32 to vector<16xi32>
        %shift_left3A_958 = arith.shli %get3A_955, %shift_left3A_957 : vector<16xi32>
        %bitcast3A_959 = vector.bitcast %shift_left3A_958 : vector<16xi32> to vector<16xf32>
        %and3A_960 = arith.constant -65536 : i32
        %and3A_961 = vector.broadcast %and3A_960 : i32 to vector<16xi32>
        %and3A_962 = arith.andi %get3A_955, %and3A_961 : vector<16xi32>
        %bitcast3A_963 = vector.bitcast %and3A_962 : vector<16xi32> to vector<16xf32>
        %get3A_964 = arith.index_cast %add3A_941 : i32 to index
        %get3A_965 = arith.constant 32 : index
        %get3A_966 = tpu.vector_load %arg14[%get3A_964, %get3A_965] {strides = array<i32>} : memref<400x128xi32, #tpu.memory_space<vmem>>, vector<16xi32>,
        %shift_left3A_967 = arith.constant 16 : i32
        %shift_left3A_968 = vector.broadcast %shift_left3A_967 : i32 to vector<16xi32>
        %shift_left3A_969 = arith.shli %get3A_966, %shift_left3A_968 : vector<16xi32>
        %bitcast3A_970 = vector.bitcast %shift_left3A_969 : vector<16xi32> to vector<16xf32>
        %and3A_971 = arith.constant -65536 : i32
        %and3A_972 = vector.broadcast %and3A_971 : i32 to vector<16xi32>
        %and3A_973 = arith.andi %get3A_966, %and3A_972 : vector<16xi32>
        %bitcast3A_974 = vector.bitcast %and3A_973 : vector<16xi32> to vector<16xf32>
        %get3A_975 = arith.index_cast %add3A_941 : i32 to index
        %get3A_976 = arith.constant 48 : index
        %get3A_977 = tpu.vector_load %arg14[%get3A_975, %get3A_976] {strides = array<i32>} : memref<400x128xi32, #tpu.memory_space<vmem>>, vector<16xi32>,
        %shift_left3A_978 = arith.constant 16 : i32
        %shift_left3A_979 = vector.broadcast %shift_left3A_978 : i32 to vector<16xi32>
        %shift_left3A_980 = arith.shli %get3A_977, %shift_left3A_979 : vector<16xi32>
        %bitcast3A_981 = vector.bitcast %shift_left3A_980 : vector<16xi32> to vector<16xf32>
        %and3A_982 = arith.constant -65536 : i32
        %and3A_983 = vector.broadcast %and3A_982 : i32 to vector<16xi32>
        %and3A_984 = arith.andi %get3A_977, %and3A_983 : vector<16xi32>
        %bitcast3A_985 = vector.bitcast %and3A_984 : vector<16xi32> to vector<16xf32>
        %get3A_986 = arith.index_cast %add3A_941 : i32 to index
        %get3A_987 = arith.constant 64 : index
        %get3A_988 = tpu.vector_load %arg14[%get3A_986, %get3A_987] {strides = array<i32>} : memref<400x128xi32, #tpu.memory_space<vmem>>, vector<16xi32>,
        %shift_left3A_989 = arith.constant 16 : i32
        %shift_left3A_990 = vector.broadcast %shift_left3A_989 : i32 to vector<16xi32>
        %shift_left3A_991 = arith.shli %get3A_988, %shift_left3A_990 : vector<16xi32>
        %bitcast3A_992 = vector.bitcast %shift_left3A_991 : vector<16xi32> to vector<16xf32>
        %and3A_993 = arith.constant -65536 : i32
        %and3A_994 = vector.broadcast %and3A_993 : i32 to vector<16xi32>
        %and3A_995 = arith.andi %get3A_988, %and3A_994 : vector<16xi32>
        %bitcast3A_996 = vector.bitcast %and3A_995 : vector<16xi32> to vector<16xf32>
        %get3A_997 = arith.index_cast %add3A_941 : i32 to index
        %get3A_998 = arith.constant 80 : index
        %get3A_999 = tpu.vector_load %arg14[%get3A_997, %get3A_998] {strides = array<i32>} : memref<400x128xi32, #tpu.memory_space<vmem>>, vector<16xi32>,
        %shift_left3A_1000 = arith.constant 16 : i32
        %shift_left3A_1001 = vector.broadcast %shift_left3A_1000 : i32 to vector<16xi32>
        %shift_left3A_1002 = arith.shli %get3A_999, %shift_left3A_1001 : vector<16xi32>
        %bitcast3A_1003 = vector.bitcast %shift_left3A_1002 : vector<16xi32> to vector<16xf32>
        %and3A_1004 = arith.constant -65536 : i32
        %and3A_1005 = vector.broadcast %and3A_1004 : i32 to vector<16xi32>
        %and3A_1006 = arith.andi %get3A_999, %and3A_1005 : vector<16xi32>
        %bitcast3A_1007 = vector.bitcast %and3A_1006 : vector<16xi32> to vector<16xf32>
        %get3A_1008 = arith.index_cast %add3A_941 : i32 to index
        %get3A_1009 = arith.constant 96 : index
        %get3A_1010 = tpu.vector_load %arg14[%get3A_1008, %get3A_1009] {strides = array<i32>} : memref<400x128xi32, #tpu.memory_space<vmem>>, vector<16xi32>,
        %shift_left3A_1011 = arith.constant 16 : i32
        %shift_left3A_1012 = vector.broadcast %shift_left3A_1011 : i32 to vector<16xi32>
        %shift_left3A_1013 = arith.shli %get3A_1010, %shift_left3A_1012 : vector<16xi32>
        %bitcast3A_1014 = vector.bitcast %shift_left3A_1013 : vector<16xi32> to vector<16xf32>
        %and3A_1015 = arith.constant -65536 : i32
        %and3A_1016 = vector.broadcast %and3A_1015 : i32 to vector<16xi32>
        %and3A_1017 = arith.andi %get3A_1010, %and3A_1016 : vector<16xi32>
        %bitcast3A_1018 = vector.bitcast %and3A_1017 : vector<16xi32> to vector<16xf32>
        %get3A_1019 = arith.index_cast %add3A_941 : i32 to index
        %get3A_1020 = arith.constant 112 : index
        %get3A_1021 = tpu.vector_load %arg14[%get3A_1019, %get3A_1020] {strides = array<i32>} : memref<400x128xi32, #tpu.memory_space<vmem>>, vector<16xi32>,
        %shift_left3A_1022 = arith.constant 16 : i32
        %shift_left3A_1023 = vector.broadcast %shift_left3A_1022 : i32 to vector<16xi32>
        %shift_left3A_1024 = arith.shli %get3A_1021, %shift_left3A_1023 : vector<16xi32>
        %bitcast3A_1025 = vector.bitcast %shift_left3A_1024 : vector<16xi32> to vector<16xf32>
        %and3A_1026 = arith.constant -65536 : i32
        %and3A_1027 = vector.broadcast %and3A_1026 : i32 to vector<16xi32>
        %and3A_1028 = arith.andi %get3A_1021, %and3A_1027 : vector<16xi32>
        %bitcast3A_1029 = vector.bitcast %and3A_1028 : vector<16xi32> to vector<16xf32>
        %add3A_1030 = arith.addf %add3A_932, %bitcast3A_952 : vector<16xf32>
        %add3A_1031 = arith.addf %add3A_933, %bitcast3A_963 : vector<16xf32>
        %add3A_1032 = arith.addf %add3A_934, %bitcast3A_974 : vector<16xf32>
        %add3A_1033 = arith.addf %add3A_935, %bitcast3A_985 : vector<16xf32>
        %add3A_1034 = arith.addf %add3A_936, %bitcast3A_996 : vector<16xf32>
        %add3A_1035 = arith.addf %add3A_937, %bitcast3A_1007 : vector<16xf32>
        %add3A_1036 = arith.addf %add3A_938, %bitcast3A_1018 : vector<16xf32>
        %add3A_1037 = arith.addf %add3A_939, %bitcast3A_1029 : vector<16xf32>
        %add3A_1038 = arith.constant 9 : i32
        %add3A_1039 = arith.addi %mul3A_149, %add3A_1038 : i32
        %get3A_1040 = arith.index_cast %add3A_1039 : i32 to index
        %get3A_1041 = arith.constant 0 : index
        %get3A_1042 = tpu.vector_load %arg14[%get3A_1040, %get3A_1041] {strides = array<i32>} : memref<400x128xi32, #tpu.memory_space<vmem>>, vector<16xi32>,
        %shift_left3A_1043 = arith.constant 16 : i32
        %shift_left3A_1044 = vector.broadcast %shift_left3A_1043 : i32 to vector<16xi32>
        %shift_left3A_1045 = arith.shli %get3A_1042, %shift_left3A_1044 : vector<16xi32>
        %bitcast3A_1046 = vector.bitcast %shift_left3A_1045 : vector<16xi32> to vector<16xf32>
        %and3A_1047 = arith.constant -65536 : i32
        %and3A_1048 = vector.broadcast %and3A_1047 : i32 to vector<16xi32>
        %and3A_1049 = arith.andi %get3A_1042, %and3A_1048 : vector<16xi32>
        %bitcast3A_1050 = vector.bitcast %and3A_1049 : vector<16xi32> to vector<16xf32>
        %get3A_1051 = arith.index_cast %add3A_1039 : i32 to index
        %get3A_1052 = arith.constant 16 : index
        %get3A_1053 = tpu.vector_load %arg14[%get3A_1051, %get3A_1052] {strides = array<i32>} : memref<400x128xi32, #tpu.memory_space<vmem>>, vector<16xi32>,
        %shift_left3A_1054 = arith.constant 16 : i32
        %shift_left3A_1055 = vector.broadcast %shift_left3A_1054 : i32 to vector<16xi32>
        %shift_left3A_1056 = arith.shli %get3A_1053, %shift_left3A_1055 : vector<16xi32>
        %bitcast3A_1057 = vector.bitcast %shift_left3A_1056 : vector<16xi32> to vector<16xf32>
        %and3A_1058 = arith.constant -65536 : i32
        %and3A_1059 = vector.broadcast %and3A_1058 : i32 to vector<16xi32>
        %and3A_1060 = arith.andi %get3A_1053, %and3A_1059 : vector<16xi32>
        %bitcast3A_1061 = vector.bitcast %and3A_1060 : vector<16xi32> to vector<16xf32>
        %get3A_1062 = arith.index_cast %add3A_1039 : i32 to index
        %get3A_1063 = arith.constant 32 : index
        %get3A_1064 = tpu.vector_load %arg14[%get3A_1062, %get3A_1063] {strides = array<i32>} : memref<400x128xi32, #tpu.memory_space<vmem>>, vector<16xi32>,
        %shift_left3A_1065 = arith.constant 16 : i32
        %shift_left3A_1066 = vector.broadcast %shift_left3A_1065 : i32 to vector<16xi32>
        %shift_left3A_1067 = arith.shli %get3A_1064, %shift_left3A_1066 : vector<16xi32>
        %bitcast3A_1068 = vector.bitcast %shift_left3A_1067 : vector<16xi32> to vector<16xf32>
        %and3A_1069 = arith.constant -65536 : i32
        %and3A_1070 = vector.broadcast %and3A_1069 : i32 to vector<16xi32>
        %and3A_1071 = arith.andi %get3A_1064, %and3A_1070 : vector<16xi32>
        %bitcast3A_1072 = vector.bitcast %and3A_1071 : vector<16xi32> to vector<16xf32>
        %get3A_1073 = arith.index_cast %add3A_1039 : i32 to index
        %get3A_1074 = arith.constant 48 : index
        %get3A_1075 = tpu.vector_load %arg14[%get3A_1073, %get3A_1074] {strides = array<i32>} : memref<400x128xi32, #tpu.memory_space<vmem>>, vector<16xi32>,
        %shift_left3A_1076 = arith.constant 16 : i32
        %shift_left3A_1077 = vector.broadcast %shift_left3A_1076 : i32 to vector<16xi32>
        %shift_left3A_1078 = arith.shli %get3A_1075, %shift_left3A_1077 : vector<16xi32>
        %bitcast3A_1079 = vector.bitcast %shift_left3A_1078 : vector<16xi32> to vector<16xf32>
        %and3A_1080 = arith.constant -65536 : i32
        %and3A_1081 = vector.broadcast %and3A_1080 : i32 to vector<16xi32>
        %and3A_1082 = arith.andi %get3A_1075, %and3A_1081 : vector<16xi32>
        %bitcast3A_1083 = vector.bitcast %and3A_1082 : vector<16xi32> to vector<16xf32>
        %get3A_1084 = arith.index_cast %add3A_1039 : i32 to index
        %get3A_1085 = arith.constant 64 : index
        %get3A_1086 = tpu.vector_load %arg14[%get3A_1084, %get3A_1085] {strides = array<i32>} : memref<400x128xi32, #tpu.memory_space<vmem>>, vector<16xi32>,
        %shift_left3A_1087 = arith.constant 16 : i32
        %shift_left3A_1088 = vector.broadcast %shift_left3A_1087 : i32 to vector<16xi32>
        %shift_left3A_1089 = arith.shli %get3A_1086, %shift_left3A_1088 : vector<16xi32>
        %bitcast3A_1090 = vector.bitcast %shift_left3A_1089 : vector<16xi32> to vector<16xf32>
        %and3A_1091 = arith.constant -65536 : i32
        %and3A_1092 = vector.broadcast %and3A_1091 : i32 to vector<16xi32>
        %and3A_1093 = arith.andi %get3A_1086, %and3A_1092 : vector<16xi32>
        %bitcast3A_1094 = vector.bitcast %and3A_1093 : vector<16xi32> to vector<16xf32>
        %get3A_1095 = arith.index_cast %add3A_1039 : i32 to index
        %get3A_1096 = arith.constant 80 : index
        %get3A_1097 = tpu.vector_load %arg14[%get3A_1095, %get3A_1096] {strides = array<i32>} : memref<400x128xi32, #tpu.memory_space<vmem>>, vector<16xi32>,
        %shift_left3A_1098 = arith.constant 16 : i32
        %shift_left3A_1099 = vector.broadcast %shift_left3A_1098 : i32 to vector<16xi32>
        %shift_left3A_1100 = arith.shli %get3A_1097, %shift_left3A_1099 : vector<16xi32>
        %bitcast3A_1101 = vector.bitcast %shift_left3A_1100 : vector<16xi32> to vector<16xf32>
        %and3A_1102 = arith.constant -65536 : i32
        %and3A_1103 = vector.broadcast %and3A_1102 : i32 to vector<16xi32>
        %and3A_1104 = arith.andi %get3A_1097, %and3A_1103 : vector<16xi32>
        %bitcast3A_1105 = vector.bitcast %and3A_1104 : vector<16xi32> to vector<16xf32>
        %get3A_1106 = arith.index_cast %add3A_1039 : i32 to index
        %get3A_1107 = arith.constant 96 : index
        %get3A_1108 = tpu.vector_load %arg14[%get3A_1106, %get3A_1107] {strides = array<i32>} : memref<400x128xi32, #tpu.memory_space<vmem>>, vector<16xi32>,
        %shift_left3A_1109 = arith.constant 16 : i32
        %shift_left3A_1110 = vector.broadcast %shift_left3A_1109 : i32 to vector<16xi32>
        %shift_left3A_1111 = arith.shli %get3A_1108, %shift_left3A_1110 : vector<16xi32>
        %bitcast3A_1112 = vector.bitcast %shift_left3A_1111 : vector<16xi32> to vector<16xf32>
        %and3A_1113 = arith.constant -65536 : i32
        %and3A_1114 = vector.broadcast %and3A_1113 : i32 to vector<16xi32>
        %and3A_1115 = arith.andi %get3A_1108, %and3A_1114 : vector<16xi32>
        %bitcast3A_1116 = vector.bitcast %and3A_1115 : vector<16xi32> to vector<16xf32>
        %get3A_1117 = arith.index_cast %add3A_1039 : i32 to index
        %get3A_1118 = arith.constant 112 : index
        %get3A_1119 = tpu.vector_load %arg14[%get3A_1117, %get3A_1118] {strides = array<i32>} : memref<400x128xi32, #tpu.memory_space<vmem>>, vector<16xi32>,
        %shift_left3A_1120 = arith.constant 16 : i32
        %shift_left3A_1121 = vector.broadcast %shift_left3A_1120 : i32 to vector<16xi32>
        %shift_left3A_1122 = arith.shli %get3A_1119, %shift_left3A_1121 : vector<16xi32>
        %bitcast3A_1123 = vector.bitcast %shift_left3A_1122 : vector<16xi32> to vector<16xf32>
        %and3A_1124 = arith.constant -65536 : i32
        %and3A_1125 = vector.broadcast %and3A_1124 : i32 to vector<16xi32>
        %and3A_1126 = arith.andi %get3A_1119, %and3A_1125 : vector<16xi32>
        %bitcast3A_1127 = vector.bitcast %and3A_1126 : vector<16xi32> to vector<16xf32>
        %add3A_1128 = arith.addf %add3A_1030, %bitcast3A_1050 : vector<16xf32>
        %add3A_1129 = arith.addf %add3A_1031, %bitcast3A_1061 : vector<16xf32>
        %add3A_1130 = arith.addf %add3A_1032, %bitcast3A_1072 : vector<16xf32>
        %add3A_1131 = arith.addf %add3A_1033, %bitcast3A_1083 : vector<16xf32>
        %add3A_1132 = arith.addf %add3A_1034, %bitcast3A_1094 : vector<16xf32>
        %add3A_1133 = arith.addf %add3A_1035, %bitcast3A_1105 : vector<16xf32>
        %add3A_1134 = arith.addf %add3A_1036, %bitcast3A_1116 : vector<16xf32>
        %add3A_1135 = arith.addf %add3A_1037, %bitcast3A_1127 : vector<16xf32>
        %mul3A_1136 = arith.constant 1.000000e-01 : f32
        %mul3A_1137 = vector.broadcast %mul3A_1136 : f32 to vector<16xf32>
        %mul3A_1138 = arith.mulf %add3A_1128, %mul3A_1137 : vector<16xf32>
        %max3A = arith.constant 0.000000e+00 : f32
        %max3A_1139 = vector.broadcast %max3A : f32 to vector<16xf32>
        %max3A_1140 = arith.maximumf %mul3A_1138, %max3A_1139 : vector<16xf32>
        %mul3A_1141 = arith.constant 4.000000e-02 : f32
        %mul3A_1142 = vector.broadcast %mul3A_1141 : f32 to vector<16xf32>
        %mul3A_1143 = arith.mulf %max3A_1140, %mul3A_1142 : vector<16xf32>
        %add3A_1144 = arith.addf %scan3A_140, %mul3A_1143 : vector<16xf32>
        %mul3A_1145 = arith.constant 1.000000e-01 : f32
        %mul3A_1146 = vector.broadcast %mul3A_1145 : f32 to vector<16xf32>
        %mul3A_1147 = arith.mulf %add3A_1129, %mul3A_1146 : vector<16xf32>
        %max3A_1148 = arith.constant 0.000000e+00 : f32
        %max3A_1149 = vector.broadcast %max3A_1148 : f32 to vector<16xf32>
        %max3A_1150 = arith.maximumf %mul3A_1147, %max3A_1149 : vector<16xf32>
        %mul3A_1151 = arith.constant 4.000000e-02 : f32
        %mul3A_1152 = vector.broadcast %mul3A_1151 : f32 to vector<16xf32>
        %mul3A_1153 = arith.mulf %max3A_1150, %mul3A_1152 : vector<16xf32>
        %add3A_1154 = arith.addf %scan3A_141, %mul3A_1153 : vector<16xf32>
        %mul3A_1155 = arith.constant 1.000000e-01 : f32
        %mul3A_1156 = vector.broadcast %mul3A_1155 : f32 to vector<16xf32>
        %mul3A_1157 = arith.mulf %add3A_1130, %mul3A_1156 : vector<16xf32>
        %max3A_1158 = arith.constant 0.000000e+00 : f32
        %max3A_1159 = vector.broadcast %max3A_1158 : f32 to vector<16xf32>
        %max3A_1160 = arith.maximumf %mul3A_1157, %max3A_1159 : vector<16xf32>
        %mul3A_1161 = arith.constant 4.000000e-02 : f32
        %mul3A_1162 = vector.broadcast %mul3A_1161 : f32 to vector<16xf32>
        %mul3A_1163 = arith.mulf %max3A_1160, %mul3A_1162 : vector<16xf32>
        %add3A_1164 = arith.addf %scan3A_142, %mul3A_1163 : vector<16xf32>
        %mul3A_1165 = arith.constant 1.000000e-01 : f32
        %mul3A_1166 = vector.broadcast %mul3A_1165 : f32 to vector<16xf32>
        %mul3A_1167 = arith.mulf %add3A_1131, %mul3A_1166 : vector<16xf32>
        %max3A_1168 = arith.constant 0.000000e+00 : f32
        %max3A_1169 = vector.broadcast %max3A_1168 : f32 to vector<16xf32>
        %max3A_1170 = arith.maximumf %mul3A_1167, %max3A_1169 : vector<16xf32>
        %mul3A_1171 = arith.constant 4.000000e-02 : f32
        %mul3A_1172 = vector.broadcast %mul3A_1171 : f32 to vector<16xf32>
        %mul3A_1173 = arith.mulf %max3A_1170, %mul3A_1172 : vector<16xf32>
        %add3A_1174 = arith.addf %scan3A_143, %mul3A_1173 : vector<16xf32>
        %mul3A_1175 = arith.constant 1.000000e-01 : f32
        %mul3A_1176 = vector.broadcast %mul3A_1175 : f32 to vector<16xf32>
        %mul3A_1177 = arith.mulf %add3A_1132, %mul3A_1176 : vector<16xf32>
        %max3A_1178 = arith.constant 0.000000e+00 : f32
        %max3A_1179 = vector.broadcast %max3A_1178 : f32 to vector<16xf32>
        %max3A_1180 = arith.maximumf %mul3A_1177, %max3A_1179 : vector<16xf32>
        %mul3A_1181 = arith.constant 4.000000e-02 : f32
        %mul3A_1182 = vector.broadcast %mul3A_1181 : f32 to vector<16xf32>
        %mul3A_1183 = arith.mulf %max3A_1180, %mul3A_1182 : vector<16xf32>
        %add3A_1184 = arith.addf %scan3A_144, %mul3A_1183 : vector<16xf32>
        %mul3A_1185 = arith.constant 1.000000e-01 : f32
        %mul3A_1186 = vector.broadcast %mul3A_1185 : f32 to vector<16xf32>
        %mul3A_1187 = arith.mulf %add3A_1133, %mul3A_1186 : vector<16xf32>
        %max3A_1188 = arith.constant 0.000000e+00 : f32
        %max3A_1189 = vector.broadcast %max3A_1188 : f32 to vector<16xf32>
        %max3A_1190 = arith.maximumf %mul3A_1187, %max3A_1189 : vector<16xf32>
        %mul3A_1191 = arith.constant 4.000000e-02 : f32
        %mul3A_1192 = vector.broadcast %mul3A_1191 : f32 to vector<16xf32>
        %mul3A_1193 = arith.mulf %max3A_1190, %mul3A_1192 : vector<16xf32>
        %add3A_1194 = arith.addf %scan3A_145, %mul3A_1193 : vector<16xf32>
        %mul3A_1195 = arith.constant 1.000000e-01 : f32
        %mul3A_1196 = vector.broadcast %mul3A_1195 : f32 to vector<16xf32>
        %mul3A_1197 = arith.mulf %add3A_1134, %mul3A_1196 : vector<16xf32>
        %max3A_1198 = arith.constant 0.000000e+00 : f32
        %max3A_1199 = vector.broadcast %max3A_1198 : f32 to vector<16xf32>
        %max3A_1200 = arith.maximumf %mul3A_1197, %max3A_1199 : vector<16xf32>
        %mul3A_1201 = arith.constant 4.000000e-02 : f32
        %mul3A_1202 = vector.broadcast %mul3A_1201 : f32 to vector<16xf32>
        %mul3A_1203 = arith.mulf %max3A_1200, %mul3A_1202 : vector<16xf32>
        %add3A_1204 = arith.addf %scan3A_146, %mul3A_1203 : vector<16xf32>
        %mul3A_1205 = arith.constant 1.000000e-01 : f32
        %mul3A_1206 = vector.broadcast %mul3A_1205 : f32 to vector<16xf32>
        %mul3A_1207 = arith.mulf %add3A_1135, %mul3A_1206 : vector<16xf32>
        %max3A_1208 = arith.constant 0.000000e+00 : f32
        %max3A_1209 = vector.broadcast %max3A_1208 : f32 to vector<16xf32>
        %max3A_1210 = arith.maximumf %mul3A_1207, %max3A_1209 : vector<16xf32>
        %mul3A_1211 = arith.constant 4.000000e-02 : f32
        %mul3A_1212 = vector.broadcast %mul3A_1211 : f32 to vector<16xf32>
        %mul3A_1213 = arith.mulf %max3A_1210, %mul3A_1212 : vector<16xf32>
        %add3A_1214 = arith.addf %scan3A_147, %mul3A_1213 : vector<16xf32>
        %jit3A_1215 = arith.constant 25 : i32
        %eq3A = arith.constant 0 : i32
        %eq3A_1216 = arith.cmpi eq, %jit3A_1215, %eq3A : i32
        %jit3A_1217 = arith.constant 1 : i32
        %select_n3A_1218 = arith.select %eq3A_1216, %jit3A_1217, %jit3A_1215 : i32
        %rem3A_1219 = arith.remsi %add3A_152, %select_n3A_1218 : i32
        %ne3A_1220 = arith.constant 0 : i32
        %ne3A_1221 = arith.cmpi ne, %rem3A_1219, %ne3A_1220 : i32
        %lt3A_1222 = arith.constant 0 : i32
        %lt3A_1223 = arith.cmpi slt, %rem3A_1219, %lt3A_1222 : i32
        %lt3A_1224 = arith.constant 0 : i32
        %lt3A_1225 = arith.cmpi slt, %select_n3A_1218, %lt3A_1224 : i32
        %ne3A_1226 = arith.xori %lt3A_1223, %lt3A_1225 : i1
        %and3A_1227 = arith.andi %ne3A_1226, %ne3A_1221 : i1
        %add3A_1228 = arith.addi %rem3A_1219, %select_n3A_1218 : i32
        %select_n3A_1229 = arith.select %and3A_1227, %add3A_1228, %rem3A_1219 : i32
        %eq3A_1230 = arith.constant 24 : i32
        %eq3A_1231 = arith.cmpi eq, %select_n3A_1229, %eq3A_1230 : i32
        %convert_element_type3A_1232 = arith.extui %eq3A_1231 : i1 to i32
        %cond3A_1233 = arith.constant 0 : i32
        %cond3A_1234 = arith.cmpi ne, %convert_element_type3A_1232, %cond3A_1233 : i32
        scf.if %cond3A_1234 {
          %swap3A = arith.index_cast %select_n3A : i32 to index
          %swap3A_1259 = arith.constant 0 : index
          %swap3A_1260 = tpu.vector_load %arg18[%swap3A, %swap3A_1259] {strides = array<i32>} : memref<32x128xf32, #tpu.memory_space<vmem>>, vector<16xf32>,
          tpu.vector_store %arg18[%swap3A, %swap3A_1259], %add3A_1144 {strides = array<i32>} : memref<32x128xf32, #tpu.memory_space<vmem>>, vector<16xf32>,
          %swap3A_1261 = arith.index_cast %select_n3A : i32 to index
          %swap3A_1262 = arith.constant 16 : index
          %swap3A_1263 = tpu.vector_load %arg18[%swap3A_1261, %swap3A_1262] {strides = array<i32>} : memref<32x128xf32, #tpu.memory_space<vmem>>, vector<16xf32>,
          tpu.vector_store %arg18[%swap3A_1261, %swap3A_1262], %add3A_1154 {strides = array<i32>} : memref<32x128xf32, #tpu.memory_space<vmem>>, vector<16xf32>,
          %swap3A_1264 = arith.index_cast %select_n3A : i32 to index
          %swap3A_1265 = arith.constant 32 : index
          %swap3A_1266 = tpu.vector_load %arg18[%swap3A_1264, %swap3A_1265] {strides = array<i32>} : memref<32x128xf32, #tpu.memory_space<vmem>>, vector<16xf32>,
          tpu.vector_store %arg18[%swap3A_1264, %swap3A_1265], %add3A_1164 {strides = array<i32>} : memref<32x128xf32, #tpu.memory_space<vmem>>, vector<16xf32>,
          %swap3A_1267 = arith.index_cast %select_n3A : i32 to index
          %swap3A_1268 = arith.constant 48 : index
          %swap3A_1269 = tpu.vector_load %arg18[%swap3A_1267, %swap3A_1268] {strides = array<i32>} : memref<32x128xf32, #tpu.memory_space<vmem>>, vector<16xf32>,
          tpu.vector_store %arg18[%swap3A_1267, %swap3A_1268], %add3A_1174 {strides = array<i32>} : memref<32x128xf32, #tpu.memory_space<vmem>>, vector<16xf32>,
          %swap3A_1270 = arith.index_cast %select_n3A : i32 to index
          %swap3A_1271 = arith.constant 64 : index
          %swap3A_1272 = tpu.vector_load %arg18[%swap3A_1270, %swap3A_1271] {strides = array<i32>} : memref<32x128xf32, #tpu.memory_space<vmem>>, vector<16xf32>,
          tpu.vector_store %arg18[%swap3A_1270, %swap3A_1271], %add3A_1184 {strides = array<i32>} : memref<32x128xf32, #tpu.memory_space<vmem>>, vector<16xf32>,
          %swap3A_1273 = arith.index_cast %select_n3A : i32 to index
          %swap3A_1274 = arith.constant 80 : index
          %swap3A_1275 = tpu.vector_load %arg18[%swap3A_1273, %swap3A_1274] {strides = array<i32>} : memref<32x128xf32, #tpu.memory_space<vmem>>, vector<16xf32>,
          tpu.vector_store %arg18[%swap3A_1273, %swap3A_1274], %add3A_1194 {strides = array<i32>} : memref<32x128xf32, #tpu.memory_space<vmem>>, vector<16xf32>,
          %swap3A_1276 = arith.index_cast %select_n3A : i32 to index
          %swap3A_1277 = arith.constant 96 : index
          %swap3A_1278 = tpu.vector_load %arg18[%swap3A_1276, %swap3A_1277] {strides = array<i32>} : memref<32x128xf32, #tpu.memory_space<vmem>>, vector<16xf32>,
          tpu.vector_store %arg18[%swap3A_1276, %swap3A_1277], %add3A_1204 {strides = array<i32>} : memref<32x128xf32, #tpu.memory_space<vmem>>, vector<16xf32>,
          %swap3A_1279 = arith.index_cast %select_n3A : i32 to index
          %swap3A_1280 = arith.constant 112 : index
          %swap3A_1281 = tpu.vector_load %arg18[%swap3A_1279, %swap3A_1280] {strides = array<i32>} : memref<32x128xf32, #tpu.memory_space<vmem>>, vector<16xf32>,
          tpu.vector_store %arg18[%swap3A_1279, %swap3A_1280], %add3A_1214 {strides = array<i32>} : memref<32x128xf32, #tpu.memory_space<vmem>>, vector<16xf32>,
        } else {
        }
        %broadcast_in_dim3A_1235 = arith.constant 0.000000e+00 : f32
        %broadcast_in_dim3A_1236 = vector.broadcast %broadcast_in_dim3A_1235 : f32 to vector<16xf32>
        %select_n3A_1237 = arith.select %eq3A_1231, %broadcast_in_dim3A_1236, %add3A_1144 : vector<16xf32>
        %broadcast_in_dim3A_1238 = arith.constant 0.000000e+00 : f32
        %broadcast_in_dim3A_1239 = vector.broadcast %broadcast_in_dim3A_1238 : f32 to vector<16xf32>
        %select_n3A_1240 = arith.select %eq3A_1231, %broadcast_in_dim3A_1239, %add3A_1154 : vector<16xf32>
        %broadcast_in_dim3A_1241 = arith.constant 0.000000e+00 : f32
        %broadcast_in_dim3A_1242 = vector.broadcast %broadcast_in_dim3A_1241 : f32 to vector<16xf32>
        %select_n3A_1243 = arith.select %eq3A_1231, %broadcast_in_dim3A_1242, %add3A_1164 : vector<16xf32>
        %broadcast_in_dim3A_1244 = arith.constant 0.000000e+00 : f32
        %broadcast_in_dim3A_1245 = vector.broadcast %broadcast_in_dim3A_1244 : f32 to vector<16xf32>
        %select_n3A_1246 = arith.select %eq3A_1231, %broadcast_in_dim3A_1245, %add3A_1174 : vector<16xf32>
        %broadcast_in_dim3A_1247 = arith.constant 0.000000e+00 : f32
        %broadcast_in_dim3A_1248 = vector.broadcast %broadcast_in_dim3A_1247 : f32 to vector<16xf32>
        %select_n3A_1249 = arith.select %eq3A_1231, %broadcast_in_dim3A_1248, %add3A_1184 : vector<16xf32>
        %broadcast_in_dim3A_1250 = arith.constant 0.000000e+00 : f32
        %broadcast_in_dim3A_1251 = vector.broadcast %broadcast_in_dim3A_1250 : f32 to vector<16xf32>
        %select_n3A_1252 = arith.select %eq3A_1231, %broadcast_in_dim3A_1251, %add3A_1194 : vector<16xf32>
        %broadcast_in_dim3A_1253 = arith.constant 0.000000e+00 : f32
        %broadcast_in_dim3A_1254 = vector.broadcast %broadcast_in_dim3A_1253 : f32 to vector<16xf32>
        %select_n3A_1255 = arith.select %eq3A_1231, %broadcast_in_dim3A_1254, %add3A_1204 : vector<16xf32>
        %broadcast_in_dim3A_1256 = arith.constant 0.000000e+00 : f32
        %broadcast_in_dim3A_1257 = vector.broadcast %broadcast_in_dim3A_1256 : f32 to vector<16xf32>
        %select_n3A_1258 = arith.select %eq3A_1231, %broadcast_in_dim3A_1257, %add3A_1214 : vector<16xf32>
        scf.yield %select_n3A_1237, %select_n3A_1240, %select_n3A_1243, %select_n3A_1246, %select_n3A_1249, %select_n3A_1252, %select_n3A_1255, %select_n3A_1258 : vector<16xf32>, vector<16xf32>, vector<16xf32>, vector<16xf32>, vector<16xf32>, vector<16xf32>, vector<16xf32>, vector<16xf32>
      }
      %scan3A_117 = arith.constant 40 : i32
      %lt3A = arith.constant 9 : i32
      %lt3A_118 = arith.cmpi slt, %scan3A_94, %lt3A : i32
      %convert_element_type3A = arith.extui %lt3A_118 : i1 to i32
      %cond3A = arith.constant 0 : i32
      %cond3A_119 = arith.cmpi ne, %convert_element_type3A, %cond3A : i32
      scf.if %cond3A_119 {
        %add3A_139 = arith.constant 2 : i32
        %add3A_140 = arith.addi %multiple_of3A_105, %add3A_139 : i32
        %mul3A_141 = arith.constant 400 : i32
        %mul3A_142 = arith.muli %add3A_140, %mul3A_141 : i32
        %multiple_of3A_143 = tpu.assume_multiple %mul3A_142, 400 : i32
        %dma_start3A_144 = tpu.memref_slice %arg12[%multiple_of3A_143] : memref<8000xi32, #tpu.memory_space<vmem>> -> memref<400xi32, #tpu.memory_space<vmem>>
        %dma_start3A_145 = arith.constant 0 : i32
        %dma_start3A_146 = arith.constant 0 : i32
        %dma_start3A_147 = tpu.memref_slice %arg5[%dma_start3A_145, %dma_start3A_146] : memref<100000x128xi32, #tpu.memory_space<hbm>> -> memref<100000x128xi32, #tpu.memory_space<hbm>>
        tpu.enqueue_indirect_dma source(%dma_start3A_147 : memref<100000x128xi32, #tpu.memory_space<hbm>>) target(%arg14 : memref<400x128xi32, #tpu.memory_space<vmem>>) offsets(%dma_start3A_144 : memref<400xi32, #tpu.memory_space<vmem>>) semaphore(%arg20 : memref<!tpu.dma_semaphore, #tpu.memory_space<semaphore_mem>>)
      } else {
      }
      %dma_wait3A_120 = arith.constant 0 : i32
      %dma_wait3A_121 = arith.constant 0 : i32
      %dma_wait3A_122 = tpu.memref_slice %arg5[%dma_wait3A_120, %dma_wait3A_121] : memref<100000x128xi32, #tpu.memory_space<hbm>> -> memref<400x128xi32, #tpu.memory_space<hbm>>
      %dma_wait3A_123 = arith.constant 0 : i32
      %dma_wait3A_124 = arith.constant 0 : i32
      %dma_wait3A_125 = tpu.memref_slice %arg5[%dma_wait3A_123, %dma_wait3A_124] : memref<100000x128xi32, #tpu.memory_space<hbm>> -> memref<400x128xi32, #tpu.memory_space<hbm>>
      tpu.wait_dma2 semaphore(%arg19 : memref<!tpu.dma_semaphore, #tpu.memory_space<semaphore_mem>>) src(%dma_wait3A_125 : memref<400x128xi32, #tpu.memory_space<hbm>>) dst(%arg13 : memref<400x128xi32, #tpu.memory_space<vmem>>)
      %add3A_126 = arith.constant 1 : i32
      %add3A_127 = arith.addi %multiple_of3A_105, %add3A_126 : i32
      %scan3A_128 = arith.constant 0 : i32
      %scan3A_129 = arith.constant 40 : i32
      %scan3A_130 = arith.addi %scan3A_128, %scan3A_129 : i32
      %scan3A_131 = arith.constant 1 : i32
      %scan3A_132:8 = scf.for %scan3A_139 = %scan3A_128 to %scan3A_130 step %scan3A_131 iter_args(%scan3A_140 = %scan3A_116#0, %scan3A_141 = %scan3A_116#1, %scan3A_142 = %scan3A_116#2, %scan3A_143 = %scan3A_116#3, %scan3A_144 = %scan3A_116#4, %scan3A_145 = %scan3A_116#5, %scan3A_146 = %scan3A_116#6, %scan3A_147 = %scan3A_116#7) -> (vector<16xf32>, vector<16xf32>, vector<16xf32>, vector<16xf32>, vector<16xf32>, vector<16xf32>, vector<16xf32>, vector<16xf32>)  : i32 {
        %mul3A_148 = arith.constant 10 : i32
        %mul3A_149 = arith.muli %scan3A_139, %mul3A_148 : i32
        %mul3A_150 = arith.constant 40 : i32
        %mul3A_151 = arith.muli %add3A_127, %mul3A_150 : i32
        %add3A_152 = arith.addi %mul3A_151, %scan3A_139 : i32
        %jit3A = arith.constant 25 : i32
        %div3A = arith.divsi %add3A_152, %jit3A : i32
        %sign3A = arith.constant 0 : i32
        %sign3A_153 = arith.cmpi sgt, %add3A_152, %sign3A : i32
        %sign3A_154 = arith.extui %sign3A_153 : i1 to i32
        %sign3A_155 = arith.constant 0 : i32
        %sign3A_156 = arith.cmpi slt, %add3A_152, %sign3A_155 : i32
        %sign3A_157 = arith.extui %sign3A_156 : i1 to i32
        %sign3A_158 = arith.subi %sign3A_154, %sign3A_157 : i32
        %sign3A_159 = arith.constant 0 : i32
        %sign3A_160 = arith.cmpi sgt, %jit3A, %sign3A_159 : i32
        %sign3A_161 = arith.extui %sign3A_160 : i1 to i32
        %sign3A_162 = arith.constant 0 : i32
        %sign3A_163 = arith.cmpi slt, %jit3A, %sign3A_162 : i32
        %sign3A_164 = arith.extui %sign3A_163 : i1 to i32
        %sign3A_165 = arith.subi %sign3A_161, %sign3A_164 : i32
        %ne3A = arith.cmpi ne, %sign3A_158, %sign3A_165 : i32
        %rem3A = arith.remsi %add3A_152, %jit3A : i32
        %ne3A_166 = arith.constant 0 : i32
        %ne3A_167 = arith.cmpi ne, %rem3A, %ne3A_166 : i32
        %and3A = arith.andi %ne3A, %ne3A_167 : i1
        %sub3A = arith.constant 1 : i32
        %sub3A_168 = arith.subi %div3A, %sub3A : i32
        %select_n3A = arith.select %and3A, %sub3A_168, %div3A : i32
        %get3A = arith.index_cast %mul3A_149 : i32 to index
        %get3A_169 = arith.constant 0 : index
        %get3A_170 = tpu.vector_load %arg13[%get3A, %get3A_169] {strides = array<i32>} : memref<400x128xi32, #tpu.memory_space<vmem>>, vector<16xi32>,
        %shift_left3A = arith.constant 16 : i32
        %shift_left3A_171 = vector.broadcast %shift_left3A : i32 to vector<16xi32>
        %shift_left3A_172 = arith.shli %get3A_170, %shift_left3A_171 : vector<16xi32>
        %bitcast3A = vector.bitcast %shift_left3A_172 : vector<16xi32> to vector<16xf32>
        %and3A_173 = arith.constant -65536 : i32
        %and3A_174 = vector.broadcast %and3A_173 : i32 to vector<16xi32>
        %and3A_175 = arith.andi %get3A_170, %and3A_174 : vector<16xi32>
        %bitcast3A_176 = vector.bitcast %and3A_175 : vector<16xi32> to vector<16xf32>
        %get3A_177 = arith.index_cast %mul3A_149 : i32 to index
        %get3A_178 = arith.constant 16 : index
        %get3A_179 = tpu.vector_load %arg13[%get3A_177, %get3A_178] {strides = array<i32>} : memref<400x128xi32, #tpu.memory_space<vmem>>, vector<16xi32>,
        %shift_left3A_180 = arith.constant 16 : i32
        %shift_left3A_181 = vector.broadcast %shift_left3A_180 : i32 to vector<16xi32>
        %shift_left3A_182 = arith.shli %get3A_179, %shift_left3A_181 : vector<16xi32>
        %bitcast3A_183 = vector.bitcast %shift_left3A_182 : vector<16xi32> to vector<16xf32>
        %and3A_184 = arith.constant -65536 : i32
        %and3A_185 = vector.broadcast %and3A_184 : i32 to vector<16xi32>
        %and3A_186 = arith.andi %get3A_179, %and3A_185 : vector<16xi32>
        %bitcast3A_187 = vector.bitcast %and3A_186 : vector<16xi32> to vector<16xf32>
        %get3A_188 = arith.index_cast %mul3A_149 : i32 to index
        %get3A_189 = arith.constant 32 : index
        %get3A_190 = tpu.vector_load %arg13[%get3A_188, %get3A_189] {strides = array<i32>} : memref<400x128xi32, #tpu.memory_space<vmem>>, vector<16xi32>,
        %shift_left3A_191 = arith.constant 16 : i32
        %shift_left3A_192 = vector.broadcast %shift_left3A_191 : i32 to vector<16xi32>
        %shift_left3A_193 = arith.shli %get3A_190, %shift_left3A_192 : vector<16xi32>
        %bitcast3A_194 = vector.bitcast %shift_left3A_193 : vector<16xi32> to vector<16xf32>
        %and3A_195 = arith.constant -65536 : i32
        %and3A_196 = vector.broadcast %and3A_195 : i32 to vector<16xi32>
        %and3A_197 = arith.andi %get3A_190, %and3A_196 : vector<16xi32>
        %bitcast3A_198 = vector.bitcast %and3A_197 : vector<16xi32> to vector<16xf32>
        %get3A_199 = arith.index_cast %mul3A_149 : i32 to index
        %get3A_200 = arith.constant 48 : index
        %get3A_201 = tpu.vector_load %arg13[%get3A_199, %get3A_200] {strides = array<i32>} : memref<400x128xi32, #tpu.memory_space<vmem>>, vector<16xi32>,
        %shift_left3A_202 = arith.constant 16 : i32
        %shift_left3A_203 = vector.broadcast %shift_left3A_202 : i32 to vector<16xi32>
        %shift_left3A_204 = arith.shli %get3A_201, %shift_left3A_203 : vector<16xi32>
        %bitcast3A_205 = vector.bitcast %shift_left3A_204 : vector<16xi32> to vector<16xf32>
        %and3A_206 = arith.constant -65536 : i32
        %and3A_207 = vector.broadcast %and3A_206 : i32 to vector<16xi32>
        %and3A_208 = arith.andi %get3A_201, %and3A_207 : vector<16xi32>
        %bitcast3A_209 = vector.bitcast %and3A_208 : vector<16xi32> to vector<16xf32>
        %get3A_210 = arith.index_cast %mul3A_149 : i32 to index
        %get3A_211 = arith.constant 64 : index
        %get3A_212 = tpu.vector_load %arg13[%get3A_210, %get3A_211] {strides = array<i32>} : memref<400x128xi32, #tpu.memory_space<vmem>>, vector<16xi32>,
        %shift_left3A_213 = arith.constant 16 : i32
        %shift_left3A_214 = vector.broadcast %shift_left3A_213 : i32 to vector<16xi32>
        %shift_left3A_215 = arith.shli %get3A_212, %shift_left3A_214 : vector<16xi32>
        %bitcast3A_216 = vector.bitcast %shift_left3A_215 : vector<16xi32> to vector<16xf32>
        %and3A_217 = arith.constant -65536 : i32
        %and3A_218 = vector.broadcast %and3A_217 : i32 to vector<16xi32>
        %and3A_219 = arith.andi %get3A_212, %and3A_218 : vector<16xi32>
        %bitcast3A_220 = vector.bitcast %and3A_219 : vector<16xi32> to vector<16xf32>
        %get3A_221 = arith.index_cast %mul3A_149 : i32 to index
        %get3A_222 = arith.constant 80 : index
        %get3A_223 = tpu.vector_load %arg13[%get3A_221, %get3A_222] {strides = array<i32>} : memref<400x128xi32, #tpu.memory_space<vmem>>, vector<16xi32>,
        %shift_left3A_224 = arith.constant 16 : i32
        %shift_left3A_225 = vector.broadcast %shift_left3A_224 : i32 to vector<16xi32>
        %shift_left3A_226 = arith.shli %get3A_223, %shift_left3A_225 : vector<16xi32>
        %bitcast3A_227 = vector.bitcast %shift_left3A_226 : vector<16xi32> to vector<16xf32>
        %and3A_228 = arith.constant -65536 : i32
        %and3A_229 = vector.broadcast %and3A_228 : i32 to vector<16xi32>
        %and3A_230 = arith.andi %get3A_223, %and3A_229 : vector<16xi32>
        %bitcast3A_231 = vector.bitcast %and3A_230 : vector<16xi32> to vector<16xf32>
        %get3A_232 = arith.index_cast %mul3A_149 : i32 to index
        %get3A_233 = arith.constant 96 : index
        %get3A_234 = tpu.vector_load %arg13[%get3A_232, %get3A_233] {strides = array<i32>} : memref<400x128xi32, #tpu.memory_space<vmem>>, vector<16xi32>,
        %shift_left3A_235 = arith.constant 16 : i32
        %shift_left3A_236 = vector.broadcast %shift_left3A_235 : i32 to vector<16xi32>
        %shift_left3A_237 = arith.shli %get3A_234, %shift_left3A_236 : vector<16xi32>
        %bitcast3A_238 = vector.bitcast %shift_left3A_237 : vector<16xi32> to vector<16xf32>
        %and3A_239 = arith.constant -65536 : i32
        %and3A_240 = vector.broadcast %and3A_239 : i32 to vector<16xi32>
        %and3A_241 = arith.andi %get3A_234, %and3A_240 : vector<16xi32>
        %bitcast3A_242 = vector.bitcast %and3A_241 : vector<16xi32> to vector<16xf32>
        %get3A_243 = arith.index_cast %mul3A_149 : i32 to index
        %get3A_244 = arith.constant 112 : index
        %get3A_245 = tpu.vector_load %arg13[%get3A_243, %get3A_244] {strides = array<i32>} : memref<400x128xi32, #tpu.memory_space<vmem>>, vector<16xi32>,
        %shift_left3A_246 = arith.constant 16 : i32
        %shift_left3A_247 = vector.broadcast %shift_left3A_246 : i32 to vector<16xi32>
        %shift_left3A_248 = arith.shli %get3A_245, %shift_left3A_247 : vector<16xi32>
        %bitcast3A_249 = vector.bitcast %shift_left3A_248 : vector<16xi32> to vector<16xf32>
        %and3A_250 = arith.constant -65536 : i32
        %and3A_251 = vector.broadcast %and3A_250 : i32 to vector<16xi32>
        %and3A_252 = arith.andi %get3A_245, %and3A_251 : vector<16xi32>
        %bitcast3A_253 = vector.bitcast %and3A_252 : vector<16xi32> to vector<16xf32>
        %add3A_254 = arith.constant 1 : i32
        %add3A_255 = arith.addi %mul3A_149, %add3A_254 : i32
        %get3A_256 = arith.index_cast %add3A_255 : i32 to index
        %get3A_257 = arith.constant 0 : index
        %get3A_258 = tpu.vector_load %arg13[%get3A_256, %get3A_257] {strides = array<i32>} : memref<400x128xi32, #tpu.memory_space<vmem>>, vector<16xi32>,
        %shift_left3A_259 = arith.constant 16 : i32
        %shift_left3A_260 = vector.broadcast %shift_left3A_259 : i32 to vector<16xi32>
        %shift_left3A_261 = arith.shli %get3A_258, %shift_left3A_260 : vector<16xi32>
        %bitcast3A_262 = vector.bitcast %shift_left3A_261 : vector<16xi32> to vector<16xf32>
        %and3A_263 = arith.constant -65536 : i32
        %and3A_264 = vector.broadcast %and3A_263 : i32 to vector<16xi32>
        %and3A_265 = arith.andi %get3A_258, %and3A_264 : vector<16xi32>
        %bitcast3A_266 = vector.bitcast %and3A_265 : vector<16xi32> to vector<16xf32>
        %get3A_267 = arith.index_cast %add3A_255 : i32 to index
        %get3A_268 = arith.constant 16 : index
        %get3A_269 = tpu.vector_load %arg13[%get3A_267, %get3A_268] {strides = array<i32>} : memref<400x128xi32, #tpu.memory_space<vmem>>, vector<16xi32>,
        %shift_left3A_270 = arith.constant 16 : i32
        %shift_left3A_271 = vector.broadcast %shift_left3A_270 : i32 to vector<16xi32>
        %shift_left3A_272 = arith.shli %get3A_269, %shift_left3A_271 : vector<16xi32>
        %bitcast3A_273 = vector.bitcast %shift_left3A_272 : vector<16xi32> to vector<16xf32>
        %and3A_274 = arith.constant -65536 : i32
        %and3A_275 = vector.broadcast %and3A_274 : i32 to vector<16xi32>
        %and3A_276 = arith.andi %get3A_269, %and3A_275 : vector<16xi32>
        %bitcast3A_277 = vector.bitcast %and3A_276 : vector<16xi32> to vector<16xf32>
        %get3A_278 = arith.index_cast %add3A_255 : i32 to index
        %get3A_279 = arith.constant 32 : index
        %get3A_280 = tpu.vector_load %arg13[%get3A_278, %get3A_279] {strides = array<i32>} : memref<400x128xi32, #tpu.memory_space<vmem>>, vector<16xi32>,
        %shift_left3A_281 = arith.constant 16 : i32
        %shift_left3A_282 = vector.broadcast %shift_left3A_281 : i32 to vector<16xi32>
        %shift_left3A_283 = arith.shli %get3A_280, %shift_left3A_282 : vector<16xi32>
        %bitcast3A_284 = vector.bitcast %shift_left3A_283 : vector<16xi32> to vector<16xf32>
        %and3A_285 = arith.constant -65536 : i32
        %and3A_286 = vector.broadcast %and3A_285 : i32 to vector<16xi32>
        %and3A_287 = arith.andi %get3A_280, %and3A_286 : vector<16xi32>
        %bitcast3A_288 = vector.bitcast %and3A_287 : vector<16xi32> to vector<16xf32>
        %get3A_289 = arith.index_cast %add3A_255 : i32 to index
        %get3A_290 = arith.constant 48 : index
        %get3A_291 = tpu.vector_load %arg13[%get3A_289, %get3A_290] {strides = array<i32>} : memref<400x128xi32, #tpu.memory_space<vmem>>, vector<16xi32>,
        %shift_left3A_292 = arith.constant 16 : i32
        %shift_left3A_293 = vector.broadcast %shift_left3A_292 : i32 to vector<16xi32>
        %shift_left3A_294 = arith.shli %get3A_291, %shift_left3A_293 : vector<16xi32>
        %bitcast3A_295 = vector.bitcast %shift_left3A_294 : vector<16xi32> to vector<16xf32>
        %and3A_296 = arith.constant -65536 : i32
        %and3A_297 = vector.broadcast %and3A_296 : i32 to vector<16xi32>
        %and3A_298 = arith.andi %get3A_291, %and3A_297 : vector<16xi32>
        %bitcast3A_299 = vector.bitcast %and3A_298 : vector<16xi32> to vector<16xf32>
        %get3A_300 = arith.index_cast %add3A_255 : i32 to index
        %get3A_301 = arith.constant 64 : index
        %get3A_302 = tpu.vector_load %arg13[%get3A_300, %get3A_301] {strides = array<i32>} : memref<400x128xi32, #tpu.memory_space<vmem>>, vector<16xi32>,
        %shift_left3A_303 = arith.constant 16 : i32
        %shift_left3A_304 = vector.broadcast %shift_left3A_303 : i32 to vector<16xi32>
        %shift_left3A_305 = arith.shli %get3A_302, %shift_left3A_304 : vector<16xi32>
        %bitcast3A_306 = vector.bitcast %shift_left3A_305 : vector<16xi32> to vector<16xf32>
        %and3A_307 = arith.constant -65536 : i32
        %and3A_308 = vector.broadcast %and3A_307 : i32 to vector<16xi32>
        %and3A_309 = arith.andi %get3A_302, %and3A_308 : vector<16xi32>
        %bitcast3A_310 = vector.bitcast %and3A_309 : vector<16xi32> to vector<16xf32>
        %get3A_311 = arith.index_cast %add3A_255 : i32 to index
        %get3A_312 = arith.constant 80 : index
        %get3A_313 = tpu.vector_load %arg13[%get3A_311, %get3A_312] {strides = array<i32>} : memref<400x128xi32, #tpu.memory_space<vmem>>, vector<16xi32>,
        %shift_left3A_314 = arith.constant 16 : i32
        %shift_left3A_315 = vector.broadcast %shift_left3A_314 : i32 to vector<16xi32>
        %shift_left3A_316 = arith.shli %get3A_313, %shift_left3A_315 : vector<16xi32>
        %bitcast3A_317 = vector.bitcast %shift_left3A_316 : vector<16xi32> to vector<16xf32>
        %and3A_318 = arith.constant -65536 : i32
        %and3A_319 = vector.broadcast %and3A_318 : i32 to vector<16xi32>
        %and3A_320 = arith.andi %get3A_313, %and3A_319 : vector<16xi32>
        %bitcast3A_321 = vector.bitcast %and3A_320 : vector<16xi32> to vector<16xf32>
        %get3A_322 = arith.index_cast %add3A_255 : i32 to index
        %get3A_323 = arith.constant 96 : index
        %get3A_324 = tpu.vector_load %arg13[%get3A_322, %get3A_323] {strides = array<i32>} : memref<400x128xi32, #tpu.memory_space<vmem>>, vector<16xi32>,
        %shift_left3A_325 = arith.constant 16 : i32
        %shift_left3A_326 = vector.broadcast %shift_left3A_325 : i32 to vector<16xi32>
        %shift_left3A_327 = arith.shli %get3A_324, %shift_left3A_326 : vector<16xi32>
        %bitcast3A_328 = vector.bitcast %shift_left3A_327 : vector<16xi32> to vector<16xf32>
        %and3A_329 = arith.constant -65536 : i32
        %and3A_330 = vector.broadcast %and3A_329 : i32 to vector<16xi32>
        %and3A_331 = arith.andi %get3A_324, %and3A_330 : vector<16xi32>
        %bitcast3A_332 = vector.bitcast %and3A_331 : vector<16xi32> to vector<16xf32>
        %get3A_333 = arith.index_cast %add3A_255 : i32 to index
        %get3A_334 = arith.constant 112 : index
        %get3A_335 = tpu.vector_load %arg13[%get3A_333, %get3A_334] {strides = array<i32>} : memref<400x128xi32, #tpu.memory_space<vmem>>, vector<16xi32>,
        %shift_left3A_336 = arith.constant 16 : i32
        %shift_left3A_337 = vector.broadcast %shift_left3A_336 : i32 to vector<16xi32>
        %shift_left3A_338 = arith.shli %get3A_335, %shift_left3A_337 : vector<16xi32>
        %bitcast3A_339 = vector.bitcast %shift_left3A_338 : vector<16xi32> to vector<16xf32>
        %and3A_340 = arith.constant -65536 : i32
        %and3A_341 = vector.broadcast %and3A_340 : i32 to vector<16xi32>
        %and3A_342 = arith.andi %get3A_335, %and3A_341 : vector<16xi32>
        %bitcast3A_343 = vector.bitcast %and3A_342 : vector<16xi32> to vector<16xf32>
        %add3A_344 = arith.addf %bitcast3A_176, %bitcast3A_266 : vector<16xf32>
        %add3A_345 = arith.addf %bitcast3A_187, %bitcast3A_277 : vector<16xf32>
        %add3A_346 = arith.addf %bitcast3A_198, %bitcast3A_288 : vector<16xf32>
        %add3A_347 = arith.addf %bitcast3A_209, %bitcast3A_299 : vector<16xf32>
        %add3A_348 = arith.addf %bitcast3A_220, %bitcast3A_310 : vector<16xf32>
        %add3A_349 = arith.addf %bitcast3A_231, %bitcast3A_321 : vector<16xf32>
        %add3A_350 = arith.addf %bitcast3A_242, %bitcast3A_332 : vector<16xf32>
        %add3A_351 = arith.addf %bitcast3A_253, %bitcast3A_343 : vector<16xf32>
        %add3A_352 = arith.constant 2 : i32
        %add3A_353 = arith.addi %mul3A_149, %add3A_352 : i32
        %get3A_354 = arith.index_cast %add3A_353 : i32 to index
        %get3A_355 = arith.constant 0 : index
        %get3A_356 = tpu.vector_load %arg13[%get3A_354, %get3A_355] {strides = array<i32>} : memref<400x128xi32, #tpu.memory_space<vmem>>, vector<16xi32>,
        %shift_left3A_357 = arith.constant 16 : i32
        %shift_left3A_358 = vector.broadcast %shift_left3A_357 : i32 to vector<16xi32>
        %shift_left3A_359 = arith.shli %get3A_356, %shift_left3A_358 : vector<16xi32>
        %bitcast3A_360 = vector.bitcast %shift_left3A_359 : vector<16xi32> to vector<16xf32>
        %and3A_361 = arith.constant -65536 : i32
        %and3A_362 = vector.broadcast %and3A_361 : i32 to vector<16xi32>
        %and3A_363 = arith.andi %get3A_356, %and3A_362 : vector<16xi32>
        %bitcast3A_364 = vector.bitcast %and3A_363 : vector<16xi32> to vector<16xf32>
        %get3A_365 = arith.index_cast %add3A_353 : i32 to index
        %get3A_366 = arith.constant 16 : index
        %get3A_367 = tpu.vector_load %arg13[%get3A_365, %get3A_366] {strides = array<i32>} : memref<400x128xi32, #tpu.memory_space<vmem>>, vector<16xi32>,
        %shift_left3A_368 = arith.constant 16 : i32
        %shift_left3A_369 = vector.broadcast %shift_left3A_368 : i32 to vector<16xi32>
        %shift_left3A_370 = arith.shli %get3A_367, %shift_left3A_369 : vector<16xi32>
        %bitcast3A_371 = vector.bitcast %shift_left3A_370 : vector<16xi32> to vector<16xf32>
        %and3A_372 = arith.constant -65536 : i32
        %and3A_373 = vector.broadcast %and3A_372 : i32 to vector<16xi32>
        %and3A_374 = arith.andi %get3A_367, %and3A_373 : vector<16xi32>
        %bitcast3A_375 = vector.bitcast %and3A_374 : vector<16xi32> to vector<16xf32>
        %get3A_376 = arith.index_cast %add3A_353 : i32 to index
        %get3A_377 = arith.constant 32 : index
        %get3A_378 = tpu.vector_load %arg13[%get3A_376, %get3A_377] {strides = array<i32>} : memref<400x128xi32, #tpu.memory_space<vmem>>, vector<16xi32>,
        %shift_left3A_379 = arith.constant 16 : i32
        %shift_left3A_380 = vector.broadcast %shift_left3A_379 : i32 to vector<16xi32>
        %shift_left3A_381 = arith.shli %get3A_378, %shift_left3A_380 : vector<16xi32>
        %bitcast3A_382 = vector.bitcast %shift_left3A_381 : vector<16xi32> to vector<16xf32>
        %and3A_383 = arith.constant -65536 : i32
        %and3A_384 = vector.broadcast %and3A_383 : i32 to vector<16xi32>
        %and3A_385 = arith.andi %get3A_378, %and3A_384 : vector<16xi32>
        %bitcast3A_386 = vector.bitcast %and3A_385 : vector<16xi32> to vector<16xf32>
        %get3A_387 = arith.index_cast %add3A_353 : i32 to index
        %get3A_388 = arith.constant 48 : index
        %get3A_389 = tpu.vector_load %arg13[%get3A_387, %get3A_388] {strides = array<i32>} : memref<400x128xi32, #tpu.memory_space<vmem>>, vector<16xi32>,
        %shift_left3A_390 = arith.constant 16 : i32
        %shift_left3A_391 = vector.broadcast %shift_left3A_390 : i32 to vector<16xi32>
        %shift_left3A_392 = arith.shli %get3A_389, %shift_left3A_391 : vector<16xi32>
        %bitcast3A_393 = vector.bitcast %shift_left3A_392 : vector<16xi32> to vector<16xf32>
        %and3A_394 = arith.constant -65536 : i32
        %and3A_395 = vector.broadcast %and3A_394 : i32 to vector<16xi32>
        %and3A_396 = arith.andi %get3A_389, %and3A_395 : vector<16xi32>
        %bitcast3A_397 = vector.bitcast %and3A_396 : vector<16xi32> to vector<16xf32>
        %get3A_398 = arith.index_cast %add3A_353 : i32 to index
        %get3A_399 = arith.constant 64 : index
        %get3A_400 = tpu.vector_load %arg13[%get3A_398, %get3A_399] {strides = array<i32>} : memref<400x128xi32, #tpu.memory_space<vmem>>, vector<16xi32>,
        %shift_left3A_401 = arith.constant 16 : i32
        %shift_left3A_402 = vector.broadcast %shift_left3A_401 : i32 to vector<16xi32>
        %shift_left3A_403 = arith.shli %get3A_400, %shift_left3A_402 : vector<16xi32>
        %bitcast3A_404 = vector.bitcast %shift_left3A_403 : vector<16xi32> to vector<16xf32>
        %and3A_405 = arith.constant -65536 : i32
        %and3A_406 = vector.broadcast %and3A_405 : i32 to vector<16xi32>
        %and3A_407 = arith.andi %get3A_400, %and3A_406 : vector<16xi32>
        %bitcast3A_408 = vector.bitcast %and3A_407 : vector<16xi32> to vector<16xf32>
        %get3A_409 = arith.index_cast %add3A_353 : i32 to index
        %get3A_410 = arith.constant 80 : index
        %get3A_411 = tpu.vector_load %arg13[%get3A_409, %get3A_410] {strides = array<i32>} : memref<400x128xi32, #tpu.memory_space<vmem>>, vector<16xi32>,
        %shift_left3A_412 = arith.constant 16 : i32
        %shift_left3A_413 = vector.broadcast %shift_left3A_412 : i32 to vector<16xi32>
        %shift_left3A_414 = arith.shli %get3A_411, %shift_left3A_413 : vector<16xi32>
        %bitcast3A_415 = vector.bitcast %shift_left3A_414 : vector<16xi32> to vector<16xf32>
        %and3A_416 = arith.constant -65536 : i32
        %and3A_417 = vector.broadcast %and3A_416 : i32 to vector<16xi32>
        %and3A_418 = arith.andi %get3A_411, %and3A_417 : vector<16xi32>
        %bitcast3A_419 = vector.bitcast %and3A_418 : vector<16xi32> to vector<16xf32>
        %get3A_420 = arith.index_cast %add3A_353 : i32 to index
        %get3A_421 = arith.constant 96 : index
        %get3A_422 = tpu.vector_load %arg13[%get3A_420, %get3A_421] {strides = array<i32>} : memref<400x128xi32, #tpu.memory_space<vmem>>, vector<16xi32>,
        %shift_left3A_423 = arith.constant 16 : i32
        %shift_left3A_424 = vector.broadcast %shift_left3A_423 : i32 to vector<16xi32>
        %shift_left3A_425 = arith.shli %get3A_422, %shift_left3A_424 : vector<16xi32>
        %bitcast3A_426 = vector.bitcast %shift_left3A_425 : vector<16xi32> to vector<16xf32>
        %and3A_427 = arith.constant -65536 : i32
        %and3A_428 = vector.broadcast %and3A_427 : i32 to vector<16xi32>
        %and3A_429 = arith.andi %get3A_422, %and3A_428 : vector<16xi32>
        %bitcast3A_430 = vector.bitcast %and3A_429 : vector<16xi32> to vector<16xf32>
        %get3A_431 = arith.index_cast %add3A_353 : i32 to index
        %get3A_432 = arith.constant 112 : index
        %get3A_433 = tpu.vector_load %arg13[%get3A_431, %get3A_432] {strides = array<i32>} : memref<400x128xi32, #tpu.memory_space<vmem>>, vector<16xi32>,
        %shift_left3A_434 = arith.constant 16 : i32
        %shift_left3A_435 = vector.broadcast %shift_left3A_434 : i32 to vector<16xi32>
        %shift_left3A_436 = arith.shli %get3A_433, %shift_left3A_435 : vector<16xi32>
        %bitcast3A_437 = vector.bitcast %shift_left3A_436 : vector<16xi32> to vector<16xf32>
        %and3A_438 = arith.constant -65536 : i32
        %and3A_439 = vector.broadcast %and3A_438 : i32 to vector<16xi32>
        %and3A_440 = arith.andi %get3A_433, %and3A_439 : vector<16xi32>
        %bitcast3A_441 = vector.bitcast %and3A_440 : vector<16xi32> to vector<16xf32>
        %add3A_442 = arith.addf %add3A_344, %bitcast3A_364 : vector<16xf32>
        %add3A_443 = arith.addf %add3A_345, %bitcast3A_375 : vector<16xf32>
        %add3A_444 = arith.addf %add3A_346, %bitcast3A_386 : vector<16xf32>
        %add3A_445 = arith.addf %add3A_347, %bitcast3A_397 : vector<16xf32>
        %add3A_446 = arith.addf %add3A_348, %bitcast3A_408 : vector<16xf32>
        %add3A_447 = arith.addf %add3A_349, %bitcast3A_419 : vector<16xf32>
        %add3A_448 = arith.addf %add3A_350, %bitcast3A_430 : vector<16xf32>
        %add3A_449 = arith.addf %add3A_351, %bitcast3A_441 : vector<16xf32>
        %add3A_450 = arith.constant 3 : i32
        %add3A_451 = arith.addi %mul3A_149, %add3A_450 : i32
        %get3A_452 = arith.index_cast %add3A_451 : i32 to index
        %get3A_453 = arith.constant 0 : index
        %get3A_454 = tpu.vector_load %arg13[%get3A_452, %get3A_453] {strides = array<i32>} : memref<400x128xi32, #tpu.memory_space<vmem>>, vector<16xi32>,
        %shift_left3A_455 = arith.constant 16 : i32
        %shift_left3A_456 = vector.broadcast %shift_left3A_455 : i32 to vector<16xi32>
        %shift_left3A_457 = arith.shli %get3A_454, %shift_left3A_456 : vector<16xi32>
        %bitcast3A_458 = vector.bitcast %shift_left3A_457 : vector<16xi32> to vector<16xf32>
        %and3A_459 = arith.constant -65536 : i32
        %and3A_460 = vector.broadcast %and3A_459 : i32 to vector<16xi32>
        %and3A_461 = arith.andi %get3A_454, %and3A_460 : vector<16xi32>
        %bitcast3A_462 = vector.bitcast %and3A_461 : vector<16xi32> to vector<16xf32>
        %get3A_463 = arith.index_cast %add3A_451 : i32 to index
        %get3A_464 = arith.constant 16 : index
        %get3A_465 = tpu.vector_load %arg13[%get3A_463, %get3A_464] {strides = array<i32>} : memref<400x128xi32, #tpu.memory_space<vmem>>, vector<16xi32>,
        %shift_left3A_466 = arith.constant 16 : i32
        %shift_left3A_467 = vector.broadcast %shift_left3A_466 : i32 to vector<16xi32>
        %shift_left3A_468 = arith.shli %get3A_465, %shift_left3A_467 : vector<16xi32>
        %bitcast3A_469 = vector.bitcast %shift_left3A_468 : vector<16xi32> to vector<16xf32>
        %and3A_470 = arith.constant -65536 : i32
        %and3A_471 = vector.broadcast %and3A_470 : i32 to vector<16xi32>
        %and3A_472 = arith.andi %get3A_465, %and3A_471 : vector<16xi32>
        %bitcast3A_473 = vector.bitcast %and3A_472 : vector<16xi32> to vector<16xf32>
        %get3A_474 = arith.index_cast %add3A_451 : i32 to index
        %get3A_475 = arith.constant 32 : index
        %get3A_476 = tpu.vector_load %arg13[%get3A_474, %get3A_475] {strides = array<i32>} : memref<400x128xi32, #tpu.memory_space<vmem>>, vector<16xi32>,
        %shift_left3A_477 = arith.constant 16 : i32
        %shift_left3A_478 = vector.broadcast %shift_left3A_477 : i32 to vector<16xi32>
        %shift_left3A_479 = arith.shli %get3A_476, %shift_left3A_478 : vector<16xi32>
        %bitcast3A_480 = vector.bitcast %shift_left3A_479 : vector<16xi32> to vector<16xf32>
        %and3A_481 = arith.constant -65536 : i32
        %and3A_482 = vector.broadcast %and3A_481 : i32 to vector<16xi32>
        %and3A_483 = arith.andi %get3A_476, %and3A_482 : vector<16xi32>
        %bitcast3A_484 = vector.bitcast %and3A_483 : vector<16xi32> to vector<16xf32>
        %get3A_485 = arith.index_cast %add3A_451 : i32 to index
        %get3A_486 = arith.constant 48 : index
        %get3A_487 = tpu.vector_load %arg13[%get3A_485, %get3A_486] {strides = array<i32>} : memref<400x128xi32, #tpu.memory_space<vmem>>, vector<16xi32>,
        %shift_left3A_488 = arith.constant 16 : i32
        %shift_left3A_489 = vector.broadcast %shift_left3A_488 : i32 to vector<16xi32>
        %shift_left3A_490 = arith.shli %get3A_487, %shift_left3A_489 : vector<16xi32>
        %bitcast3A_491 = vector.bitcast %shift_left3A_490 : vector<16xi32> to vector<16xf32>
        %and3A_492 = arith.constant -65536 : i32
        %and3A_493 = vector.broadcast %and3A_492 : i32 to vector<16xi32>
        %and3A_494 = arith.andi %get3A_487, %and3A_493 : vector<16xi32>
        %bitcast3A_495 = vector.bitcast %and3A_494 : vector<16xi32> to vector<16xf32>
        %get3A_496 = arith.index_cast %add3A_451 : i32 to index
        %get3A_497 = arith.constant 64 : index
        %get3A_498 = tpu.vector_load %arg13[%get3A_496, %get3A_497] {strides = array<i32>} : memref<400x128xi32, #tpu.memory_space<vmem>>, vector<16xi32>,
        %shift_left3A_499 = arith.constant 16 : i32
        %shift_left3A_500 = vector.broadcast %shift_left3A_499 : i32 to vector<16xi32>
        %shift_left3A_501 = arith.shli %get3A_498, %shift_left3A_500 : vector<16xi32>
        %bitcast3A_502 = vector.bitcast %shift_left3A_501 : vector<16xi32> to vector<16xf32>
        %and3A_503 = arith.constant -65536 : i32
        %and3A_504 = vector.broadcast %and3A_503 : i32 to vector<16xi32>
        %and3A_505 = arith.andi %get3A_498, %and3A_504 : vector<16xi32>
        %bitcast3A_506 = vector.bitcast %and3A_505 : vector<16xi32> to vector<16xf32>
        %get3A_507 = arith.index_cast %add3A_451 : i32 to index
        %get3A_508 = arith.constant 80 : index
        %get3A_509 = tpu.vector_load %arg13[%get3A_507, %get3A_508] {strides = array<i32>} : memref<400x128xi32, #tpu.memory_space<vmem>>, vector<16xi32>,
        %shift_left3A_510 = arith.constant 16 : i32
        %shift_left3A_511 = vector.broadcast %shift_left3A_510 : i32 to vector<16xi32>
        %shift_left3A_512 = arith.shli %get3A_509, %shift_left3A_511 : vector<16xi32>
        %bitcast3A_513 = vector.bitcast %shift_left3A_512 : vector<16xi32> to vector<16xf32>
        %and3A_514 = arith.constant -65536 : i32
        %and3A_515 = vector.broadcast %and3A_514 : i32 to vector<16xi32>
        %and3A_516 = arith.andi %get3A_509, %and3A_515 : vector<16xi32>
        %bitcast3A_517 = vector.bitcast %and3A_516 : vector<16xi32> to vector<16xf32>
        %get3A_518 = arith.index_cast %add3A_451 : i32 to index
        %get3A_519 = arith.constant 96 : index
        %get3A_520 = tpu.vector_load %arg13[%get3A_518, %get3A_519] {strides = array<i32>} : memref<400x128xi32, #tpu.memory_space<vmem>>, vector<16xi32>,
        %shift_left3A_521 = arith.constant 16 : i32
        %shift_left3A_522 = vector.broadcast %shift_left3A_521 : i32 to vector<16xi32>
        %shift_left3A_523 = arith.shli %get3A_520, %shift_left3A_522 : vector<16xi32>
        %bitcast3A_524 = vector.bitcast %shift_left3A_523 : vector<16xi32> to vector<16xf32>
        %and3A_525 = arith.constant -65536 : i32
        %and3A_526 = vector.broadcast %and3A_525 : i32 to vector<16xi32>
        %and3A_527 = arith.andi %get3A_520, %and3A_526 : vector<16xi32>
        %bitcast3A_528 = vector.bitcast %and3A_527 : vector<16xi32> to vector<16xf32>
        %get3A_529 = arith.index_cast %add3A_451 : i32 to index
        %get3A_530 = arith.constant 112 : index
        %get3A_531 = tpu.vector_load %arg13[%get3A_529, %get3A_530] {strides = array<i32>} : memref<400x128xi32, #tpu.memory_space<vmem>>, vector<16xi32>,
        %shift_left3A_532 = arith.constant 16 : i32
        %shift_left3A_533 = vector.broadcast %shift_left3A_532 : i32 to vector<16xi32>
        %shift_left3A_534 = arith.shli %get3A_531, %shift_left3A_533 : vector<16xi32>
        %bitcast3A_535 = vector.bitcast %shift_left3A_534 : vector<16xi32> to vector<16xf32>
        %and3A_536 = arith.constant -65536 : i32
        %and3A_537 = vector.broadcast %and3A_536 : i32 to vector<16xi32>
        %and3A_538 = arith.andi %get3A_531, %and3A_537 : vector<16xi32>
        %bitcast3A_539 = vector.bitcast %and3A_538 : vector<16xi32> to vector<16xf32>
        %add3A_540 = arith.addf %add3A_442, %bitcast3A_462 : vector<16xf32>
        %add3A_541 = arith.addf %add3A_443, %bitcast3A_473 : vector<16xf32>
        %add3A_542 = arith.addf %add3A_444, %bitcast3A_484 : vector<16xf32>
        %add3A_543 = arith.addf %add3A_445, %bitcast3A_495 : vector<16xf32>
        %add3A_544 = arith.addf %add3A_446, %bitcast3A_506 : vector<16xf32>
        %add3A_545 = arith.addf %add3A_447, %bitcast3A_517 : vector<16xf32>
        %add3A_546 = arith.addf %add3A_448, %bitcast3A_528 : vector<16xf32>
        %add3A_547 = arith.addf %add3A_449, %bitcast3A_539 : vector<16xf32>
        %add3A_548 = arith.constant 4 : i32
        %add3A_549 = arith.addi %mul3A_149, %add3A_548 : i32
        %get3A_550 = arith.index_cast %add3A_549 : i32 to index
        %get3A_551 = arith.constant 0 : index
        %get3A_552 = tpu.vector_load %arg13[%get3A_550, %get3A_551] {strides = array<i32>} : memref<400x128xi32, #tpu.memory_space<vmem>>, vector<16xi32>,
        %shift_left3A_553 = arith.constant 16 : i32
        %shift_left3A_554 = vector.broadcast %shift_left3A_553 : i32 to vector<16xi32>
        %shift_left3A_555 = arith.shli %get3A_552, %shift_left3A_554 : vector<16xi32>
        %bitcast3A_556 = vector.bitcast %shift_left3A_555 : vector<16xi32> to vector<16xf32>
        %and3A_557 = arith.constant -65536 : i32
        %and3A_558 = vector.broadcast %and3A_557 : i32 to vector<16xi32>
        %and3A_559 = arith.andi %get3A_552, %and3A_558 : vector<16xi32>
        %bitcast3A_560 = vector.bitcast %and3A_559 : vector<16xi32> to vector<16xf32>
        %get3A_561 = arith.index_cast %add3A_549 : i32 to index
        %get3A_562 = arith.constant 16 : index
        %get3A_563 = tpu.vector_load %arg13[%get3A_561, %get3A_562] {strides = array<i32>} : memref<400x128xi32, #tpu.memory_space<vmem>>, vector<16xi32>,
        %shift_left3A_564 = arith.constant 16 : i32
        %shift_left3A_565 = vector.broadcast %shift_left3A_564 : i32 to vector<16xi32>
        %shift_left3A_566 = arith.shli %get3A_563, %shift_left3A_565 : vector<16xi32>
        %bitcast3A_567 = vector.bitcast %shift_left3A_566 : vector<16xi32> to vector<16xf32>
        %and3A_568 = arith.constant -65536 : i32
        %and3A_569 = vector.broadcast %and3A_568 : i32 to vector<16xi32>
        %and3A_570 = arith.andi %get3A_563, %and3A_569 : vector<16xi32>
        %bitcast3A_571 = vector.bitcast %and3A_570 : vector<16xi32> to vector<16xf32>
        %get3A_572 = arith.index_cast %add3A_549 : i32 to index
        %get3A_573 = arith.constant 32 : index
        %get3A_574 = tpu.vector_load %arg13[%get3A_572, %get3A_573] {strides = array<i32>} : memref<400x128xi32, #tpu.memory_space<vmem>>, vector<16xi32>,
        %shift_left3A_575 = arith.constant 16 : i32
        %shift_left3A_576 = vector.broadcast %shift_left3A_575 : i32 to vector<16xi32>
        %shift_left3A_577 = arith.shli %get3A_574, %shift_left3A_576 : vector<16xi32>
        %bitcast3A_578 = vector.bitcast %shift_left3A_577 : vector<16xi32> to vector<16xf32>
        %and3A_579 = arith.constant -65536 : i32
        %and3A_580 = vector.broadcast %and3A_579 : i32 to vector<16xi32>
        %and3A_581 = arith.andi %get3A_574, %and3A_580 : vector<16xi32>
        %bitcast3A_582 = vector.bitcast %and3A_581 : vector<16xi32> to vector<16xf32>
        %get3A_583 = arith.index_cast %add3A_549 : i32 to index
        %get3A_584 = arith.constant 48 : index
        %get3A_585 = tpu.vector_load %arg13[%get3A_583, %get3A_584] {strides = array<i32>} : memref<400x128xi32, #tpu.memory_space<vmem>>, vector<16xi32>,
        %shift_left3A_586 = arith.constant 16 : i32
        %shift_left3A_587 = vector.broadcast %shift_left3A_586 : i32 to vector<16xi32>
        %shift_left3A_588 = arith.shli %get3A_585, %shift_left3A_587 : vector<16xi32>
        %bitcast3A_589 = vector.bitcast %shift_left3A_588 : vector<16xi32> to vector<16xf32>
        %and3A_590 = arith.constant -65536 : i32
        %and3A_591 = vector.broadcast %and3A_590 : i32 to vector<16xi32>
        %and3A_592 = arith.andi %get3A_585, %and3A_591 : vector<16xi32>
        %bitcast3A_593 = vector.bitcast %and3A_592 : vector<16xi32> to vector<16xf32>
        %get3A_594 = arith.index_cast %add3A_549 : i32 to index
        %get3A_595 = arith.constant 64 : index
        %get3A_596 = tpu.vector_load %arg13[%get3A_594, %get3A_595] {strides = array<i32>} : memref<400x128xi32, #tpu.memory_space<vmem>>, vector<16xi32>,
        %shift_left3A_597 = arith.constant 16 : i32
        %shift_left3A_598 = vector.broadcast %shift_left3A_597 : i32 to vector<16xi32>
        %shift_left3A_599 = arith.shli %get3A_596, %shift_left3A_598 : vector<16xi32>
        %bitcast3A_600 = vector.bitcast %shift_left3A_599 : vector<16xi32> to vector<16xf32>
        %and3A_601 = arith.constant -65536 : i32
        %and3A_602 = vector.broadcast %and3A_601 : i32 to vector<16xi32>
        %and3A_603 = arith.andi %get3A_596, %and3A_602 : vector<16xi32>
        %bitcast3A_604 = vector.bitcast %and3A_603 : vector<16xi32> to vector<16xf32>
        %get3A_605 = arith.index_cast %add3A_549 : i32 to index
        %get3A_606 = arith.constant 80 : index
        %get3A_607 = tpu.vector_load %arg13[%get3A_605, %get3A_606] {strides = array<i32>} : memref<400x128xi32, #tpu.memory_space<vmem>>, vector<16xi32>,
        %shift_left3A_608 = arith.constant 16 : i32
        %shift_left3A_609 = vector.broadcast %shift_left3A_608 : i32 to vector<16xi32>
        %shift_left3A_610 = arith.shli %get3A_607, %shift_left3A_609 : vector<16xi32>
        %bitcast3A_611 = vector.bitcast %shift_left3A_610 : vector<16xi32> to vector<16xf32>
        %and3A_612 = arith.constant -65536 : i32
        %and3A_613 = vector.broadcast %and3A_612 : i32 to vector<16xi32>
        %and3A_614 = arith.andi %get3A_607, %and3A_613 : vector<16xi32>
        %bitcast3A_615 = vector.bitcast %and3A_614 : vector<16xi32> to vector<16xf32>
        %get3A_616 = arith.index_cast %add3A_549 : i32 to index
        %get3A_617 = arith.constant 96 : index
        %get3A_618 = tpu.vector_load %arg13[%get3A_616, %get3A_617] {strides = array<i32>} : memref<400x128xi32, #tpu.memory_space<vmem>>, vector<16xi32>,
        %shift_left3A_619 = arith.constant 16 : i32
        %shift_left3A_620 = vector.broadcast %shift_left3A_619 : i32 to vector<16xi32>
        %shift_left3A_621 = arith.shli %get3A_618, %shift_left3A_620 : vector<16xi32>
        %bitcast3A_622 = vector.bitcast %shift_left3A_621 : vector<16xi32> to vector<16xf32>
        %and3A_623 = arith.constant -65536 : i32
        %and3A_624 = vector.broadcast %and3A_623 : i32 to vector<16xi32>
        %and3A_625 = arith.andi %get3A_618, %and3A_624 : vector<16xi32>
        %bitcast3A_626 = vector.bitcast %and3A_625 : vector<16xi32> to vector<16xf32>
        %get3A_627 = arith.index_cast %add3A_549 : i32 to index
        %get3A_628 = arith.constant 112 : index
        %get3A_629 = tpu.vector_load %arg13[%get3A_627, %get3A_628] {strides = array<i32>} : memref<400x128xi32, #tpu.memory_space<vmem>>, vector<16xi32>,
        %shift_left3A_630 = arith.constant 16 : i32
        %shift_left3A_631 = vector.broadcast %shift_left3A_630 : i32 to vector<16xi32>
        %shift_left3A_632 = arith.shli %get3A_629, %shift_left3A_631 : vector<16xi32>
        %bitcast3A_633 = vector.bitcast %shift_left3A_632 : vector<16xi32> to vector<16xf32>
        %and3A_634 = arith.constant -65536 : i32
        %and3A_635 = vector.broadcast %and3A_634 : i32 to vector<16xi32>
        %and3A_636 = arith.andi %get3A_629, %and3A_635 : vector<16xi32>
        %bitcast3A_637 = vector.bitcast %and3A_636 : vector<16xi32> to vector<16xf32>
        %add3A_638 = arith.addf %add3A_540, %bitcast3A_560 : vector<16xf32>
        %add3A_639 = arith.addf %add3A_541, %bitcast3A_571 : vector<16xf32>
        %add3A_640 = arith.addf %add3A_542, %bitcast3A_582 : vector<16xf32>
        %add3A_641 = arith.addf %add3A_543, %bitcast3A_593 : vector<16xf32>
        %add3A_642 = arith.addf %add3A_544, %bitcast3A_604 : vector<16xf32>
        %add3A_643 = arith.addf %add3A_545, %bitcast3A_615 : vector<16xf32>
        %add3A_644 = arith.addf %add3A_546, %bitcast3A_626 : vector<16xf32>
        %add3A_645 = arith.addf %add3A_547, %bitcast3A_637 : vector<16xf32>
        %add3A_646 = arith.constant 5 : i32
        %add3A_647 = arith.addi %mul3A_149, %add3A_646 : i32
        %get3A_648 = arith.index_cast %add3A_647 : i32 to index
        %get3A_649 = arith.constant 0 : index
        %get3A_650 = tpu.vector_load %arg13[%get3A_648, %get3A_649] {strides = array<i32>} : memref<400x128xi32, #tpu.memory_space<vmem>>, vector<16xi32>,
        %shift_left3A_651 = arith.constant 16 : i32
        %shift_left3A_652 = vector.broadcast %shift_left3A_651 : i32 to vector<16xi32>
        %shift_left3A_653 = arith.shli %get3A_650, %shift_left3A_652 : vector<16xi32>
        %bitcast3A_654 = vector.bitcast %shift_left3A_653 : vector<16xi32> to vector<16xf32>
        %and3A_655 = arith.constant -65536 : i32
        %and3A_656 = vector.broadcast %and3A_655 : i32 to vector<16xi32>
        %and3A_657 = arith.andi %get3A_650, %and3A_656 : vector<16xi32>
        %bitcast3A_658 = vector.bitcast %and3A_657 : vector<16xi32> to vector<16xf32>
        %get3A_659 = arith.index_cast %add3A_647 : i32 to index
        %get3A_660 = arith.constant 16 : index
        %get3A_661 = tpu.vector_load %arg13[%get3A_659, %get3A_660] {strides = array<i32>} : memref<400x128xi32, #tpu.memory_space<vmem>>, vector<16xi32>,
        %shift_left3A_662 = arith.constant 16 : i32
        %shift_left3A_663 = vector.broadcast %shift_left3A_662 : i32 to vector<16xi32>
        %shift_left3A_664 = arith.shli %get3A_661, %shift_left3A_663 : vector<16xi32>
        %bitcast3A_665 = vector.bitcast %shift_left3A_664 : vector<16xi32> to vector<16xf32>
        %and3A_666 = arith.constant -65536 : i32
        %and3A_667 = vector.broadcast %and3A_666 : i32 to vector<16xi32>
        %and3A_668 = arith.andi %get3A_661, %and3A_667 : vector<16xi32>
        %bitcast3A_669 = vector.bitcast %and3A_668 : vector<16xi32> to vector<16xf32>
        %get3A_670 = arith.index_cast %add3A_647 : i32 to index
        %get3A_671 = arith.constant 32 : index
        %get3A_672 = tpu.vector_load %arg13[%get3A_670, %get3A_671] {strides = array<i32>} : memref<400x128xi32, #tpu.memory_space<vmem>>, vector<16xi32>,
        %shift_left3A_673 = arith.constant 16 : i32
        %shift_left3A_674 = vector.broadcast %shift_left3A_673 : i32 to vector<16xi32>
        %shift_left3A_675 = arith.shli %get3A_672, %shift_left3A_674 : vector<16xi32>
        %bitcast3A_676 = vector.bitcast %shift_left3A_675 : vector<16xi32> to vector<16xf32>
        %and3A_677 = arith.constant -65536 : i32
        %and3A_678 = vector.broadcast %and3A_677 : i32 to vector<16xi32>
        %and3A_679 = arith.andi %get3A_672, %and3A_678 : vector<16xi32>
        %bitcast3A_680 = vector.bitcast %and3A_679 : vector<16xi32> to vector<16xf32>
        %get3A_681 = arith.index_cast %add3A_647 : i32 to index
        %get3A_682 = arith.constant 48 : index
        %get3A_683 = tpu.vector_load %arg13[%get3A_681, %get3A_682] {strides = array<i32>} : memref<400x128xi32, #tpu.memory_space<vmem>>, vector<16xi32>,
        %shift_left3A_684 = arith.constant 16 : i32
        %shift_left3A_685 = vector.broadcast %shift_left3A_684 : i32 to vector<16xi32>
        %shift_left3A_686 = arith.shli %get3A_683, %shift_left3A_685 : vector<16xi32>
        %bitcast3A_687 = vector.bitcast %shift_left3A_686 : vector<16xi32> to vector<16xf32>
        %and3A_688 = arith.constant -65536 : i32
        %and3A_689 = vector.broadcast %and3A_688 : i32 to vector<16xi32>
        %and3A_690 = arith.andi %get3A_683, %and3A_689 : vector<16xi32>
        %bitcast3A_691 = vector.bitcast %and3A_690 : vector<16xi32> to vector<16xf32>
        %get3A_692 = arith.index_cast %add3A_647 : i32 to index
        %get3A_693 = arith.constant 64 : index
        %get3A_694 = tpu.vector_load %arg13[%get3A_692, %get3A_693] {strides = array<i32>} : memref<400x128xi32, #tpu.memory_space<vmem>>, vector<16xi32>,
        %shift_left3A_695 = arith.constant 16 : i32
        %shift_left3A_696 = vector.broadcast %shift_left3A_695 : i32 to vector<16xi32>
        %shift_left3A_697 = arith.shli %get3A_694, %shift_left3A_696 : vector<16xi32>
        %bitcast3A_698 = vector.bitcast %shift_left3A_697 : vector<16xi32> to vector<16xf32>
        %and3A_699 = arith.constant -65536 : i32
        %and3A_700 = vector.broadcast %and3A_699 : i32 to vector<16xi32>
        %and3A_701 = arith.andi %get3A_694, %and3A_700 : vector<16xi32>
        %bitcast3A_702 = vector.bitcast %and3A_701 : vector<16xi32> to vector<16xf32>
        %get3A_703 = arith.index_cast %add3A_647 : i32 to index
        %get3A_704 = arith.constant 80 : index
        %get3A_705 = tpu.vector_load %arg13[%get3A_703, %get3A_704] {strides = array<i32>} : memref<400x128xi32, #tpu.memory_space<vmem>>, vector<16xi32>,
        %shift_left3A_706 = arith.constant 16 : i32
        %shift_left3A_707 = vector.broadcast %shift_left3A_706 : i32 to vector<16xi32>
        %shift_left3A_708 = arith.shli %get3A_705, %shift_left3A_707 : vector<16xi32>
        %bitcast3A_709 = vector.bitcast %shift_left3A_708 : vector<16xi32> to vector<16xf32>
        %and3A_710 = arith.constant -65536 : i32
        %and3A_711 = vector.broadcast %and3A_710 : i32 to vector<16xi32>
        %and3A_712 = arith.andi %get3A_705, %and3A_711 : vector<16xi32>
        %bitcast3A_713 = vector.bitcast %and3A_712 : vector<16xi32> to vector<16xf32>
        %get3A_714 = arith.index_cast %add3A_647 : i32 to index
        %get3A_715 = arith.constant 96 : index
        %get3A_716 = tpu.vector_load %arg13[%get3A_714, %get3A_715] {strides = array<i32>} : memref<400x128xi32, #tpu.memory_space<vmem>>, vector<16xi32>,
        %shift_left3A_717 = arith.constant 16 : i32
        %shift_left3A_718 = vector.broadcast %shift_left3A_717 : i32 to vector<16xi32>
        %shift_left3A_719 = arith.shli %get3A_716, %shift_left3A_718 : vector<16xi32>
        %bitcast3A_720 = vector.bitcast %shift_left3A_719 : vector<16xi32> to vector<16xf32>
        %and3A_721 = arith.constant -65536 : i32
        %and3A_722 = vector.broadcast %and3A_721 : i32 to vector<16xi32>
        %and3A_723 = arith.andi %get3A_716, %and3A_722 : vector<16xi32>
        %bitcast3A_724 = vector.bitcast %and3A_723 : vector<16xi32> to vector<16xf32>
        %get3A_725 = arith.index_cast %add3A_647 : i32 to index
        %get3A_726 = arith.constant 112 : index
        %get3A_727 = tpu.vector_load %arg13[%get3A_725, %get3A_726] {strides = array<i32>} : memref<400x128xi32, #tpu.memory_space<vmem>>, vector<16xi32>,
        %shift_left3A_728 = arith.constant 16 : i32
        %shift_left3A_729 = vector.broadcast %shift_left3A_728 : i32 to vector<16xi32>
        %shift_left3A_730 = arith.shli %get3A_727, %shift_left3A_729 : vector<16xi32>
        %bitcast3A_731 = vector.bitcast %shift_left3A_730 : vector<16xi32> to vector<16xf32>
        %and3A_732 = arith.constant -65536 : i32
        %and3A_733 = vector.broadcast %and3A_732 : i32 to vector<16xi32>
        %and3A_734 = arith.andi %get3A_727, %and3A_733 : vector<16xi32>
        %bitcast3A_735 = vector.bitcast %and3A_734 : vector<16xi32> to vector<16xf32>
        %add3A_736 = arith.addf %add3A_638, %bitcast3A_658 : vector<16xf32>
        %add3A_737 = arith.addf %add3A_639, %bitcast3A_669 : vector<16xf32>
        %add3A_738 = arith.addf %add3A_640, %bitcast3A_680 : vector<16xf32>
        %add3A_739 = arith.addf %add3A_641, %bitcast3A_691 : vector<16xf32>
        %add3A_740 = arith.addf %add3A_642, %bitcast3A_702 : vector<16xf32>
        %add3A_741 = arith.addf %add3A_643, %bitcast3A_713 : vector<16xf32>
        %add3A_742 = arith.addf %add3A_644, %bitcast3A_724 : vector<16xf32>
        %add3A_743 = arith.addf %add3A_645, %bitcast3A_735 : vector<16xf32>
        %add3A_744 = arith.constant 6 : i32
        %add3A_745 = arith.addi %mul3A_149, %add3A_744 : i32
        %get3A_746 = arith.index_cast %add3A_745 : i32 to index
        %get3A_747 = arith.constant 0 : index
        %get3A_748 = tpu.vector_load %arg13[%get3A_746, %get3A_747] {strides = array<i32>} : memref<400x128xi32, #tpu.memory_space<vmem>>, vector<16xi32>,
        %shift_left3A_749 = arith.constant 16 : i32
        %shift_left3A_750 = vector.broadcast %shift_left3A_749 : i32 to vector<16xi32>
        %shift_left3A_751 = arith.shli %get3A_748, %shift_left3A_750 : vector<16xi32>
        %bitcast3A_752 = vector.bitcast %shift_left3A_751 : vector<16xi32> to vector<16xf32>
        %and3A_753 = arith.constant -65536 : i32
        %and3A_754 = vector.broadcast %and3A_753 : i32 to vector<16xi32>
        %and3A_755 = arith.andi %get3A_748, %and3A_754 : vector<16xi32>
        %bitcast3A_756 = vector.bitcast %and3A_755 : vector<16xi32> to vector<16xf32>
        %get3A_757 = arith.index_cast %add3A_745 : i32 to index
        %get3A_758 = arith.constant 16 : index
        %get3A_759 = tpu.vector_load %arg13[%get3A_757, %get3A_758] {strides = array<i32>} : memref<400x128xi32, #tpu.memory_space<vmem>>, vector<16xi32>,
        %shift_left3A_760 = arith.constant 16 : i32
        %shift_left3A_761 = vector.broadcast %shift_left3A_760 : i32 to vector<16xi32>
        %shift_left3A_762 = arith.shli %get3A_759, %shift_left3A_761 : vector<16xi32>
        %bitcast3A_763 = vector.bitcast %shift_left3A_762 : vector<16xi32> to vector<16xf32>
        %and3A_764 = arith.constant -65536 : i32
        %and3A_765 = vector.broadcast %and3A_764 : i32 to vector<16xi32>
        %and3A_766 = arith.andi %get3A_759, %and3A_765 : vector<16xi32>
        %bitcast3A_767 = vector.bitcast %and3A_766 : vector<16xi32> to vector<16xf32>
        %get3A_768 = arith.index_cast %add3A_745 : i32 to index
        %get3A_769 = arith.constant 32 : index
        %get3A_770 = tpu.vector_load %arg13[%get3A_768, %get3A_769] {strides = array<i32>} : memref<400x128xi32, #tpu.memory_space<vmem>>, vector<16xi32>,
        %shift_left3A_771 = arith.constant 16 : i32
        %shift_left3A_772 = vector.broadcast %shift_left3A_771 : i32 to vector<16xi32>
        %shift_left3A_773 = arith.shli %get3A_770, %shift_left3A_772 : vector<16xi32>
        %bitcast3A_774 = vector.bitcast %shift_left3A_773 : vector<16xi32> to vector<16xf32>
        %and3A_775 = arith.constant -65536 : i32
        %and3A_776 = vector.broadcast %and3A_775 : i32 to vector<16xi32>
        %and3A_777 = arith.andi %get3A_770, %and3A_776 : vector<16xi32>
        %bitcast3A_778 = vector.bitcast %and3A_777 : vector<16xi32> to vector<16xf32>
        %get3A_779 = arith.index_cast %add3A_745 : i32 to index
        %get3A_780 = arith.constant 48 : index
        %get3A_781 = tpu.vector_load %arg13[%get3A_779, %get3A_780] {strides = array<i32>} : memref<400x128xi32, #tpu.memory_space<vmem>>, vector<16xi32>,
        %shift_left3A_782 = arith.constant 16 : i32
        %shift_left3A_783 = vector.broadcast %shift_left3A_782 : i32 to vector<16xi32>
        %shift_left3A_784 = arith.shli %get3A_781, %shift_left3A_783 : vector<16xi32>
        %bitcast3A_785 = vector.bitcast %shift_left3A_784 : vector<16xi32> to vector<16xf32>
        %and3A_786 = arith.constant -65536 : i32
        %and3A_787 = vector.broadcast %and3A_786 : i32 to vector<16xi32>
        %and3A_788 = arith.andi %get3A_781, %and3A_787 : vector<16xi32>
        %bitcast3A_789 = vector.bitcast %and3A_788 : vector<16xi32> to vector<16xf32>
        %get3A_790 = arith.index_cast %add3A_745 : i32 to index
        %get3A_791 = arith.constant 64 : index
        %get3A_792 = tpu.vector_load %arg13[%get3A_790, %get3A_791] {strides = array<i32>} : memref<400x128xi32, #tpu.memory_space<vmem>>, vector<16xi32>,
        %shift_left3A_793 = arith.constant 16 : i32
        %shift_left3A_794 = vector.broadcast %shift_left3A_793 : i32 to vector<16xi32>
        %shift_left3A_795 = arith.shli %get3A_792, %shift_left3A_794 : vector<16xi32>
        %bitcast3A_796 = vector.bitcast %shift_left3A_795 : vector<16xi32> to vector<16xf32>
        %and3A_797 = arith.constant -65536 : i32
        %and3A_798 = vector.broadcast %and3A_797 : i32 to vector<16xi32>
        %and3A_799 = arith.andi %get3A_792, %and3A_798 : vector<16xi32>
        %bitcast3A_800 = vector.bitcast %and3A_799 : vector<16xi32> to vector<16xf32>
        %get3A_801 = arith.index_cast %add3A_745 : i32 to index
        %get3A_802 = arith.constant 80 : index
        %get3A_803 = tpu.vector_load %arg13[%get3A_801, %get3A_802] {strides = array<i32>} : memref<400x128xi32, #tpu.memory_space<vmem>>, vector<16xi32>,
        %shift_left3A_804 = arith.constant 16 : i32
        %shift_left3A_805 = vector.broadcast %shift_left3A_804 : i32 to vector<16xi32>
        %shift_left3A_806 = arith.shli %get3A_803, %shift_left3A_805 : vector<16xi32>
        %bitcast3A_807 = vector.bitcast %shift_left3A_806 : vector<16xi32> to vector<16xf32>
        %and3A_808 = arith.constant -65536 : i32
        %and3A_809 = vector.broadcast %and3A_808 : i32 to vector<16xi32>
        %and3A_810 = arith.andi %get3A_803, %and3A_809 : vector<16xi32>
        %bitcast3A_811 = vector.bitcast %and3A_810 : vector<16xi32> to vector<16xf32>
        %get3A_812 = arith.index_cast %add3A_745 : i32 to index
        %get3A_813 = arith.constant 96 : index
        %get3A_814 = tpu.vector_load %arg13[%get3A_812, %get3A_813] {strides = array<i32>} : memref<400x128xi32, #tpu.memory_space<vmem>>, vector<16xi32>,
        %shift_left3A_815 = arith.constant 16 : i32
        %shift_left3A_816 = vector.broadcast %shift_left3A_815 : i32 to vector<16xi32>
        %shift_left3A_817 = arith.shli %get3A_814, %shift_left3A_816 : vector<16xi32>
        %bitcast3A_818 = vector.bitcast %shift_left3A_817 : vector<16xi32> to vector<16xf32>
        %and3A_819 = arith.constant -65536 : i32
        %and3A_820 = vector.broadcast %and3A_819 : i32 to vector<16xi32>
        %and3A_821 = arith.andi %get3A_814, %and3A_820 : vector<16xi32>
        %bitcast3A_822 = vector.bitcast %and3A_821 : vector<16xi32> to vector<16xf32>
        %get3A_823 = arith.index_cast %add3A_745 : i32 to index
        %get3A_824 = arith.constant 112 : index
        %get3A_825 = tpu.vector_load %arg13[%get3A_823, %get3A_824] {strides = array<i32>} : memref<400x128xi32, #tpu.memory_space<vmem>>, vector<16xi32>,
        %shift_left3A_826 = arith.constant 16 : i32
        %shift_left3A_827 = vector.broadcast %shift_left3A_826 : i32 to vector<16xi32>
        %shift_left3A_828 = arith.shli %get3A_825, %shift_left3A_827 : vector<16xi32>
        %bitcast3A_829 = vector.bitcast %shift_left3A_828 : vector<16xi32> to vector<16xf32>
        %and3A_830 = arith.constant -65536 : i32
        %and3A_831 = vector.broadcast %and3A_830 : i32 to vector<16xi32>
        %and3A_832 = arith.andi %get3A_825, %and3A_831 : vector<16xi32>
        %bitcast3A_833 = vector.bitcast %and3A_832 : vector<16xi32> to vector<16xf32>
        %add3A_834 = arith.addf %add3A_736, %bitcast3A_756 : vector<16xf32>
        %add3A_835 = arith.addf %add3A_737, %bitcast3A_767 : vector<16xf32>
        %add3A_836 = arith.addf %add3A_738, %bitcast3A_778 : vector<16xf32>
        %add3A_837 = arith.addf %add3A_739, %bitcast3A_789 : vector<16xf32>
        %add3A_838 = arith.addf %add3A_740, %bitcast3A_800 : vector<16xf32>
        %add3A_839 = arith.addf %add3A_741, %bitcast3A_811 : vector<16xf32>
        %add3A_840 = arith.addf %add3A_742, %bitcast3A_822 : vector<16xf32>
        %add3A_841 = arith.addf %add3A_743, %bitcast3A_833 : vector<16xf32>
        %add3A_842 = arith.constant 7 : i32
        %add3A_843 = arith.addi %mul3A_149, %add3A_842 : i32
        %get3A_844 = arith.index_cast %add3A_843 : i32 to index
        %get3A_845 = arith.constant 0 : index
        %get3A_846 = tpu.vector_load %arg13[%get3A_844, %get3A_845] {strides = array<i32>} : memref<400x128xi32, #tpu.memory_space<vmem>>, vector<16xi32>,
        %shift_left3A_847 = arith.constant 16 : i32
        %shift_left3A_848 = vector.broadcast %shift_left3A_847 : i32 to vector<16xi32>
        %shift_left3A_849 = arith.shli %get3A_846, %shift_left3A_848 : vector<16xi32>
        %bitcast3A_850 = vector.bitcast %shift_left3A_849 : vector<16xi32> to vector<16xf32>
        %and3A_851 = arith.constant -65536 : i32
        %and3A_852 = vector.broadcast %and3A_851 : i32 to vector<16xi32>
        %and3A_853 = arith.andi %get3A_846, %and3A_852 : vector<16xi32>
        %bitcast3A_854 = vector.bitcast %and3A_853 : vector<16xi32> to vector<16xf32>
        %get3A_855 = arith.index_cast %add3A_843 : i32 to index
        %get3A_856 = arith.constant 16 : index
        %get3A_857 = tpu.vector_load %arg13[%get3A_855, %get3A_856] {strides = array<i32>} : memref<400x128xi32, #tpu.memory_space<vmem>>, vector<16xi32>,
        %shift_left3A_858 = arith.constant 16 : i32
        %shift_left3A_859 = vector.broadcast %shift_left3A_858 : i32 to vector<16xi32>
        %shift_left3A_860 = arith.shli %get3A_857, %shift_left3A_859 : vector<16xi32>
        %bitcast3A_861 = vector.bitcast %shift_left3A_860 : vector<16xi32> to vector<16xf32>
        %and3A_862 = arith.constant -65536 : i32
        %and3A_863 = vector.broadcast %and3A_862 : i32 to vector<16xi32>
        %and3A_864 = arith.andi %get3A_857, %and3A_863 : vector<16xi32>
        %bitcast3A_865 = vector.bitcast %and3A_864 : vector<16xi32> to vector<16xf32>
        %get3A_866 = arith.index_cast %add3A_843 : i32 to index
        %get3A_867 = arith.constant 32 : index
        %get3A_868 = tpu.vector_load %arg13[%get3A_866, %get3A_867] {strides = array<i32>} : memref<400x128xi32, #tpu.memory_space<vmem>>, vector<16xi32>,
        %shift_left3A_869 = arith.constant 16 : i32
        %shift_left3A_870 = vector.broadcast %shift_left3A_869 : i32 to vector<16xi32>
        %shift_left3A_871 = arith.shli %get3A_868, %shift_left3A_870 : vector<16xi32>
        %bitcast3A_872 = vector.bitcast %shift_left3A_871 : vector<16xi32> to vector<16xf32>
        %and3A_873 = arith.constant -65536 : i32
        %and3A_874 = vector.broadcast %and3A_873 : i32 to vector<16xi32>
        %and3A_875 = arith.andi %get3A_868, %and3A_874 : vector<16xi32>
        %bitcast3A_876 = vector.bitcast %and3A_875 : vector<16xi32> to vector<16xf32>
        %get3A_877 = arith.index_cast %add3A_843 : i32 to index
        %get3A_878 = arith.constant 48 : index
        %get3A_879 = tpu.vector_load %arg13[%get3A_877, %get3A_878] {strides = array<i32>} : memref<400x128xi32, #tpu.memory_space<vmem>>, vector<16xi32>,
        %shift_left3A_880 = arith.constant 16 : i32
        %shift_left3A_881 = vector.broadcast %shift_left3A_880 : i32 to vector<16xi32>
        %shift_left3A_882 = arith.shli %get3A_879, %shift_left3A_881 : vector<16xi32>
        %bitcast3A_883 = vector.bitcast %shift_left3A_882 : vector<16xi32> to vector<16xf32>
        %and3A_884 = arith.constant -65536 : i32
        %and3A_885 = vector.broadcast %and3A_884 : i32 to vector<16xi32>
        %and3A_886 = arith.andi %get3A_879, %and3A_885 : vector<16xi32>
        %bitcast3A_887 = vector.bitcast %and3A_886 : vector<16xi32> to vector<16xf32>
        %get3A_888 = arith.index_cast %add3A_843 : i32 to index
        %get3A_889 = arith.constant 64 : index
        %get3A_890 = tpu.vector_load %arg13[%get3A_888, %get3A_889] {strides = array<i32>} : memref<400x128xi32, #tpu.memory_space<vmem>>, vector<16xi32>,
        %shift_left3A_891 = arith.constant 16 : i32
        %shift_left3A_892 = vector.broadcast %shift_left3A_891 : i32 to vector<16xi32>
        %shift_left3A_893 = arith.shli %get3A_890, %shift_left3A_892 : vector<16xi32>
        %bitcast3A_894 = vector.bitcast %shift_left3A_893 : vector<16xi32> to vector<16xf32>
        %and3A_895 = arith.constant -65536 : i32
        %and3A_896 = vector.broadcast %and3A_895 : i32 to vector<16xi32>
        %and3A_897 = arith.andi %get3A_890, %and3A_896 : vector<16xi32>
        %bitcast3A_898 = vector.bitcast %and3A_897 : vector<16xi32> to vector<16xf32>
        %get3A_899 = arith.index_cast %add3A_843 : i32 to index
        %get3A_900 = arith.constant 80 : index
        %get3A_901 = tpu.vector_load %arg13[%get3A_899, %get3A_900] {strides = array<i32>} : memref<400x128xi32, #tpu.memory_space<vmem>>, vector<16xi32>,
        %shift_left3A_902 = arith.constant 16 : i32
        %shift_left3A_903 = vector.broadcast %shift_left3A_902 : i32 to vector<16xi32>
        %shift_left3A_904 = arith.shli %get3A_901, %shift_left3A_903 : vector<16xi32>
        %bitcast3A_905 = vector.bitcast %shift_left3A_904 : vector<16xi32> to vector<16xf32>
        %and3A_906 = arith.constant -65536 : i32
        %and3A_907 = vector.broadcast %and3A_906 : i32 to vector<16xi32>
        %and3A_908 = arith.andi %get3A_901, %and3A_907 : vector<16xi32>
        %bitcast3A_909 = vector.bitcast %and3A_908 : vector<16xi32> to vector<16xf32>
        %get3A_910 = arith.index_cast %add3A_843 : i32 to index
        %get3A_911 = arith.constant 96 : index
        %get3A_912 = tpu.vector_load %arg13[%get3A_910, %get3A_911] {strides = array<i32>} : memref<400x128xi32, #tpu.memory_space<vmem>>, vector<16xi32>,
        %shift_left3A_913 = arith.constant 16 : i32
        %shift_left3A_914 = vector.broadcast %shift_left3A_913 : i32 to vector<16xi32>
        %shift_left3A_915 = arith.shli %get3A_912, %shift_left3A_914 : vector<16xi32>
        %bitcast3A_916 = vector.bitcast %shift_left3A_915 : vector<16xi32> to vector<16xf32>
        %and3A_917 = arith.constant -65536 : i32
        %and3A_918 = vector.broadcast %and3A_917 : i32 to vector<16xi32>
        %and3A_919 = arith.andi %get3A_912, %and3A_918 : vector<16xi32>
        %bitcast3A_920 = vector.bitcast %and3A_919 : vector<16xi32> to vector<16xf32>
        %get3A_921 = arith.index_cast %add3A_843 : i32 to index
        %get3A_922 = arith.constant 112 : index
        %get3A_923 = tpu.vector_load %arg13[%get3A_921, %get3A_922] {strides = array<i32>} : memref<400x128xi32, #tpu.memory_space<vmem>>, vector<16xi32>,
        %shift_left3A_924 = arith.constant 16 : i32
        %shift_left3A_925 = vector.broadcast %shift_left3A_924 : i32 to vector<16xi32>
        %shift_left3A_926 = arith.shli %get3A_923, %shift_left3A_925 : vector<16xi32>
        %bitcast3A_927 = vector.bitcast %shift_left3A_926 : vector<16xi32> to vector<16xf32>
        %and3A_928 = arith.constant -65536 : i32
        %and3A_929 = vector.broadcast %and3A_928 : i32 to vector<16xi32>
        %and3A_930 = arith.andi %get3A_923, %and3A_929 : vector<16xi32>
        %bitcast3A_931 = vector.bitcast %and3A_930 : vector<16xi32> to vector<16xf32>
        %add3A_932 = arith.addf %add3A_834, %bitcast3A_854 : vector<16xf32>
        %add3A_933 = arith.addf %add3A_835, %bitcast3A_865 : vector<16xf32>
        %add3A_934 = arith.addf %add3A_836, %bitcast3A_876 : vector<16xf32>
        %add3A_935 = arith.addf %add3A_837, %bitcast3A_887 : vector<16xf32>
        %add3A_936 = arith.addf %add3A_838, %bitcast3A_898 : vector<16xf32>
        %add3A_937 = arith.addf %add3A_839, %bitcast3A_909 : vector<16xf32>
        %add3A_938 = arith.addf %add3A_840, %bitcast3A_920 : vector<16xf32>
        %add3A_939 = arith.addf %add3A_841, %bitcast3A_931 : vector<16xf32>
        %add3A_940 = arith.constant 8 : i32
        %add3A_941 = arith.addi %mul3A_149, %add3A_940 : i32
        %get3A_942 = arith.index_cast %add3A_941 : i32 to index
        %get3A_943 = arith.constant 0 : index
        %get3A_944 = tpu.vector_load %arg13[%get3A_942, %get3A_943] {strides = array<i32>} : memref<400x128xi32, #tpu.memory_space<vmem>>, vector<16xi32>,
        %shift_left3A_945 = arith.constant 16 : i32
        %shift_left3A_946 = vector.broadcast %shift_left3A_945 : i32 to vector<16xi32>
        %shift_left3A_947 = arith.shli %get3A_944, %shift_left3A_946 : vector<16xi32>
        %bitcast3A_948 = vector.bitcast %shift_left3A_947 : vector<16xi32> to vector<16xf32>
        %and3A_949 = arith.constant -65536 : i32
        %and3A_950 = vector.broadcast %and3A_949 : i32 to vector<16xi32>
        %and3A_951 = arith.andi %get3A_944, %and3A_950 : vector<16xi32>
        %bitcast3A_952 = vector.bitcast %and3A_951 : vector<16xi32> to vector<16xf32>
        %get3A_953 = arith.index_cast %add3A_941 : i32 to index
        %get3A_954 = arith.constant 16 : index
        %get3A_955 = tpu.vector_load %arg13[%get3A_953, %get3A_954] {strides = array<i32>} : memref<400x128xi32, #tpu.memory_space<vmem>>, vector<16xi32>,
        %shift_left3A_956 = arith.constant 16 : i32
        %shift_left3A_957 = vector.broadcast %shift_left3A_956 : i32 to vector<16xi32>
        %shift_left3A_958 = arith.shli %get3A_955, %shift_left3A_957 : vector<16xi32>
        %bitcast3A_959 = vector.bitcast %shift_left3A_958 : vector<16xi32> to vector<16xf32>
        %and3A_960 = arith.constant -65536 : i32
        %and3A_961 = vector.broadcast %and3A_960 : i32 to vector<16xi32>
        %and3A_962 = arith.andi %get3A_955, %and3A_961 : vector<16xi32>
        %bitcast3A_963 = vector.bitcast %and3A_962 : vector<16xi32> to vector<16xf32>
        %get3A_964 = arith.index_cast %add3A_941 : i32 to index
        %get3A_965 = arith.constant 32 : index
        %get3A_966 = tpu.vector_load %arg13[%get3A_964, %get3A_965] {strides = array<i32>} : memref<400x128xi32, #tpu.memory_space<vmem>>, vector<16xi32>,
        %shift_left3A_967 = arith.constant 16 : i32
        %shift_left3A_968 = vector.broadcast %shift_left3A_967 : i32 to vector<16xi32>
        %shift_left3A_969 = arith.shli %get3A_966, %shift_left3A_968 : vector<16xi32>
        %bitcast3A_970 = vector.bitcast %shift_left3A_969 : vector<16xi32> to vector<16xf32>
        %and3A_971 = arith.constant -65536 : i32
        %and3A_972 = vector.broadcast %and3A_971 : i32 to vector<16xi32>
        %and3A_973 = arith.andi %get3A_966, %and3A_972 : vector<16xi32>
        %bitcast3A_974 = vector.bitcast %and3A_973 : vector<16xi32> to vector<16xf32>
        %get3A_975 = arith.index_cast %add3A_941 : i32 to index
        %get3A_976 = arith.constant 48 : index
        %get3A_977 = tpu.vector_load %arg13[%get3A_975, %get3A_976] {strides = array<i32>} : memref<400x128xi32, #tpu.memory_space<vmem>>, vector<16xi32>,
        %shift_left3A_978 = arith.constant 16 : i32
        %shift_left3A_979 = vector.broadcast %shift_left3A_978 : i32 to vector<16xi32>
        %shift_left3A_980 = arith.shli %get3A_977, %shift_left3A_979 : vector<16xi32>
        %bitcast3A_981 = vector.bitcast %shift_left3A_980 : vector<16xi32> to vector<16xf32>
        %and3A_982 = arith.constant -65536 : i32
        %and3A_983 = vector.broadcast %and3A_982 : i32 to vector<16xi32>
        %and3A_984 = arith.andi %get3A_977, %and3A_983 : vector<16xi32>
        %bitcast3A_985 = vector.bitcast %and3A_984 : vector<16xi32> to vector<16xf32>
        %get3A_986 = arith.index_cast %add3A_941 : i32 to index
        %get3A_987 = arith.constant 64 : index
        %get3A_988 = tpu.vector_load %arg13[%get3A_986, %get3A_987] {strides = array<i32>} : memref<400x128xi32, #tpu.memory_space<vmem>>, vector<16xi32>,
        %shift_left3A_989 = arith.constant 16 : i32
        %shift_left3A_990 = vector.broadcast %shift_left3A_989 : i32 to vector<16xi32>
        %shift_left3A_991 = arith.shli %get3A_988, %shift_left3A_990 : vector<16xi32>
        %bitcast3A_992 = vector.bitcast %shift_left3A_991 : vector<16xi32> to vector<16xf32>
        %and3A_993 = arith.constant -65536 : i32
        %and3A_994 = vector.broadcast %and3A_993 : i32 to vector<16xi32>
        %and3A_995 = arith.andi %get3A_988, %and3A_994 : vector<16xi32>
        %bitcast3A_996 = vector.bitcast %and3A_995 : vector<16xi32> to vector<16xf32>
        %get3A_997 = arith.index_cast %add3A_941 : i32 to index
        %get3A_998 = arith.constant 80 : index
        %get3A_999 = tpu.vector_load %arg13[%get3A_997, %get3A_998] {strides = array<i32>} : memref<400x128xi32, #tpu.memory_space<vmem>>, vector<16xi32>,
        %shift_left3A_1000 = arith.constant 16 : i32
        %shift_left3A_1001 = vector.broadcast %shift_left3A_1000 : i32 to vector<16xi32>
        %shift_left3A_1002 = arith.shli %get3A_999, %shift_left3A_1001 : vector<16xi32>
        %bitcast3A_1003 = vector.bitcast %shift_left3A_1002 : vector<16xi32> to vector<16xf32>
        %and3A_1004 = arith.constant -65536 : i32
        %and3A_1005 = vector.broadcast %and3A_1004 : i32 to vector<16xi32>
        %and3A_1006 = arith.andi %get3A_999, %and3A_1005 : vector<16xi32>
        %bitcast3A_1007 = vector.bitcast %and3A_1006 : vector<16xi32> to vector<16xf32>
        %get3A_1008 = arith.index_cast %add3A_941 : i32 to index
        %get3A_1009 = arith.constant 96 : index
        %get3A_1010 = tpu.vector_load %arg13[%get3A_1008, %get3A_1009] {strides = array<i32>} : memref<400x128xi32, #tpu.memory_space<vmem>>, vector<16xi32>,
        %shift_left3A_1011 = arith.constant 16 : i32
        %shift_left3A_1012 = vector.broadcast %shift_left3A_1011 : i32 to vector<16xi32>
        %shift_left3A_1013 = arith.shli %get3A_1010, %shift_left3A_1012 : vector<16xi32>
        %bitcast3A_1014 = vector.bitcast %shift_left3A_1013 : vector<16xi32> to vector<16xf32>
        %and3A_1015 = arith.constant -65536 : i32
        %and3A_1016 = vector.broadcast %and3A_1015 : i32 to vector<16xi32>
        %and3A_1017 = arith.andi %get3A_1010, %and3A_1016 : vector<16xi32>
        %bitcast3A_1018 = vector.bitcast %and3A_1017 : vector<16xi32> to vector<16xf32>
        %get3A_1019 = arith.index_cast %add3A_941 : i32 to index
        %get3A_1020 = arith.constant 112 : index
        %get3A_1021 = tpu.vector_load %arg13[%get3A_1019, %get3A_1020] {strides = array<i32>} : memref<400x128xi32, #tpu.memory_space<vmem>>, vector<16xi32>,
        %shift_left3A_1022 = arith.constant 16 : i32
        %shift_left3A_1023 = vector.broadcast %shift_left3A_1022 : i32 to vector<16xi32>
        %shift_left3A_1024 = arith.shli %get3A_1021, %shift_left3A_1023 : vector<16xi32>
        %bitcast3A_1025 = vector.bitcast %shift_left3A_1024 : vector<16xi32> to vector<16xf32>
        %and3A_1026 = arith.constant -65536 : i32
        %and3A_1027 = vector.broadcast %and3A_1026 : i32 to vector<16xi32>
        %and3A_1028 = arith.andi %get3A_1021, %and3A_1027 : vector<16xi32>
        %bitcast3A_1029 = vector.bitcast %and3A_1028 : vector<16xi32> to vector<16xf32>
        %add3A_1030 = arith.addf %add3A_932, %bitcast3A_952 : vector<16xf32>
        %add3A_1031 = arith.addf %add3A_933, %bitcast3A_963 : vector<16xf32>
        %add3A_1032 = arith.addf %add3A_934, %bitcast3A_974 : vector<16xf32>
        %add3A_1033 = arith.addf %add3A_935, %bitcast3A_985 : vector<16xf32>
        %add3A_1034 = arith.addf %add3A_936, %bitcast3A_996 : vector<16xf32>
        %add3A_1035 = arith.addf %add3A_937, %bitcast3A_1007 : vector<16xf32>
        %add3A_1036 = arith.addf %add3A_938, %bitcast3A_1018 : vector<16xf32>
        %add3A_1037 = arith.addf %add3A_939, %bitcast3A_1029 : vector<16xf32>
        %add3A_1038 = arith.constant 9 : i32
        %add3A_1039 = arith.addi %mul3A_149, %add3A_1038 : i32
        %get3A_1040 = arith.index_cast %add3A_1039 : i32 to index
        %get3A_1041 = arith.constant 0 : index
        %get3A_1042 = tpu.vector_load %arg13[%get3A_1040, %get3A_1041] {strides = array<i32>} : memref<400x128xi32, #tpu.memory_space<vmem>>, vector<16xi32>,
        %shift_left3A_1043 = arith.constant 16 : i32
        %shift_left3A_1044 = vector.broadcast %shift_left3A_1043 : i32 to vector<16xi32>
        %shift_left3A_1045 = arith.shli %get3A_1042, %shift_left3A_1044 : vector<16xi32>
        %bitcast3A_1046 = vector.bitcast %shift_left3A_1045 : vector<16xi32> to vector<16xf32>
        %and3A_1047 = arith.constant -65536 : i32
        %and3A_1048 = vector.broadcast %and3A_1047 : i32 to vector<16xi32>
        %and3A_1049 = arith.andi %get3A_1042, %and3A_1048 : vector<16xi32>
        %bitcast3A_1050 = vector.bitcast %and3A_1049 : vector<16xi32> to vector<16xf32>
        %get3A_1051 = arith.index_cast %add3A_1039 : i32 to index
        %get3A_1052 = arith.constant 16 : index
        %get3A_1053 = tpu.vector_load %arg13[%get3A_1051, %get3A_1052] {strides = array<i32>} : memref<400x128xi32, #tpu.memory_space<vmem>>, vector<16xi32>,
        %shift_left3A_1054 = arith.constant 16 : i32
        %shift_left3A_1055 = vector.broadcast %shift_left3A_1054 : i32 to vector<16xi32>
        %shift_left3A_1056 = arith.shli %get3A_1053, %shift_left3A_1055 : vector<16xi32>
        %bitcast3A_1057 = vector.bitcast %shift_left3A_1056 : vector<16xi32> to vector<16xf32>
        %and3A_1058 = arith.constant -65536 : i32
        %and3A_1059 = vector.broadcast %and3A_1058 : i32 to vector<16xi32>
        %and3A_1060 = arith.andi %get3A_1053, %and3A_1059 : vector<16xi32>
        %bitcast3A_1061 = vector.bitcast %and3A_1060 : vector<16xi32> to vector<16xf32>
        %get3A_1062 = arith.index_cast %add3A_1039 : i32 to index
        %get3A_1063 = arith.constant 32 : index
        %get3A_1064 = tpu.vector_load %arg13[%get3A_1062, %get3A_1063] {strides = array<i32>} : memref<400x128xi32, #tpu.memory_space<vmem>>, vector<16xi32>,
        %shift_left3A_1065 = arith.constant 16 : i32
        %shift_left3A_1066 = vector.broadcast %shift_left3A_1065 : i32 to vector<16xi32>
        %shift_left3A_1067 = arith.shli %get3A_1064, %shift_left3A_1066 : vector<16xi32>
        %bitcast3A_1068 = vector.bitcast %shift_left3A_1067 : vector<16xi32> to vector<16xf32>
        %and3A_1069 = arith.constant -65536 : i32
        %and3A_1070 = vector.broadcast %and3A_1069 : i32 to vector<16xi32>
        %and3A_1071 = arith.andi %get3A_1064, %and3A_1070 : vector<16xi32>
        %bitcast3A_1072 = vector.bitcast %and3A_1071 : vector<16xi32> to vector<16xf32>
        %get3A_1073 = arith.index_cast %add3A_1039 : i32 to index
        %get3A_1074 = arith.constant 48 : index
        %get3A_1075 = tpu.vector_load %arg13[%get3A_1073, %get3A_1074] {strides = array<i32>} : memref<400x128xi32, #tpu.memory_space<vmem>>, vector<16xi32>,
        %shift_left3A_1076 = arith.constant 16 : i32
        %shift_left3A_1077 = vector.broadcast %shift_left3A_1076 : i32 to vector<16xi32>
        %shift_left3A_1078 = arith.shli %get3A_1075, %shift_left3A_1077 : vector<16xi32>
        %bitcast3A_1079 = vector.bitcast %shift_left3A_1078 : vector<16xi32> to vector<16xf32>
        %and3A_1080 = arith.constant -65536 : i32
        %and3A_1081 = vector.broadcast %and3A_1080 : i32 to vector<16xi32>
        %and3A_1082 = arith.andi %get3A_1075, %and3A_1081 : vector<16xi32>
        %bitcast3A_1083 = vector.bitcast %and3A_1082 : vector<16xi32> to vector<16xf32>
        %get3A_1084 = arith.index_cast %add3A_1039 : i32 to index
        %get3A_1085 = arith.constant 64 : index
        %get3A_1086 = tpu.vector_load %arg13[%get3A_1084, %get3A_1085] {strides = array<i32>} : memref<400x128xi32, #tpu.memory_space<vmem>>, vector<16xi32>,
        %shift_left3A_1087 = arith.constant 16 : i32
        %shift_left3A_1088 = vector.broadcast %shift_left3A_1087 : i32 to vector<16xi32>
        %shift_left3A_1089 = arith.shli %get3A_1086, %shift_left3A_1088 : vector<16xi32>
        %bitcast3A_1090 = vector.bitcast %shift_left3A_1089 : vector<16xi32> to vector<16xf32>
        %and3A_1091 = arith.constant -65536 : i32
        %and3A_1092 = vector.broadcast %and3A_1091 : i32 to vector<16xi32>
        %and3A_1093 = arith.andi %get3A_1086, %and3A_1092 : vector<16xi32>
        %bitcast3A_1094 = vector.bitcast %and3A_1093 : vector<16xi32> to vector<16xf32>
        %get3A_1095 = arith.index_cast %add3A_1039 : i32 to index
        %get3A_1096 = arith.constant 80 : index
        %get3A_1097 = tpu.vector_load %arg13[%get3A_1095, %get3A_1096] {strides = array<i32>} : memref<400x128xi32, #tpu.memory_space<vmem>>, vector<16xi32>,
        %shift_left3A_1098 = arith.constant 16 : i32
        %shift_left3A_1099 = vector.broadcast %shift_left3A_1098 : i32 to vector<16xi32>
        %shift_left3A_1100 = arith.shli %get3A_1097, %shift_left3A_1099 : vector<16xi32>
        %bitcast3A_1101 = vector.bitcast %shift_left3A_1100 : vector<16xi32> to vector<16xf32>
        %and3A_1102 = arith.constant -65536 : i32
        %and3A_1103 = vector.broadcast %and3A_1102 : i32 to vector<16xi32>
        %and3A_1104 = arith.andi %get3A_1097, %and3A_1103 : vector<16xi32>
        %bitcast3A_1105 = vector.bitcast %and3A_1104 : vector<16xi32> to vector<16xf32>
        %get3A_1106 = arith.index_cast %add3A_1039 : i32 to index
        %get3A_1107 = arith.constant 96 : index
        %get3A_1108 = tpu.vector_load %arg13[%get3A_1106, %get3A_1107] {strides = array<i32>} : memref<400x128xi32, #tpu.memory_space<vmem>>, vector<16xi32>,
        %shift_left3A_1109 = arith.constant 16 : i32
        %shift_left3A_1110 = vector.broadcast %shift_left3A_1109 : i32 to vector<16xi32>
        %shift_left3A_1111 = arith.shli %get3A_1108, %shift_left3A_1110 : vector<16xi32>
        %bitcast3A_1112 = vector.bitcast %shift_left3A_1111 : vector<16xi32> to vector<16xf32>
        %and3A_1113 = arith.constant -65536 : i32
        %and3A_1114 = vector.broadcast %and3A_1113 : i32 to vector<16xi32>
        %and3A_1115 = arith.andi %get3A_1108, %and3A_1114 : vector<16xi32>
        %bitcast3A_1116 = vector.bitcast %and3A_1115 : vector<16xi32> to vector<16xf32>
        %get3A_1117 = arith.index_cast %add3A_1039 : i32 to index
        %get3A_1118 = arith.constant 112 : index
        %get3A_1119 = tpu.vector_load %arg13[%get3A_1117, %get3A_1118] {strides = array<i32>} : memref<400x128xi32, #tpu.memory_space<vmem>>, vector<16xi32>,
        %shift_left3A_1120 = arith.constant 16 : i32
        %shift_left3A_1121 = vector.broadcast %shift_left3A_1120 : i32 to vector<16xi32>
        %shift_left3A_1122 = arith.shli %get3A_1119, %shift_left3A_1121 : vector<16xi32>
        %bitcast3A_1123 = vector.bitcast %shift_left3A_1122 : vector<16xi32> to vector<16xf32>
        %and3A_1124 = arith.constant -65536 : i32
        %and3A_1125 = vector.broadcast %and3A_1124 : i32 to vector<16xi32>
        %and3A_1126 = arith.andi %get3A_1119, %and3A_1125 : vector<16xi32>
        %bitcast3A_1127 = vector.bitcast %and3A_1126 : vector<16xi32> to vector<16xf32>
        %add3A_1128 = arith.addf %add3A_1030, %bitcast3A_1050 : vector<16xf32>
        %add3A_1129 = arith.addf %add3A_1031, %bitcast3A_1061 : vector<16xf32>
        %add3A_1130 = arith.addf %add3A_1032, %bitcast3A_1072 : vector<16xf32>
        %add3A_1131 = arith.addf %add3A_1033, %bitcast3A_1083 : vector<16xf32>
        %add3A_1132 = arith.addf %add3A_1034, %bitcast3A_1094 : vector<16xf32>
        %add3A_1133 = arith.addf %add3A_1035, %bitcast3A_1105 : vector<16xf32>
        %add3A_1134 = arith.addf %add3A_1036, %bitcast3A_1116 : vector<16xf32>
        %add3A_1135 = arith.addf %add3A_1037, %bitcast3A_1127 : vector<16xf32>
        %mul3A_1136 = arith.constant 1.000000e-01 : f32
        %mul3A_1137 = vector.broadcast %mul3A_1136 : f32 to vector<16xf32>
        %mul3A_1138 = arith.mulf %add3A_1128, %mul3A_1137 : vector<16xf32>
        %max3A = arith.constant 0.000000e+00 : f32
        %max3A_1139 = vector.broadcast %max3A : f32 to vector<16xf32>
        %max3A_1140 = arith.maximumf %mul3A_1138, %max3A_1139 : vector<16xf32>
        %mul3A_1141 = arith.constant 4.000000e-02 : f32
        %mul3A_1142 = vector.broadcast %mul3A_1141 : f32 to vector<16xf32>
        %mul3A_1143 = arith.mulf %max3A_1140, %mul3A_1142 : vector<16xf32>
        %add3A_1144 = arith.addf %scan3A_140, %mul3A_1143 : vector<16xf32>
        %mul3A_1145 = arith.constant 1.000000e-01 : f32
        %mul3A_1146 = vector.broadcast %mul3A_1145 : f32 to vector<16xf32>
        %mul3A_1147 = arith.mulf %add3A_1129, %mul3A_1146 : vector<16xf32>
        %max3A_1148 = arith.constant 0.000000e+00 : f32
        %max3A_1149 = vector.broadcast %max3A_1148 : f32 to vector<16xf32>
        %max3A_1150 = arith.maximumf %mul3A_1147, %max3A_1149 : vector<16xf32>
        %mul3A_1151 = arith.constant 4.000000e-02 : f32
        %mul3A_1152 = vector.broadcast %mul3A_1151 : f32 to vector<16xf32>
        %mul3A_1153 = arith.mulf %max3A_1150, %mul3A_1152 : vector<16xf32>
        %add3A_1154 = arith.addf %scan3A_141, %mul3A_1153 : vector<16xf32>
        %mul3A_1155 = arith.constant 1.000000e-01 : f32
        %mul3A_1156 = vector.broadcast %mul3A_1155 : f32 to vector<16xf32>
        %mul3A_1157 = arith.mulf %add3A_1130, %mul3A_1156 : vector<16xf32>
        %max3A_1158 = arith.constant 0.000000e+00 : f32
        %max3A_1159 = vector.broadcast %max3A_1158 : f32 to vector<16xf32>
        %max3A_1160 = arith.maximumf %mul3A_1157, %max3A_1159 : vector<16xf32>
        %mul3A_1161 = arith.constant 4.000000e-02 : f32
        %mul3A_1162 = vector.broadcast %mul3A_1161 : f32 to vector<16xf32>
        %mul3A_1163 = arith.mulf %max3A_1160, %mul3A_1162 : vector<16xf32>
        %add3A_1164 = arith.addf %scan3A_142, %mul3A_1163 : vector<16xf32>
        %mul3A_1165 = arith.constant 1.000000e-01 : f32
        %mul3A_1166 = vector.broadcast %mul3A_1165 : f32 to vector<16xf32>
        %mul3A_1167 = arith.mulf %add3A_1131, %mul3A_1166 : vector<16xf32>
        %max3A_1168 = arith.constant 0.000000e+00 : f32
        %max3A_1169 = vector.broadcast %max3A_1168 : f32 to vector<16xf32>
        %max3A_1170 = arith.maximumf %mul3A_1167, %max3A_1169 : vector<16xf32>
        %mul3A_1171 = arith.constant 4.000000e-02 : f32
        %mul3A_1172 = vector.broadcast %mul3A_1171 : f32 to vector<16xf32>
        %mul3A_1173 = arith.mulf %max3A_1170, %mul3A_1172 : vector<16xf32>
        %add3A_1174 = arith.addf %scan3A_143, %mul3A_1173 : vector<16xf32>
        %mul3A_1175 = arith.constant 1.000000e-01 : f32
        %mul3A_1176 = vector.broadcast %mul3A_1175 : f32 to vector<16xf32>
        %mul3A_1177 = arith.mulf %add3A_1132, %mul3A_1176 : vector<16xf32>
        %max3A_1178 = arith.constant 0.000000e+00 : f32
        %max3A_1179 = vector.broadcast %max3A_1178 : f32 to vector<16xf32>
        %max3A_1180 = arith.maximumf %mul3A_1177, %max3A_1179 : vector<16xf32>
        %mul3A_1181 = arith.constant 4.000000e-02 : f32
        %mul3A_1182 = vector.broadcast %mul3A_1181 : f32 to vector<16xf32>
        %mul3A_1183 = arith.mulf %max3A_1180, %mul3A_1182 : vector<16xf32>
        %add3A_1184 = arith.addf %scan3A_144, %mul3A_1183 : vector<16xf32>
        %mul3A_1185 = arith.constant 1.000000e-01 : f32
        %mul3A_1186 = vector.broadcast %mul3A_1185 : f32 to vector<16xf32>
        %mul3A_1187 = arith.mulf %add3A_1133, %mul3A_1186 : vector<16xf32>
        %max3A_1188 = arith.constant 0.000000e+00 : f32
        %max3A_1189 = vector.broadcast %max3A_1188 : f32 to vector<16xf32>
        %max3A_1190 = arith.maximumf %mul3A_1187, %max3A_1189 : vector<16xf32>
        %mul3A_1191 = arith.constant 4.000000e-02 : f32
        %mul3A_1192 = vector.broadcast %mul3A_1191 : f32 to vector<16xf32>
        %mul3A_1193 = arith.mulf %max3A_1190, %mul3A_1192 : vector<16xf32>
        %add3A_1194 = arith.addf %scan3A_145, %mul3A_1193 : vector<16xf32>
        %mul3A_1195 = arith.constant 1.000000e-01 : f32
        %mul3A_1196 = vector.broadcast %mul3A_1195 : f32 to vector<16xf32>
        %mul3A_1197 = arith.mulf %add3A_1134, %mul3A_1196 : vector<16xf32>
        %max3A_1198 = arith.constant 0.000000e+00 : f32
        %max3A_1199 = vector.broadcast %max3A_1198 : f32 to vector<16xf32>
        %max3A_1200 = arith.maximumf %mul3A_1197, %max3A_1199 : vector<16xf32>
        %mul3A_1201 = arith.constant 4.000000e-02 : f32
        %mul3A_1202 = vector.broadcast %mul3A_1201 : f32 to vector<16xf32>
        %mul3A_1203 = arith.mulf %max3A_1200, %mul3A_1202 : vector<16xf32>
        %add3A_1204 = arith.addf %scan3A_146, %mul3A_1203 : vector<16xf32>
        %mul3A_1205 = arith.constant 1.000000e-01 : f32
        %mul3A_1206 = vector.broadcast %mul3A_1205 : f32 to vector<16xf32>
        %mul3A_1207 = arith.mulf %add3A_1135, %mul3A_1206 : vector<16xf32>
        %max3A_1208 = arith.constant 0.000000e+00 : f32
        %max3A_1209 = vector.broadcast %max3A_1208 : f32 to vector<16xf32>
        %max3A_1210 = arith.maximumf %mul3A_1207, %max3A_1209 : vector<16xf32>
        %mul3A_1211 = arith.constant 4.000000e-02 : f32
        %mul3A_1212 = vector.broadcast %mul3A_1211 : f32 to vector<16xf32>
        %mul3A_1213 = arith.mulf %max3A_1210, %mul3A_1212 : vector<16xf32>
        %add3A_1214 = arith.addf %scan3A_147, %mul3A_1213 : vector<16xf32>
        %jit3A_1215 = arith.constant 25 : i32
        %eq3A = arith.constant 0 : i32
        %eq3A_1216 = arith.cmpi eq, %jit3A_1215, %eq3A : i32
        %jit3A_1217 = arith.constant 1 : i32
        %select_n3A_1218 = arith.select %eq3A_1216, %jit3A_1217, %jit3A_1215 : i32
        %rem3A_1219 = arith.remsi %add3A_152, %select_n3A_1218 : i32
        %ne3A_1220 = arith.constant 0 : i32
        %ne3A_1221 = arith.cmpi ne, %rem3A_1219, %ne3A_1220 : i32
        %lt3A_1222 = arith.constant 0 : i32
        %lt3A_1223 = arith.cmpi slt, %rem3A_1219, %lt3A_1222 : i32
        %lt3A_1224 = arith.constant 0 : i32
        %lt3A_1225 = arith.cmpi slt, %select_n3A_1218, %lt3A_1224 : i32
        %ne3A_1226 = arith.xori %lt3A_1223, %lt3A_1225 : i1
        %and3A_1227 = arith.andi %ne3A_1226, %ne3A_1221 : i1
        %add3A_1228 = arith.addi %rem3A_1219, %select_n3A_1218 : i32
        %select_n3A_1229 = arith.select %and3A_1227, %add3A_1228, %rem3A_1219 : i32
        %eq3A_1230 = arith.constant 24 : i32
        %eq3A_1231 = arith.cmpi eq, %select_n3A_1229, %eq3A_1230 : i32
        %convert_element_type3A_1232 = arith.extui %eq3A_1231 : i1 to i32
        %cond3A_1233 = arith.constant 0 : i32
        %cond3A_1234 = arith.cmpi ne, %convert_element_type3A_1232, %cond3A_1233 : i32
        scf.if %cond3A_1234 {
          %swap3A = arith.index_cast %select_n3A : i32 to index
          %swap3A_1259 = arith.constant 0 : index
          %swap3A_1260 = tpu.vector_load %arg18[%swap3A, %swap3A_1259] {strides = array<i32>} : memref<32x128xf32, #tpu.memory_space<vmem>>, vector<16xf32>,
          tpu.vector_store %arg18[%swap3A, %swap3A_1259], %add3A_1144 {strides = array<i32>} : memref<32x128xf32, #tpu.memory_space<vmem>>, vector<16xf32>,
          %swap3A_1261 = arith.index_cast %select_n3A : i32 to index
          %swap3A_1262 = arith.constant 16 : index
          %swap3A_1263 = tpu.vector_load %arg18[%swap3A_1261, %swap3A_1262] {strides = array<i32>} : memref<32x128xf32, #tpu.memory_space<vmem>>, vector<16xf32>,
          tpu.vector_store %arg18[%swap3A_1261, %swap3A_1262], %add3A_1154 {strides = array<i32>} : memref<32x128xf32, #tpu.memory_space<vmem>>, vector<16xf32>,
          %swap3A_1264 = arith.index_cast %select_n3A : i32 to index
          %swap3A_1265 = arith.constant 32 : index
          %swap3A_1266 = tpu.vector_load %arg18[%swap3A_1264, %swap3A_1265] {strides = array<i32>} : memref<32x128xf32, #tpu.memory_space<vmem>>, vector<16xf32>,
          tpu.vector_store %arg18[%swap3A_1264, %swap3A_1265], %add3A_1164 {strides = array<i32>} : memref<32x128xf32, #tpu.memory_space<vmem>>, vector<16xf32>,
          %swap3A_1267 = arith.index_cast %select_n3A : i32 to index
          %swap3A_1268 = arith.constant 48 : index
          %swap3A_1269 = tpu.vector_load %arg18[%swap3A_1267, %swap3A_1268] {strides = array<i32>} : memref<32x128xf32, #tpu.memory_space<vmem>>, vector<16xf32>,
          tpu.vector_store %arg18[%swap3A_1267, %swap3A_1268], %add3A_1174 {strides = array<i32>} : memref<32x128xf32, #tpu.memory_space<vmem>>, vector<16xf32>,
          %swap3A_1270 = arith.index_cast %select_n3A : i32 to index
          %swap3A_1271 = arith.constant 64 : index
          %swap3A_1272 = tpu.vector_load %arg18[%swap3A_1270, %swap3A_1271] {strides = array<i32>} : memref<32x128xf32, #tpu.memory_space<vmem>>, vector<16xf32>,
          tpu.vector_store %arg18[%swap3A_1270, %swap3A_1271], %add3A_1184 {strides = array<i32>} : memref<32x128xf32, #tpu.memory_space<vmem>>, vector<16xf32>,
          %swap3A_1273 = arith.index_cast %select_n3A : i32 to index
          %swap3A_1274 = arith.constant 80 : index
          %swap3A_1275 = tpu.vector_load %arg18[%swap3A_1273, %swap3A_1274] {strides = array<i32>} : memref<32x128xf32, #tpu.memory_space<vmem>>, vector<16xf32>,
          tpu.vector_store %arg18[%swap3A_1273, %swap3A_1274], %add3A_1194 {strides = array<i32>} : memref<32x128xf32, #tpu.memory_space<vmem>>, vector<16xf32>,
          %swap3A_1276 = arith.index_cast %select_n3A : i32 to index
          %swap3A_1277 = arith.constant 96 : index
          %swap3A_1278 = tpu.vector_load %arg18[%swap3A_1276, %swap3A_1277] {strides = array<i32>} : memref<32x128xf32, #tpu.memory_space<vmem>>, vector<16xf32>,
          tpu.vector_store %arg18[%swap3A_1276, %swap3A_1277], %add3A_1204 {strides = array<i32>} : memref<32x128xf32, #tpu.memory_space<vmem>>, vector<16xf32>,
          %swap3A_1279 = arith.index_cast %select_n3A : i32 to index
          %swap3A_1280 = arith.constant 112 : index
          %swap3A_1281 = tpu.vector_load %arg18[%swap3A_1279, %swap3A_1280] {strides = array<i32>} : memref<32x128xf32, #tpu.memory_space<vmem>>, vector<16xf32>,
          tpu.vector_store %arg18[%swap3A_1279, %swap3A_1280], %add3A_1214 {strides = array<i32>} : memref<32x128xf32, #tpu.memory_space<vmem>>, vector<16xf32>,
        } else {
        }
        %broadcast_in_dim3A_1235 = arith.constant 0.000000e+00 : f32
        %broadcast_in_dim3A_1236 = vector.broadcast %broadcast_in_dim3A_1235 : f32 to vector<16xf32>
        %select_n3A_1237 = arith.select %eq3A_1231, %broadcast_in_dim3A_1236, %add3A_1144 : vector<16xf32>
        %broadcast_in_dim3A_1238 = arith.constant 0.000000e+00 : f32
        %broadcast_in_dim3A_1239 = vector.broadcast %broadcast_in_dim3A_1238 : f32 to vector<16xf32>
        %select_n3A_1240 = arith.select %eq3A_1231, %broadcast_in_dim3A_1239, %add3A_1154 : vector<16xf32>
        %broadcast_in_dim3A_1241 = arith.constant 0.000000e+00 : f32
        %broadcast_in_dim3A_1242 = vector.broadcast %broadcast_in_dim3A_1241 : f32 to vector<16xf32>
        %select_n3A_1243 = arith.select %eq3A_1231, %broadcast_in_dim3A_1242, %add3A_1164 : vector<16xf32>
        %broadcast_in_dim3A_1244 = arith.constant 0.000000e+00 : f32
        %broadcast_in_dim3A_1245 = vector.broadcast %broadcast_in_dim3A_1244 : f32 to vector<16xf32>
        %select_n3A_1246 = arith.select %eq3A_1231, %broadcast_in_dim3A_1245, %add3A_1174 : vector<16xf32>
        %broadcast_in_dim3A_1247 = arith.constant 0.000000e+00 : f32
        %broadcast_in_dim3A_1248 = vector.broadcast %broadcast_in_dim3A_1247 : f32 to vector<16xf32>
        %select_n3A_1249 = arith.select %eq3A_1231, %broadcast_in_dim3A_1248, %add3A_1184 : vector<16xf32>
        %broadcast_in_dim3A_1250 = arith.constant 0.000000e+00 : f32
        %broadcast_in_dim3A_1251 = vector.broadcast %broadcast_in_dim3A_1250 : f32 to vector<16xf32>
        %select_n3A_1252 = arith.select %eq3A_1231, %broadcast_in_dim3A_1251, %add3A_1194 : vector<16xf32>
        %broadcast_in_dim3A_1253 = arith.constant 0.000000e+00 : f32
        %broadcast_in_dim3A_1254 = vector.broadcast %broadcast_in_dim3A_1253 : f32 to vector<16xf32>
        %select_n3A_1255 = arith.select %eq3A_1231, %broadcast_in_dim3A_1254, %add3A_1204 : vector<16xf32>
        %broadcast_in_dim3A_1256 = arith.constant 0.000000e+00 : f32
        %broadcast_in_dim3A_1257 = vector.broadcast %broadcast_in_dim3A_1256 : f32 to vector<16xf32>
        %select_n3A_1258 = arith.select %eq3A_1231, %broadcast_in_dim3A_1257, %add3A_1214 : vector<16xf32>
        scf.yield %select_n3A_1237, %select_n3A_1240, %select_n3A_1243, %select_n3A_1246, %select_n3A_1249, %select_n3A_1252, %select_n3A_1255, %select_n3A_1258 : vector<16xf32>, vector<16xf32>, vector<16xf32>, vector<16xf32>, vector<16xf32>, vector<16xf32>, vector<16xf32>, vector<16xf32>
      }
      %scan3A_133 = arith.constant 40 : i32
      %lt3A_134 = arith.constant 9 : i32
      %lt3A_135 = arith.cmpi slt, %scan3A_94, %lt3A_134 : i32
      %convert_element_type3A_136 = arith.extui %lt3A_135 : i1 to i32
      %cond3A_137 = arith.constant 0 : i32
      %cond3A_138 = arith.cmpi ne, %convert_element_type3A_136, %cond3A_137 : i32
      scf.if %cond3A_138 {
        %add3A_139 = arith.constant 3 : i32
        %add3A_140 = arith.addi %multiple_of3A_105, %add3A_139 : i32
        %mul3A_141 = arith.constant 400 : i32
        %mul3A_142 = arith.muli %add3A_140, %mul3A_141 : i32
        %multiple_of3A_143 = tpu.assume_multiple %mul3A_142, 400 : i32
        %dma_start3A_144 = tpu.memref_slice %arg12[%multiple_of3A_143] : memref<8000xi32, #tpu.memory_space<vmem>> -> memref<400xi32, #tpu.memory_space<vmem>>
        %dma_start3A_145 = arith.constant 0 : i32
        %dma_start3A_146 = arith.constant 0 : i32
        %dma_start3A_147 = tpu.memref_slice %arg5[%dma_start3A_145, %dma_start3A_146] : memref<100000x128xi32, #tpu.memory_space<hbm>> -> memref<100000x128xi32, #tpu.memory_space<hbm>>
        tpu.enqueue_indirect_dma source(%dma_start3A_147 : memref<100000x128xi32, #tpu.memory_space<hbm>>) target(%arg13 : memref<400x128xi32, #tpu.memory_space<vmem>>) offsets(%dma_start3A_144 : memref<400xi32, #tpu.memory_space<vmem>>) semaphore(%arg19 : memref<!tpu.dma_semaphore, #tpu.memory_space<semaphore_mem>>)
      } else {
      }
      scf.yield %scan3A_132#0, %scan3A_132#1, %scan3A_132#2, %scan3A_132#3, %scan3A_132#4, %scan3A_132#5, %scan3A_132#6, %scan3A_132#7 : vector<16xf32>, vector<16xf32>, vector<16xf32>, vector<16xf32>, vector<16xf32>, vector<16xf32>, vector<16xf32>, vector<16xf32>
    }
    %scan3A_93 = arith.constant 10 : i32
    "tpu.region"() ({
      %run_scoped3A = tpu.sem_alloc : memref<!tpu.dma_semaphore, #tpu.memory_space<semaphore_mem>>
      %dma_start3A_94 = arith.constant 0 : i32
      %dma_start3A_95 = tpu.memref_slice %arg6[%mul3A_2, %dma_start3A_94] : memref<1024x128xf32, #tpu.memory_space<hbm>> -> memref<32x128xf32, #tpu.memory_space<hbm>>
      %dma_start3A_96 = arith.constant 0 : i32
      %dma_start3A_97 = tpu.memref_slice %arg6[%mul3A_2, %dma_start3A_96] : memref<1024x128xf32, #tpu.memory_space<hbm>> -> memref<32x128xf32, #tpu.memory_space<hbm>>
      tpu.enqueue_dma source(%arg15 : memref<32x128xf32, #tpu.memory_space<vmem>>) target(%dma_start3A_97 : memref<32x128xf32, #tpu.memory_space<hbm>>) target_semaphore(%run_scoped3A : memref<!tpu.dma_semaphore, #tpu.memory_space<semaphore_mem>>)
      %dma_wait3A_98 = arith.constant 0 : i32
      %dma_wait3A_99 = tpu.memref_slice %arg6[%mul3A_2, %dma_wait3A_98] : memref<1024x128xf32, #tpu.memory_space<hbm>> -> memref<32x128xf32, #tpu.memory_space<hbm>>
      %dma_wait3A_100 = arith.constant 0 : i32
      %dma_wait3A_101 = tpu.memref_slice %arg6[%mul3A_2, %dma_wait3A_100] : memref<1024x128xf32, #tpu.memory_space<hbm>> -> memref<32x128xf32, #tpu.memory_space<hbm>>
      tpu.wait_dma2 semaphore(%run_scoped3A : memref<!tpu.dma_semaphore, #tpu.memory_space<semaphore_mem>>) src(%arg15 : memref<32x128xf32, #tpu.memory_space<vmem>>) dst(%dma_wait3A_101 : memref<32x128xf32, #tpu.memory_space<hbm>>)
      tpu.yield
    }) : () -> ()
    "tpu.region"() ({
      %run_scoped3A = tpu.sem_alloc : memref<!tpu.dma_semaphore, #tpu.memory_space<semaphore_mem>>
      %dma_start3A_94 = arith.constant 0 : i32
      %dma_start3A_95 = tpu.memref_slice %arg7[%mul3A_2, %dma_start3A_94] : memref<1024x128xf32, #tpu.memory_space<hbm>> -> memref<32x128xf32, #tpu.memory_space<hbm>>
      %dma_start3A_96 = arith.constant 0 : i32
      %dma_start3A_97 = tpu.memref_slice %arg7[%mul3A_2, %dma_start3A_96] : memref<1024x128xf32, #tpu.memory_space<hbm>> -> memref<32x128xf32, #tpu.memory_space<hbm>>
      tpu.enqueue_dma source(%arg16 : memref<32x128xf32, #tpu.memory_space<vmem>>) target(%dma_start3A_97 : memref<32x128xf32, #tpu.memory_space<hbm>>) target_semaphore(%run_scoped3A : memref<!tpu.dma_semaphore, #tpu.memory_space<semaphore_mem>>)
      %dma_wait3A_98 = arith.constant 0 : i32
      %dma_wait3A_99 = tpu.memref_slice %arg7[%mul3A_2, %dma_wait3A_98] : memref<1024x128xf32, #tpu.memory_space<hbm>> -> memref<32x128xf32, #tpu.memory_space<hbm>>
      %dma_wait3A_100 = arith.constant 0 : i32
      %dma_wait3A_101 = tpu.memref_slice %arg7[%mul3A_2, %dma_wait3A_100] : memref<1024x128xf32, #tpu.memory_space<hbm>> -> memref<32x128xf32, #tpu.memory_space<hbm>>
      tpu.wait_dma2 semaphore(%run_scoped3A : memref<!tpu.dma_semaphore, #tpu.memory_space<semaphore_mem>>) src(%arg16 : memref<32x128xf32, #tpu.memory_space<vmem>>) dst(%dma_wait3A_101 : memref<32x128xf32, #tpu.memory_space<hbm>>)
      tpu.yield
    }) : () -> ()
    "tpu.region"() ({
      %run_scoped3A = tpu.sem_alloc : memref<!tpu.dma_semaphore, #tpu.memory_space<semaphore_mem>>
      %dma_start3A_94 = arith.constant 0 : i32
      %dma_start3A_95 = tpu.memref_slice %arg8[%mul3A_2, %dma_start3A_94] : memref<1024x128xf32, #tpu.memory_space<hbm>> -> memref<32x128xf32, #tpu.memory_space<hbm>>
      %dma_start3A_96 = arith.constant 0 : i32
      %dma_start3A_97 = tpu.memref_slice %arg8[%mul3A_2, %dma_start3A_96] : memref<1024x128xf32, #tpu.memory_space<hbm>> -> memref<32x128xf32, #tpu.memory_space<hbm>>
      tpu.enqueue_dma source(%arg17 : memref<32x128xf32, #tpu.memory_space<vmem>>) target(%dma_start3A_97 : memref<32x128xf32, #tpu.memory_space<hbm>>) target_semaphore(%run_scoped3A : memref<!tpu.dma_semaphore, #tpu.memory_space<semaphore_mem>>)
      %dma_wait3A_98 = arith.constant 0 : i32
      %dma_wait3A_99 = tpu.memref_slice %arg8[%mul3A_2, %dma_wait3A_98] : memref<1024x128xf32, #tpu.memory_space<hbm>> -> memref<32x128xf32, #tpu.memory_space<hbm>>
      %dma_wait3A_100 = arith.constant 0 : i32
      %dma_wait3A_101 = tpu.memref_slice %arg8[%mul3A_2, %dma_wait3A_100] : memref<1024x128xf32, #tpu.memory_space<hbm>> -> memref<32x128xf32, #tpu.memory_space<hbm>>
      tpu.wait_dma2 semaphore(%run_scoped3A : memref<!tpu.dma_semaphore, #tpu.memory_space<semaphore_mem>>) src(%arg17 : memref<32x128xf32, #tpu.memory_space<vmem>>) dst(%dma_wait3A_101 : memref<32x128xf32, #tpu.memory_space<hbm>>)
      tpu.yield
    }) : () -> ()
    "tpu.region"() ({
      %run_scoped3A = tpu.sem_alloc : memref<!tpu.dma_semaphore, #tpu.memory_space<semaphore_mem>>
      %dma_start3A_94 = arith.constant 0 : i32
      %dma_start3A_95 = tpu.memref_slice %arg9[%mul3A_2, %dma_start3A_94] : memref<1024x128xf32, #tpu.memory_space<hbm>> -> memref<32x128xf32, #tpu.memory_space<hbm>>
      %dma_start3A_96 = arith.constant 0 : i32
      %dma_start3A_97 = tpu.memref_slice %arg9[%mul3A_2, %dma_start3A_96] : memref<1024x128xf32, #tpu.memory_space<hbm>> -> memref<32x128xf32, #tpu.memory_space<hbm>>
      tpu.enqueue_dma source(%arg18 : memref<32x128xf32, #tpu.memory_space<vmem>>) target(%dma_start3A_97 : memref<32x128xf32, #tpu.memory_space<hbm>>) target_semaphore(%run_scoped3A : memref<!tpu.dma_semaphore, #tpu.memory_space<semaphore_mem>>)
      %dma_wait3A_98 = arith.constant 0 : i32
      %dma_wait3A_99 = tpu.memref_slice %arg9[%mul3A_2, %dma_wait3A_98] : memref<1024x128xf32, #tpu.memory_space<hbm>> -> memref<32x128xf32, #tpu.memory_space<hbm>>
      %dma_wait3A_100 = arith.constant 0 : i32
      %dma_wait3A_101 = tpu.memref_slice %arg9[%mul3A_2, %dma_wait3A_100] : memref<1024x128xf32, #tpu.memory_space<hbm>> -> memref<32x128xf32, #tpu.memory_space<hbm>>
      tpu.wait_dma2 semaphore(%run_scoped3A : memref<!tpu.dma_semaphore, #tpu.memory_space<semaphore_mem>>) src(%arg18 : memref<32x128xf32, #tpu.memory_space<vmem>>) dst(%dma_wait3A_101 : memref<32x128xf32, #tpu.memory_space<hbm>>)
      tpu.yield
    }) : () -> ()
    return
  }
}

#map = affine_map<(d0, d1) -> (0)>
#map1 = affine_map<(d0, d1) -> (0, 0)>
module attributes {stable_mosaic.version = 14 : i64} {
  func.func @_ids_body(%arg0: i32, %arg1: i32, %arg2: memref<1024xi32, #tpu.memory_space<hbm>>, %arg3: memref<25000x128xi32, #tpu.memory_space<hbm>>, %arg4: memref<32xi32, #tpu.memory_space<hbm>>, %arg5: memref<16xi32, #tpu.memory_space<hbm>>, %arg6: memref<25600xi32, #tpu.memory_space<hbm>>, %arg7: memref<256000xi32, #tpu.memory_space<hbm>>, %arg8: memref<32xi32, #tpu.memory_space<vmem>>, %arg9: memref<32xi32, #tpu.memory_space<vmem>>, %arg10: memref<32xi32, #tpu.memory_space<vmem>>, %arg11: memref<16xi32, #tpu.memory_space<vmem>>, %arg12: memref<32x128xi32, #tpu.memory_space<vmem>>, %arg13: memref<800xi32, #tpu.memory_space<vmem>>, %arg14: memref<800xi32, #tpu.memory_space<vmem>>, %arg15: memref<200x128xi32, #tpu.memory_space<vmem>>, %arg16: memref<8000xi32, #tpu.memory_space<vmem>>, %arg17: memref<!tpu.dma_semaphore, #tpu.memory_space<semaphore_mem>>) attributes {dimension_semantics = [#tpu.dimension_semantics<core_parallel>, #tpu.dimension_semantics<subcore_parallel>], iteration_bounds = array<i64: 2, 16>, scalar_prefetch = 0 : i64, scratch_operands = 10 : i64, tpu.core_type = #tpu.core_type<sc_vector_subcore>, window_params = [{transform_indices = #map}, {transform_indices = #map1}, {transform_indices = #map}, {transform_indices = #map}, {transform_indices = #map}, {transform_indices = #map}]} {
    %mul3A = arith.constant 2 : i32
    %mul3A_0 = arith.muli %arg1, %mul3A : i32
    %add3A = arith.addi %mul3A_0, %arg0 : i32
    %mul3A_1 = arith.constant 32 : i32
    %mul3A_2 = arith.muli %add3A, %mul3A_1 : i32
    "tpu.region"() ({
      %run_scoped3A = tpu.sem_alloc : memref<!tpu.dma_semaphore, #tpu.memory_space<semaphore_mem>>
      tpu.enqueue_dma source(%arg4 : memref<32xi32, #tpu.memory_space<hbm>>) target(%arg10 : memref<32xi32, #tpu.memory_space<vmem>>) target_semaphore(%run_scoped3A : memref<!tpu.dma_semaphore, #tpu.memory_space<semaphore_mem>>)
      tpu.wait_dma2 semaphore(%run_scoped3A : memref<!tpu.dma_semaphore, #tpu.memory_space<semaphore_mem>>) src(%arg4 : memref<32xi32, #tpu.memory_space<hbm>>) dst(%arg10 : memref<32xi32, #tpu.memory_space<vmem>>)
      tpu.yield
    }) : () -> ()
    "tpu.region"() ({
      %run_scoped3A = tpu.sem_alloc : memref<!tpu.dma_semaphore, #tpu.memory_space<semaphore_mem>>
      tpu.enqueue_dma source(%arg5 : memref<16xi32, #tpu.memory_space<hbm>>) target(%arg11 : memref<16xi32, #tpu.memory_space<vmem>>) target_semaphore(%run_scoped3A : memref<!tpu.dma_semaphore, #tpu.memory_space<semaphore_mem>>)
      tpu.wait_dma2 semaphore(%run_scoped3A : memref<!tpu.dma_semaphore, #tpu.memory_space<semaphore_mem>>) src(%arg5 : memref<16xi32, #tpu.memory_space<hbm>>) dst(%arg11 : memref<16xi32, #tpu.memory_space<vmem>>)
      tpu.yield
    }) : () -> ()
    "tpu.region"() ({
      %run_scoped3A = tpu.sem_alloc : memref<!tpu.dma_semaphore, #tpu.memory_space<semaphore_mem>>
      %dma_start3A_86 = tpu.memref_slice %arg2[%mul3A_2] : memref<1024xi32, #tpu.memory_space<hbm>> -> memref<32xi32, #tpu.memory_space<hbm>>
      %dma_start3A_87 = tpu.memref_slice %arg2[%mul3A_2] : memref<1024xi32, #tpu.memory_space<hbm>> -> memref<32xi32, #tpu.memory_space<hbm>>
      tpu.enqueue_dma source(%dma_start3A_87 : memref<32xi32, #tpu.memory_space<hbm>>) target(%arg8 : memref<32xi32, #tpu.memory_space<vmem>>) target_semaphore(%run_scoped3A : memref<!tpu.dma_semaphore, #tpu.memory_space<semaphore_mem>>)
      %dma_wait3A_88 = tpu.memref_slice %arg2[%mul3A_2] : memref<1024xi32, #tpu.memory_space<hbm>> -> memref<32xi32, #tpu.memory_space<hbm>>
      %dma_wait3A_89 = tpu.memref_slice %arg2[%mul3A_2] : memref<1024xi32, #tpu.memory_space<hbm>> -> memref<32xi32, #tpu.memory_space<hbm>>
      tpu.wait_dma2 semaphore(%run_scoped3A : memref<!tpu.dma_semaphore, #tpu.memory_space<semaphore_mem>>) src(%dma_wait3A_89 : memref<32xi32, #tpu.memory_space<hbm>>) dst(%arg8 : memref<32xi32, #tpu.memory_space<vmem>>)
      tpu.yield
    }) : () -> ()
    %scan3A = arith.constant 0 : i32
    %scan3A_3 = arith.constant 0 : i32
    %scan3A_4 = arith.constant 2 : i32
    %scan3A_5 = arith.addi %scan3A_3, %scan3A_4 : i32
    %scan3A_6 = arith.constant 1 : i32
    scf.for %scan3A_86 = %scan3A_3 to %scan3A_5 step %scan3A_6  : i32 {
      %mul3A_87 = arith.constant 16 : i32
      %mul3A_88 = arith.muli %scan3A_86, %mul3A_87 : i32
      %get3A = arith.index_cast %mul3A_88 : i32 to index
      %get3A_89 = tpu.vector_load %arg8[%get3A] {strides = array<i32>} : memref<32xi32, #tpu.memory_space<vmem>>, vector<16xi32>,
      %jit3A = arith.constant 4 : i32
      %div3A = vector.broadcast %jit3A : i32 to vector<16xi32>
      %div3A_90 = arith.divsi %get3A_89, %div3A : vector<16xi32>
      %sign3A = arith.constant 0 : i32
      %sign3A_91 = vector.broadcast %sign3A : i32 to vector<16xi32>
      %sign3A_92 = arith.cmpi sgt, %get3A_89, %sign3A_91 : vector<16xi32>
      %sign3A_93 = arith.extui %sign3A_92 : vector<16xi1> to vector<16xi32>
      %sign3A_94 = arith.constant 0 : i32
      %sign3A_95 = vector.broadcast %sign3A_94 : i32 to vector<16xi32>
      %sign3A_96 = arith.cmpi slt, %get3A_89, %sign3A_95 : vector<16xi32>
      %sign3A_97 = arith.extui %sign3A_96 : vector<16xi1> to vector<16xi32>
      %sign3A_98 = arith.subi %sign3A_93, %sign3A_97 : vector<16xi32>
      %sign3A_99 = arith.constant 0 : i32
      %sign3A_100 = arith.cmpi sgt, %jit3A, %sign3A_99 : i32
      %sign3A_101 = arith.extui %sign3A_100 : i1 to i32
      %sign3A_102 = arith.constant 0 : i32
      %sign3A_103 = arith.cmpi slt, %jit3A, %sign3A_102 : i32
      %sign3A_104 = arith.extui %sign3A_103 : i1 to i32
      %sign3A_105 = arith.subi %sign3A_101, %sign3A_104 : i32
      %ne3A = vector.broadcast %sign3A_105 : i32 to vector<16xi32>
      %ne3A_106 = arith.cmpi ne, %sign3A_98, %ne3A : vector<16xi32>
      %rem3A = vector.broadcast %jit3A : i32 to vector<16xi32>
      %rem3A_107 = arith.remsi %get3A_89, %rem3A : vector<16xi32>
      %ne3A_108 = arith.constant 0 : i32
      %ne3A_109 = vector.broadcast %ne3A_108 : i32 to vector<16xi32>
      %ne3A_110 = arith.cmpi ne, %rem3A_107, %ne3A_109 : vector<16xi32>
      %and3A = arith.andi %ne3A_106, %ne3A_110 : vector<16xi1>
      %sub3A = arith.constant 1 : i32
      %sub3A_111 = vector.broadcast %sub3A : i32 to vector<16xi32>
      %sub3A_112 = arith.subi %div3A_90, %sub3A_111 : vector<16xi32>
      %select_n3A = arith.select %and3A, %sub3A_112, %div3A_90 : vector<16xi1>, vector<16xi32>
      %mul3A_113 = arith.constant 16 : i32
      %mul3A_114 = arith.muli %scan3A_86, %mul3A_113 : i32
      %swap3A = arith.index_cast %mul3A_114 : i32 to index
      %swap3A_115 = tpu.vector_load %arg9[%swap3A] {strides = array<i32>} : memref<32xi32, #tpu.memory_space<vmem>>, vector<16xi32>,
      tpu.vector_store %arg9[%swap3A], %select_n3A {strides = array<i32>} : memref<32xi32, #tpu.memory_space<vmem>>, vector<16xi32>,
    }
    %scan3A_7 = arith.constant 2 : i32
    %dma_start3A = arith.constant 0 : i32
    %dma_start3A_8 = arith.constant 0 : i32
    %dma_start3A_9 = tpu.memref_slice %arg3[%dma_start3A, %dma_start3A_8] : memref<25000x128xi32, #tpu.memory_space<hbm>> -> memref<25000x128xi32, #tpu.memory_space<hbm>>
    tpu.enqueue_indirect_dma source(%dma_start3A_9 : memref<25000x128xi32, #tpu.memory_space<hbm>>) target(%arg12 : memref<32x128xi32, #tpu.memory_space<vmem>>) offsets(%arg9 : memref<32xi32, #tpu.memory_space<vmem>>) semaphore(%arg17 : memref<!tpu.dma_semaphore, #tpu.memory_space<semaphore_mem>>)
    %dma_wait3A = arith.constant 0 : i32
    %dma_wait3A_10 = arith.constant 0 : i32
    %dma_wait3A_11 = tpu.memref_slice %arg3[%dma_wait3A, %dma_wait3A_10] : memref<25000x128xi32, #tpu.memory_space<hbm>> -> memref<25000x128xi32, #tpu.memory_space<hbm>>
    tpu.wait_indirect_dma semaphore(%arg17 : memref<!tpu.dma_semaphore, #tpu.memory_space<semaphore_mem>>) src(%dma_wait3A_11 : memref<25000x128xi32, #tpu.memory_space<hbm>>) dst(%arg12 : memref<32x128xi32, #tpu.memory_space<vmem>>)
    %scan3A_12 = arith.constant 0 : i32
    %scan3A_13 = arith.constant 0 : i32
    %scan3A_14 = arith.constant 50 : i32
    %scan3A_15 = arith.addi %scan3A_13, %scan3A_14 : i32
    %scan3A_16 = arith.constant 1 : i32
    scf.for %scan3A_86 = %scan3A_13 to %scan3A_15 step %scan3A_16  : i32 {
      %mul3A_87 = arith.constant 16 : i32
      %mul3A_88 = arith.muli %scan3A_86, %mul3A_87 : i32
      %iota3A = tpu.iota {dimensions = array<i32: 0>} : vector<16xi32>
      %add3A_89 = vector.broadcast %mul3A_88 : i32 to vector<16xi32>
      %add3A_90 = arith.addi %add3A_89, %iota3A : vector<16xi32>
      %jit3A = arith.constant 25 : i32
      %div3A = vector.broadcast %jit3A : i32 to vector<16xi32>
      %div3A_91 = arith.divsi %add3A_90, %div3A : vector<16xi32>
      %sign3A = arith.constant 0 : i32
      %sign3A_92 = vector.broadcast %sign3A : i32 to vector<16xi32>
      %sign3A_93 = arith.cmpi sgt, %add3A_90, %sign3A_92 : vector<16xi32>
      %sign3A_94 = arith.extui %sign3A_93 : vector<16xi1> to vector<16xi32>
      %sign3A_95 = arith.constant 0 : i32
      %sign3A_96 = vector.broadcast %sign3A_95 : i32 to vector<16xi32>
      %sign3A_97 = arith.cmpi slt, %add3A_90, %sign3A_96 : vector<16xi32>
      %sign3A_98 = arith.extui %sign3A_97 : vector<16xi1> to vector<16xi32>
      %sign3A_99 = arith.subi %sign3A_94, %sign3A_98 : vector<16xi32>
      %sign3A_100 = arith.constant 0 : i32
      %sign3A_101 = arith.cmpi sgt, %jit3A, %sign3A_100 : i32
      %sign3A_102 = arith.extui %sign3A_101 : i1 to i32
      %sign3A_103 = arith.constant 0 : i32
      %sign3A_104 = arith.cmpi slt, %jit3A, %sign3A_103 : i32
      %sign3A_105 = arith.extui %sign3A_104 : i1 to i32
      %sign3A_106 = arith.subi %sign3A_102, %sign3A_105 : i32
      %ne3A = vector.broadcast %sign3A_106 : i32 to vector<16xi32>
      %ne3A_107 = arith.cmpi ne, %sign3A_99, %ne3A : vector<16xi32>
      %rem3A = vector.broadcast %jit3A : i32 to vector<16xi32>
      %rem3A_108 = arith.remsi %add3A_90, %rem3A : vector<16xi32>
      %ne3A_109 = arith.constant 0 : i32
      %ne3A_110 = vector.broadcast %ne3A_109 : i32 to vector<16xi32>
      %ne3A_111 = arith.cmpi ne, %rem3A_108, %ne3A_110 : vector<16xi32>
      %and3A = arith.andi %ne3A_107, %ne3A_111 : vector<16xi1>
      %sub3A = arith.constant 1 : i32
      %sub3A_112 = vector.broadcast %sub3A : i32 to vector<16xi32>
      %sub3A_113 = arith.subi %div3A_91, %sub3A_112 : vector<16xi32>
      %select_n3A = arith.select %and3A, %sub3A_113, %div3A_91 : vector<16xi1>, vector<16xi32>
      %gather3A = tpu.vector_load_idx %arg8[%select_n3A] : memref<32xi32, #tpu.memory_space<vmem>>[vector<16xi32>], vector<16xi32>,
      %jit3A_114 = arith.constant 4 : i32
      %eq3A = arith.constant 0 : i32
      %eq3A_115 = arith.cmpi eq, %jit3A_114, %eq3A : i32
      %jit3A_116 = arith.constant 1 : i32
      %select_n3A_117 = arith.select %eq3A_115, %jit3A_116, %jit3A_114 : i32
      %rem3A_118 = vector.broadcast %select_n3A_117 : i32 to vector<16xi32>
      %rem3A_119 = arith.remsi %gather3A, %rem3A_118 : vector<16xi32>
      %ne3A_120 = arith.constant 0 : i32
      %ne3A_121 = vector.broadcast %ne3A_120 : i32 to vector<16xi32>
      %ne3A_122 = arith.cmpi ne, %rem3A_119, %ne3A_121 : vector<16xi32>
      %lt3A = arith.constant 0 : i32
      %lt3A_123 = vector.broadcast %lt3A : i32 to vector<16xi32>
      %lt3A_124 = arith.cmpi slt, %rem3A_119, %lt3A_123 : vector<16xi32>
      %lt3A_125 = arith.constant 0 : i32
      %lt3A_126 = arith.cmpi slt, %select_n3A_117, %lt3A_125 : i32
      %ne3A_127 = vector.broadcast %lt3A_126 : i1 to vector<16xi1>
      %ne3A_128 = vector.broadcast %ne3A_127 : vector<16xi1> to vector<16xi1>
      %ne3A_129 = arith.xori %lt3A_124, %ne3A_128 : vector<16xi1>
      %and3A_130 = arith.andi %ne3A_129, %ne3A_122 : vector<16xi1>
      %add3A_131 = vector.broadcast %select_n3A_117 : i32 to vector<16xi32>
      %add3A_132 = arith.addi %rem3A_119, %add3A_131 : vector<16xi32>
      %select_n3A_133 = arith.select %and3A_130, %add3A_132, %rem3A_119 : vector<16xi1>, vector<16xi32>
      %mul3A_134 = arith.constant 32 : i32
      %mul3A_135 = vector.broadcast %mul3A_134 : i32 to vector<16xi32>
      %mul3A_136 = arith.muli %select_n3A_133, %mul3A_135 : vector<16xi32>
      %jit3A_137 = arith.constant 25 : i32
      %eq3A_138 = arith.constant 0 : i32
      %eq3A_139 = arith.cmpi eq, %jit3A_137, %eq3A_138 : i32
      %jit3A_140 = arith.constant 1 : i32
      %select_n3A_141 = arith.select %eq3A_139, %jit3A_140, %jit3A_137 : i32
      %rem3A_142 = vector.broadcast %select_n3A_141 : i32 to vector<16xi32>
      %rem3A_143 = arith.remsi %add3A_90, %rem3A_142 : vector<16xi32>
      %ne3A_144 = arith.constant 0 : i32
      %ne3A_145 = vector.broadcast %ne3A_144 : i32 to vector<16xi32>
      %ne3A_146 = arith.cmpi ne, %rem3A_143, %ne3A_145 : vector<16xi32>
      %lt3A_147 = arith.constant 0 : i32
      %lt3A_148 = vector.broadcast %lt3A_147 : i32 to vector<16xi32>
      %lt3A_149 = arith.cmpi slt, %rem3A_143, %lt3A_148 : vector<16xi32>
      %lt3A_150 = arith.constant 0 : i32
      %lt3A_151 = arith.cmpi slt, %select_n3A_141, %lt3A_150 : i32
      %ne3A_152 = vector.broadcast %lt3A_151 : i1 to vector<16xi1>
      %ne3A_153 = vector.broadcast %ne3A_152 : vector<16xi1> to vector<16xi1>
      %ne3A_154 = arith.xori %lt3A_149, %ne3A_153 : vector<16xi1>
      %and3A_155 = arith.andi %ne3A_154, %ne3A_146 : vector<16xi1>
      %add3A_156 = vector.broadcast %select_n3A_141 : i32 to vector<16xi32>
      %add3A_157 = arith.addi %rem3A_143, %add3A_156 : vector<16xi32>
      %select_n3A_158 = arith.select %and3A_155, %add3A_157, %rem3A_143 : vector<16xi1>, vector<16xi32>
      %gather3A_159 = tpu.vector_load_idx %arg10[%select_n3A_158] : memref<32xi32, #tpu.memory_space<vmem>>[vector<16xi32>], vector<16xi32>,
      %add3A_160 = arith.addi %mul3A_136, %gather3A_159 : vector<16xi32>
      %gather3A_161 = tpu.vector_load_idx %arg12[%select_n3A, %add3A_160] : memref<32x128xi32, #tpu.memory_space<vmem>>[vector<16xi32>, vector<16xi32>], vector<16xi32>,
      %mul3A_162 = arith.constant 16 : i32
      %mul3A_163 = arith.muli %scan3A_86, %mul3A_162 : i32
      %swap3A = arith.index_cast %mul3A_163 : i32 to index
      %swap3A_164 = tpu.vector_load %arg13[%swap3A] {strides = array<i32>} : memref<800xi32, #tpu.memory_space<vmem>>, vector<16xi32>,
      tpu.vector_store %arg13[%swap3A], %gather3A_161 {strides = array<i32>} : memref<800xi32, #tpu.memory_space<vmem>>, vector<16xi32>,
      %jit3A_165 = arith.constant 4 : i32
      %div3A_166 = vector.broadcast %jit3A_165 : i32 to vector<16xi32>
      %div3A_167 = arith.divsi %gather3A_161, %div3A_166 : vector<16xi32>
      %sign3A_168 = arith.constant 0 : i32
      %sign3A_169 = vector.broadcast %sign3A_168 : i32 to vector<16xi32>
      %sign3A_170 = arith.cmpi sgt, %gather3A_161, %sign3A_169 : vector<16xi32>
      %sign3A_171 = arith.extui %sign3A_170 : vector<16xi1> to vector<16xi32>
      %sign3A_172 = arith.constant 0 : i32
      %sign3A_173 = vector.broadcast %sign3A_172 : i32 to vector<16xi32>
      %sign3A_174 = arith.cmpi slt, %gather3A_161, %sign3A_173 : vector<16xi32>
      %sign3A_175 = arith.extui %sign3A_174 : vector<16xi1> to vector<16xi32>
      %sign3A_176 = arith.subi %sign3A_171, %sign3A_175 : vector<16xi32>
      %sign3A_177 = arith.constant 0 : i32
      %sign3A_178 = arith.cmpi sgt, %jit3A_165, %sign3A_177 : i32
      %sign3A_179 = arith.extui %sign3A_178 : i1 to i32
      %sign3A_180 = arith.constant 0 : i32
      %sign3A_181 = arith.cmpi slt, %jit3A_165, %sign3A_180 : i32
      %sign3A_182 = arith.extui %sign3A_181 : i1 to i32
      %sign3A_183 = arith.subi %sign3A_179, %sign3A_182 : i32
      %ne3A_184 = vector.broadcast %sign3A_183 : i32 to vector<16xi32>
      %ne3A_185 = arith.cmpi ne, %sign3A_176, %ne3A_184 : vector<16xi32>
      %rem3A_186 = vector.broadcast %jit3A_165 : i32 to vector<16xi32>
      %rem3A_187 = arith.remsi %gather3A_161, %rem3A_186 : vector<16xi32>
      %ne3A_188 = arith.constant 0 : i32
      %ne3A_189 = vector.broadcast %ne3A_188 : i32 to vector<16xi32>
      %ne3A_190 = arith.cmpi ne, %rem3A_187, %ne3A_189 : vector<16xi32>
      %and3A_191 = arith.andi %ne3A_185, %ne3A_190 : vector<16xi1>
      %sub3A_192 = arith.constant 1 : i32
      %sub3A_193 = vector.broadcast %sub3A_192 : i32 to vector<16xi32>
      %sub3A_194 = arith.subi %div3A_167, %sub3A_193 : vector<16xi32>
      %select_n3A_195 = arith.select %and3A_191, %sub3A_194, %div3A_167 : vector<16xi1>, vector<16xi32>
      %mul3A_196 = arith.constant 16 : i32
      %mul3A_197 = arith.muli %scan3A_86, %mul3A_196 : i32
      %swap3A_198 = arith.index_cast %mul3A_197 : i32 to index
      %swap3A_199 = tpu.vector_load %arg14[%swap3A_198] {strides = array<i32>} : memref<800xi32, #tpu.memory_space<vmem>>, vector<16xi32>,
      tpu.vector_store %arg14[%swap3A_198], %select_n3A_195 {strides = array<i32>} : memref<800xi32, #tpu.memory_space<vmem>>, vector<16xi32>,
    }
    %scan3A_17 = arith.constant 50 : i32
    %dma_start3A_18 = arith.constant 0 : i32
    %dma_start3A_19 = tpu.memref_slice %arg14[%dma_start3A_18] : memref<800xi32, #tpu.memory_space<vmem>> -> memref<200xi32, #tpu.memory_space<vmem>>
    %dma_start3A_20 = arith.constant 0 : i32
    %dma_start3A_21 = arith.constant 0 : i32
    %dma_start3A_22 = tpu.memref_slice %arg3[%dma_start3A_20, %dma_start3A_21] : memref<25000x128xi32, #tpu.memory_space<hbm>> -> memref<25000x128xi32, #tpu.memory_space<hbm>>
    tpu.enqueue_indirect_dma source(%dma_start3A_22 : memref<25000x128xi32, #tpu.memory_space<hbm>>) target(%arg15 : memref<200x128xi32, #tpu.memory_space<vmem>>) offsets(%dma_start3A_19 : memref<200xi32, #tpu.memory_space<vmem>>) semaphore(%arg17 : memref<!tpu.dma_semaphore, #tpu.memory_space<semaphore_mem>>)
    %dma_wait3A_23 = arith.constant 0 : i32
    %dma_wait3A_24 = tpu.memref_slice %arg14[%dma_wait3A_23] : memref<800xi32, #tpu.memory_space<vmem>> -> memref<200xi32, #tpu.memory_space<vmem>>
    %dma_wait3A_25 = arith.constant 0 : i32
    %dma_wait3A_26 = arith.constant 0 : i32
    %dma_wait3A_27 = tpu.memref_slice %arg3[%dma_wait3A_25, %dma_wait3A_26] : memref<25000x128xi32, #tpu.memory_space<hbm>> -> memref<25000x128xi32, #tpu.memory_space<hbm>>
    tpu.wait_indirect_dma semaphore(%arg17 : memref<!tpu.dma_semaphore, #tpu.memory_space<semaphore_mem>>) src(%dma_wait3A_27 : memref<25000x128xi32, #tpu.memory_space<hbm>>) dst(%arg15 : memref<200x128xi32, #tpu.memory_space<vmem>>)
    %scan3A_28 = arith.constant 0 : i32
    %scan3A_29 = arith.constant 0 : i32
    %scan3A_30 = arith.constant 125 : i32
    %scan3A_31 = arith.addi %scan3A_29, %scan3A_30 : i32
    %scan3A_32 = arith.constant 1 : i32
    scf.for %scan3A_86 = %scan3A_29 to %scan3A_31 step %scan3A_32  : i32 {
      %mul3A_87 = arith.constant 16 : i32
      %mul3A_88 = arith.muli %scan3A_86, %mul3A_87 : i32
      %add3A_89 = arith.constant 0 : i32
      %add3A_90 = arith.addi %add3A_89, %mul3A_88 : i32
      %iota3A = tpu.iota {dimensions = array<i32: 0>} : vector<16xi32>
      %add3A_91 = vector.broadcast %add3A_90 : i32 to vector<16xi32>
      %add3A_92 = arith.addi %add3A_91, %iota3A : vector<16xi32>
      %jit3A = arith.constant 10 : i32
      %div3A = vector.broadcast %jit3A : i32 to vector<16xi32>
      %div3A_93 = arith.divsi %add3A_92, %div3A : vector<16xi32>
      %sign3A = arith.constant 0 : i32
      %sign3A_94 = vector.broadcast %sign3A : i32 to vector<16xi32>
      %sign3A_95 = arith.cmpi sgt, %add3A_92, %sign3A_94 : vector<16xi32>
      %sign3A_96 = arith.extui %sign3A_95 : vector<16xi1> to vector<16xi32>
      %sign3A_97 = arith.constant 0 : i32
      %sign3A_98 = vector.broadcast %sign3A_97 : i32 to vector<16xi32>
      %sign3A_99 = arith.cmpi slt, %add3A_92, %sign3A_98 : vector<16xi32>
      %sign3A_100 = arith.extui %sign3A_99 : vector<16xi1> to vector<16xi32>
      %sign3A_101 = arith.subi %sign3A_96, %sign3A_100 : vector<16xi32>
      %sign3A_102 = arith.constant 0 : i32
      %sign3A_103 = arith.cmpi sgt, %jit3A, %sign3A_102 : i32
      %sign3A_104 = arith.extui %sign3A_103 : i1 to i32
      %sign3A_105 = arith.constant 0 : i32
      %sign3A_106 = arith.cmpi slt, %jit3A, %sign3A_105 : i32
      %sign3A_107 = arith.extui %sign3A_106 : i1 to i32
      %sign3A_108 = arith.subi %sign3A_104, %sign3A_107 : i32
      %ne3A = vector.broadcast %sign3A_108 : i32 to vector<16xi32>
      %ne3A_109 = arith.cmpi ne, %sign3A_101, %ne3A : vector<16xi32>
      %rem3A = vector.broadcast %jit3A : i32 to vector<16xi32>
      %rem3A_110 = arith.remsi %add3A_92, %rem3A : vector<16xi32>
      %ne3A_111 = arith.constant 0 : i32
      %ne3A_112 = vector.broadcast %ne3A_111 : i32 to vector<16xi32>
      %ne3A_113 = arith.cmpi ne, %rem3A_110, %ne3A_112 : vector<16xi32>
      %and3A = arith.andi %ne3A_109, %ne3A_113 : vector<16xi1>
      %sub3A = arith.constant 1 : i32
      %sub3A_114 = vector.broadcast %sub3A : i32 to vector<16xi32>
      %sub3A_115 = arith.subi %div3A_93, %sub3A_114 : vector<16xi32>
      %select_n3A = arith.select %and3A, %sub3A_115, %div3A_93 : vector<16xi1>, vector<16xi32>
      %gather3A = tpu.vector_load_idx %arg13[%select_n3A] : memref<800xi32, #tpu.memory_space<vmem>>[vector<16xi32>], vector<16xi32>,
      %jit3A_116 = arith.constant 4 : i32
      %eq3A = arith.constant 0 : i32
      %eq3A_117 = arith.cmpi eq, %jit3A_116, %eq3A : i32
      %jit3A_118 = arith.constant 1 : i32
      %select_n3A_119 = arith.select %eq3A_117, %jit3A_118, %jit3A_116 : i32
      %rem3A_120 = vector.broadcast %select_n3A_119 : i32 to vector<16xi32>
      %rem3A_121 = arith.remsi %gather3A, %rem3A_120 : vector<16xi32>
      %ne3A_122 = arith.constant 0 : i32
      %ne3A_123 = vector.broadcast %ne3A_122 : i32 to vector<16xi32>
      %ne3A_124 = arith.cmpi ne, %rem3A_121, %ne3A_123 : vector<16xi32>
      %lt3A = arith.constant 0 : i32
      %lt3A_125 = vector.broadcast %lt3A : i32 to vector<16xi32>
      %lt3A_126 = arith.cmpi slt, %rem3A_121, %lt3A_125 : vector<16xi32>
      %lt3A_127 = arith.constant 0 : i32
      %lt3A_128 = arith.cmpi slt, %select_n3A_119, %lt3A_127 : i32
      %ne3A_129 = vector.broadcast %lt3A_128 : i1 to vector<16xi1>
      %ne3A_130 = vector.broadcast %ne3A_129 : vector<16xi1> to vector<16xi1>
      %ne3A_131 = arith.xori %lt3A_126, %ne3A_130 : vector<16xi1>
      %and3A_132 = arith.andi %ne3A_131, %ne3A_124 : vector<16xi1>
      %add3A_133 = vector.broadcast %select_n3A_119 : i32 to vector<16xi32>
      %add3A_134 = arith.addi %rem3A_121, %add3A_133 : vector<16xi32>
      %select_n3A_135 = arith.select %and3A_132, %add3A_134, %rem3A_121 : vector<16xi1>, vector<16xi32>
      %mul3A_136 = arith.constant 32 : i32
      %mul3A_137 = vector.broadcast %mul3A_136 : i32 to vector<16xi32>
      %mul3A_138 = arith.muli %select_n3A_135, %mul3A_137 : vector<16xi32>
      %jit3A_139 = arith.constant 10 : i32
      %eq3A_140 = arith.constant 0 : i32
      %eq3A_141 = arith.cmpi eq, %jit3A_139, %eq3A_140 : i32
      %jit3A_142 = arith.constant 1 : i32
      %select_n3A_143 = arith.select %eq3A_141, %jit3A_142, %jit3A_139 : i32
      %rem3A_144 = vector.broadcast %select_n3A_143 : i32 to vector<16xi32>
      %rem3A_145 = arith.remsi %add3A_92, %rem3A_144 : vector<16xi32>
      %ne3A_146 = arith.constant 0 : i32
      %ne3A_147 = vector.broadcast %ne3A_146 : i32 to vector<16xi32>
      %ne3A_148 = arith.cmpi ne, %rem3A_145, %ne3A_147 : vector<16xi32>
      %lt3A_149 = arith.constant 0 : i32
      %lt3A_150 = vector.broadcast %lt3A_149 : i32 to vector<16xi32>
      %lt3A_151 = arith.cmpi slt, %rem3A_145, %lt3A_150 : vector<16xi32>
      %lt3A_152 = arith.constant 0 : i32
      %lt3A_153 = arith.cmpi slt, %select_n3A_143, %lt3A_152 : i32
      %ne3A_154 = vector.broadcast %lt3A_153 : i1 to vector<16xi1>
      %ne3A_155 = vector.broadcast %ne3A_154 : vector<16xi1> to vector<16xi1>
      %ne3A_156 = arith.xori %lt3A_151, %ne3A_155 : vector<16xi1>
      %and3A_157 = arith.andi %ne3A_156, %ne3A_148 : vector<16xi1>
      %add3A_158 = vector.broadcast %select_n3A_143 : i32 to vector<16xi32>
      %add3A_159 = arith.addi %rem3A_145, %add3A_158 : vector<16xi32>
      %select_n3A_160 = arith.select %and3A_157, %add3A_159, %rem3A_145 : vector<16xi1>, vector<16xi32>
      %gather3A_161 = tpu.vector_load_idx %arg11[%select_n3A_160] : memref<16xi32, #tpu.memory_space<vmem>>[vector<16xi32>], vector<16xi32>,
      %add3A_162 = arith.addi %mul3A_138, %gather3A_161 : vector<16xi32>
      %sub3A_163 = arith.constant 0 : i32
      %sub3A_164 = vector.broadcast %sub3A_163 : i32 to vector<16xi32>
      %sub3A_165 = arith.subi %select_n3A, %sub3A_164 : vector<16xi32>
      %gather3A_166 = tpu.vector_load_idx %arg15[%sub3A_165, %add3A_162] : memref<200x128xi32, #tpu.memory_space<vmem>>[vector<16xi32>, vector<16xi32>], vector<16xi32>,
      %swap3A = arith.index_cast %add3A_90 : i32 to index
      %swap3A_167 = tpu.vector_load %arg16[%swap3A] {strides = array<i32>} : memref<8000xi32, #tpu.memory_space<vmem>>, vector<16xi32>,
      tpu.vector_store %arg16[%swap3A], %gather3A_166 {strides = array<i32>} : memref<8000xi32, #tpu.memory_space<vmem>>, vector<16xi32>,
    }
    %scan3A_33 = arith.constant 125 : i32
    %dma_start3A_34 = arith.constant 200 : i32
    %dma_start3A_35 = tpu.memref_slice %arg14[%dma_start3A_34] : memref<800xi32, #tpu.memory_space<vmem>> -> memref<200xi32, #tpu.memory_space<vmem>>
    %dma_start3A_36 = arith.constant 0 : i32
    %dma_start3A_37 = arith.constant 0 : i32
    %dma_start3A_38 = tpu.memref_slice %arg3[%dma_start3A_36, %dma_start3A_37] : memref<25000x128xi32, #tpu.memory_space<hbm>> -> memref<25000x128xi32, #tpu.memory_space<hbm>>
    tpu.enqueue_indirect_dma source(%dma_start3A_38 : memref<25000x128xi32, #tpu.memory_space<hbm>>) target(%arg15 : memref<200x128xi32, #tpu.memory_space<vmem>>) offsets(%dma_start3A_35 : memref<200xi32, #tpu.memory_space<vmem>>) semaphore(%arg17 : memref<!tpu.dma_semaphore, #tpu.memory_space<semaphore_mem>>)
    %dma_wait3A_39 = arith.constant 200 : i32
    %dma_wait3A_40 = tpu.memref_slice %arg14[%dma_wait3A_39] : memref<800xi32, #tpu.memory_space<vmem>> -> memref<200xi32, #tpu.memory_space<vmem>>
    %dma_wait3A_41 = arith.constant 0 : i32
    %dma_wait3A_42 = arith.constant 0 : i32
    %dma_wait3A_43 = tpu.memref_slice %arg3[%dma_wait3A_41, %dma_wait3A_42] : memref<25000x128xi32, #tpu.memory_space<hbm>> -> memref<25000x128xi32, #tpu.memory_space<hbm>>
    tpu.wait_indirect_dma semaphore(%arg17 : memref<!tpu.dma_semaphore, #tpu.memory_space<semaphore_mem>>) src(%dma_wait3A_43 : memref<25000x128xi32, #tpu.memory_space<hbm>>) dst(%arg15 : memref<200x128xi32, #tpu.memory_space<vmem>>)
    %scan3A_44 = arith.constant 0 : i32
    %scan3A_45 = arith.constant 0 : i32
    %scan3A_46 = arith.constant 125 : i32
    %scan3A_47 = arith.addi %scan3A_45, %scan3A_46 : i32
    %scan3A_48 = arith.constant 1 : i32
    scf.for %scan3A_86 = %scan3A_45 to %scan3A_47 step %scan3A_48  : i32 {
      %mul3A_87 = arith.constant 16 : i32
      %mul3A_88 = arith.muli %scan3A_86, %mul3A_87 : i32
      %add3A_89 = arith.constant 2000 : i32
      %add3A_90 = arith.addi %add3A_89, %mul3A_88 : i32
      %iota3A = tpu.iota {dimensions = array<i32: 0>} : vector<16xi32>
      %add3A_91 = vector.broadcast %add3A_90 : i32 to vector<16xi32>
      %add3A_92 = arith.addi %add3A_91, %iota3A : vector<16xi32>
      %jit3A = arith.constant 10 : i32
      %div3A = vector.broadcast %jit3A : i32 to vector<16xi32>
      %div3A_93 = arith.divsi %add3A_92, %div3A : vector<16xi32>
      %sign3A = arith.constant 0 : i32
      %sign3A_94 = vector.broadcast %sign3A : i32 to vector<16xi32>
      %sign3A_95 = arith.cmpi sgt, %add3A_92, %sign3A_94 : vector<16xi32>
      %sign3A_96 = arith.extui %sign3A_95 : vector<16xi1> to vector<16xi32>
      %sign3A_97 = arith.constant 0 : i32
      %sign3A_98 = vector.broadcast %sign3A_97 : i32 to vector<16xi32>
      %sign3A_99 = arith.cmpi slt, %add3A_92, %sign3A_98 : vector<16xi32>
      %sign3A_100 = arith.extui %sign3A_99 : vector<16xi1> to vector<16xi32>
      %sign3A_101 = arith.subi %sign3A_96, %sign3A_100 : vector<16xi32>
      %sign3A_102 = arith.constant 0 : i32
      %sign3A_103 = arith.cmpi sgt, %jit3A, %sign3A_102 : i32
      %sign3A_104 = arith.extui %sign3A_103 : i1 to i32
      %sign3A_105 = arith.constant 0 : i32
      %sign3A_106 = arith.cmpi slt, %jit3A, %sign3A_105 : i32
      %sign3A_107 = arith.extui %sign3A_106 : i1 to i32
      %sign3A_108 = arith.subi %sign3A_104, %sign3A_107 : i32
      %ne3A = vector.broadcast %sign3A_108 : i32 to vector<16xi32>
      %ne3A_109 = arith.cmpi ne, %sign3A_101, %ne3A : vector<16xi32>
      %rem3A = vector.broadcast %jit3A : i32 to vector<16xi32>
      %rem3A_110 = arith.remsi %add3A_92, %rem3A : vector<16xi32>
      %ne3A_111 = arith.constant 0 : i32
      %ne3A_112 = vector.broadcast %ne3A_111 : i32 to vector<16xi32>
      %ne3A_113 = arith.cmpi ne, %rem3A_110, %ne3A_112 : vector<16xi32>
      %and3A = arith.andi %ne3A_109, %ne3A_113 : vector<16xi1>
      %sub3A = arith.constant 1 : i32
      %sub3A_114 = vector.broadcast %sub3A : i32 to vector<16xi32>
      %sub3A_115 = arith.subi %div3A_93, %sub3A_114 : vector<16xi32>
      %select_n3A = arith.select %and3A, %sub3A_115, %div3A_93 : vector<16xi1>, vector<16xi32>
      %gather3A = tpu.vector_load_idx %arg13[%select_n3A] : memref<800xi32, #tpu.memory_space<vmem>>[vector<16xi32>], vector<16xi32>,
      %jit3A_116 = arith.constant 4 : i32
      %eq3A = arith.constant 0 : i32
      %eq3A_117 = arith.cmpi eq, %jit3A_116, %eq3A : i32
      %jit3A_118 = arith.constant 1 : i32
      %select_n3A_119 = arith.select %eq3A_117, %jit3A_118, %jit3A_116 : i32
      %rem3A_120 = vector.broadcast %select_n3A_119 : i32 to vector<16xi32>
      %rem3A_121 = arith.remsi %gather3A, %rem3A_120 : vector<16xi32>
      %ne3A_122 = arith.constant 0 : i32
      %ne3A_123 = vector.broadcast %ne3A_122 : i32 to vector<16xi32>
      %ne3A_124 = arith.cmpi ne, %rem3A_121, %ne3A_123 : vector<16xi32>
      %lt3A = arith.constant 0 : i32
      %lt3A_125 = vector.broadcast %lt3A : i32 to vector<16xi32>
      %lt3A_126 = arith.cmpi slt, %rem3A_121, %lt3A_125 : vector<16xi32>
      %lt3A_127 = arith.constant 0 : i32
      %lt3A_128 = arith.cmpi slt, %select_n3A_119, %lt3A_127 : i32
      %ne3A_129 = vector.broadcast %lt3A_128 : i1 to vector<16xi1>
      %ne3A_130 = vector.broadcast %ne3A_129 : vector<16xi1> to vector<16xi1>
      %ne3A_131 = arith.xori %lt3A_126, %ne3A_130 : vector<16xi1>
      %and3A_132 = arith.andi %ne3A_131, %ne3A_124 : vector<16xi1>
      %add3A_133 = vector.broadcast %select_n3A_119 : i32 to vector<16xi32>
      %add3A_134 = arith.addi %rem3A_121, %add3A_133 : vector<16xi32>
      %select_n3A_135 = arith.select %and3A_132, %add3A_134, %rem3A_121 : vector<16xi1>, vector<16xi32>
      %mul3A_136 = arith.constant 32 : i32
      %mul3A_137 = vector.broadcast %mul3A_136 : i32 to vector<16xi32>
      %mul3A_138 = arith.muli %select_n3A_135, %mul3A_137 : vector<16xi32>
      %jit3A_139 = arith.constant 10 : i32
      %eq3A_140 = arith.constant 0 : i32
      %eq3A_141 = arith.cmpi eq, %jit3A_139, %eq3A_140 : i32
      %jit3A_142 = arith.constant 1 : i32
      %select_n3A_143 = arith.select %eq3A_141, %jit3A_142, %jit3A_139 : i32
      %rem3A_144 = vector.broadcast %select_n3A_143 : i32 to vector<16xi32>
      %rem3A_145 = arith.remsi %add3A_92, %rem3A_144 : vector<16xi32>
      %ne3A_146 = arith.constant 0 : i32
      %ne3A_147 = vector.broadcast %ne3A_146 : i32 to vector<16xi32>
      %ne3A_148 = arith.cmpi ne, %rem3A_145, %ne3A_147 : vector<16xi32>
      %lt3A_149 = arith.constant 0 : i32
      %lt3A_150 = vector.broadcast %lt3A_149 : i32 to vector<16xi32>
      %lt3A_151 = arith.cmpi slt, %rem3A_145, %lt3A_150 : vector<16xi32>
      %lt3A_152 = arith.constant 0 : i32
      %lt3A_153 = arith.cmpi slt, %select_n3A_143, %lt3A_152 : i32
      %ne3A_154 = vector.broadcast %lt3A_153 : i1 to vector<16xi1>
      %ne3A_155 = vector.broadcast %ne3A_154 : vector<16xi1> to vector<16xi1>
      %ne3A_156 = arith.xori %lt3A_151, %ne3A_155 : vector<16xi1>
      %and3A_157 = arith.andi %ne3A_156, %ne3A_148 : vector<16xi1>
      %add3A_158 = vector.broadcast %select_n3A_143 : i32 to vector<16xi32>
      %add3A_159 = arith.addi %rem3A_145, %add3A_158 : vector<16xi32>
      %select_n3A_160 = arith.select %and3A_157, %add3A_159, %rem3A_145 : vector<16xi1>, vector<16xi32>
      %gather3A_161 = tpu.vector_load_idx %arg11[%select_n3A_160] : memref<16xi32, #tpu.memory_space<vmem>>[vector<16xi32>], vector<16xi32>,
      %add3A_162 = arith.addi %mul3A_138, %gather3A_161 : vector<16xi32>
      %sub3A_163 = arith.constant 200 : i32
      %sub3A_164 = vector.broadcast %sub3A_163 : i32 to vector<16xi32>
      %sub3A_165 = arith.subi %select_n3A, %sub3A_164 : vector<16xi32>
      %gather3A_166 = tpu.vector_load_idx %arg15[%sub3A_165, %add3A_162] : memref<200x128xi32, #tpu.memory_space<vmem>>[vector<16xi32>, vector<16xi32>], vector<16xi32>,
      %swap3A = arith.index_cast %add3A_90 : i32 to index
      %swap3A_167 = tpu.vector_load %arg16[%swap3A] {strides = array<i32>} : memref<8000xi32, #tpu.memory_space<vmem>>, vector<16xi32>,
      tpu.vector_store %arg16[%swap3A], %gather3A_166 {strides = array<i32>} : memref<8000xi32, #tpu.memory_space<vmem>>, vector<16xi32>,
    }
    %scan3A_49 = arith.constant 125 : i32
    %dma_start3A_50 = arith.constant 400 : i32
    %dma_start3A_51 = tpu.memref_slice %arg14[%dma_start3A_50] : memref<800xi32, #tpu.memory_space<vmem>> -> memref<200xi32, #tpu.memory_space<vmem>>
    %dma_start3A_52 = arith.constant 0 : i32
    %dma_start3A_53 = arith.constant 0 : i32
    %dma_start3A_54 = tpu.memref_slice %arg3[%dma_start3A_52, %dma_start3A_53] : memref<25000x128xi32, #tpu.memory_space<hbm>> -> memref<25000x128xi32, #tpu.memory_space<hbm>>
    tpu.enqueue_indirect_dma source(%dma_start3A_54 : memref<25000x128xi32, #tpu.memory_space<hbm>>) target(%arg15 : memref<200x128xi32, #tpu.memory_space<vmem>>) offsets(%dma_start3A_51 : memref<200xi32, #tpu.memory_space<vmem>>) semaphore(%arg17 : memref<!tpu.dma_semaphore, #tpu.memory_space<semaphore_mem>>)
    %dma_wait3A_55 = arith.constant 400 : i32
    %dma_wait3A_56 = tpu.memref_slice %arg14[%dma_wait3A_55] : memref<800xi32, #tpu.memory_space<vmem>> -> memref<200xi32, #tpu.memory_space<vmem>>
    %dma_wait3A_57 = arith.constant 0 : i32
    %dma_wait3A_58 = arith.constant 0 : i32
    %dma_wait3A_59 = tpu.memref_slice %arg3[%dma_wait3A_57, %dma_wait3A_58] : memref<25000x128xi32, #tpu.memory_space<hbm>> -> memref<25000x128xi32, #tpu.memory_space<hbm>>
    tpu.wait_indirect_dma semaphore(%arg17 : memref<!tpu.dma_semaphore, #tpu.memory_space<semaphore_mem>>) src(%dma_wait3A_59 : memref<25000x128xi32, #tpu.memory_space<hbm>>) dst(%arg15 : memref<200x128xi32, #tpu.memory_space<vmem>>)
    %scan3A_60 = arith.constant 0 : i32
    %scan3A_61 = arith.constant 0 : i32
    %scan3A_62 = arith.constant 125 : i32
    %scan3A_63 = arith.addi %scan3A_61, %scan3A_62 : i32
    %scan3A_64 = arith.constant 1 : i32
    scf.for %scan3A_86 = %scan3A_61 to %scan3A_63 step %scan3A_64  : i32 {
      %mul3A_87 = arith.constant 16 : i32
      %mul3A_88 = arith.muli %scan3A_86, %mul3A_87 : i32
      %add3A_89 = arith.constant 4000 : i32
      %add3A_90 = arith.addi %add3A_89, %mul3A_88 : i32
      %iota3A = tpu.iota {dimensions = array<i32: 0>} : vector<16xi32>
      %add3A_91 = vector.broadcast %add3A_90 : i32 to vector<16xi32>
      %add3A_92 = arith.addi %add3A_91, %iota3A : vector<16xi32>
      %jit3A = arith.constant 10 : i32
      %div3A = vector.broadcast %jit3A : i32 to vector<16xi32>
      %div3A_93 = arith.divsi %add3A_92, %div3A : vector<16xi32>
      %sign3A = arith.constant 0 : i32
      %sign3A_94 = vector.broadcast %sign3A : i32 to vector<16xi32>
      %sign3A_95 = arith.cmpi sgt, %add3A_92, %sign3A_94 : vector<16xi32>
      %sign3A_96 = arith.extui %sign3A_95 : vector<16xi1> to vector<16xi32>
      %sign3A_97 = arith.constant 0 : i32
      %sign3A_98 = vector.broadcast %sign3A_97 : i32 to vector<16xi32>
      %sign3A_99 = arith.cmpi slt, %add3A_92, %sign3A_98 : vector<16xi32>
      %sign3A_100 = arith.extui %sign3A_99 : vector<16xi1> to vector<16xi32>
      %sign3A_101 = arith.subi %sign3A_96, %sign3A_100 : vector<16xi32>
      %sign3A_102 = arith.constant 0 : i32
      %sign3A_103 = arith.cmpi sgt, %jit3A, %sign3A_102 : i32
      %sign3A_104 = arith.extui %sign3A_103 : i1 to i32
      %sign3A_105 = arith.constant 0 : i32
      %sign3A_106 = arith.cmpi slt, %jit3A, %sign3A_105 : i32
      %sign3A_107 = arith.extui %sign3A_106 : i1 to i32
      %sign3A_108 = arith.subi %sign3A_104, %sign3A_107 : i32
      %ne3A = vector.broadcast %sign3A_108 : i32 to vector<16xi32>
      %ne3A_109 = arith.cmpi ne, %sign3A_101, %ne3A : vector<16xi32>
      %rem3A = vector.broadcast %jit3A : i32 to vector<16xi32>
      %rem3A_110 = arith.remsi %add3A_92, %rem3A : vector<16xi32>
      %ne3A_111 = arith.constant 0 : i32
      %ne3A_112 = vector.broadcast %ne3A_111 : i32 to vector<16xi32>
      %ne3A_113 = arith.cmpi ne, %rem3A_110, %ne3A_112 : vector<16xi32>
      %and3A = arith.andi %ne3A_109, %ne3A_113 : vector<16xi1>
      %sub3A = arith.constant 1 : i32
      %sub3A_114 = vector.broadcast %sub3A : i32 to vector<16xi32>
      %sub3A_115 = arith.subi %div3A_93, %sub3A_114 : vector<16xi32>
      %select_n3A = arith.select %and3A, %sub3A_115, %div3A_93 : vector<16xi1>, vector<16xi32>
      %gather3A = tpu.vector_load_idx %arg13[%select_n3A] : memref<800xi32, #tpu.memory_space<vmem>>[vector<16xi32>], vector<16xi32>,
      %jit3A_116 = arith.constant 4 : i32
      %eq3A = arith.constant 0 : i32
      %eq3A_117 = arith.cmpi eq, %jit3A_116, %eq3A : i32
      %jit3A_118 = arith.constant 1 : i32
      %select_n3A_119 = arith.select %eq3A_117, %jit3A_118, %jit3A_116 : i32
      %rem3A_120 = vector.broadcast %select_n3A_119 : i32 to vector<16xi32>
      %rem3A_121 = arith.remsi %gather3A, %rem3A_120 : vector<16xi32>
      %ne3A_122 = arith.constant 0 : i32
      %ne3A_123 = vector.broadcast %ne3A_122 : i32 to vector<16xi32>
      %ne3A_124 = arith.cmpi ne, %rem3A_121, %ne3A_123 : vector<16xi32>
      %lt3A = arith.constant 0 : i32
      %lt3A_125 = vector.broadcast %lt3A : i32 to vector<16xi32>
      %lt3A_126 = arith.cmpi slt, %rem3A_121, %lt3A_125 : vector<16xi32>
      %lt3A_127 = arith.constant 0 : i32
      %lt3A_128 = arith.cmpi slt, %select_n3A_119, %lt3A_127 : i32
      %ne3A_129 = vector.broadcast %lt3A_128 : i1 to vector<16xi1>
      %ne3A_130 = vector.broadcast %ne3A_129 : vector<16xi1> to vector<16xi1>
      %ne3A_131 = arith.xori %lt3A_126, %ne3A_130 : vector<16xi1>
      %and3A_132 = arith.andi %ne3A_131, %ne3A_124 : vector<16xi1>
      %add3A_133 = vector.broadcast %select_n3A_119 : i32 to vector<16xi32>
      %add3A_134 = arith.addi %rem3A_121, %add3A_133 : vector<16xi32>
      %select_n3A_135 = arith.select %and3A_132, %add3A_134, %rem3A_121 : vector<16xi1>, vector<16xi32>
      %mul3A_136 = arith.constant 32 : i32
      %mul3A_137 = vector.broadcast %mul3A_136 : i32 to vector<16xi32>
      %mul3A_138 = arith.muli %select_n3A_135, %mul3A_137 : vector<16xi32>
      %jit3A_139 = arith.constant 10 : i32
      %eq3A_140 = arith.constant 0 : i32
      %eq3A_141 = arith.cmpi eq, %jit3A_139, %eq3A_140 : i32
      %jit3A_142 = arith.constant 1 : i32
      %select_n3A_143 = arith.select %eq3A_141, %jit3A_142, %jit3A_139 : i32
      %rem3A_144 = vector.broadcast %select_n3A_143 : i32 to vector<16xi32>
      %rem3A_145 = arith.remsi %add3A_92, %rem3A_144 : vector<16xi32>
      %ne3A_146 = arith.constant 0 : i32
      %ne3A_147 = vector.broadcast %ne3A_146 : i32 to vector<16xi32>
      %ne3A_148 = arith.cmpi ne, %rem3A_145, %ne3A_147 : vector<16xi32>
      %lt3A_149 = arith.constant 0 : i32
      %lt3A_150 = vector.broadcast %lt3A_149 : i32 to vector<16xi32>
      %lt3A_151 = arith.cmpi slt, %rem3A_145, %lt3A_150 : vector<16xi32>
      %lt3A_152 = arith.constant 0 : i32
      %lt3A_153 = arith.cmpi slt, %select_n3A_143, %lt3A_152 : i32
      %ne3A_154 = vector.broadcast %lt3A_153 : i1 to vector<16xi1>
      %ne3A_155 = vector.broadcast %ne3A_154 : vector<16xi1> to vector<16xi1>
      %ne3A_156 = arith.xori %lt3A_151, %ne3A_155 : vector<16xi1>
      %and3A_157 = arith.andi %ne3A_156, %ne3A_148 : vector<16xi1>
      %add3A_158 = vector.broadcast %select_n3A_143 : i32 to vector<16xi32>
      %add3A_159 = arith.addi %rem3A_145, %add3A_158 : vector<16xi32>
      %select_n3A_160 = arith.select %and3A_157, %add3A_159, %rem3A_145 : vector<16xi1>, vector<16xi32>
      %gather3A_161 = tpu.vector_load_idx %arg11[%select_n3A_160] : memref<16xi32, #tpu.memory_space<vmem>>[vector<16xi32>], vector<16xi32>,
      %add3A_162 = arith.addi %mul3A_138, %gather3A_161 : vector<16xi32>
      %sub3A_163 = arith.constant 400 : i32
      %sub3A_164 = vector.broadcast %sub3A_163 : i32 to vector<16xi32>
      %sub3A_165 = arith.subi %select_n3A, %sub3A_164 : vector<16xi32>
      %gather3A_166 = tpu.vector_load_idx %arg15[%sub3A_165, %add3A_162] : memref<200x128xi32, #tpu.memory_space<vmem>>[vector<16xi32>, vector<16xi32>], vector<16xi32>,
      %swap3A = arith.index_cast %add3A_90 : i32 to index
      %swap3A_167 = tpu.vector_load %arg16[%swap3A] {strides = array<i32>} : memref<8000xi32, #tpu.memory_space<vmem>>, vector<16xi32>,
      tpu.vector_store %arg16[%swap3A], %gather3A_166 {strides = array<i32>} : memref<8000xi32, #tpu.memory_space<vmem>>, vector<16xi32>,
    }
    %scan3A_65 = arith.constant 125 : i32
    %dma_start3A_66 = arith.constant 600 : i32
    %dma_start3A_67 = tpu.memref_slice %arg14[%dma_start3A_66] : memref<800xi32, #tpu.memory_space<vmem>> -> memref<200xi32, #tpu.memory_space<vmem>>
    %dma_start3A_68 = arith.constant 0 : i32
    %dma_start3A_69 = arith.constant 0 : i32
    %dma_start3A_70 = tpu.memref_slice %arg3[%dma_start3A_68, %dma_start3A_69] : memref<25000x128xi32, #tpu.memory_space<hbm>> -> memref<25000x128xi32, #tpu.memory_space<hbm>>
    tpu.enqueue_indirect_dma source(%dma_start3A_70 : memref<25000x128xi32, #tpu.memory_space<hbm>>) target(%arg15 : memref<200x128xi32, #tpu.memory_space<vmem>>) offsets(%dma_start3A_67 : memref<200xi32, #tpu.memory_space<vmem>>) semaphore(%arg17 : memref<!tpu.dma_semaphore, #tpu.memory_space<semaphore_mem>>)
    %dma_wait3A_71 = arith.constant 600 : i32
    %dma_wait3A_72 = tpu.memref_slice %arg14[%dma_wait3A_71] : memref<800xi32, #tpu.memory_space<vmem>> -> memref<200xi32, #tpu.memory_space<vmem>>
    %dma_wait3A_73 = arith.constant 0 : i32
    %dma_wait3A_74 = arith.constant 0 : i32
    %dma_wait3A_75 = tpu.memref_slice %arg3[%dma_wait3A_73, %dma_wait3A_74] : memref<25000x128xi32, #tpu.memory_space<hbm>> -> memref<25000x128xi32, #tpu.memory_space<hbm>>
    tpu.wait_indirect_dma semaphore(%arg17 : memref<!tpu.dma_semaphore, #tpu.memory_space<semaphore_mem>>) src(%dma_wait3A_75 : memref<25000x128xi32, #tpu.memory_space<hbm>>) dst(%arg15 : memref<200x128xi32, #tpu.memory_space<vmem>>)
    %scan3A_76 = arith.constant 0 : i32
    %scan3A_77 = arith.constant 0 : i32
    %scan3A_78 = arith.constant 125 : i32
    %scan3A_79 = arith.addi %scan3A_77, %scan3A_78 : i32
    %scan3A_80 = arith.constant 1 : i32
    scf.for %scan3A_86 = %scan3A_77 to %scan3A_79 step %scan3A_80  : i32 {
      %mul3A_87 = arith.constant 16 : i32
      %mul3A_88 = arith.muli %scan3A_86, %mul3A_87 : i32
      %add3A_89 = arith.constant 6000 : i32
      %add3A_90 = arith.addi %add3A_89, %mul3A_88 : i32
      %iota3A = tpu.iota {dimensions = array<i32: 0>} : vector<16xi32>
      %add3A_91 = vector.broadcast %add3A_90 : i32 to vector<16xi32>
      %add3A_92 = arith.addi %add3A_91, %iota3A : vector<16xi32>
      %jit3A = arith.constant 10 : i32
      %div3A = vector.broadcast %jit3A : i32 to vector<16xi32>
      %div3A_93 = arith.divsi %add3A_92, %div3A : vector<16xi32>
      %sign3A = arith.constant 0 : i32
      %sign3A_94 = vector.broadcast %sign3A : i32 to vector<16xi32>
      %sign3A_95 = arith.cmpi sgt, %add3A_92, %sign3A_94 : vector<16xi32>
      %sign3A_96 = arith.extui %sign3A_95 : vector<16xi1> to vector<16xi32>
      %sign3A_97 = arith.constant 0 : i32
      %sign3A_98 = vector.broadcast %sign3A_97 : i32 to vector<16xi32>
      %sign3A_99 = arith.cmpi slt, %add3A_92, %sign3A_98 : vector<16xi32>
      %sign3A_100 = arith.extui %sign3A_99 : vector<16xi1> to vector<16xi32>
      %sign3A_101 = arith.subi %sign3A_96, %sign3A_100 : vector<16xi32>
      %sign3A_102 = arith.constant 0 : i32
      %sign3A_103 = arith.cmpi sgt, %jit3A, %sign3A_102 : i32
      %sign3A_104 = arith.extui %sign3A_103 : i1 to i32
      %sign3A_105 = arith.constant 0 : i32
      %sign3A_106 = arith.cmpi slt, %jit3A, %sign3A_105 : i32
      %sign3A_107 = arith.extui %sign3A_106 : i1 to i32
      %sign3A_108 = arith.subi %sign3A_104, %sign3A_107 : i32
      %ne3A = vector.broadcast %sign3A_108 : i32 to vector<16xi32>
      %ne3A_109 = arith.cmpi ne, %sign3A_101, %ne3A : vector<16xi32>
      %rem3A = vector.broadcast %jit3A : i32 to vector<16xi32>
      %rem3A_110 = arith.remsi %add3A_92, %rem3A : vector<16xi32>
      %ne3A_111 = arith.constant 0 : i32
      %ne3A_112 = vector.broadcast %ne3A_111 : i32 to vector<16xi32>
      %ne3A_113 = arith.cmpi ne, %rem3A_110, %ne3A_112 : vector<16xi32>
      %and3A = arith.andi %ne3A_109, %ne3A_113 : vector<16xi1>
      %sub3A = arith.constant 1 : i32
      %sub3A_114 = vector.broadcast %sub3A : i32 to vector<16xi32>
      %sub3A_115 = arith.subi %div3A_93, %sub3A_114 : vector<16xi32>
      %select_n3A = arith.select %and3A, %sub3A_115, %div3A_93 : vector<16xi1>, vector<16xi32>
      %gather3A = tpu.vector_load_idx %arg13[%select_n3A] : memref<800xi32, #tpu.memory_space<vmem>>[vector<16xi32>], vector<16xi32>,
      %jit3A_116 = arith.constant 4 : i32
      %eq3A = arith.constant 0 : i32
      %eq3A_117 = arith.cmpi eq, %jit3A_116, %eq3A : i32
      %jit3A_118 = arith.constant 1 : i32
      %select_n3A_119 = arith.select %eq3A_117, %jit3A_118, %jit3A_116 : i32
      %rem3A_120 = vector.broadcast %select_n3A_119 : i32 to vector<16xi32>
      %rem3A_121 = arith.remsi %gather3A, %rem3A_120 : vector<16xi32>
      %ne3A_122 = arith.constant 0 : i32
      %ne3A_123 = vector.broadcast %ne3A_122 : i32 to vector<16xi32>
      %ne3A_124 = arith.cmpi ne, %rem3A_121, %ne3A_123 : vector<16xi32>
      %lt3A = arith.constant 0 : i32
      %lt3A_125 = vector.broadcast %lt3A : i32 to vector<16xi32>
      %lt3A_126 = arith.cmpi slt, %rem3A_121, %lt3A_125 : vector<16xi32>
      %lt3A_127 = arith.constant 0 : i32
      %lt3A_128 = arith.cmpi slt, %select_n3A_119, %lt3A_127 : i32
      %ne3A_129 = vector.broadcast %lt3A_128 : i1 to vector<16xi1>
      %ne3A_130 = vector.broadcast %ne3A_129 : vector<16xi1> to vector<16xi1>
      %ne3A_131 = arith.xori %lt3A_126, %ne3A_130 : vector<16xi1>
      %and3A_132 = arith.andi %ne3A_131, %ne3A_124 : vector<16xi1>
      %add3A_133 = vector.broadcast %select_n3A_119 : i32 to vector<16xi32>
      %add3A_134 = arith.addi %rem3A_121, %add3A_133 : vector<16xi32>
      %select_n3A_135 = arith.select %and3A_132, %add3A_134, %rem3A_121 : vector<16xi1>, vector<16xi32>
      %mul3A_136 = arith.constant 32 : i32
      %mul3A_137 = vector.broadcast %mul3A_136 : i32 to vector<16xi32>
      %mul3A_138 = arith.muli %select_n3A_135, %mul3A_137 : vector<16xi32>
      %jit3A_139 = arith.constant 10 : i32
      %eq3A_140 = arith.constant 0 : i32
      %eq3A_141 = arith.cmpi eq, %jit3A_139, %eq3A_140 : i32
      %jit3A_142 = arith.constant 1 : i32
      %select_n3A_143 = arith.select %eq3A_141, %jit3A_142, %jit3A_139 : i32
      %rem3A_144 = vector.broadcast %select_n3A_143 : i32 to vector<16xi32>
      %rem3A_145 = arith.remsi %add3A_92, %rem3A_144 : vector<16xi32>
      %ne3A_146 = arith.constant 0 : i32
      %ne3A_147 = vector.broadcast %ne3A_146 : i32 to vector<16xi32>
      %ne3A_148 = arith.cmpi ne, %rem3A_145, %ne3A_147 : vector<16xi32>
      %lt3A_149 = arith.constant 0 : i32
      %lt3A_150 = vector.broadcast %lt3A_149 : i32 to vector<16xi32>
      %lt3A_151 = arith.cmpi slt, %rem3A_145, %lt3A_150 : vector<16xi32>
      %lt3A_152 = arith.constant 0 : i32
      %lt3A_153 = arith.cmpi slt, %select_n3A_143, %lt3A_152 : i32
      %ne3A_154 = vector.broadcast %lt3A_153 : i1 to vector<16xi1>
      %ne3A_155 = vector.broadcast %ne3A_154 : vector<16xi1> to vector<16xi1>
      %ne3A_156 = arith.xori %lt3A_151, %ne3A_155 : vector<16xi1>
      %and3A_157 = arith.andi %ne3A_156, %ne3A_148 : vector<16xi1>
      %add3A_158 = vector.broadcast %select_n3A_143 : i32 to vector<16xi32>
      %add3A_159 = arith.addi %rem3A_145, %add3A_158 : vector<16xi32>
      %select_n3A_160 = arith.select %and3A_157, %add3A_159, %rem3A_145 : vector<16xi1>, vector<16xi32>
      %gather3A_161 = tpu.vector_load_idx %arg11[%select_n3A_160] : memref<16xi32, #tpu.memory_space<vmem>>[vector<16xi32>], vector<16xi32>,
      %add3A_162 = arith.addi %mul3A_138, %gather3A_161 : vector<16xi32>
      %sub3A_163 = arith.constant 600 : i32
      %sub3A_164 = vector.broadcast %sub3A_163 : i32 to vector<16xi32>
      %sub3A_165 = arith.subi %select_n3A, %sub3A_164 : vector<16xi32>
      %gather3A_166 = tpu.vector_load_idx %arg15[%sub3A_165, %add3A_162] : memref<200x128xi32, #tpu.memory_space<vmem>>[vector<16xi32>, vector<16xi32>], vector<16xi32>,
      %swap3A = arith.index_cast %add3A_90 : i32 to index
      %swap3A_167 = tpu.vector_load %arg16[%swap3A] {strides = array<i32>} : memref<8000xi32, #tpu.memory_space<vmem>>, vector<16xi32>,
      tpu.vector_store %arg16[%swap3A], %gather3A_166 {strides = array<i32>} : memref<8000xi32, #tpu.memory_space<vmem>>, vector<16xi32>,
    }
    %scan3A_81 = arith.constant 125 : i32
    %mul3A_82 = arith.constant 800 : i32
    %mul3A_83 = arith.muli %add3A, %mul3A_82 : i32
    "tpu.region"() ({
      %run_scoped3A = tpu.sem_alloc : memref<!tpu.dma_semaphore, #tpu.memory_space<semaphore_mem>>
      %dma_start3A_86 = tpu.memref_slice %arg6[%mul3A_83] : memref<25600xi32, #tpu.memory_space<hbm>> -> memref<800xi32, #tpu.memory_space<hbm>>
      %dma_start3A_87 = tpu.memref_slice %arg6[%mul3A_83] : memref<25600xi32, #tpu.memory_space<hbm>> -> memref<800xi32, #tpu.memory_space<hbm>>
      tpu.enqueue_dma source(%arg13 : memref<800xi32, #tpu.memory_space<vmem>>) target(%dma_start3A_87 : memref<800xi32, #tpu.memory_space<hbm>>) target_semaphore(%run_scoped3A : memref<!tpu.dma_semaphore, #tpu.memory_space<semaphore_mem>>)
      %dma_wait3A_88 = tpu.memref_slice %arg6[%mul3A_83] : memref<25600xi32, #tpu.memory_space<hbm>> -> memref<800xi32, #tpu.memory_space<hbm>>
      %dma_wait3A_89 = tpu.memref_slice %arg6[%mul3A_83] : memref<25600xi32, #tpu.memory_space<hbm>> -> memref<800xi32, #tpu.memory_space<hbm>>
      tpu.wait_dma2 semaphore(%run_scoped3A : memref<!tpu.dma_semaphore, #tpu.memory_space<semaphore_mem>>) src(%arg13 : memref<800xi32, #tpu.memory_space<vmem>>) dst(%dma_wait3A_89 : memref<800xi32, #tpu.memory_space<hbm>>)
      tpu.yield
    }) : () -> ()
    %mul3A_84 = arith.constant 8000 : i32
    %mul3A_85 = arith.muli %add3A, %mul3A_84 : i32
    "tpu.region"() ({
      %run_scoped3A = tpu.sem_alloc : memref<!tpu.dma_semaphore, #tpu.memory_space<semaphore_mem>>
      %dma_start3A_86 = tpu.memref_slice %arg7[%mul3A_85] : memref<256000xi32, #tpu.memory_space<hbm>> -> memref<8000xi32, #tpu.memory_space<hbm>>
      %dma_start3A_87 = tpu.memref_slice %arg7[%mul3A_85] : memref<256000xi32, #tpu.memory_space<hbm>> -> memref<8000xi32, #tpu.memory_space<hbm>>
      tpu.enqueue_dma source(%arg16 : memref<8000xi32, #tpu.memory_space<vmem>>) target(%dma_start3A_87 : memref<8000xi32, #tpu.memory_space<hbm>>) target_semaphore(%run_scoped3A : memref<!tpu.dma_semaphore, #tpu.memory_space<semaphore_mem>>)
      %dma_wait3A_88 = tpu.memref_slice %arg7[%mul3A_85] : memref<256000xi32, #tpu.memory_space<hbm>> -> memref<8000xi32, #tpu.memory_space<hbm>>
      %dma_wait3A_89 = tpu.memref_slice %arg7[%mul3A_85] : memref<256000xi32, #tpu.memory_space<hbm>> -> memref<8000xi32, #tpu.memory_space<hbm>>
      tpu.wait_dma2 semaphore(%run_scoped3A : memref<!tpu.dma_semaphore, #tpu.memory_space<semaphore_mem>>) src(%arg16 : memref<8000xi32, #tpu.memory_space<vmem>>) dst(%dma_wait3A_89 : memref<8000xi32, #tpu.memory_space<hbm>>)
      tpu.yield
    }) : () -> ()
    return
  }
}

module attributes {stable_mosaic.version = 14 : i64} {
  func.func @_head_body(%arg0: memref<1024x128xf32, #tpu.memory_space<vmem>>, %arg1: memref<1024x128xf32, #tpu.memory_space<vmem>>, %arg2: memref<1024x128xf32, #tpu.memory_space<vmem>>, %arg3: memref<1024x128xf32, #tpu.memory_space<vmem>>, %arg4: memref<256x128xf32, #tpu.memory_space<vmem>>, %arg5: memref<256x128xf32, #tpu.memory_space<vmem>>, %arg6: memref<256x40xf32, #tpu.memory_space<vmem>>, %arg7: memref<1x128xf32, #tpu.memory_space<vmem>>, %arg8: memref<1x128xf32, #tpu.memory_space<vmem>>, %arg9: memref<1x40xf32, #tpu.memory_space<vmem>>, %arg10: memref<1024x40xf32, #tpu.memory_space<vmem>>) attributes {dimension_semantics = [], scalar_prefetch = 0 : i64, scratch_operands = 0 : i64, tpu.core_type = #tpu.core_type<tc>} {
    %get3A = arith.constant 0 : index
    %get3A_0 = arith.constant 0 : index
    %get3A_1 = vector.load %arg0[%get3A, %get3A_0] : memref<1024x128xf32, #tpu.memory_space<vmem>>, vector<1024x128xf32>
    %get3A_2 = arith.constant 0 : index
    %get3A_3 = arith.constant 0 : index
    %get3A_4 = vector.load %arg4[%get3A_2, %get3A_3] : memref<256x128xf32, #tpu.memory_space<vmem>>, vector<128x128xf32>
    %dot_general3A = arith.constant dense<0.000000e+00> : vector<1024x128xf32>
    %dot_general3A_5 = tpu.matmul %get3A_1, %get3A_4, %dot_general3A {dimension_numbers = #tpu.dot_dimension_numbers<[1], [0], [0], [1], [0, 0, 1, 1], [], []>, transpose_lhs_hint = false} : vector<1024x128xf32>, vector<128x128xf32>, vector<1024x128xf32> -> vector<1024x128xf32>
    %get3A_6 = arith.constant 0 : index
    %get3A_7 = arith.constant 0 : index
    %get3A_8 = vector.load %arg1[%get3A_6, %get3A_7] : memref<1024x128xf32, #tpu.memory_space<vmem>>, vector<1024x128xf32>
    %get3A_9 = arith.constant 128 : index
    %get3A_10 = arith.constant 0 : index
    %get3A_11 = vector.load %arg4[%get3A_9, %get3A_10] : memref<256x128xf32, #tpu.memory_space<vmem>>, vector<128x128xf32>
    %dot_general3A_12 = arith.constant dense<0.000000e+00> : vector<1024x128xf32>
    %dot_general3A_13 = tpu.matmul %get3A_8, %get3A_11, %dot_general3A_12 {dimension_numbers = #tpu.dot_dimension_numbers<[1], [0], [0], [1], [0, 0, 1, 1], [], []>, transpose_lhs_hint = false} : vector<1024x128xf32>, vector<128x128xf32>, vector<1024x128xf32> -> vector<1024x128xf32>
    %add3A = arith.addf %dot_general3A_5, %dot_general3A_13 : vector<1024x128xf32>
    %get3A_14 = arith.constant 0 : index
    %get3A_15 = arith.constant 0 : index
    %get3A_16 = vector.load %arg7[%get3A_14, %get3A_15] : memref<1x128xf32, #tpu.memory_space<vmem>>, vector<1x128xf32>
    %add3A_17 = vector.broadcast %get3A_16 : vector<1x128xf32> to vector<1024x128xf32>
    %add3A_18 = arith.addf %add3A, %add3A_17 : vector<1024x128xf32>
    %get3A_19 = arith.constant 0 : index
    %get3A_20 = arith.constant 0 : index
    %get3A_21 = vector.load %arg2[%get3A_19, %get3A_20] : memref<1024x128xf32, #tpu.memory_space<vmem>>, vector<1024x128xf32>
    %get3A_22 = arith.constant 0 : index
    %get3A_23 = arith.constant 0 : index
    %get3A_24 = vector.load %arg5[%get3A_22, %get3A_23] : memref<256x128xf32, #tpu.memory_space<vmem>>, vector<128x128xf32>
    %dot_general3A_25 = arith.constant dense<0.000000e+00> : vector<1024x128xf32>
    %dot_general3A_26 = tpu.matmul %get3A_21, %get3A_24, %dot_general3A_25 {dimension_numbers = #tpu.dot_dimension_numbers<[1], [0], [0], [1], [0, 0, 1, 1], [], []>, transpose_lhs_hint = false} : vector<1024x128xf32>, vector<128x128xf32>, vector<1024x128xf32> -> vector<1024x128xf32>
    %get3A_27 = arith.constant 0 : index
    %get3A_28 = arith.constant 0 : index
    %get3A_29 = vector.load %arg3[%get3A_27, %get3A_28] : memref<1024x128xf32, #tpu.memory_space<vmem>>, vector<1024x128xf32>
    %get3A_30 = arith.constant 128 : index
    %get3A_31 = arith.constant 0 : index
    %get3A_32 = vector.load %arg5[%get3A_30, %get3A_31] : memref<256x128xf32, #tpu.memory_space<vmem>>, vector<128x128xf32>
    %dot_general3A_33 = arith.constant dense<0.000000e+00> : vector<1024x128xf32>
    %dot_general3A_34 = tpu.matmul %get3A_29, %get3A_32, %dot_general3A_33 {dimension_numbers = #tpu.dot_dimension_numbers<[1], [0], [0], [1], [0, 0, 1, 1], [], []>, transpose_lhs_hint = false} : vector<1024x128xf32>, vector<128x128xf32>, vector<1024x128xf32> -> vector<1024x128xf32>
    %add3A_35 = arith.addf %dot_general3A_26, %dot_general3A_34 : vector<1024x128xf32>
    %get3A_36 = arith.constant 0 : index
    %get3A_37 = arith.constant 0 : index
    %get3A_38 = vector.load %arg8[%get3A_36, %get3A_37] : memref<1x128xf32, #tpu.memory_space<vmem>>, vector<1x128xf32>
    %add3A_39 = vector.broadcast %get3A_38 : vector<1x128xf32> to vector<1024x128xf32>
    %add3A_40 = arith.addf %add3A_35, %add3A_39 : vector<1024x128xf32>
    %mul3A = arith.mulf %add3A_18, %add3A_18 : vector<1024x128xf32>
    %reduce_sum3A = arith.constant dense<0.000000e+00> : vector<1024xf32>
    %reduce_sum3A_41 = vector.multi_reduction <add>, %mul3A, %reduce_sum3A [1] : vector<1024x128xf32> to vector<1024xf32>
    %broadcast_in_dim3A = vector.shape_cast %reduce_sum3A_41 : vector<1024xf32> to vector<1024x1xf32>
    %mul3A_42 = arith.mulf %add3A_40, %add3A_40 : vector<1024x128xf32>
    %reduce_sum3A_43 = arith.constant dense<0.000000e+00> : vector<1024xf32>
    %reduce_sum3A_44 = vector.multi_reduction <add>, %mul3A_42, %reduce_sum3A_43 [1] : vector<1024x128xf32> to vector<1024xf32>
    %broadcast_in_dim3A_45 = vector.shape_cast %reduce_sum3A_44 : vector<1024xf32> to vector<1024x1xf32>
    %add3A_46 = arith.addf %broadcast_in_dim3A, %broadcast_in_dim3A_45 : vector<1024x1xf32>
    %sqrt3A = math.sqrt %add3A_46 : vector<1024x1xf32>
    %max3A = arith.constant 9.99999996E-13 : f32
    %max3A_47 = vector.broadcast %max3A : f32 to vector<1024x1xf32>
    %max3A_48 = arith.maximumf %sqrt3A, %max3A_47 : vector<1024x1xf32>
    %div3A = arith.constant 1.000000e+00 : f32
    %div3A_49 = vector.broadcast %div3A : f32 to vector<1024x1xf32>
    %div3A_50 = arith.divf %div3A_49, %max3A_48 : vector<1024x1xf32>
    %mul3A_51 = vector.broadcast %div3A_50 : vector<1024x1xf32> to vector<1024x128xf32>
    %mul3A_52 = arith.mulf %add3A_18, %mul3A_51 : vector<1024x128xf32>
    %get3A_53 = arith.constant 0 : index
    %get3A_54 = arith.constant 0 : index
    %get3A_55 = vector.load %arg6[%get3A_53, %get3A_54] : memref<256x40xf32, #tpu.memory_space<vmem>>, vector<128x40xf32>
    %dot_general3A_56 = arith.constant dense<0.000000e+00> : vector<1024x40xf32>
    %dot_general3A_57 = tpu.matmul %mul3A_52, %get3A_55, %dot_general3A_56 {dimension_numbers = #tpu.dot_dimension_numbers<[1], [0], [0], [1], [0, 0, 1, 1], [], []>, transpose_lhs_hint = false} : vector<1024x128xf32>, vector<128x40xf32>, vector<1024x40xf32> -> vector<1024x40xf32>
    %mul3A_58 = vector.broadcast %div3A_50 : vector<1024x1xf32> to vector<1024x128xf32>
    %mul3A_59 = arith.mulf %add3A_40, %mul3A_58 : vector<1024x128xf32>
    %get3A_60 = arith.constant 128 : index
    %get3A_61 = arith.constant 0 : index
    %get3A_62 = vector.load %arg6[%get3A_60, %get3A_61] : memref<256x40xf32, #tpu.memory_space<vmem>>, vector<128x40xf32>
    %dot_general3A_63 = arith.constant dense<0.000000e+00> : vector<1024x40xf32>
    %dot_general3A_64 = tpu.matmul %mul3A_59, %get3A_62, %dot_general3A_63 {dimension_numbers = #tpu.dot_dimension_numbers<[1], [0], [0], [1], [0, 0, 1, 1], [], []>, transpose_lhs_hint = false} : vector<1024x128xf32>, vector<128x40xf32>, vector<1024x40xf32> -> vector<1024x40xf32>
    %add3A_65 = arith.addf %dot_general3A_57, %dot_general3A_64 : vector<1024x40xf32>
    %get3A_66 = arith.constant 0 : index
    %get3A_67 = arith.constant 0 : index
    %get3A_68 = vector.load %arg9[%get3A_66, %get3A_67] : memref<1x40xf32, #tpu.memory_space<vmem>>, vector<1x40xf32>
    %add3A_69 = vector.broadcast %get3A_68 : vector<1x40xf32> to vector<1024x40xf32>
    %add3A_70 = arith.addf %add3A_65, %add3A_69 : vector<1024x40xf32>
    %swap3A = arith.constant 0 : index
    %swap3A_71 = arith.constant 0 : index
    %swap3A_72 = vector.load %arg10[%swap3A, %swap3A_71] : memref<1024x40xf32, #tpu.memory_space<vmem>>, vector<1024x40xf32>
    tpu.vector_store %arg10[%swap3A, %swap3A_71], %add3A_70 {strides = array<i32>} : memref<1024x40xf32, #tpu.memory_space<vmem>>, vector<1024x40xf32>,
    return
  }
}

module attributes {stable_mosaic.version = 14 : i64} {
  func.func @_proj_body(%arg0: i32, %arg1: memref<10000x256xf32, #tpu.memory_space<vmem>>, %arg2: memref<256x256xbf16, #tpu.memory_space<vmem>>, %arg3: memref<1x256xf32, #tpu.memory_space<vmem>>, %arg4: memref<10000x128xi32, #tpu.memory_space<vmem>>) attributes {dimension_semantics = [#tpu.dimension_semantics<arbitrary>], iteration_bounds = array<i64: 10>, scalar_prefetch = 0 : i64, scratch_operands = 0 : i64, tpu.core_type = #tpu.core_type<tc>, window_params = [{transform_indices = @transform_0, window_bounds = array<i64: 10000, 256>}, {pipeline_mode = #tpu.pipeline_mode<synchronous>, transform_indices = @transform_1, window_bounds = array<i64: 256, 256>}, {pipeline_mode = #tpu.pipeline_mode<synchronous>, transform_indices = @transform_2, window_bounds = array<i64: 1, 256>}, {transform_indices = @transform_3, window_bounds = array<i64: 10000, 128>}]} {
    %get3A = arith.constant 0 : index
    %get3A_0 = arith.constant 0 : index
    %get3A_1 = vector.load %arg1[%get3A, %get3A_0] : memref<10000x256xf32, #tpu.memory_space<vmem>>, vector<10000x256xf32>
    %convert_element_type3A = arith.truncf %get3A_1 : vector<10000x256xf32> to vector<10000x256xbf16>
    %get3A_2 = arith.constant 0 : index
    %get3A_3 = arith.constant 0 : index
    %get3A_4 = vector.load %arg2[%get3A_2, %get3A_3] : memref<256x256xbf16, #tpu.memory_space<vmem>>, vector<256x256xbf16>
    %dot_general3A = arith.constant dense<0.000000e+00> : vector<10000x256xf32>
    %dot_general3A_5 = tpu.matmul %convert_element_type3A, %get3A_4, %dot_general3A {dimension_numbers = #tpu.dot_dimension_numbers<[1], [0], [0], [1], [0, 0, 1, 1], [], []>, transpose_lhs_hint = false} : vector<10000x256xbf16>, vector<256x256xbf16>, vector<10000x256xf32> -> vector<10000x256xf32>
    %get3A_6 = arith.constant 0 : index
    %get3A_7 = arith.constant 0 : index
    %get3A_8 = vector.load %arg3[%get3A_6, %get3A_7] : memref<1x256xf32, #tpu.memory_space<vmem>>, vector<1x256xf32>
    %add3A = vector.broadcast %get3A_8 : vector<1x256xf32> to vector<10000x256xf32>
    %add3A_9 = arith.addf %dot_general3A_5, %add3A : vector<10000x256xf32>
    %slice3A = vector.extract_strided_slice %add3A_9 {offsets = [0, 0], sizes = [10000, 128], strides = [1, 1]} : vector<10000x256xf32> to vector<10000x128xf32>
    %bitcast_convert_type3A = tpu.bitcast %slice3A : vector<10000x128xf32> -> vector<10000x128xi32>
    %add3A_10 = arith.constant 32767 : i32
    %add3A_11 = vector.broadcast %add3A_10 : i32 to vector<10000x128xi32>
    %add3A_12 = arith.addi %bitcast_convert_type3A, %add3A_11 : vector<10000x128xi32>
    %shift_right_logical3A = arith.constant 16 : i32
    %shift_right_logical3A_13 = vector.broadcast %shift_right_logical3A : i32 to vector<10000x128xi32>
    %shift_right_logical3A_14 = arith.shrui %bitcast_convert_type3A, %shift_right_logical3A_13 : vector<10000x128xi32>
    %and3A = arith.constant 1 : i32
    %and3A_15 = vector.broadcast %and3A : i32 to vector<10000x128xi32>
    %and3A_16 = arith.andi %shift_right_logical3A_14, %and3A_15 : vector<10000x128xi32>
    %add3A_17 = arith.addi %add3A_12, %and3A_16 : vector<10000x128xi32>
    %shift_right_logical3A_18 = arith.constant 16 : i32
    %shift_right_logical3A_19 = vector.broadcast %shift_right_logical3A_18 : i32 to vector<10000x128xi32>
    %shift_right_logical3A_20 = arith.shrui %add3A_17, %shift_right_logical3A_19 : vector<10000x128xi32>
    %slice3A_21 = vector.extract_strided_slice %add3A_9 {offsets = [0, 128], sizes = [10000, 128], strides = [1, 1]} : vector<10000x256xf32> to vector<10000x128xf32>
    %bitcast_convert_type3A_22 = tpu.bitcast %slice3A_21 : vector<10000x128xf32> -> vector<10000x128xi32>
    %add3A_23 = arith.constant 32767 : i32
    %add3A_24 = vector.broadcast %add3A_23 : i32 to vector<10000x128xi32>
    %add3A_25 = arith.addi %bitcast_convert_type3A_22, %add3A_24 : vector<10000x128xi32>
    %shift_right_logical3A_26 = arith.constant 16 : i32
    %shift_right_logical3A_27 = vector.broadcast %shift_right_logical3A_26 : i32 to vector<10000x128xi32>
    %shift_right_logical3A_28 = arith.shrui %bitcast_convert_type3A_22, %shift_right_logical3A_27 : vector<10000x128xi32>
    %and3A_29 = arith.constant 1 : i32
    %and3A_30 = vector.broadcast %and3A_29 : i32 to vector<10000x128xi32>
    %and3A_31 = arith.andi %shift_right_logical3A_28, %and3A_30 : vector<10000x128xi32>
    %add3A_32 = arith.addi %add3A_25, %and3A_31 : vector<10000x128xi32>
    %shift_right_logical3A_33 = arith.constant 16 : i32
    %shift_right_logical3A_34 = vector.broadcast %shift_right_logical3A_33 : i32 to vector<10000x128xi32>
    %shift_right_logical3A_35 = arith.shrui %add3A_32, %shift_right_logical3A_34 : vector<10000x128xi32>
    %shift_left3A = arith.constant 16 : i32
    %shift_left3A_36 = vector.broadcast %shift_left3A : i32 to vector<10000x128xi32>
    %shift_left3A_37 = arith.shli %shift_right_logical3A_35, %shift_left3A_36 : vector<10000x128xi32>
    %or3A = arith.ori %shift_right_logical3A_20, %shift_left3A_37 : vector<10000x128xi32>
    %swap3A = arith.constant 0 : index
    %swap3A_38 = arith.constant 0 : index
    %swap3A_39 = vector.load %arg4[%swap3A, %swap3A_38] : memref<10000x128xi32, #tpu.memory_space<vmem>>, vector<10000x128xi32>
    tpu.vector_store %arg4[%swap3A, %swap3A_38], %or3A {strides = array<i32>} : memref<10000x128xi32, #tpu.memory_space<vmem>>, vector<10000x128xi32>,
    return
  }
  func.func @transform_0(%arg0: i32) -> (i32, i32) {
    %c0_i32 = arith.constant 0 : i32
    %c0_i32_0 = arith.constant 0 : i32
    return %arg0, %c0_i32 : i32, i32
  }
  func.func @transform_1(%arg0: i32) -> (i32, i32) {
    %c0_i32 = arith.constant 0 : i32
    %c0_i32_0 = arith.constant 0 : i32
    %c0_i32_1 = arith.constant 0 : i32
    return %c0_i32, %c0_i32_0 : i32, i32
  }
  func.func @transform_2(%arg0: i32) -> (i32, i32) {
    %c0_i32 = arith.constant 0 : i32
    %c0_i32_0 = arith.constant 0 : i32
    %c0_i32_1 = arith.constant 0 : i32
    return %c0_i32, %c0_i32_0 : i32, i32
  }
  func.func @transform_3(%arg0: i32) -> (i32, i32) {
    %c0_i32 = arith.constant 0 : i32
    %c0_i32_0 = arith.constant 0 : i32
    return %arg0, %c0_i32 : i32, i32
  }
}

</mosaic_0001>

<sc_bundles>
// kernel: kernel.6.cloned.1.call-start
scs
__scs_entry_jumppad:
0x0: {  	(pc) =	sbr.rel $0x88, $3  }
0x1: {  	(tag) =	ssettag $0x0;
	lr =	simm.s32 $0x1  }
0x2: {  	[smem:$0x3F92] =	sst lr;
	_ =	strace $0xD0000000  }
0x3: {  	_ = 	snop  }
0x4: {  	_ = 	snop  }
0x5: {  	_ = 	snop  }
0x6: {  	_ = 	snop  }
0x7: {  	_ = 	snop  }
__scs_overlays_trampoline_lowered:
0x8: {  	[smem:$0x3FA1] =	sst s0  }
0x9: {  	[smem:$0x3FA2] =	sst s1  }
0xa: {  	[smem:$0x3FA3] =	sst s2  }
0xb: {  	[smem:$0x3FA4] =	sst s3  }
0xc: {  	[smem:$0x3FA5] =	sst s4  }
0xd: {  	[smem:$0x3FA6] =	sst s5  }
0xe: {  	[smem:$0x3FA7] =	sst s6  }
0xf: {  	[smem:$0x3FA8] =	sst s7  }
0x10: {  	[smem:$0x3FA9] =	sst s8  }
0x11: {  	[smem:$0x3FAA] =	sst s9;
	s0 =	simm.s32 @!p0 $0x0  }
0x12: {  	s1 =	sld [smem:$0x3F90];
	s0 =	simm.s32 @p0 $0x1  }
0x13: {  	[smem:$0x3FAB] =	sst s0;
	s0 =	simm.s32 @!p1 $0x0  }
0x14: {  	s2 =	sld [smem:$0x3F8F];
	s0 =	simm.s32 @p1 $0x1  }
0x15: {  	[smem:$0x3FAC] =	sst s0;
	s0 =	simm.s32 @!p2 $0x0  }
0x16: {  	s3 =	sld [smem:$0x3FDB];
	s0 =	simm.s32 @p2 $0x1  }
0x17: {  	s4 =	simm.s32 $0x1BF5;
	[smem:$0x3FAE] =	sst s0  }
0x18: {  	s0 =	sld [smem:$0x3F91];
	_ =	swait.ge [sflag:s4], $0x0  }
0x19: {  	s7 =	sld [smem:$0x3F92]  }
0x1a: {  	s8 =	sadd.s32 $0xFFFFE003, lr  }
0x1b: {  	s9 =	sadd.s32 $0xFFFFFEF7, lr;
	s5 =	simm.s32 $0xFFFFFFFF;
	p2 =	slt.u32 s8, $0xFFFFF086  }
0x1c: {  	p1 =	slt.u32 s9, $0xF7A;
	s5 =	simm.s32 @!p2 $0x0  }
0x1d: {  	s5 =	simm.s32 @p1 $0x1;
	p0 =	seq.s32 s7, s2  }
0x1e: {  	s7 =	smul.u32 @!p0 $0xF7A, s2;
	p2 =	seq.s32 @!p0 s5, $0x0  }
0x1f: {  	s9 =	smul.u32 $0xF7A, s1;
	s8 =	simm.s32 @!p0 $0x1BF5;
	p2 =	por !p2, p0  }
0x20: {  	[sflag:s8] =	ssyncset.s32 @!p0 $0xFFFFF086;
	s6 =	sadd.s32 @!p0 s3, s7;
	s7 =	simm.s32 @!p0 $0x108  }
0x21: {  	s3 =	sadd.s32 s3, s9;
	s6 =	sadd.s32 @!p0 $0x88, s6;
	s7 =	simm.s32 @p2 $0x1082  }
0x22: {  	[simem:s7], [sflag:s8] =	dma.local @!p0 [hbm:s6], $0xF7A  }
0x23: {  	s9 =	sor.u32 $0xD0000000, s2;
	s6 =	simm.s32 $0x108;
	_ =	swait.ge @!p0 [sflag:s8], $0x0  }
0x24: {  	s3 =	sadd.s32 $0x88, s3;
	s6 =	simm.s32 @!p1 $0x1082;
	[sflag:s4] =	ssyncset.s32 $0xFFFFF086  }
0x25: {  	[simem:s6], [sflag:s4] =	dma.local [hbm:s3], $0xF7A  }
0x26: {  	[smem:$0x3F92] =	sst s1;
	(tag) =	ssettag s2;
	_ =	strace s9  }
0x27: {  	s1 =	sld [smem:$0x3FA2]  }
0x28: {  	s2 =	sld [smem:$0x3FA3]  }
0x29: {  	s4 =	sld [smem:$0x3FA5]  }
0x2a: {  	p0 =	seq.s32 s5, $0x0;
	s5 =	sld [smem:$0x3FA6]  }
0x2b: {  	s6 =	sld [smem:$0x3FA7]  }
0x2c: {  	s7 =	sld [smem:$0x3FA8]  }
0x2d: {  	s3 =	simm.s32 $0x108;
	s8 =	sld [smem:$0x3FA9]  }
0x2e: {  	s3 =	simm.s32 @!p0 $0x1082;
	s9 =	sld [smem:$0x3FAA]  }
0x2f: {  	lr =	sadd.s32 s0, s3;
	s0 =	sld [smem:$0x3FA1]  }
0x30: {  	s3 =	sld [smem:$0x3FA4]  }
0x31: {  	[smem:$0x3FAD] =	sst s10  }
0x32: {  	s10 =	sld [smem:$0x3FAB];
	_ =	sdelay $0x3  }
0x33: {  	p0 =	seq.s32 s10, $0x1;
	s10 =	sld [smem:$0x3FAD];
	_ =	sdelay $0x3  }
0x34: {  	[smem:$0x3FAD] =	sst s10  }
0x35: {  	s10 =	sld [smem:$0x3FAC];
	_ =	sdelay $0x3  }
0x36: {  	p1 =	seq.s32 s10, $0x1;
	s10 =	sld [smem:$0x3FAD];
	_ =	sdelay $0x3  }
0x37: {  	[smem:$0x3FAD] =	sst s10  }
0x38: {  	s10 =	sld [smem:$0x3FAE]  }
0x39: {  	_ = 	snop;
	(pc) =	sbr.ind lr, $3  }
0x3a: {  	_ = 	snop  }
0x3b: {  	_ = 	snop  }
0x3c: {  	p2 =	seq.s32 s10, $0x1;
	s10 =	sld [smem:$0x3FAD]  }
0x3d: {  	_ =	shalt  }
0x3e: {  	_ =	shalt  }
0x3f: {  	_ =	shalt  }
0x40: {  	_ =	shalt  }
0x41: {  	_ =	shalt  }
0x42: {  	_ =	shalt  }
0x43: {  	_ =	shalt  }
0x44: {  	_ =	shalt  }
0x45: {  	_ =	shalt  }
0x46: {  	_ =	shalt  }
0x47: {  	_ =	shalt  }
0x48: {  	_ =	shalt  }
0x49: {  	_ =	shalt  }
0x4a: {  	_ =	shalt  }
0x4b: {  	_ =	shalt  }
0x4c: {  	_ =	shalt  }
0x4d: {  	_ =	shalt  }
0x4e: {  	_ =	shalt  }
0x4f: {  	_ =	shalt  }
0x50: {  	_ =	shalt  }
0x51: {  	_ =	shalt  }
0x52: {  	_ =	shalt  }
0x53: {  	_ =	shalt  }
0x54: {  	_ =	shalt  }
0x55: {  	_ =	shalt  }
0x56: {  	_ =	shalt  }
0x57: {  	_ =	shalt  }
0x58: {  	_ =	shalt  }
0x59: {  	_ =	shalt  }
0x5a: {  	_ =	shalt  }
0x5b: {  	_ =	shalt  }
0x5c: {  	_ =	shalt  }
0x5d: {  	_ =	shalt  }
0x5e: {  	_ =	shalt  }
0x5f: {  	_ =	shalt  }
0x60: {  	_ =	shalt  }
0x61: {  	_ =	shalt  }
0x62: {  	_ =	shalt  }
0x63: {  	_ =	shalt  }
0x64: {  	_ =	shalt  }
0x65: {  	_ =	shalt  }
0x66: {  	_ =	shalt  }
0x67: {  	_ =	shalt  }
0x68: {  	_ =	shalt  }
0x69: {  	_ =	shalt  }
0x6a: {  	_ =	shalt  }
0x6b: {  	_ =	shalt  }
0x6c: {  	_ =	shalt  }
0x6d: {  	_ =	shalt  }
0x6e: {  	_ =	shalt  }
0x6f: {  	_ =	shalt  }
0x70: {  	_ =	shalt  }
0x71: {  	_ =	shalt  }
0x72: {  	_ =	shalt  }
0x73: {  	_ =	shalt  }
0x74: {  	_ =	shalt  }
0x75: {  	_ =	shalt  }
0x76: {  	_ =	shalt  }
0x77: {  	_ =	shalt  }
0x78: {  	_ =	shalt  }
0x79: {  	_ =	shalt  }
0x7a: {  	_ =	shalt  }
0x7b: {  	_ =	shalt  }
0x7c: {  	_ =	shalt  }
0x7d: {  	_ =	shalt  }
0x7e: {  	_ =	shalt  }
0x7f: {  	_ =	shalt  }
0x80: {  	_ =	shalt  }
0x81: {  	_ =	shalt  }
0x82: {  	_ =	shalt  }
0x83: {  	_ =	shalt  }
0x84: {  	_ =	shalt  }
0x85: {  	_ =	shalt  }
0x86: {  	_ =	shalt  }
0x87: {  	_ =	shalt  }
.Lfunc_end0:
.L_simem_size_0:
called_computation_lowered:
.L_overlay_start_0:
0x88: {  	s2 =	sld [smem:$0x3FD9]  }
0x89: {  	s3 =	sld [smem:$0x3FFE];
	_ =	sdelay $0x1  }
0x8a: {  	s1 =	srdreg.scid  }
0x8b: {  	s0 =	sand.u32 $0x1, s1  }
0x8c: {  	s17 =	sshll.u32 s0, $0xA;
	s2 =	sadd.s32 s3, s2  }
0x8d: {  	s2 =	sadd.s32 s2, s17  }
0x8e: {  	[smem:$0x3FB9] =	sst s2  }
0x8f: {  	_ = 	snop  }
0x90: {  	s2 =	sld [smem:$0x3FC9]  }
0x91: {  	s18 =	sld [smem:$0x3FD0];
	(tm) =	ssettm $0x1  }
0x92: {  	s4 =	sld [smem:$0x3FFB];
	_ =	sdelay $0x3  }
0x93: {  	_ =	strace s4  }
0x94: {  	s4 =	sld [smem:$0x3FFC];
	_ =	sdelay $0x3  }
0x95: {  	_ =	strace s4  }
0x96: {  	s4 =	sld [smem:$0x3FFD];
	_ =	sdelay $0x3  }
0x97: {  	_ =	strace s4  }
0x98: {  	_ =	strace $0x8FFFFFFF  }
0x99: {  	s19 =	sld [smem:$0x3FDB];
	_ =	sdelay $0x1  }
0x9a: {  	s5 =	simm.s32 $_scs_section_size  }
0x9b: {  	s6 =	simm.s32 $_size__tile_overlayer_lowered;
	s7 =	simm.s32 $_tile_overlayer_lowered  }
0x9c: {  	s22 =	simm.s32 $0x1BFF;
	s21 =	sshll.u32 s7, $0x1;
	s4 =	sadd.s32 s5, s19  }
0x9d: {  	s8 =	simm.s32 $0x0;
	s20 =	sshll.u32 s6, $0x1;
	s6 =	sadd.s32 s21, s4  }
0x9e: {  	[timem:s8], [sflag:s22] =	dma.local [hbm:s6], s20  }
0x9f: {  	_ =	swait.ge [sflag:s22], s20  }
0xa0: {  	s5 =	ssub.s32 $0x0, s20;
	[sflag:s22] =	ssyncset.done $0x0  }
0xa1: {  	[sflag:s22] =	ssyncadd.s32 s5;
	_ =	sdelay $0x1  }
0xa2: {  	s23 =	simm.s32 $0x1B8B  }
0xa3: {  	_ =	swait.ge [sflag:s23], $0x1  }
0xa4: {  	[sflag:s23] =	ssyncset.done $0x0  }
0xa5: {  	s25 =	simm.s32 $0x1B8E;
	s24 =	sld [smem:$0x3FFE];
	[sflag:s23] =	ssyncadd.s32 $0xFFFFFFFF  }
0xa6: {  	s26 =	simm.s32 $execute0_lowered;
	[smem:$0x3FD2] =	sst s25  }
0xa7: {  	s6 =	sshll.u32 s26, $0x1;
	_ =	strace $0x80000046;
	[dreg:$0x1] =	wrdreg $0xFFFFFFFF  }
0xa8: {  	s28 =	simm.s32 $_size_execute0_lowered;
	s4 =	sadd.s32 s4, s6;
	[dreg:$0x0] =	wrdreg $0x0  }
0xa9: {  	s6 =	sshll.u32 s28, $0x1;
	[dreg:$0x2] =	wrdreg s4  }
0xaa: {  	[dreg:$0x3] =	wrdreg s6  }
0xab: {  	[dreg:$0x4] =	wrdreg $0xC0  }
0xac: {  	_ =	task [dreg:s8], $0x5FFFF  }
0xad: {  	[dreg:$0x1] =	wrdreg $0xFFFFFFFF  }
0xae: {  	[dreg:$0x0] =	wrdreg $0x60  }
0xaf: {  	[dreg:$0x2] =	wrdreg s2  }
0xb0: {  	[dreg:$0x3] =	wrdreg s24  }
0xb1: {  	[dreg:$0x4] =	wrdreg s18  }
0xb2: {  	[dreg:$0x5] =	wrdreg $0x9  }
0xb3: {  	_ =	task.clear_ibuf [dreg:s8], $0x6FFFF;
	_ =	strace $0x90000046  }
0xb4: {  	s29 =	simm.s32 $0x9;
	_ =	strace $0x80000048  }
0xb5: {  	_ =	swait.ge [sflag:s29], $0x1  }
0xb6: {  	[sflag:s29] =	ssyncadd.s32 $0xFFFFFFFF  }
0xb7: {  	_ =	strace $0x90000048  }
0xb8: {  	_ =	sfence  }
0xb9: {  	s30 =	sld [smem:$0x0];
	_ =	sdelay $0x2  }
0xba: {  	s31 =	sshll.u32 s1, $0xD;
	s1 =	sshrl.u32 s1, $0x2  }
0xbb: {  	s3 =	sand.u32 $0x4000, s31;
	s1 =	sadd.s32 s1, s30  }
0xbc: {  	s0 =	sor.u32 s3, s0;
	s1 =	sshll.u32 s1, $0x11  }
0xbd: {  	s0 =	sor.u32 s1, s0  }
0xbe: {  	s0 =	sadd.s32 $0x8F2B, s0  }
0xbf: {  	[sflag:s0] =	ssyncadd.remote.s32 $0x1  }
0xc0: {  	_ =	sfence.sel $0xFFFF  }
0xc1: {  	[dreg:$0x0] =	wrdreg $0xFFFFFFFF;
	(pc) =	sbr.abs _section_cstart, $3  }
0xc2: {  	[dreg:$0x1] =	wrdreg $0xFFFFFFFF  }
0xc3: {  	_ =	task.clear_ibuf [dreg:s8], $0x2FFFF;
	_ =	strace $0x9FFFFFFF  }
0xc4: {  	(tm) =	ssettm $0x7FFFFFFF  }
0xc5: {  	_ =	shalt  }
tec
execute0_lowered:
.L_overlay_start_1:
0x0: {  	(tag) =	ssettag $0x1  }
0x1: {  	s6 =	rddreg [dreg:$0x0]  }
0x2: {  	s7 =	rddreg [dreg:$0x1]  }
0x3: {  	s8 =	rddreg [dreg:$0x2]  }
0x4: {  	s0 =	rddreg [dreg:$0x3];
	s2 =	simm.s32 $0x0;
	s3 =	srdreg.scid  }
0x5: {  	s1 =	stileid.u32;
	s13 =	simm.s32 $0x20;
	s14 =	simm.s32 $0x80  }
0x6: {  	s15 =	simm.s32 $0x200;
	s16 =	simm.s32 $0x1;
	s17 =	simm.s32 $0xC8  }
0x7: {  	s18 =	simm.s32 $0x1580;
	s19 =	simm.s32 $0x1900;
	s20 =	simm.s32 $0x1200  }
0x8: {  	s21 =	simm.s32 $0x1648;
	s22 =	simm.s32 $0x1710;
	s23 =	simm.s32 $0x17D8  }
0x9: {  	s24 =	simm.s32 $0x7D00;
	s25 =	simm.s32 $0x0;
	[smem:$0x7FF] =	sst s2  }
0xa: {  	s9 =	sand.u32 $0x1, s3;
	s30 =	sshll.u32 s1, $0x1;
	s3 =	sadd.s32 $0x189A00, s7  }
0xb: {  	s4 =	sadd.s32 $0x3000, s7;
	s5 =	sadd.s32 $0x3200, s7;
	s10 =	sor.u32 s9, s30  }
0xc: {  	_ =	strace $0x80000047;
	s9 =	ssub.s32 $0x2, s9;
	s11 =	smul.u32 $0x3E8, s10  }
0xd: {  	s12 =	smul.u32 $0x64, s10;
	s31 =	sshrl.u32 s9, $0x1;
	s10 =	sshll.u32 s10, $0x2  }
0xe: {  	s9 =	ssub.s32 s9, s31;
	s6 =	sadd.s32 s6, s10;
	s10 =	simm.s32 $0x100  }
0xf: {  	s11 =	sadd.s32 s11, s7;
	s7 =	sadd.s32 s8, s12;
	s9 =	smax.u32 s9, $0x1  }
0x10: {  	v0 =	vimm.s32 $0x0;
	v1 =	vlaneseq.u32;
	s12 =	simm.s32 $0x180;
	s8 =	sadd.s32 $0x3400, s11;
	s11 =	simm.s32 $0x2  }
.LBB2_1:
0x11: {  	[tilespmem:s10], [sflag:$0x2] =	stream.linear.gather [hbm4b:s4+s2], $0x80, $0x38;
	[tilespmem:$0x9C80] =	vst v63  }
0x12: {  	_ =	swait.ge [sflag:s11], $0x80  }
0x13: {  	[sflag:s11] =	ssyncset.done $0x0  }
0x14: {  	[sflag:s11] =	ssyncadd.s32 $0xFFFFFF80  }
0x15: {  	[tilespmem:s12], [sflag:$0x2] =	stream.linear.gather [hbm4b:s5+s2], $0x80, $0x38;
	[tilespmem:$0x9C80] =	vst v63  }
0x16: {  	_ =	swait.ge [sflag:s11], $0x80  }
0x17: {  	[sflag:s11] =	ssyncset.done $0x0  }
0x18: {  	[sflag:s11] =	ssyncadd.s32 $0xFFFFFF80  }
0x19: {  	[tilespmem:s2], [sflag:$0x2] =	stream.linear.gather [hbm4b:s6+s2], $0x20, $0x38;
	[tilespmem:$0x9C80] =	vst v63  }
0x1a: {  	_ =	swait.ge [sflag:s11], $0x20  }
0x1b: {  	[sflag:s11] =	ssyncset.done $0x0  }
0x1c: {  	p0 =	por $0x1, $0x1;
	s26 =	simm.s32 $0x0;
	[sflag:s11] =	ssyncadd.s32 $0xFFFFFFE0  }
.LBB2_2:
0x1d: {  	v2 =	vld [tilespmem:s26+$0x0];
	_ =	sdelay $0x4  }
0x1e: {  	p1 =	por p0, p0;
	v3 =	vshra.s32 v2, $0x1F;
	v4 =	vand.u32 $0x3, v2  }
.Ltmp0:
0x1f: {  	vm0 =	vlt.s32 v2, $0x1;
	v3 =	vshrl.u32 v3, $0x1E;
	vm1 =	vne.s32 v4, $0x0;
	(pc) =	sbr.rel @p1 .LBB2_2-.Ltmp0, $4  }
0x20: {  	v2 =	vadd.s32 v3, v2;
	vm0 =	vmand vm0, vm1  }
0x21: {  	v2 =	vshra.s32 v2, $0x2;
	v3 =	vsel vm0, $0xFFFFFFFF, v0  }
0x22: {  	v2 =	vadd.s32 v3, v2  }
0x23: {  	p0 =	por $0x0, $0x0;
	[tilespmem:s26+$0x80] =	vst v2;
	s26 =	simm.s32 $0x10  }
0x24: {  	s26 =	simm.s32 $0x0  }
0x25: {  	v2 =	vor.u32 s26, v1  }
0x26: {  	v3 =	vmulhi.u32 $0x51EB851F, v2;
	_ =	sdelay $0x1  }
0x27: {  	v3 =	vshrl.u32 v3, $0x3  }
0x28: {  	v4 =	vmul.u32 $0xFFFFFFE7, v3;
	_ =	sdelay $0x1  }
0x29: {  	v5 =	vmov s26;
	v2 =	vadd.s32 v2, v4  }
0x2a: {  	vm0 =	veq.s32 v5, v1;
	vm1 =	vne.s32 v2, $0x0  }
0x2b: {  	vm0 =	vmand vm0, vm1  }
0x2c: {  	v4 =	vsel vm0, $0xFFFFFFFF, v0  }
0x2d: {  	v3 =	vadd.s32 v4, v3  }
0x2e: {  	[tilespmem:s15], [sflag:$0x1] =	stream.indirect.gather [hbm4b:s3+s13], $0x80, s14, s13, $0xb8;
	[tilespmem:$0x9C80] =	vst v63  }
0x2f: {  	_ =	swait.ge [sflag:s16], $0x1000  }
0x30: {  	[sflag:s16] =	ssyncset.done $0x0  }
0x31: {  	[sflag:s16] =	ssyncadd.s32 $0xFFFFF000  }
0x32: {  	v4 =	vld.idx.msk [tilespmem:v3+s2+$0x0], $0xffff;
	_ =	sdelay $0x1  }
0x33: {  	v2 =	vld.idx.msk [tilespmem:v2+s10+$0x0], $0xffff;
	_ =	sdelay $0x2  }
0x34: {  	v4 =	vshll.u32 v4, $0x5  }
0x35: {  	v4 =	vand.u32 $0x60, v4  }
0x36: {  	v2 =	vadd.s32 v2, v4  }
0x37: {  	v3 =	vshll.u32 v3, $0x7;
	v4 =	vand.u32 $0xFFFFFF80, v2  }
0x38: {  	s31 =	simm.s32 $0x10;
	v2 =	vand.u32 $0x7F, v2;
	v3 =	vadd.s32 v3, v4  }
0x39: {  	v2 =	vor.u32 v2, v3;
	v3 =	vor.u32 s31, v1  }
0x3a: {  	v4 =	vmulhi.u32 $0x51EB851F, v3;
	_ =	sdelay $0x1  }
0x3b: {  	v4 =	vshrl.u32 v4, $0x3  }
0x3c: {  	v5 =	vmul.u32 $0xFFFFFFE7, v4  }
0x3d: {  	v2 =	vld.idx.msk [tilespmem:v2+s15+$0x0], $0xffff  }
0x3e: {  	v6 =	vmov s31;
	v3 =	vadd.s32 v3, v5  }
0x3f: {  	vm12 =	veq.s32 v6, v1;
	vm13 =	vne.s32 v3, $0x0  }
0x40: {  	vm0 =	vmand vm12, vm13  }
0x41: {  	v5 =	vsel vm0, $0xFFFFFFFF, v0  }
0x42: {  	v4 =	vadd.s32 v5, v4;
	v5 =	vshra.s32 v2, $0x1F;
	v6 =	vand.u32 $0x3, v2  }
0x43: {  	vm14 =	vlt.s32 v2, $0x1;
	v5 =	vshrl.u32 v5, $0x1E;
	vm15 =	vne.s32 v6, $0x0  }
0x44: {  	v5 =	vadd.s32 v5, v2;
	vm0 =	vmand vm14, vm15  }
0x45: {  	s28 =	simm.s32 $0x1200;
	v5 =	vshra.s32 v5, $0x2;
	v6 =	vsel vm0, $0xFFFFFFFF, v0  }
0x46: {  	s26 =	simm.s32 $0x1580;
	[tilespmem:s28+$0x0] =	vst v2;
	v2 =	vadd.s32 v6, v5  }
0x47: {  	[tilespmem:s26+$0x0] =	vst v2  }
0x48: {  	v2 =	vld.idx.msk [tilespmem:v4+s2+$0x0], $0xffff;
	_ =	sdelay $0x1  }
0x49: {  	v3 =	vld.idx.msk [tilespmem:v3+s10+$0x0], $0xffff;
	_ =	sdelay $0x2  }
0x4a: {  	v2 =	vshll.u32 v2, $0x5  }
0x4b: {  	v2 =	vand.u32 $0x60, v2  }
0x4c: {  	v2 =	vadd.s32 v3, v2  }
0x4d: {  	v4 =	vshll.u32 v4, $0x7;
	v3 =	vand.u32 $0xFFFFFF80, v2  }
0x4e: {  	v5 =	vand.u32 $0x7F, v2;
	v3 =	vadd.s32 v4, v3  }
0x4f: {  	s29 =	simm.s32 $0x20;
	v3 =	vor.u32 v5, v3  }
0x50: {  	v2 =	vor.u32 s29, v1  }
0x51: {  	s30 =	simm.s32 $0x30;
	v4 =	vmulhi.u32 $0x51EB851F, v2  }
.LBB2_4:
0x52: {  	p0 =	sne.s32 s30, $0x310  }
0x53: {  	v4 =	vshrl.u32 v4, $0x3  }
0x54: {  	v5 =	vmul.u32 $0xFFFFFFE7, v4;
	v3 =	vld.idx.msk [tilespmem:v3+s15+$0x0], $0xffff;
	_ =	sdelay $0x1  }
0x55: {  	v6 =	vmov s29;
	s29 =	smov.u32 s30;
	v2 =	vadd.s32 v2, v5  }
0x56: {  	vm0 =	veq.s32 v6, v1;
	vm1 =	vne.s32 v2, $0x0  }
0x57: {  	vm0 =	vmand vm0, vm1  }
0x58: {  	s28 =	sadd.s32 $0x10, s28;
	v5 =	vsel vm0, $0xFFFFFFFF, v0  }
0x59: {  	v6 =	vand.u32 $0x3, v3;
	v4 =	vadd.s32 v5, v4;
	[tilespmem:s28+$0x0] =	vst v3;
	v5 =	vshra.s32 v3, $0x1F  }
0x5a: {  	vm0 =	vlt.s32 v3, $0x1;
	vm1 =	vne.s32 v6, $0x0;
	v5 =	vshrl.u32 v5, $0x1E  }
0x5b: {  	vm0 =	vmand vm0, vm1;
	v3 =	vadd.s32 v5, v3  }
0x5c: {  	v5 =	vsel vm0, $0xFFFFFFFF, v0;
	v3 =	vshra.s32 v3, $0x2  }
0x5d: {  	s26 =	sadd.s32 $0x10, s26;
	v3 =	vadd.s32 v5, v3  }
0x5e: {  	[tilespmem:s26+$0x0] =	vst v3  }
0x5f: {  	v3 =	vld.idx.msk [tilespmem:v4+s2+$0x0], $0xffff;
	_ =	sdelay $0x1  }
0x60: {  	v2 =	vld.idx.msk [tilespmem:v2+s10+$0x0], $0xffff;
	_ =	sdelay $0x3  }
0x61: {  	v3 =	vshll.u32 v3, $0x5  }
0x62: {  	v3 =	vand.u32 $0x60, v3  }
0x63: {  	v2 =	vadd.s32 v2, v3  }
.Ltmp1:
0x64: {  	v4 =	vshll.u32 v4, $0x7;
	v3 =	vand.u32 $0xFFFFFF80, v2;
	(pc) =	sbr.rel @p0 .LBB2_4-.Ltmp1, $4  }
0x65: {  	v2 =	vand.u32 $0x7F, v2;
	v3 =	vadd.s32 v4, v3  }
0x66: {  	v3 =	vor.u32 v2, v3  }
0x67: {  	v2 =	vor.u32 s30, v1  }
0x68: {  	s30 =	sadd.s32 $0x10, s30;
	v4 =	vmulhi.u32 $0x51EB851F, v2  }
0x69: {  	_ =	sdelay $0x1  }
0x6a: {  	v4 =	vshrl.u32 v4, $0x3  }
0x6b: {  	v5 =	vmul.u32 $0xFFFFFFE7, v4  }
0x6c: {  	v3 =	vld.idx.msk [tilespmem:v3+s15+$0x0], $0xffff  }
0x6d: {  	v6 =	vmov s29;
	v2 =	vadd.s32 v2, v5  }
0x6e: {  	vm0 =	veq.s32 v6, v1;
	vm1 =	vne.s32 v2, $0x0  }
0x6f: {  	vm0 =	vmand vm0, vm1  }
0x70: {  	v5 =	vsel vm0, $0xFFFFFFFF, v0  }
0x71: {  	v6 =	vand.u32 $0x3, v3;
	v4 =	vadd.s32 v5, v4;
	v5 =	vshra.s32 v3, $0x1F  }
0x72: {  	vm9 =	vlt.s32 v3, $0x1;
	vm10 =	vne.s32 v6, $0x0;
	v5 =	vshrl.u32 v5, $0x1E  }
0x73: {  	vm0 =	vmand vm9, vm10;
	v5 =	vadd.s32 v5, v3  }
0x74: {  	s28 =	sadd.s32 $0x10, s28;
	v6 =	vsel vm0, $0xFFFFFFFF, v0;
	v5 =	vshra.s32 v5, $0x2  }
0x75: {  	s26 =	sadd.s32 $0x10, s26;
	[tilespmem:s28+$0x0] =	vst v3;
	v3 =	vadd.s32 v6, v5  }
0x76: {  	[tilespmem:s26+$0x0] =	vst v3  }
0x77: {  	v3 =	vld.idx.msk [tilespmem:v4+s2+$0x0], $0xffff;
	_ =	sdelay $0x1  }
0x78: {  	v2 =	vld.idx.msk [tilespmem:v2+s10+$0x0], $0xffff;
	_ =	sdelay $0x2  }
0x79: {  	v3 =	vshll.u32 v3, $0x5  }
0x7a: {  	v3 =	vand.u32 $0x60, v3  }
0x7b: {  	v2 =	vadd.s32 v2, v3  }
0x7c: {  	v4 =	vshll.u32 v4, $0x7;
	v3 =	vand.u32 $0xFFFFFF80, v2  }
0x7d: {  	v2 =	vand.u32 $0x7F, v2;
	v3 =	vadd.s32 v4, v3  }
0x7e: {  	v2 =	vor.u32 v2, v3  }
0x7f: {  	s29 =	simm.s32 $0x0  }
0x80: {  	v3 =	vor.u32 s29, v1  }
0x81: {  	v4 =	vmulhi.u32 $0xCCCCCCCD, v3;
	_ =	sdelay $0x1  }
0x82: {  	v4 =	vshrl.u32 v4, $0x3;
	v2 =	vld.idx.msk [tilespmem:v2+s15+$0x0], $0xffff  }
0x83: {  	v7 =	vmul.u32 $0xFFFFFFF6, v4;
	_ =	sdelay $0x1  }
0x84: {  	v3 =	vadd.s32 v3, v7  }
0x85: {  	vm2 =	vne.s32 v3, $0x0  }
0x86: {  	v5 =	vshra.s32 v2, $0x1F;
	v6 =	vand.u32 $0x3, v2;
	vm12 =	vlt.s32 v2, $0x1  }
0x87: {  	vm11 =	vne.s32 v6, $0x0;
	v5 =	vshrl.u32 v5, $0x1E;
	v6 =	vmov s29  }
0x88: {  	v5 =	vadd.s32 v5, v2;
	vm0 =	vmand vm12, vm11;
	vm13 =	veq.s32 v6, v1  }
0x89: {  	s28 =	sadd.s32 $0x10, s28;
	vm1 =	vmand vm13, vm2;
	v5 =	vshra.s32 v5, $0x2;
	v6 =	vsel vm0, $0xFFFFFFFF, v0  }
0x8a: {  	s26 =	sadd.s32 $0x10, s26;
	[tilespmem:s28+$0x0] =	vst v2;
	v2 =	vadd.s32 v6, v5;
	v5 =	vsel vm1, $0xFFFFFFFF, v0  }
0x8b: {  	[tilespmem:s26+$0x0] =	vst v2;
	v2 =	vadd.s32 v5, v4  }
0x8c: {  	[tilespmem:s19], [sflag:$0x1] =	stream.indirect.gather [hbm4b:s3+s17], $0x80, s18, s17, $0xb8;
	[tilespmem:$0x9C80] =	vst v63  }
0x8d: {  	_ =	swait.ge [sflag:s16], $0x6400  }
0x8e: {  	[sflag:s16] =	ssyncset.done $0x0  }
0x8f: {  	[sflag:s16] =	ssyncadd.s32 $0xFFFF9C00  }
0x90: {  	v4 =	vld.idx.msk [tilespmem:v2+s20+$0x0], $0xffff;
	_ =	sdelay $0x1  }
0x91: {  	v3 =	vld.idx.msk [tilespmem:v3+s12+$0x0], $0xffff;
	_ =	sdelay $0x2  }
0x92: {  	s31 =	simm.s32 $0x10;
	v4 =	vshll.u32 v4, $0x5  }
0x93: {  	v5 =	vor.u32 s31, v1;
	v4 =	vand.u32 $0x60, v4  }
0x94: {  	v3 =	vadd.s32 v3, v4;
	v4 =	vmulhi.u32 $0xCCCCCCCD, v5  }
0x95: {  	v2 =	vshll.u32 v2, $0x7;
	v6 =	vand.u32 $0xFFFFFF80, v3  }
0x96: {  	v3 =	vand.u32 $0x7F, v3;
	v2 =	vadd.s32 v2, v6;
	v4 =	vshrl.u32 v4, $0x3  }
0x97: {  	v2 =	vor.u32 v3, v2;
	v3 =	vmul.u32 $0xFFFFFFF6, v4;
	_ =	sdelay $0x1  }
0x98: {  	v6 =	vmov s31;
	v3 =	vadd.s32 v5, v3  }
0x99: {  	vm14 =	veq.s32 v6, v1;
	vm15 =	vne.s32 v3, $0x0  }
0x9a: {  	vm0 =	vmand vm14, vm15  }
0x9b: {  	v5 =	vld.idx.msk [tilespmem:v2+s19+$0x0], $0xffff;
	v2 =	vsel vm0, $0xFFFFFFFF, v0  }
0x9c: {  	v2 =	vadd.s32 v2, v4;
	_ =	sdelay $0x2  }
0x9d: {  	s26 =	simm.s32 $0x7D00  }
0x9e: {  	[tilespmem:s26+$0x0] =	vst v5  }
0x9f: {  	v4 =	vld.idx.msk [tilespmem:v2+s20+$0x0], $0xffff;
	_ =	sdelay $0x1  }
0xa0: {  	v5 =	vld.idx.msk [tilespmem:v3+s12+$0x0], $0xffff;
	_ =	sdelay $0x2  }
0xa1: {  	v3 =	vshll.u32 v4, $0x5  }
0xa2: {  	s28 =	simm.s32 $0x20;
	v4 =	vand.u32 $0x60, v3  }
0xa3: {  	s29 =	simm.s32 $0x30;
	v3 =	vor.u32 s28, v1;
	v4 =	vadd.s32 v5, v4  }
.LBB2_6:
0xa4: {  	p0 =	sne.s32 s29, $0x7C0;
	v5 =	vmulhi.u32 $0xCCCCCCCD, v3;
	v6 =	vand.u32 $0xFFFFFF80, v4;
	v2 =	vshll.u32 v2, $0x7  }
0xa5: {  	v4 =	vand.u32 $0x7F, v4;
	v2 =	vadd.s32 v2, v6  }
0xa6: {  	v5 =	vshrl.u32 v5, $0x3;
	v2 =	vor.u32 v4, v2  }
0xa7: {  	v4 =	vmul.u32 $0xFFFFFFF6, v5;
	_ =	sdelay $0x1  }
0xa8: {  	v6 =	vmov s28;
	s28 =	smov.u32 s29;
	v3 =	vadd.s32 v3, v4  }
0xa9: {  	vm0 =	veq.s32 v6, v1;
	vm1 =	vne.s32 v3, $0x0  }
0xaa: {  	vm0 =	vmand vm0, vm1;
	v4 =	vld.idx.msk [tilespmem:v2+s19+$0x0], $0xffff  }
0xab: {  	v2 =	vsel vm0, $0xFFFFFFFF, v0  }
0xac: {  	v2 =	vadd.s32 v2, v5;
	_ =	sdelay $0x2  }
0xad: {  	s26 =	sadd.s32 $0x10, s26  }
0xae: {  	[tilespmem:s26+$0x0] =	vst v4  }
0xaf: {  	v4 =	vld.idx.msk [tilespmem:v2+s20+$0x0], $0xffff;
	_ =	sdelay $0x1  }
0xb0: {  	v5 =	vld.idx.msk [tilespmem:v3+s12+$0x0], $0xffff;
	_ =	sdelay $0x1  }
.Ltmp2:
0xb1: {  	(pc) =	sbr.rel @p0 .LBB2_6-.Ltmp2, $4  }
0xb2: {  	_ = 	snop  }
0xb3: {  	v3 =	vshll.u32 v4, $0x5  }
0xb4: {  	v4 =	vand.u32 $0x60, v3  }
0xb5: {  	s29 =	sadd.s32 $0x10, s29;
	v3 =	vor.u32 s28, v1;
	v4 =	vadd.s32 v5, v4  }
0xb6: {  	v5 =	vmulhi.u32 $0xCCCCCCCD, v3  }
0xb7: {  	v6 =	vand.u32 $0xFFFFFF80, v4;
	v2 =	vshll.u32 v2, $0x7  }
0xb8: {  	v4 =	vand.u32 $0x7F, v4;
	v2 =	vadd.s32 v2, v6;
	v5 =	vshrl.u32 v5, $0x3  }
0xb9: {  	v2 =	vor.u32 v4, v2;
	v4 =	vmul.u32 $0xFFFFFFF6, v5;
	_ =	sdelay $0x1  }
0xba: {  	v63 =	vmov s28;
	v3 =	vadd.s32 v3, v4  }
0xbb: {  	vm0 =	veq.s32 v63, v1;
	vm1 =	vne.s32 v3, $0x0  }
0xbc: {  	vm0 =	vmand vm0, vm1  }
0xbd: {  	v2 =	vld.idx.msk [tilespmem:v2+s19+$0x0], $0xffff;
	v4 =	vsel vm0, $0xFFFFFFFF, v0  }
0xbe: {  	v4 =	vadd.s32 v4, v5;
	_ =	sdelay $0x2  }
0xbf: {  	s26 =	sadd.s32 $0x10, s26  }
0xc0: {  	[tilespmem:s26+$0x0] =	vst v2  }
0xc1: {  	v2 =	vld.idx.msk [tilespmem:v4+s20+$0x0], $0xffff;
	_ =	sdelay $0x1  }
0xc2: {  	v3 =	vld.idx.msk [tilespmem:v3+s12+$0x0], $0xffff;
	_ =	sdelay $0x2  }
0xc3: {  	v2 =	vshll.u32 v2, $0x5  }
0xc4: {  	v2 =	vand.u32 $0x60, v2  }
0xc5: {  	v2 =	vadd.s32 v3, v2  }
0xc6: {  	v4 =	vshll.u32 v4, $0x7;
	v3 =	vand.u32 $0xFFFFFF80, v2  }
0xc7: {  	v2 =	vand.u32 $0x7F, v2;
	v3 =	vadd.s32 v4, v3  }
0xc8: {  	v2 =	vor.u32 v2, v3;
	_ =	sdelay $0x4  }
0xc9: {  	s28 =	simm.s32 $0x7D0;
	v2 =	vld.idx.msk [tilespmem:v2+s19+$0x0], $0xffff  }
0xca: {  	v3 =	vor.u32 s28, v1  }
0xcb: {  	v4 =	vmulhi.u32 $0xCCCCCCCD, v3;
	_ =	sdelay $0x1  }
0xcc: {  	s26 =	sadd.s32 $0x10, s26;
	v4 =	vshrl.u32 v4, $0x3  }
0xcd: {  	[tilespmem:s26+$0x0] =	vst v2;
	v2 =	vmul.u32 $0xFFFFFFF6, v4  }
0xce: {  	[tilespmem:s19], [sflag:$0x1] =	stream.indirect.gather [hbm4b:s3+s17], $0x80, s21, s17, $0xb8;
	[tilespmem:$0x9C80] =	vst v63  }
0xcf: {  	_ =	swait.ge [sflag:s16], $0x6400;
	v2 =	vadd.s32 v3, v2  }
0xd0: {  	[sflag:s16] =	ssyncset.done $0x0  }
0xd1: {  	[sflag:s16] =	ssyncadd.s32 $0xFFFF9C00  }
0xd2: {  	v3 =	vld.idx.msk [tilespmem:v4+s20+$0x0], $0xffff;
	_ =	sdelay $0x1  }
0xd3: {  	v2 =	vld.idx.msk [tilespmem:v2+s12+$0x0], $0xffff;
	_ =	sdelay $0x2  }
0xd4: {  	v3 =	vshll.u32 v3, $0x5  }
0xd5: {  	v3 =	vand.u32 $0x60, v3  }
0xd6: {  	v2 =	vadd.s32 v2, v3  }
0xd7: {  	v4 =	vshll.u32 v4, $0x7;
	v3 =	vand.u32 $0xFFFFFF80, v2  }
0xd8: {  	v2 =	vand.u32 $0x7F, v2;
	v3 =	vadd.s32 v3, v4  }
0xd9: {  	v2 =	vor.u32 v2, v3  }
0xda: {  	v2 =	vadd.s32 $0xFFFF9C00, v2  }
0xdb: {  	s31 =	simm.s32 $0x7E0  }
0xdc: {  	v3 =	vor.u32 s31, v1  }
0xdd: {  	v4 =	vmulhi.u32 $0xCCCCCCCD, v3;
	_ =	sdelay $0x1  }
0xde: {  	v4 =	vshrl.u32 v4, $0x3;
	v2 =	vld.idx.msk [tilespmem:v2+s19+$0x0], $0xffff  }
0xdf: {  	v5 =	vmul.u32 $0xFFFFFFF6, v4;
	_ =	sdelay $0x1  }
0xe0: {  	v3 =	vadd.s32 v3, v5  }
0xe1: {  	s26 =	simm.s32 $0x84D0  }
0xe2: {  	[tilespmem:s26+$0x0] =	vst v2  }
0xe3: {  	v2 =	vld.idx.msk [tilespmem:v4+s20+$0x0], $0xffff;
	_ =	sdelay $0x1  }
0xe4: {  	v3 =	vld.idx.msk [tilespmem:v3+s12+$0x0], $0xffff;
	_ =	sdelay $0x2  }
0xe5: {  	v2 =	vshll.u32 v2, $0x5  }
0xe6: {  	v2 =	vand.u32 $0x60, v2  }
0xe7: {  	v2 =	vadd.s32 v3, v2  }
0xe8: {  	v4 =	vshll.u32 v4, $0x7;
	v3 =	vand.u32 $0xFFFFFF80, v2  }
0xe9: {  	v2 =	vand.u32 $0x7F, v2;
	v3 =	vadd.s32 v3, v4  }
0xea: {  	v2 =	vor.u32 v2, v3  }
0xeb: {  	v3 =	vadd.s32 $0xFFFF9C00, v2;
	_ =	sdelay $0x1  }
0xec: {  	s28 =	simm.s32 $0x7F0  }
0xed: {  	v2 =	vor.u32 s28, v1;
	s28 =	simm.s32 $0x800  }
.LBB2_8:
0xee: {  	p0 =	sne.s32 s28, $0xF90;
	v4 =	vmulhi.u32 $0xCCCCCCCD, v2  }
0xef: {  	v3 =	vld.idx.msk [tilespmem:v3+s19+$0x0], $0xffff  }
0xf0: {  	v4 =	vshrl.u32 v4, $0x3  }
0xf1: {  	v5 =	vmul.u32 $0xFFFFFFF6, v4;
	_ =	sdelay $0x1  }
0xf2: {  	v2 =	vadd.s32 v2, v5  }
0xf3: {  	s26 =	sadd.s32 $0x10, s26  }
0xf4: {  	[tilespmem:s26+$0x0] =	vst v3  }
0xf5: {  	v3 =	vld.idx.msk [tilespmem:v4+s20+$0x0], $0xffff;
	_ =	sdelay $0x1  }
0xf6: {  	v2 =	vld.idx.msk [tilespmem:v2+s12+$0x0], $0xffff;
	_ =	sdelay $0x3  }
0xf7: {  	v3 =	vshll.u32 v3, $0x5  }
0xf8: {  	v3 =	vand.u32 $0x60, v3  }
0xf9: {  	v2 =	vadd.s32 v2, v3  }
0xfa: {  	v4 =	vshll.u32 v4, $0x7;
	v3 =	vand.u32 $0xFFFFFF80, v2  }
0xfb: {  	v2 =	vand.u32 $0x7F, v2;
	v3 =	vadd.s32 v3, v4  }
.Ltmp3:
0xfc: {  	v2 =	vor.u32 v2, v3;
	(pc) =	sbr.rel @p0 .LBB2_8-.Ltmp3, $2  }
0xfd: {  	v3 =	vadd.s32 $0xFFFF9C00, v2;
	_ =	sdelay $0x2  }
0xfe: {  	v2 =	vor.u32 s28, v1;
	s28 =	sadd.s32 $0x10, s28  }
0xff: {  	_ =	sdelay $0x1  }
0x100: {  	v4 =	vmulhi.u32 $0xCCCCCCCD, v2;
	_ =	sdelay $0x1  }
0x101: {  	v3 =	vld.idx.msk [tilespmem:v3+s19+$0x0], $0xffff;
	v4 =	vshrl.u32 v4, $0x3  }
0x102: {  	v5 =	vmul.u32 $0xFFFFFFF6, v4;
	_ =	sdelay $0x1  }
0x103: {  	v2 =	vadd.s32 v2, v5  }
0x104: {  	s26 =	sadd.s32 $0x10, s26  }
0x105: {  	[tilespmem:s26+$0x0] =	vst v3  }
0x106: {  	v3 =	vld.idx.msk [tilespmem:v4+s20+$0x0], $0xffff;
	_ =	sdelay $0x1  }
0x107: {  	v2 =	vld.idx.msk [tilespmem:v2+s12+$0x0], $0xffff;
	_ =	sdelay $0x2  }
0x108: {  	v3 =	vshll.u32 v3, $0x5  }
0x109: {  	v3 =	vand.u32 $0x60, v3  }
0x10a: {  	v2 =	vadd.s32 v2, v3  }
0x10b: {  	v4 =	vshll.u32 v4, $0x7;
	v3 =	vand.u32 $0xFFFFFF80, v2  }
0x10c: {  	v2 =	vand.u32 $0x7F, v2;
	v3 =	vadd.s32 v3, v4  }
0x10d: {  	v2 =	vor.u32 v2, v3  }
0x10e: {  	v2 =	vadd.s32 $0xFFFF9C00, v2;
	_ =	sdelay $0x4  }
0x10f: {  	s28 =	simm.s32 $0xFA0;
	v2 =	vld.idx.msk [tilespmem:v2+s19+$0x0], $0xffff  }
0x110: {  	v3 =	vor.u32 s28, v1  }
0x111: {  	v4 =	vmulhi.u32 $0xCCCCCCCD, v3;
	_ =	sdelay $0x1  }
0x112: {  	s26 =	sadd.s32 $0x10, s26;
	v4 =	vshrl.u32 v4, $0x3  }
0x113: {  	[tilespmem:s26+$0x0] =	vst v2;
	v2 =	vmul.u32 $0xFFFFFFF6, v4  }
0x114: {  	[tilespmem:s19], [sflag:$0x1] =	stream.indirect.gather [hbm4b:s3+s17], $0x80, s22, s17, $0xb8;
	[tilespmem:$0x9C80] =	vst v63  }
0x115: {  	_ =	swait.ge [sflag:s16], $0x6400;
	v2 =	vadd.s32 v3, v2  }
0x116: {  	[sflag:s16] =	ssyncset.done $0x0  }
0x117: {  	[sflag:s16] =	ssyncadd.s32 $0xFFFF9C00  }
0x118: {  	v3 =	vld.idx.msk [tilespmem:v4+s20+$0x0], $0xffff;
	_ =	sdelay $0x1  }
0x119: {  	v2 =	vld.idx.msk [tilespmem:v2+s12+$0x0], $0xffff;
	_ =	sdelay $0x2  }
0x11a: {  	v3 =	vshll.u32 v3, $0x5  }
0x11b: {  	v3 =	vand.u32 $0x60, v3  }
0x11c: {  	v2 =	vadd.s32 v2, v3  }
0x11d: {  	v4 =	vshll.u32 v4, $0x7;
	v3 =	vand.u32 $0xFFFFFF80, v2  }
0x11e: {  	v2 =	vand.u32 $0x7F, v2;
	v3 =	vadd.s32 v3, v4  }
0x11f: {  	v2 =	vor.u32 v2, v3  }
0x120: {  	v2 =	vadd.s32 $0xFFFF3800, v2  }
0x121: {  	s31 =	simm.s32 $0xFB0  }
0x122: {  	v3 =	vor.u32 s31, v1  }
0x123: {  	v4 =	vmulhi.u32 $0xCCCCCCCD, v3;
	_ =	sdelay $0x1  }
0x124: {  	v4 =	vshrl.u32 v4, $0x3;
	v2 =	vld.idx.msk [tilespmem:v2+s19+$0x0], $0xffff  }
0x125: {  	v5 =	vmul.u32 $0xFFFFFFF6, v4;
	_ =	sdelay $0x1  }
0x126: {  	v3 =	vadd.s32 v3, v5  }
0x127: {  	s26 =	simm.s32 $0x8CA0  }
0x128: {  	[tilespmem:s26+$0x0] =	vst v2  }
0x129: {  	v2 =	vld.idx.msk [tilespmem:v4+s20+$0x0], $0xffff;
	_ =	sdelay $0x1  }
0x12a: {  	v3 =	vld.idx.msk [tilespmem:v3+s12+$0x0], $0xffff;
	_ =	sdelay $0x2  }
0x12b: {  	v2 =	vshll.u32 v2, $0x5  }
0x12c: {  	v2 =	vand.u32 $0x60, v2  }
0x12d: {  	v2 =	vadd.s32 v3, v2  }
0x12e: {  	v4 =	vshll.u32 v4, $0x7;
	v3 =	vand.u32 $0xFFFFFF80, v2  }
0x12f: {  	v2 =	vand.u32 $0x7F, v2;
	v3 =	vadd.s32 v3, v4  }
0x130: {  	v2 =	vor.u32 v2, v3  }
0x131: {  	v3 =	vadd.s32 $0xFFFF3800, v2;
	_ =	sdelay $0x1  }
0x132: {  	s28 =	simm.s32 $0xFC0  }
0x133: {  	v2 =	vor.u32 s28, v1;
	s28 =	simm.s32 $0xFD0  }
.LBB2_10:
0x134: {  	p0 =	sne.s32 s28, $0x1760;
	v4 =	vmulhi.u32 $0xCCCCCCCD, v2  }
0x135: {  	v3 =	vld.idx.msk [tilespmem:v3+s19+$0x0], $0xffff  }
0x136: {  	v4 =	vshrl.u32 v4, $0x3  }
0x137: {  	v5 =	vmul.u32 $0xFFFFFFF6, v4;
	_ =	sdelay $0x1  }
0x138: {  	v2 =	vadd.s32 v2, v5  }
0x139: {  	s26 =	sadd.s32 $0x10, s26  }
0x13a: {  	[tilespmem:s26+$0x0] =	vst v3  }
0x13b: {  	v3 =	vld.idx.msk [tilespmem:v4+s20+$0x0], $0xffff;
	_ =	sdelay $0x1  }
0x13c: {  	v2 =	vld.idx.msk [tilespmem:v2+s12+$0x0], $0xffff;
	_ =	sdelay $0x3  }
0x13d: {  	v3 =	vshll.u32 v3, $0x5  }
0x13e: {  	v3 =	vand.u32 $0x60, v3  }
0x13f: {  	v2 =	vadd.s32 v2, v3  }
0x140: {  	v4 =	vshll.u32 v4, $0x7;
	v3 =	vand.u32 $0xFFFFFF80, v2  }
0x141: {  	v2 =	vand.u32 $0x7F, v2;
	v3 =	vadd.s32 v3, v4  }
.Ltmp4:
0x142: {  	v2 =	vor.u32 v2, v3;
	(pc) =	sbr.rel @p0 .LBB2_10-.Ltmp4, $2  }
0x143: {  	v3 =	vadd.s32 $0xFFFF3800, v2;
	_ =	sdelay $0x2  }
0x144: {  	v2 =	vor.u32 s28, v1;
	s28 =	sadd.s32 $0x10, s28  }
0x145: {  	_ =	sdelay $0x1  }
0x146: {  	v4 =	vmulhi.u32 $0xCCCCCCCD, v2;
	_ =	sdelay $0x1  }
0x147: {  	v3 =	vld.idx.msk [tilespmem:v3+s19+$0x0], $0xffff;
	v4 =	vshrl.u32 v4, $0x3  }
0x148: {  	v5 =	vmul.u32 $0xFFFFFFF6, v4;
	_ =	sdelay $0x1  }
0x149: {  	v2 =	vadd.s32 v2, v5  }
0x14a: {  	s26 =	sadd.s32 $0x10, s26  }
0x14b: {  	[tilespmem:s26+$0x0] =	vst v3  }
0x14c: {  	v3 =	vld.idx.msk [tilespmem:v4+s20+$0x0], $0xffff;
	_ =	sdelay $0x1  }
0x14d: {  	v2 =	vld.idx.msk [tilespmem:v2+s12+$0x0], $0xffff;
	_ =	sdelay $0x2  }
0x14e: {  	v3 =	vshll.u32 v3, $0x5  }
0x14f: {  	v3 =	vand.u32 $0x60, v3  }
0x150: {  	v2 =	vadd.s32 v2, v3  }
0x151: {  	v4 =	vshll.u32 v4, $0x7;
	v3 =	vand.u32 $0xFFFFFF80, v2  }
0x152: {  	v2 =	vand.u32 $0x7F, v2;
	v3 =	vadd.s32 v3, v4  }
0x153: {  	v2 =	vor.u32 v2, v3  }
0x154: {  	v2 =	vadd.s32 $0xFFFF3800, v2;
	_ =	sdelay $0x4  }
0x155: {  	s28 =	simm.s32 $0x1770;
	v2 =	vld.idx.msk [tilespmem:v2+s19+$0x0], $0xffff  }
0x156: {  	v3 =	vor.u32 s28, v1  }
0x157: {  	v4 =	vmulhi.u32 $0xCCCCCCCD, v3;
	_ =	sdelay $0x1  }
0x158: {  	s26 =	sadd.s32 $0x10, s26;
	v4 =	vshrl.u32 v4, $0x3  }
0x159: {  	[tilespmem:s26+$0x0] =	vst v2;
	v2 =	vmul.u32 $0xFFFFFFF6, v4  }
0x15a: {  	[tilespmem:s19], [sflag:$0x1] =	stream.indirect.gather [hbm4b:s3+s17], $0x80, s23, s17, $0xb8;
	[tilespmem:$0x9C80] =	vst v63  }
0x15b: {  	_ =	swait.ge [sflag:s16], $0x6400;
	v2 =	vadd.s32 v3, v2  }
0x15c: {  	[sflag:s16] =	ssyncset.done $0x0  }
0x15d: {  	[sflag:s16] =	ssyncadd.s32 $0xFFFF9C00  }
0x15e: {  	v3 =	vld.idx.msk [tilespmem:v4+s20+$0x0], $0xffff;
	_ =	sdelay $0x1  }
0x15f: {  	v2 =	vld.idx.msk [tilespmem:v2+s12+$0x0], $0xffff;
	_ =	sdelay $0x2  }
0x160: {  	v3 =	vshll.u32 v3, $0x5  }
0x161: {  	v3 =	vand.u32 $0x60, v3  }
0x162: {  	v2 =	vadd.s32 v2, v3  }
0x163: {  	v4 =	vshll.u32 v4, $0x7;
	v3 =	vand.u32 $0xFFFFFF80, v2  }
0x164: {  	v2 =	vand.u32 $0x7F, v2;
	v3 =	vadd.s32 v3, v4  }
0x165: {  	v2 =	vor.u32 v2, v3  }
0x166: {  	v2 =	vadd.s32 $0xFFFED400, v2  }
0x167: {  	s31 =	simm.s32 $0x1780  }
0x168: {  	v3 =	vor.u32 s31, v1  }
0x169: {  	v4 =	vmulhi.u32 $0xCCCCCCCD, v3;
	_ =	sdelay $0x1  }
0x16a: {  	v4 =	vshrl.u32 v4, $0x3;
	v2 =	vld.idx.msk [tilespmem:v2+s19+$0x0], $0xffff  }
0x16b: {  	v5 =	vmul.u32 $0xFFFFFFF6, v4;
	_ =	sdelay $0x1  }
0x16c: {  	v3 =	vadd.s32 v3, v5  }
0x16d: {  	s26 =	simm.s32 $0x9470  }
0x16e: {  	[tilespmem:s26+$0x0] =	vst v2  }
0x16f: {  	v2 =	vld.idx.msk [tilespmem:v4+s20+$0x0], $0xffff;
	_ =	sdelay $0x1  }
0x170: {  	v3 =	vld.idx.msk [tilespmem:v3+s12+$0x0], $0xffff;
	_ =	sdelay $0x2  }
0x171: {  	v2 =	vshll.u32 v2, $0x5  }
0x172: {  	v2 =	vand.u32 $0x60, v2  }
0x173: {  	v2 =	vadd.s32 v3, v2  }
0x174: {  	v4 =	vshll.u32 v4, $0x7;
	v3 =	vand.u32 $0xFFFFFF80, v2  }
0x175: {  	v2 =	vand.u32 $0x7F, v2;
	v3 =	vadd.s32 v3, v4  }
0x176: {  	v2 =	vor.u32 v2, v3  }
0x177: {  	v3 =	vadd.s32 $0xFFFED400, v2;
	_ =	sdelay $0x1  }
0x178: {  	s28 =	simm.s32 $0x1790  }
0x179: {  	v2 =	vor.u32 s28, v1;
	s28 =	simm.s32 $0x17A0  }
.LBB2_12:
0x17a: {  	p0 =	sne.s32 s28, $0x1F30;
	v4 =	vmulhi.u32 $0xCCCCCCCD, v2  }
0x17b: {  	v3 =	vld.idx.msk [tilespmem:v3+s19+$0x0], $0xffff  }
0x17c: {  	v4 =	vshrl.u32 v4, $0x3  }
0x17d: {  	v5 =	vmul.u32 $0xFFFFFFF6, v4;
	_ =	sdelay $0x1  }
0x17e: {  	v2 =	vadd.s32 v2, v5  }
0x17f: {  	s26 =	sadd.s32 $0x10, s26  }
0x180: {  	[tilespmem:s26+$0x0] =	vst v3  }
0x181: {  	v3 =	vld.idx.msk [tilespmem:v4+s20+$0x0], $0xffff;
	_ =	sdelay $0x1  }
0x182: {  	v2 =	vld.idx.msk [tilespmem:v2+s12+$0x0], $0xffff;
	_ =	sdelay $0x3  }
0x183: {  	v3 =	vshll.u32 v3, $0x5  }
0x184: {  	v3 =	vand.u32 $0x60, v3  }
0x185: {  	v2 =	vadd.s32 v2, v3  }
0x186: {  	v4 =	vshll.u32 v4, $0x7;
	v3 =	vand.u32 $0xFFFFFF80, v2  }
0x187: {  	v2 =	vand.u32 $0x7F, v2;
	v3 =	vadd.s32 v3, v4  }
.Ltmp5:
0x188: {  	v2 =	vor.u32 v2, v3;
	(pc) =	sbr.rel @p0 .LBB2_12-.Ltmp5, $2  }
0x189: {  	v3 =	vadd.s32 $0xFFFED400, v2;
	_ =	sdelay $0x2  }
0x18a: {  	v2 =	vor.u32 s28, v1;
	s28 =	sadd.s32 $0x10, s28  }
0x18b: {  	_ =	sdelay $0x1  }
0x18c: {  	v4 =	vmulhi.u32 $0xCCCCCCCD, v2;
	_ =	sdelay $0x1  }
0x18d: {  	v3 =	vld.idx.msk [tilespmem:v3+s19+$0x0], $0xffff;
	v4 =	vshrl.u32 v4, $0x3  }
0x18e: {  	v5 =	vmul.u32 $0xFFFFFFF6, v4;
	_ =	sdelay $0x1  }
0x18f: {  	v2 =	vadd.s32 v2, v5  }
0x190: {  	s26 =	sadd.s32 $0x10, s26  }
0x191: {  	[tilespmem:s26+$0x0] =	vst v3  }
0x192: {  	v3 =	vld.idx.msk [tilespmem:v4+s20+$0x0], $0xffff;
	_ =	sdelay $0x1  }
0x193: {  	v2 =	vld.idx.msk [tilespmem:v2+s12+$0x0], $0xffff;
	_ =	sdelay $0x2  }
0x194: {  	v3 =	vshll.u32 v3, $0x5  }
0x195: {  	v3 =	vand.u32 $0x60, v3  }
0x196: {  	v2 =	vadd.s32 v2, v3  }
0x197: {  	v4 =	vshll.u32 v4, $0x7;
	v3 =	vand.u32 $0xFFFFFF80, v2  }
0x198: {  	v2 =	vand.u32 $0x7F, v2;
	v3 =	vadd.s32 v3, v4  }
0x199: {  	v2 =	vor.u32 v2, v3  }
0x19a: {  	v2 =	vadd.s32 $0xFFFED400, v2;
	_ =	sdelay $0x4  }
0x19b: {  	v2 =	vld.idx.msk [tilespmem:v2+s19+$0x0], $0xffff;
	_ =	sdelay $0x3  }
0x19c: {  	s26 =	sadd.s32 $0x10, s26  }
0x19d: {  	[tilespmem:s26+$0x0] =	vst v2  }
0x19e: {  	[hbm4b:s7+s2] =	stream.linear.scatter [tilespmem:s20], [sflag:$0x2], $0x320, $0x38;
	[tilespmem:$0x9C80] =	vst v63  }
0x19f: {  	s25 =	sadd.s32 $0x1, s25;
	_ =	swait.ge [sflag:s11], $0x320  }
0x1a0: {  	p0 =	sne.s32 s25, s9;
	[sflag:s11] =	ssyncset.done $0x0  }
.Ltmp6:
0x1a1: {  	[sflag:s11] =	ssyncadd.s32 $0xFFFFFCE0;
	(pc) =	sbr.rel @p0 .LBB2_1-.Ltmp6, $4  }
0x1a2: {  	[hbm4b:s8+s2] =	stream.linear.scatter [tilespmem:s24], [sflag:$0x2], $0x1F40, $0x38;
	[tilespmem:$0x9C80] =	vst v63  }
0x1a3: {  	_ =	swait.ge [sflag:s11], $0x1F40  }
0x1a4: {  	[sflag:s11] =	ssyncset.done $0x0  }
0x1a5: {  	[sflag:s11] =	ssyncadd.s32 $0xFFFFE0C0  }
0x1a6: {  	_ =	sfence.sel $0x180000  }
0x1a7: {  	[bflag:$0x0] =	sbarrier.arrive $0xFFFF  }
0x1a8: {  	p0 =	sne.s32 s1, $0x0;
	_ =	strace $0x90000047  }
0x1a9: {  	s0 =	sadd.s32 @!p0 $0x100000, s0;
	[bflag:$0x2] =	sbarrier.arrive $0xFFFF  }
0x1aa: {  	[sflag:s0] =	ssyncadd.tile.s32 @!p0 $0x1;
	_ =	shalt  }
.Lfunc_end2:
_tile_overlayer_lowered:
.L_overlay_start_2:
0x1ab: {  	(tag) =	ssettag $0x2  }
0x1ac: {  	s0 =	rddreg [dreg:$0x0];
	s2 =	stileid.u32  }
0x1ad: {  	s1 =	rddreg [dreg:$0x1];
	p0 =	sne.s32 s2, $0x0  }
0x1ae: {  	s3 =	rddreg [dreg:$0x2];
	[bflag:$0x3] =	sbarrier.arrive $0xFFFF;
	s2 =	simm.s32 @!p0 $0x1C02  }
0x1af: {  	[timem:s3], [sflag:s2] =	dma.local @!p0 [hbm:s0], s1  }
0x1b0: {  	s0 =	simm.s32 @!p0 $0x2  }
0x1b1: {  	_ =	swait.ge @!p0 [sflag:s0], s1  }
0x1b2: {  	s1 =	ssub.s32 @!p0 $0x0, s1;
	[sflag:s0] =	ssyncset.done @!p0 $0x0  }
0x1b3: {  	[sflag:s0] =	ssyncadd.s32 @!p0 s1  }
0x1b4: {  	[bflag:$0x3] =	sbarrier.arrive $0xFFFF  }
0x1b5: {  	_ =	shalt  }

// kernel: kernel.9.cloned.1.call-start
scs
__scs_entry_jumppad:
0x0: {  	(pc) =	sbr.rel $0x88, $3  }
0x1: {  	(tag) =	ssettag $0x0;
	lr =	simm.s32 $0x1  }
0x2: {  	[smem:$0x3F92] =	sst lr;
	_ =	strace $0xD0000000  }
0x3: {  	_ = 	snop  }
0x4: {  	_ = 	snop  }
0x5: {  	_ = 	snop  }
0x6: {  	_ = 	snop  }
0x7: {  	_ = 	snop  }
__scs_overlays_trampoline_lowered:
0x8: {  	[smem:$0x3FA1] =	sst s0  }
0x9: {  	[smem:$0x3FA2] =	sst s1  }
0xa: {  	[smem:$0x3FA3] =	sst s2  }
0xb: {  	[smem:$0x3FA4] =	sst s3  }
0xc: {  	[smem:$0x3FA5] =	sst s4  }
0xd: {  	[smem:$0x3FA6] =	sst s5  }
0xe: {  	[smem:$0x3FA7] =	sst s6  }
0xf: {  	[smem:$0x3FA8] =	sst s7  }
0x10: {  	[smem:$0x3FA9] =	sst s8  }
0x11: {  	[smem:$0x3FAA] =	sst s9;
	s0 =	simm.s32 @!p0 $0x0  }
0x12: {  	s1 =	sld [smem:$0x3F90];
	s0 =	simm.s32 @p0 $0x1  }
0x13: {  	[smem:$0x3FAB] =	sst s0;
	s0 =	simm.s32 @!p1 $0x0  }
0x14: {  	s2 =	sld [smem:$0x3F8F];
	s0 =	simm.s32 @p1 $0x1  }
0x15: {  	[smem:$0x3FAC] =	sst s0;
	s0 =	simm.s32 @!p2 $0x0  }
0x16: {  	s3 =	sld [smem:$0x3FDB];
	s0 =	simm.s32 @p2 $0x1  }
0x17: {  	s4 =	simm.s32 $0x1BF5;
	[smem:$0x3FAE] =	sst s0  }
0x18: {  	s0 =	sld [smem:$0x3F91];
	_ =	swait.ge [sflag:s4], $0x0  }
0x19: {  	s7 =	sld [smem:$0x3F92]  }
0x1a: {  	s8 =	sadd.s32 $0xFFFFE003, lr  }
0x1b: {  	s9 =	sadd.s32 $0xFFFFFEF7, lr;
	s5 =	simm.s32 $0xFFFFFFFF;
	p2 =	slt.u32 s8, $0xFFFFF086  }
0x1c: {  	p1 =	slt.u32 s9, $0xF7A;
	s5 =	simm.s32 @!p2 $0x0  }
0x1d: {  	s5 =	simm.s32 @p1 $0x1;
	p0 =	seq.s32 s7, s2  }
0x1e: {  	s7 =	smul.u32 @!p0 $0xF7A, s2;
	p2 =	seq.s32 @!p0 s5, $0x0  }
0x1f: {  	s9 =	smul.u32 $0xF7A, s1;
	s8 =	simm.s32 @!p0 $0x1BF5;
	p2 =	por !p2, p0  }
0x20: {  	[sflag:s8] =	ssyncset.s32 @!p0 $0xFFFFF086;
	s6 =	sadd.s32 @!p0 s3, s7;
	s7 =	simm.s32 @!p0 $0x108  }
0x21: {  	s3 =	sadd.s32 s3, s9;
	s6 =	sadd.s32 @!p0 $0x88, s6;
	s7 =	simm.s32 @p2 $0x1082  }
0x22: {  	[simem:s7], [sflag:s8] =	dma.local @!p0 [hbm:s6], $0xF7A  }
0x23: {  	s9 =	sor.u32 $0xD0000000, s2;
	s6 =	simm.s32 $0x108;
	_ =	swait.ge @!p0 [sflag:s8], $0x0  }
0x24: {  	s3 =	sadd.s32 $0x88, s3;
	s6 =	simm.s32 @!p1 $0x1082;
	[sflag:s4] =	ssyncset.s32 $0xFFFFF086  }
0x25: {  	[simem:s6], [sflag:s4] =	dma.local [hbm:s3], $0xF7A  }
0x26: {  	[smem:$0x3F92] =	sst s1;
	(tag) =	ssettag s2;
	_ =	strace s9  }
0x27: {  	s1 =	sld [smem:$0x3FA2]  }
0x28: {  	s2 =	sld [smem:$0x3FA3]  }
0x29: {  	s4 =	sld [smem:$0x3FA5]  }
0x2a: {  	p0 =	seq.s32 s5, $0x0;
	s5 =	sld [smem:$0x3FA6]  }
0x2b: {  	s6 =	sld [smem:$0x3FA7]  }
0x2c: {  	s7 =	sld [smem:$0x3FA8]  }
0x2d: {  	s3 =	simm.s32 $0x108;
	s8 =	sld [smem:$0x3FA9]  }
0x2e: {  	s3 =	simm.s32 @!p0 $0x1082;
	s9 =	sld [smem:$0x3FAA]  }
0x2f: {  	lr =	sadd.s32 s0, s3;
	s0 =	sld [smem:$0x3FA1]  }
0x30: {  	s3 =	sld [smem:$0x3FA4]  }
0x31: {  	[smem:$0x3FAD] =	sst s10  }
0x32: {  	s10 =	sld [smem:$0x3FAB];
	_ =	sdelay $0x3  }
0x33: {  	p0 =	seq.s32 s10, $0x1;
	s10 =	sld [smem:$0x3FAD];
	_ =	sdelay $0x3  }
0x34: {  	[smem:$0x3FAD] =	sst s10  }
0x35: {  	s10 =	sld [smem:$0x3FAC];
	_ =	sdelay $0x3  }
0x36: {  	p1 =	seq.s32 s10, $0x1;
	s10 =	sld [smem:$0x3FAD];
	_ =	sdelay $0x3  }
0x37: {  	[smem:$0x3FAD] =	sst s10  }
0x38: {  	s10 =	sld [smem:$0x3FAE]  }
0x39: {  	_ = 	snop;
	(pc) =	sbr.ind lr, $3  }
0x3a: {  	_ = 	snop  }
0x3b: {  	_ = 	snop  }
0x3c: {  	p2 =	seq.s32 s10, $0x1;
	s10 =	sld [smem:$0x3FAD]  }
0x3d: {  	_ =	shalt  }
0x3e: {  	_ =	shalt  }
0x3f: {  	_ =	shalt  }
0x40: {  	_ =	shalt  }
0x41: {  	_ =	shalt  }
0x42: {  	_ =	shalt  }
0x43: {  	_ =	shalt  }
0x44: {  	_ =	shalt  }
0x45: {  	_ =	shalt  }
0x46: {  	_ =	shalt  }
0x47: {  	_ =	shalt  }
0x48: {  	_ =	shalt  }
0x49: {  	_ =	shalt  }
0x4a: {  	_ =	shalt  }
0x4b: {  	_ =	shalt  }
0x4c: {  	_ =	shalt  }
0x4d: {  	_ =	shalt  }
0x4e: {  	_ =	shalt  }
0x4f: {  	_ =	shalt  }
0x50: {  	_ =	shalt  }
0x51: {  	_ =	shalt  }
0x52: {  	_ =	shalt  }
0x53: {  	_ =	shalt  }
0x54: {  	_ =	shalt  }
0x55: {  	_ =	shalt  }
0x56: {  	_ =	shalt  }
0x57: {  	_ =	shalt  }
0x58: {  	_ =	shalt  }
0x59: {  	_ =	shalt  }
0x5a: {  	_ =	shalt  }
0x5b: {  	_ =	shalt  }
0x5c: {  	_ =	shalt  }
0x5d: {  	_ =	shalt  }
0x5e: {  	_ =	shalt  }
0x5f: {  	_ =	shalt  }
0x60: {  	_ =	shalt  }
0x61: {  	_ =	shalt  }
0x62: {  	_ =	shalt  }
0x63: {  	_ =	shalt  }
0x64: {  	_ =	shalt  }
0x65: {  	_ =	shalt  }
0x66: {  	_ =	shalt  }
0x67: {  	_ =	shalt  }
0x68: {  	_ =	shalt  }
0x69: {  	_ =	shalt  }
0x6a: {  	_ =	shalt  }
0x6b: {  	_ =	shalt  }
0x6c: {  	_ =	shalt  }
0x6d: {  	_ =	shalt  }
0x6e: {  	_ =	shalt  }
0x6f: {  	_ =	shalt  }
0x70: {  	_ =	shalt  }
0x71: {  	_ =	shalt  }
0x72: {  	_ =	shalt  }
0x73: {  	_ =	shalt  }
0x74: {  	_ =	shalt  }
0x75: {  	_ =	shalt  }
0x76: {  	_ =	shalt  }
0x77: {  	_ =	shalt  }
0x78: {  	_ =	shalt  }
0x79: {  	_ =	shalt  }
0x7a: {  	_ =	shalt  }
0x7b: {  	_ =	shalt  }
0x7c: {  	_ =	shalt  }
0x7d: {  	_ =	shalt  }
0x7e: {  	_ =	shalt  }
0x7f: {  	_ =	shalt  }
0x80: {  	_ =	shalt  }
0x81: {  	_ =	shalt  }
0x82: {  	_ =	shalt  }
0x83: {  	_ =	shalt  }
0x84: {  	_ =	shalt  }
0x85: {  	_ =	shalt  }
0x86: {  	_ =	shalt  }
0x87: {  	_ =	shalt  }
.Lfunc_end0:
.L_simem_size_0:
called_computation.1_lowered:
.L_overlay_start_0:
0x88: {  	s2 =	sld [smem:$0x3FD9]  }
0x89: {  	s3 =	sld [smem:$0x3FFE];
	_ =	sdelay $0x1  }
0x8a: {  	s1 =	srdreg.scid  }
0x8b: {  	s0 =	sand.u32 $0x1, s1  }
0x8c: {  	s17 =	sshll.u32 s0, $0xA;
	s2 =	sadd.s32 s3, s2  }
0x8d: {  	s2 =	sadd.s32 s2, s17  }
0x8e: {  	[smem:$0x3FB9] =	sst s2  }
0x8f: {  	_ = 	snop  }
0x90: {  	s2 =	sld [smem:$0x3FC9]  }
0x91: {  	s18 =	sld [smem:$0x3FD0];
	(tm) =	ssettm $0x1  }
0x92: {  	s4 =	sld [smem:$0x3FFB];
	_ =	sdelay $0x3  }
0x93: {  	_ =	strace s4  }
0x94: {  	s4 =	sld [smem:$0x3FFC];
	_ =	sdelay $0x3  }
0x95: {  	_ =	strace s4  }
0x96: {  	s4 =	sld [smem:$0x3FFD];
	_ =	sdelay $0x3  }
0x97: {  	_ =	strace s4  }
0x98: {  	_ =	strace $0x8FFFFFFF  }
0x99: {  	s19 =	sld [smem:$0x3FDB];
	_ =	sdelay $0x1  }
0x9a: {  	s5 =	simm.s32 $_scs_section_size  }
0x9b: {  	s6 =	simm.s32 $_size__tile_overlayer_lowered;
	s7 =	simm.s32 $_tile_overlayer_lowered  }
0x9c: {  	s22 =	simm.s32 $0x1BFF;
	s21 =	sshll.u32 s7, $0x1;
	s4 =	sadd.s32 s5, s19  }
0x9d: {  	s8 =	simm.s32 $0x0;
	s20 =	sshll.u32 s6, $0x1;
	s6 =	sadd.s32 s21, s4  }
0x9e: {  	[timem:s8], [sflag:s22] =	dma.local [hbm:s6], s20  }
0x9f: {  	_ =	swait.ge [sflag:s22], s20  }
0xa0: {  	s5 =	ssub.s32 $0x0, s20;
	[sflag:s22] =	ssyncset.done $0x0  }
0xa1: {  	[sflag:s22] =	ssyncadd.s32 s5;
	_ =	sdelay $0x1  }
0xa2: {  	s23 =	simm.s32 $0x1B8B  }
0xa3: {  	_ =	swait.ge [sflag:s23], $0x1  }
0xa4: {  	[sflag:s23] =	ssyncset.done $0x0  }
0xa5: {  	s25 =	simm.s32 $0x1B8E;
	s24 =	sld [smem:$0x3FFE];
	[sflag:s23] =	ssyncadd.s32 $0xFFFFFFFF  }
0xa6: {  	s26 =	simm.s32 $execute0_lowered;
	[smem:$0x3FD2] =	sst s25  }
0xa7: {  	s6 =	sshll.u32 s26, $0x1;
	_ =	strace $0x80000049;
	[dreg:$0x1] =	wrdreg $0xFFFFFFFF  }
0xa8: {  	s28 =	simm.s32 $_size_execute0_lowered;
	s4 =	sadd.s32 s4, s6;
	[dreg:$0x0] =	wrdreg $0x0  }
0xa9: {  	s6 =	sshll.u32 s28, $0x1;
	[dreg:$0x2] =	wrdreg s4  }
0xaa: {  	[dreg:$0x3] =	wrdreg s6  }
0xab: {  	[dreg:$0x4] =	wrdreg $0xC0  }
0xac: {  	_ =	task [dreg:s8], $0x5FFFF  }
0xad: {  	[dreg:$0x1] =	wrdreg $0xFFFFFFFF  }
0xae: {  	[dreg:$0x0] =	wrdreg $0x60  }
0xaf: {  	[dreg:$0x2] =	wrdreg s2  }
0xb0: {  	[dreg:$0x3] =	wrdreg s18  }
0xb1: {  	[dreg:$0x4] =	wrdreg s24  }
0xb2: {  	[dreg:$0x5] =	wrdreg $0x9  }
0xb3: {  	_ =	task.clear_ibuf [dreg:s8], $0x6FFFF;
	_ =	strace $0x90000049  }
0xb4: {  	s29 =	simm.s32 $0x9;
	_ =	strace $0x8000004B  }
0xb5: {  	_ =	swait.ge [sflag:s29], $0x1  }
0xb6: {  	[sflag:s29] =	ssyncadd.s32 $0xFFFFFFFF  }
0xb7: {  	_ =	strace $0x9000004B  }
0xb8: {  	_ =	sfence  }
0xb9: {  	s30 =	sld [smem:$0x0];
	_ =	sdelay $0x2  }
0xba: {  	s31 =	sshll.u32 s1, $0xD;
	s1 =	sshrl.u32 s1, $0x2  }
0xbb: {  	s3 =	sand.u32 $0x4000, s31;
	s1 =	sadd.s32 s1, s30  }
0xbc: {  	s0 =	sor.u32 s3, s0;
	s1 =	sshll.u32 s1, $0x11  }
0xbd: {  	s0 =	sor.u32 s1, s0  }
0xbe: {  	s0 =	sadd.s32 $0x8F2B, s0  }
0xbf: {  	[sflag:s0] =	ssyncadd.remote.s32 $0x1  }
0xc0: {  	_ =	sfence.sel $0xFFFF  }
0xc1: {  	[dreg:$0x0] =	wrdreg $0xFFFFFFFF;
	(pc) =	sbr.abs _section_cstart, $3  }
0xc2: {  	[dreg:$0x1] =	wrdreg $0xFFFFFFFF  }
0xc3: {  	_ =	task.clear_ibuf [dreg:s8], $0x2FFFF;
	_ =	strace $0x9FFFFFFF  }
0xc4: {  	(tm) =	ssettm $0x7FFFFFFF  }
0xc5: {  	_ =	shalt  }
tec
execute0_lowered:
.L_overlay_start_1:
0x0: {  	(tag) =	ssettag $0x1  }
0x1: {  	s0 =	rddreg [dreg:$0x0]  }
0x2: {  	s1 =	rddreg [dreg:$0x1];
	s2 =	srdreg.scid  }
0x3: {  	s3 =	stileid.u32;
	s4 =	rddreg [dreg:$0x2];
	s13 =	simm.s32 $0x80  }
0x4: {  	s14 =	simm.s32 $0x400;
	s16 =	simm.s32 $0x2380;
	s17 =	simm.s32 $0x190  }
0x5: {  	s18 =	simm.s32 $0xEB80;
	s19 =	simm.s32 $0x1;
	s21 =	simm.s32 $0x2  }
0x6: {  	s24 =	simm.s32 $0x1C380;
	s25 =	simm.s32 $0x1D380;
	s26 =	simm.s32 $0x1E380  }
0x7: {  	s5 =	sand.u32 $0x1, s2;
	s3 =	sshll.u32 s3, $0x1;
	s2 =	simm.s32 $0x0  }
0x8: {  	s28 =	simm.s32 $0x0;
	s6 =	sor.u32 s5, s3;
	[smem:$0x7FF] =	sst s2  }
0x9: {  	s5 =	ssub.s32 $0x2, s5;
	s3 =	smul.u32 $0x3E8, s6;
	_ =	strace $0x8000004A  }
0xa: {  	s8 =	sshll.u32 s6, $0x9;
	s9 =	sshrl.u32 s5, $0x1;
	s10 =	smul.u32 $0x64, s6  }
.Ltmp0:
0xb: {  	s31 =	sshll.u32 s6, $0x2;
	s11 =	sadd.s32 s8, s4;
	(pc) =	sbr.rel .LBB2_1-.Ltmp0, $4  }
0xc: {  	s12 =	ssub.s32 s5, s9;
	s7 =	sadd.s32 s3, s4;
	s3 =	sadd.s32 $0x1EB600, s4  }
0xd: {  	s4 =	sadd.s32 s0, s31;
	s5 =	sadd.s32 s1, s10;
	s8 =	sadd.s32 $0xF200, s11  }
0xe: {  	s9 =	sadd.s32 $0x13200, s11;
	s10 =	sadd.s32 $0x17200, s11;
	s6 =	sadd.s32 $0x3400, s7  }
0xf: {  	s7 =	sadd.s32 $0xB200, s11;
	s11 =	smax.u32 s12, $0x1;
	s12 =	simm.s32 $0x3  }
.LBB2_18:
0x10: {  	s0 =	simm.s32 $0x1B380  }
0x11: {  	[hbm4b:s7+s2] =	stream.linear.scatter [tilespmem:s0], [sflag:$0x3], $0x1000, $0x38;
	[tilespmem:$0x1F380] =	vst v63  }
0x12: {  	_ =	swait.ge [sflag:s12], $0x1000  }
0x13: {  	[sflag:s12] =	ssyncset.done $0x0  }
0x14: {  	[sflag:s12] =	ssyncadd.s32 $0xFFFFF000  }
0x15: {  	[hbm4b:s8+s2] =	stream.linear.scatter [tilespmem:s24], [sflag:$0x3], $0x1000, $0x38;
	[tilespmem:$0x1F380] =	vst v63  }
0x16: {  	_ =	swait.ge [sflag:s12], $0x1000  }
0x17: {  	[sflag:s12] =	ssyncset.done $0x0  }
0x18: {  	[sflag:s12] =	ssyncadd.s32 $0xFFFFF000  }
0x19: {  	[hbm4b:s9+s2] =	stream.linear.scatter [tilespmem:s25], [sflag:$0x3], $0x1000, $0x38;
	[tilespmem:$0x1F380] =	vst v63  }
0x1a: {  	s28 =	sadd.s32 $0x1, s28;
	_ =	swait.ge [sflag:s12], $0x1000  }
0x1b: {  	p0 =	sne.s32 s28, s11;
	[sflag:s12] =	ssyncset.done $0x0  }
.Ltmp1:
0x1c: {  	[sflag:s12] =	ssyncadd.s32 $0xFFFFF000;
	(pc) =	sbr.rel @!p0 .LBB2_19-.Ltmp1, $4  }
0x1d: {  	[hbm4b:s10+s2] =	stream.linear.scatter [tilespmem:s26], [sflag:$0x3], $0x1000, $0x38;
	[tilespmem:$0x1F380] =	vst v63  }
0x1e: {  	_ =	swait.ge [sflag:s12], $0x1000  }
0x1f: {  	[sflag:s12] =	ssyncset.done $0x0  }
0x20: {  	[sflag:s12] =	ssyncadd.s32 $0xFFFFF000  }
.LBB2_1:
0x21: {  	[tilespmem:s2], [sflag:$0x3] =	stream.linear.gather [hbm4b:s4+s2], $0x20, $0x38;
	[tilespmem:$0x1F380] =	vst v63  }
0x22: {  	_ =	swait.ge [sflag:s12], $0x20  }
0x23: {  	[sflag:s12] =	ssyncset.done $0x0  }
0x24: {  	[sflag:s12] =	ssyncadd.s32 $0xFFFFFFE0  }
0x25: {  	[tilespmem:s13], [sflag:$0x3] =	stream.linear.gather [hbm4b:s5+s2], $0x320, $0x38;
	[tilespmem:$0x1F380] =	vst v63  }
0x26: {  	_ =	swait.ge [sflag:s12], $0x320  }
0x27: {  	[sflag:s12] =	ssyncset.done $0x0  }
0x28: {  	[sflag:s12] =	ssyncadd.s32 $0xFFFFFCE0  }
0x29: {  	[tilespmem:s14], [sflag:$0x3] =	stream.linear.gather [hbm4b:s6+s2], $0x1F40, $0x38;
	[tilespmem:$0x1F380] =	vst v63  }
0x2a: {  	_ =	swait.ge [sflag:s12], $0x1F40  }
0x2b: {  	[sflag:s12] =	ssyncset.done $0x0  }
0x2c: {  	s0 =	simm.s32 $0x20;
	[sflag:s12] =	ssyncadd.s32 $0xFFFFE0C0  }
0x2d: {  	[tilespmem:s16], [sflag:$0x1] =	stream.indirect.gather [hbm4b:s3+s0], $0x80, s2, s0, $0xb8;
	[tilespmem:$0x1F380] =	vst v63  }
0x2e: {  	_ = 	snop  }
0x2f: {  	[tilespmem:s18], [sflag:$0x2] =	stream.indirect.gather [hbm4b:s3+s17], $0x80, s13, s17, $0xb8;
	[tilespmem:$0x1F380] =	vst v63  }
0x30: {  	_ =	swait.ge [sflag:s19], $0x1000  }
0x31: {  	[sflag:s19] =	ssyncset.done $0x0  }
0x32: {  	s1 =	simm.s32 $0x0;
	[sflag:s19] =	ssyncadd.s32 $0xFFFFF000  }
0x33: {  	v0 =	vld [tilespmem:s1+$0x23F0]  }
0x34: {  	v2 =	vld [tilespmem:s1+$0x2380]  }
0x35: {  	v5 =	vld [tilespmem:s1+$0x2390]  }
0x36: {  	v4 =	vld [tilespmem:s1+$0x23A0]  }
0x37: {  	v3 =	vld [tilespmem:s1+$0x23B0]  }
0x38: {  	v1 =	vld [tilespmem:s1+$0x23C0];
	v6 =	vshll.u32 v0, $0x10  }
0x39: {  	v0 =	vld [tilespmem:s1+$0x23D0];
	v7 =	vshll.u32 v2, $0x10;
	v8 =	vmax.f32 v6, $0.0e+00  }
0x3a: {  	s15 =	simm.s32 $0x400;
	s0 =	simm.s32 $0x80;
	v2 =	vld [tilespmem:s1+$0x23E0];
	v5 =	vshll.u32 v5, $0x10;
	v6 =	vmax.f32 v7, $0.0e+00;
	[tilespmem:s1+$0x1B3F0] =	vst v8  }
.LBB2_2:
0x3b: {  	p0 =	sne.s32 s15, $0x3E00;
	v7 =	vld [tilespmem:s0+$0x23F0];
	v4 =	vshll.u32 v4, $0x10;
	[tilespmem:s1+$0x1B380] =	vst v6;
	v5 =	vmax.f32 v5, $0.0e+00  }
0x3c: {  	v6 =	vld [tilespmem:s0+$0x2380];
	v3 =	vshll.u32 v3, $0x10;
	[tilespmem:s1+$0x1B390] =	vst v5;
	v4 =	vmax.f32 v4, $0.0e+00  }
0x3d: {  	v5 =	vld [tilespmem:s0+$0x2390];
	v1 =	vshll.u32 v1, $0x10;
	[tilespmem:s1+$0x1B3A0] =	vst v4;
	v3 =	vmax.f32 v3, $0.0e+00  }
.Ltmp2:
0x3e: {  	v4 =	vld [tilespmem:s0+$0x23A0];
	v0 =	vshll.u32 v0, $0x10;
	[tilespmem:s1+$0x1B3B0] =	vst v3;
	v1 =	vmax.f32 v1, $0.0e+00;
	(pc) =	sbr.rel @p0 .LBB2_2-.Ltmp2, $4  }
0x3f: {  	v3 =	vld [tilespmem:s0+$0x23B0];
	v2 =	vshll.u32 v2, $0x10;
	[tilespmem:s1+$0x1B3C0] =	vst v1;
	v0 =	vmax.f32 v0, $0.0e+00  }
0x40: {  	v1 =	vld [tilespmem:s0+$0x23C0];
	v7 =	vshll.u32 v7, $0x10;
	[tilespmem:s1+$0x1B3D0] =	vst v0;
	v2 =	vmax.f32 v2, $0.0e+00  }
0x41: {  	v6 =	vshll.u32 v6, $0x10;
	v0 =	vld [tilespmem:s0+$0x23D0];
	v7 =	vmax.f32 v7, $0.0e+00;
	[tilespmem:s1+$0x1B3E0] =	vst v2;
	s1 =	smov.u32 s0  }
0x42: {  	s0 =	sshra.s32 s15, $0x2;
	s15 =	sadd.s32 $0x200, s15;
	v5 =	vshll.u32 v5, $0x10;
	v2 =	vld [tilespmem:s1+$0x23E0];
	v6 =	vmax.f32 v6, $0.0e+00;
	[tilespmem:s1+$0x1B3F0] =	vst v7  }
0x43: {  	v7 =	vld [tilespmem:s0+$0x23F0];
	[tilespmem:s1+$0x1B380] =	vst v6;
	v5 =	vmax.f32 v5, $0.0e+00;
	v4 =	vshll.u32 v4, $0x10  }
0x44: {  	v6 =	vld [tilespmem:s0+$0x2380];
	[tilespmem:s1+$0x1B390] =	vst v5;
	v4 =	vmax.f32 v4, $0.0e+00;
	v3 =	vshll.u32 v3, $0x10  }
0x45: {  	v5 =	vld [tilespmem:s0+$0x2390];
	[tilespmem:s1+$0x1B3A0] =	vst v4;
	v3 =	vmax.f32 v3, $0.0e+00;
	v1 =	vshll.u32 v1, $0x10  }
0x46: {  	v4 =	vld [tilespmem:s0+$0x23A0];
	[tilespmem:s1+$0x1B3B0] =	vst v3;
	v1 =	vmax.f32 v1, $0.0e+00;
	v0 =	vshll.u32 v0, $0x10  }
0x47: {  	v3 =	vld [tilespmem:s0+$0x23B0];
	[tilespmem:s1+$0x1B3C0] =	vst v1;
	v0 =	vmax.f32 v0, $0.0e+00;
	v2 =	vshll.u32 v2, $0x10  }
0x48: {  	v1 =	vld [tilespmem:s0+$0x23C0];
	[tilespmem:s1+$0x1B3D0] =	vst v0;
	v52 =	vmax.f32 v2, $0.0e+00;
	v7 =	vshll.u32 v7, $0x10  }
0x49: {  	v53 =	vld [tilespmem:s0+$0x23D0];
	[tilespmem:s1+$0x1B3E0] =	vst v52;
	v54 =	vshll.u32 v6, $0x10;
	v55 =	vmax.f32 v7, $0.0e+00  }
0x4a: {  	v56 =	vld [tilespmem:s0+$0x23E0];
	v5 =	vshll.u32 v5, $0x10;
	v0 =	vmax.f32 v54, $0.0e+00;
	[tilespmem:s0+$0x1B3F0] =	vst v55  }
0x4b: {  	v4 =	vshll.u32 v4, $0x10;
	[tilespmem:s0+$0x1B380] =	vst v0;
	v57 =	vmax.f32 v5, $0.0e+00  }
0x4c: {  	v3 =	vshll.u32 v3, $0x10;
	[tilespmem:s0+$0x1B390] =	vst v57;
	v58 =	vmax.f32 v4, $0.0e+00  }
0x4d: {  	v1 =	vshll.u32 v1, $0x10;
	[tilespmem:s0+$0x1B3A0] =	vst v58;
	v59 =	vmax.f32 v3, $0.0e+00  }
0x4e: {  	v2 =	vshll.u32 v53, $0x10;
	[tilespmem:s0+$0x1B3B0] =	vst v59;
	v60 =	vmax.f32 v1, $0.0e+00  }
0x4f: {  	v61 =	vshll.u32 v56, $0x10;
	[tilespmem:s0+$0x1B3C0] =	vst v60;
	v62 =	vmax.f32 v2, $0.0e+00  }
0x50: {  	[tilespmem:s0+$0x1B3D0] =	vst v62;
	v63 =	vmax.f32 v61, $0.0e+00  }
0x51: {  	s31 =	simm.s32 $0x210;
	[tilespmem:s0+$0x1B3E0] =	vst v63  }
0x52: {  	[tilespmem:s16], [sflag:$0x1] =	stream.indirect.gather [hbm4b:s3+s17], $0x80, s31, s17, $0xb8;
	[tilespmem:$0x1F380] =	vst v63  }
0x53: {  	_ =	swait.ge [sflag:s21], $0xC800  }
0x54: {  	[sflag:s21] =	ssyncset.done $0x0  }
0x55: {  	s1 =	simm.s32 $0xEBC0;
	s0 =	simm.s32 $0x0;
	[sflag:s21] =	ssyncadd.s32 $0xFFFF3800  }
.LBB2_4:
0x56: {  	v10 =	vmov s1;
	_ =	sdelay $0x3  }
0x57: {  	s20 =	simm.s32 $0x0  }
0x58: {  	v0 =	vld.idx.msk [tilespmem:v10+s20+$0x30 ss:$0x1], $0xffff  }
0x59: {  	v1 =	vld.idx.msk [tilespmem:v10+s20+$0x10 ss:$0x1], $0xffff  }
0x5a: {  	v3 =	vld.idx.msk [tilespmem:v10+s20+$0xFFFFFFE0 ss:$0x1], $0xffff  }
0x5b: {  	v9 =	vld.idx.msk [tilespmem:v10+s20+$0x0 ss:$0x1], $0xffff  }
0x5c: {  	v4 =	vld.idx.msk [tilespmem:v10+s20+$0xFFFFFFD0 ss:$0x1], $0xffff  }
0x5d: {  	v8 =	vimm.f32 $0.0e+00;
	v6 =	vld.idx.msk [tilespmem:v10+s20+$0x20 ss:$0x1], $0xffff  }
0x5e: {  	v19 =	vimm.f32 $0.0e+00;
	v17 =	vimm.f32 $0.0e+00;
	v12 =	vimm.f32 $0.0e+00  }
0x5f: {  	v15 =	vimm.f32 $0.0e+00;
	v16 =	vimm.f32 $0.0e+00;
	v21 =	vimm.f32 $0.0e+00  }
0x60: {  	v5 =	vand.u32 $0xFFFF0000, v0;
	v14 =	vshll.u32 v1, $0x10;
	v1 =	vand.u32 $0xFFFF0000, v1  }
0x61: {  	v11 =	vshll.u32 v3, $0x10;
	v0 =	vshll.u32 v0, $0x10;
	v20 =	vshll.u32 v9, $0x10  }
0x62: {  	v18 =	vld.idx.msk [tilespmem:v10+s20+$0xFFFFFFF0 ss:$0x1], $0xffff;
	v24 =	vshll.u32 v4, $0x10;
	v22 =	vshll.u32 v6, $0x10;
	v2 =	vadd.f32 v1, v8  }
0x63: {  	v23 =	vld.idx.msk [tilespmem:v10+s20+$0xFFFFFFC0 ss:$0x1], $0xffff;
	v1 =	vand.u32 $0xFFFF0000, v3;
	v0 =	vmax.f32 v0, $0.0e+00;
	v3 =	vand.u32 $0xFFFF0000, v4  }
0x64: {  	v25 =	vmax.f32 v11, $0.0e+00;
	v4 =	vimm.f32 $0.0e+00;
	v7 =	vadd.f32 v1, v8  }
0x65: {  	v11 =	vimm.f32 $0.0e+00;
	v0 =	vadd.f32 v0, v8;
	v1 =	vadd.f32 v5, v8  }
0x66: {  	s15 =	simm.s32 $0x200;
	v13 =	vadd.f32 v3, v8;
	v5 =	vimm.f32 $0.0e+00;
	v3 =	vimm.f32 $0.0e+00  }
.LBB2_5:
0x67: {  	s20 =	sshra.s32 s15, $0x2;
	p0 =	sne.s32 s15, $0x3000;
	s15 =	sadd.s32 $0x200, s15;
	v26 =	vshll.u32 v18, $0x10;
	v22 =	vmax.f32 v22, $0.0e+00  }
0x68: {  	v28 =	vand.u32 $0xFFFF0000, v23;
	v14 =	vmax.f32 v14, $0.0e+00;
	v27 =	vld.idx.msk [tilespmem:v10+s20+$0x30 ss:$0x1], $0xffff;
	v26 =	vmax.f32 v26, $0.0e+00  }
0x69: {  	v6 =	vand.u32 $0xFFFF0000, v6;
	v24 =	vmax.f32 v24, $0.0e+00;
	v8 =	vadd.f32 v25, v8;
	v29 =	vld.idx.msk [tilespmem:v10+s20+$0x10 ss:$0x1], $0xffff  }
0x6a: {  	v30 =	vand.u32 $0xFFFF0000, v9;
	v5 =	vadd.f32 v14, v5;
	v19 =	vadd.f32 v28, v19;
	v25 =	vld.idx.msk [tilespmem:v10+s20+$0xFFFFFFE0 ss:$0x1], $0xffff  }
0x6b: {  	v17 =	vadd.f32 v24, v17;
	v14 =	vmax.f32 v20, $0.0e+00;
	v3 =	vadd.f32 v6, v3;
	v9 =	vld.idx.msk [tilespmem:v10+s20+$0x0 ss:$0x1], $0xffff  }
0x6c: {  	v20 =	vshll.u32 v23, $0x10;
	v4 =	vadd.f32 v22, v4;
	v11 =	vadd.f32 v30, v11;
	v28 =	vld.idx.msk [tilespmem:v10+s20+$0xFFFFFFD0 ss:$0x1], $0xffff  }
0x6d: {  	v22 =	vand.u32 $0xFFFF0000, v18;
	v20 =	vmax.f32 v20, $0.0e+00;
	v12 =	vadd.f32 v14, v12;
	v6 =	vld.idx.msk [tilespmem:v10+s20+$0x20 ss:$0x1], $0xffff  }
0x6e: {  	v15 =	vadd.f32 v26, v15;
	v16 =	vadd.f32 v22, v16;
	v30 =	vand.u32 $0xFFFF0000, v27;
	v18 =	vld.idx.msk [tilespmem:v10+s20+$0xFFFFFFF0 ss:$0x1], $0xffff  }
0x6f: {  	v21 =	vadd.f32 v20, v21;
	v14 =	vshll.u32 v29, $0x10;
	v22 =	vand.u32 $0xFFFF0000, v29;
	v23 =	vld.idx.msk [tilespmem:v10+s20+$0xFFFFFFC0 ss:$0x1], $0xffff  }
.Ltmp3:
0x70: {  	v24 =	vshll.u32 v27, $0x10;
	v26 =	vshll.u32 v25, $0x10;
	v2 =	vadd.f32 v22, v2;
	(pc) =	sbr.rel @p0 .LBB2_5-.Ltmp3, $4  }
0x71: {  	v22 =	vand.u32 $0xFFFF0000, v25;
	v25 =	vmax.f32 v24, $0.0e+00;
	v20 =	vshll.u32 v9, $0x10  }
0x72: {  	v7 =	vadd.f32 v22, v7;
	v24 =	vshll.u32 v28, $0x10;
	v27 =	vand.u32 $0xFFFF0000, v28  }
0x73: {  	v1 =	vadd.f32 v30, v1;
	v0 =	vadd.f32 v25, v0;
	v22 =	vshll.u32 v6, $0x10  }
0x74: {  	v25 =	vmax.f32 v26, $0.0e+00;
	v13 =	vadd.f32 v27, v13  }
0x75: {  	v10 =	vshll.u32 v23, $0x10  }
0x76: {  	v47 =	vand.u32 $0xFFFF0000, v23;
	v26 =	vshll.u32 v18, $0x10;
	v49 =	vmax.f32 v24, $0.0e+00  }
0x77: {  	v8 =	vadd.f32 v25, v8;
	v7 =	vmul.f32 $3.999999910e-02, v7;
	v0 =	vmul.f32 $3.999999910e-02, v0  }
0x78: {  	v9 =	vand.u32 $0xFFFF0000, v9;
	v50 =	vand.u32 $0xFFFF0000, v18;
	s15 =	sshll.u32 s0, $0x7;
	v2 =	vmul.f32 $3.999999910e-02, v2  }
0x79: {  	v52 =	vmax.f32 v20, $0.0e+00;
	v1 =	vmul.f32 $3.999999910e-02, v1;
	v7 =	vmax.f32 v7, $0.0e+00;
	[tilespmem:s15+$0x1D3F0] =	vst v0  }
0x7a: {  	v54 =	vmax.f32 v14, $0.0e+00;
	v13 =	vmul.f32 $3.999999910e-02, v13;
	v2 =	vmax.f32 v2, $0.0e+00;
	[tilespmem:s15+$0x1C3A0] =	vst v7  }
0x7b: {  	v58 =	vmax.f32 v22, $0.0e+00;
	v17 =	vadd.f32 v49, v17;
	v63 =	vmax.f32 v1, $0.0e+00;
	[tilespmem:s15+$0x1C3D0] =	vst v2  }
0x7c: {  	v55 =	vadd.f32 v52, v12;
	v8 =	vmul.f32 $3.999999910e-02, v8;
	v53 =	vmax.f32 v13, $0.0e+00;
	[tilespmem:s15+$0x1C3F0] =	vst v63  }
0x7d: {  	v6 =	vand.u32 $0xFFFF0000, v6;
	v5 =	vadd.f32 v54, v5;
	v17 =	vmul.f32 $3.999999910e-02, v17;
	[tilespmem:s15+$0x1C390] =	vst v53  }
0x7e: {  	v10 =	vmax.f32 v10, $0.0e+00;
	v4 =	vadd.f32 v58, v4;
	v60 =	vmul.f32 $3.999999910e-02, v55;
	[tilespmem:s15+$0x1D3A0] =	vst v8  }
0x7f: {  	v19 =	vadd.f32 v47, v19;
	v10 =	vadd.f32 v10, v21;
	v5 =	vmul.f32 $3.999999910e-02, v5;
	[tilespmem:s15+$0x1D390] =	vst v17  }
0x80: {  	v48 =	vmax.f32 v26, $0.0e+00;
	v16 =	vadd.f32 v50, v16;
	v4 =	vmul.f32 $3.999999910e-02, v4;
	[tilespmem:s15+$0x1D3C0] =	vst v60  }
0x81: {  	v15 =	vadd.f32 v48, v15;
	v19 =	vmul.f32 $3.999999910e-02, v19;
	v10 =	vmul.f32 $3.999999910e-02, v10;
	[tilespmem:s15+$0x1D3D0] =	vst v5  }
0x82: {  	s0 =	sadd.s32 $0x1, s0;
	v9 =	vadd.f32 v9, v11;
	v3 =	vadd.f32 v6, v3;
	[tilespmem:s15+$0x1D3E0] =	vst v4  }
0x83: {  	p0 =	sne.s32 s0, $0x10;
	v57 =	vmul.f32 $3.999999910e-02, v16;
	v56 =	vmul.f32 $3.999999910e-02, v15;
	v51 =	vmax.f32 v19, $0.0e+00;
	[tilespmem:s15+$0x1D380] =	vst v10  }
.Ltmp4:
0x84: {  	v9 =	vmul.f32 $3.999999910e-02, v9;
	[tilespmem:s15+$0x1C380] =	vst v51;
	(pc) =	sbr.rel @p0 .LBB2_4-.Ltmp4, $4  }
0x85: {  	v3 =	vmul.f32 $3.999999910e-02, v3;
	v59 =	vmax.f32 v57, $0.0e+00;
	[tilespmem:s15+$0x1D3B0] =	vst v56  }
0x86: {  	v61 =	vmax.f32 v9, $0.0e+00;
	[tilespmem:s15+$0x1C3B0] =	vst v59  }
0x87: {  	v62 =	vmax.f32 v3, $0.0e+00;
	[tilespmem:s15+$0x1C3C0] =	vst v61  }
0x88: {  	s1 =	sadd.s32 $0xC80, s1;
	[tilespmem:s15+$0x1C3E0] =	vst v62  }
0x89: {  	[tilespmem:s18], [sflag:$0x2] =	stream.indirect.gather [hbm4b:s3+s17], $0x80, s14, s17, $0xb8;
	[tilespmem:$0x1F380] =	vst v63  }
0x8a: {  	_ =	swait.ge [sflag:s19], $0xC800  }
0x8b: {  	[sflag:s19] =	ssyncset.done $0x0  }
0x8c: {  	s0 =	simm.s32 $0x0;
	s1 =	simm.s32 $0x23C0;
	[sflag:s19] =	ssyncadd.s32 $0xFFFF3800  }
.LBB2_8:
0x8d: {  	v10 =	vmov s1;
	_ =	sdelay $0x3  }
0x8e: {  	s20 =	simm.s32 $0x0  }
0x8f: {  	v0 =	vld.idx.msk [tilespmem:v10+s20+$0x30 ss:$0x1], $0xffff  }
0x90: {  	v1 =	vld.idx.msk [tilespmem:v10+s20+$0x10 ss:$0x1], $0xffff  }
0x91: {  	v3 =	vld.idx.msk [tilespmem:v10+s20+$0xFFFFFFE0 ss:$0x1], $0xffff  }
0x92: {  	v9 =	vld.idx.msk [tilespmem:v10+s20+$0x0 ss:$0x1], $0xffff  }
0x93: {  	v4 =	vld.idx.msk [tilespmem:v10+s20+$0xFFFFFFD0 ss:$0x1], $0xffff  }
0x94: {  	v8 =	vimm.f32 $0.0e+00;
	v6 =	vld.idx.msk [tilespmem:v10+s20+$0x20 ss:$0x1], $0xffff  }
0x95: {  	v19 =	vimm.f32 $0.0e+00;
	v17 =	vimm.f32 $0.0e+00;
	v12 =	vimm.f32 $0.0e+00  }
0x96: {  	v15 =	vimm.f32 $0.0e+00;
	v16 =	vimm.f32 $0.0e+00;
	v21 =	vimm.f32 $0.0e+00  }
0x97: {  	v5 =	vand.u32 $0xFFFF0000, v0;
	v14 =	vshll.u32 v1, $0x10;
	v1 =	vand.u32 $0xFFFF0000, v1  }
0x98: {  	v11 =	vshll.u32 v3, $0x10;
	v0 =	vshll.u32 v0, $0x10;
	v20 =	vshll.u32 v9, $0x10  }
0x99: {  	v18 =	vld.idx.msk [tilespmem:v10+s20+$0xFFFFFFF0 ss:$0x1], $0xffff;
	v24 =	vshll.u32 v4, $0x10;
	v22 =	vshll.u32 v6, $0x10;
	v2 =	vadd.f32 v1, v8  }
0x9a: {  	v23 =	vld.idx.msk [tilespmem:v10+s20+$0xFFFFFFC0 ss:$0x1], $0xffff;
	v1 =	vand.u32 $0xFFFF0000, v3;
	v0 =	vmax.f32 v0, $0.0e+00;
	v3 =	vand.u32 $0xFFFF0000, v4  }
0x9b: {  	v25 =	vmax.f32 v11, $0.0e+00;
	v4 =	vimm.f32 $0.0e+00;
	v7 =	vadd.f32 v1, v8  }
0x9c: {  	v11 =	vimm.f32 $0.0e+00;
	v0 =	vadd.f32 v0, v8;
	v1 =	vadd.f32 v5, v8  }
0x9d: {  	s15 =	simm.s32 $0x200;
	v13 =	vadd.f32 v3, v8;
	v5 =	vimm.f32 $0.0e+00;
	v3 =	vimm.f32 $0.0e+00  }
.LBB2_9:
0x9e: {  	s20 =	sshra.s32 s15, $0x2;
	p0 =	sne.s32 s15, $0x3000;
	s15 =	sadd.s32 $0x200, s15;
	v26 =	vshll.u32 v18, $0x10;
	v22 =	vmax.f32 v22, $0.0e+00  }
0x9f: {  	v28 =	vand.u32 $0xFFFF0000, v23;
	v14 =	vmax.f32 v14, $0.0e+00;
	v27 =	vld.idx.msk [tilespmem:v10+s20+$0x30 ss:$0x1], $0xffff;
	v26 =	vmax.f32 v26, $0.0e+00  }
0xa0: {  	v6 =	vand.u32 $0xFFFF0000, v6;
	v24 =	vmax.f32 v24, $0.0e+00;
	v8 =	vadd.f32 v25, v8;
	v29 =	vld.idx.msk [tilespmem:v10+s20+$0x10 ss:$0x1], $0xffff  }
0xa1: {  	v30 =	vand.u32 $0xFFFF0000, v9;
	v5 =	vadd.f32 v14, v5;
	v19 =	vadd.f32 v28, v19;
	v25 =	vld.idx.msk [tilespmem:v10+s20+$0xFFFFFFE0 ss:$0x1], $0xffff  }
0xa2: {  	v17 =	vadd.f32 v24, v17;
	v14 =	vmax.f32 v20, $0.0e+00;
	v3 =	vadd.f32 v6, v3;
	v9 =	vld.idx.msk [tilespmem:v10+s20+$0x0 ss:$0x1], $0xffff  }
0xa3: {  	v20 =	vshll.u32 v23, $0x10;
	v4 =	vadd.f32 v22, v4;
	v11 =	vadd.f32 v30, v11;
	v28 =	vld.idx.msk [tilespmem:v10+s20+$0xFFFFFFD0 ss:$0x1], $0xffff  }
0xa4: {  	v22 =	vand.u32 $0xFFFF0000, v18;
	v20 =	vmax.f32 v20, $0.0e+00;
	v12 =	vadd.f32 v14, v12;
	v6 =	vld.idx.msk [tilespmem:v10+s20+$0x20 ss:$0x1], $0xffff  }
0xa5: {  	v15 =	vadd.f32 v26, v15;
	v16 =	vadd.f32 v22, v16;
	v30 =	vand.u32 $0xFFFF0000, v27;
	v18 =	vld.idx.msk [tilespmem:v10+s20+$0xFFFFFFF0 ss:$0x1], $0xffff  }
0xa6: {  	v21 =	vadd.f32 v20, v21;
	v14 =	vshll.u32 v29, $0x10;
	v22 =	vand.u32 $0xFFFF0000, v29;
	v23 =	vld.idx.msk [tilespmem:v10+s20+$0xFFFFFFC0 ss:$0x1], $0xffff  }
.Ltmp5:
0xa7: {  	v24 =	vshll.u32 v27, $0x10;
	v26 =	vshll.u32 v25, $0x10;
	v2 =	vadd.f32 v22, v2;
	(pc) =	sbr.rel @p0 .LBB2_9-.Ltmp5, $4  }
0xa8: {  	v22 =	vand.u32 $0xFFFF0000, v25;
	v25 =	vmax.f32 v24, $0.0e+00;
	v20 =	vshll.u32 v9, $0x10  }
0xa9: {  	v7 =	vadd.f32 v22, v7;
	v24 =	vshll.u32 v28, $0x10;
	v27 =	vand.u32 $0xFFFF0000, v28  }
0xaa: {  	v1 =	vadd.f32 v30, v1;
	v0 =	vadd.f32 v25, v0;
	v22 =	vshll.u32 v6, $0x10  }
0xab: {  	v25 =	vmax.f32 v26, $0.0e+00;
	v13 =	vadd.f32 v27, v13  }
0xac: {  	v10 =	vshll.u32 v23, $0x10  }
0xad: {  	v47 =	vand.u32 $0xFFFF0000, v23;
	v26 =	vshll.u32 v18, $0x10;
	v49 =	vmax.f32 v24, $0.0e+00  }
0xae: {  	v8 =	vadd.f32 v25, v8;
	v7 =	vmul.f32 $3.999999910e-02, v7;
	v0 =	vmul.f32 $3.999999910e-02, v0  }
0xaf: {  	v9 =	vand.u32 $0xFFFF0000, v9;
	v50 =	vand.u32 $0xFFFF0000, v18;
	s15 =	sshll.u32 s0, $0x7;
	v2 =	vmul.f32 $3.999999910e-02, v2  }
0xb0: {  	v52 =	vmax.f32 v20, $0.0e+00;
	v1 =	vmul.f32 $3.999999910e-02, v1;
	v7 =	vmax.f32 v7, $0.0e+00;
	[tilespmem:s15+$0x1DBF0] =	vst v0  }
0xb1: {  	v54 =	vmax.f32 v14, $0.0e+00;
	v13 =	vmul.f32 $3.999999910e-02, v13;
	v2 =	vmax.f32 v2, $0.0e+00;
	[tilespmem:s15+$0x1CBA0] =	vst v7  }
0xb2: {  	v58 =	vmax.f32 v22, $0.0e+00;
	v17 =	vadd.f32 v49, v17;
	v63 =	vmax.f32 v1, $0.0e+00;
	[tilespmem:s15+$0x1CBD0] =	vst v2  }
0xb3: {  	v55 =	vadd.f32 v52, v12;
	v8 =	vmul.f32 $3.999999910e-02, v8;
	v53 =	vmax.f32 v13, $0.0e+00;
	[tilespmem:s15+$0x1CBF0] =	vst v63  }
0xb4: {  	v6 =	vand.u32 $0xFFFF0000, v6;
	v5 =	vadd.f32 v54, v5;
	v17 =	vmul.f32 $3.999999910e-02, v17;
	[tilespmem:s15+$0x1CB90] =	vst v53  }
0xb5: {  	v10 =	vmax.f32 v10, $0.0e+00;
	v4 =	vadd.f32 v58, v4;
	v60 =	vmul.f32 $3.999999910e-02, v55;
	[tilespmem:s15+$0x1DBA0] =	vst v8  }
0xb6: {  	v19 =	vadd.f32 v47, v19;
	v10 =	vadd.f32 v10, v21;
	v5 =	vmul.f32 $3.999999910e-02, v5;
	[tilespmem:s15+$0x1DB90] =	vst v17  }
0xb7: {  	v48 =	vmax.f32 v26, $0.0e+00;
	v16 =	vadd.f32 v50, v16;
	v4 =	vmul.f32 $3.999999910e-02, v4;
	[tilespmem:s15+$0x1DBC0] =	vst v60  }
0xb8: {  	v15 =	vadd.f32 v48, v15;
	v19 =	vmul.f32 $3.999999910e-02, v19;
	v10 =	vmul.f32 $3.999999910e-02, v10;
	[tilespmem:s15+$0x1DBD0] =	vst v5  }
0xb9: {  	s0 =	sadd.s32 $0x1, s0;
	v9 =	vadd.f32 v9, v11;
	v3 =	vadd.f32 v6, v3;
	[tilespmem:s15+$0x1DBE0] =	vst v4  }
0xba: {  	p0 =	sne.s32 s0, $0x10;
	v57 =	vmul.f32 $3.999999910e-02, v16;
	v56 =	vmul.f32 $3.999999910e-02, v15;
	v51 =	vmax.f32 v19, $0.0e+00;
	[tilespmem:s15+$0x1DB80] =	vst v10  }
.Ltmp6:
0xbb: {  	v9 =	vmul.f32 $3.999999910e-02, v9;
	[tilespmem:s15+$0x1CB80] =	vst v51;
	(pc) =	sbr.rel @p0 .LBB2_8-.Ltmp6, $4  }
0xbc: {  	v3 =	vmul.f32 $3.999999910e-02, v3;
	v59 =	vmax.f32 v57, $0.0e+00;
	[tilespmem:s15+$0x1DBB0] =	vst v56  }
0xbd: {  	v61 =	vmax.f32 v9, $0.0e+00;
	[tilespmem:s15+$0x1CBB0] =	vst v59  }
0xbe: {  	v62 =	vmax.f32 v3, $0.0e+00;
	[tilespmem:s15+$0x1CBC0] =	vst v61  }
0xbf: {  	s1 =	sadd.s32 $0xC80, s1;
	[tilespmem:s15+$0x1CBE0] =	vst v62  }
0xc0: {  	s0 =	simm.s32 $0x590;
	v0 =	vimm.f32 $0.0e+00;
	v1 =	vimm.f32 $0.0e+00;
	s15 =	simm.s32 $0x0  }
0xc1: {  	v2 =	vimm.f32 $0.0e+00;
	v3 =	vimm.f32 $0.0e+00;
	v4 =	vimm.f32 $0.0e+00;
	s30 =	simm.s32 $0x28;
	s31 =	simm.s32 $0xFFFFFFF0;
	s1 =	simm.s32 $0x0  }
0xc2: {  	v5 =	vimm.f32 $0.0e+00;
	v6 =	vimm.f32 $0.0e+00;
	v7 =	vimm.f32 $0.0e+00;
	[tilespmem:s16], [sflag:$0x1] =	stream.indirect.gather [hbm4b:s3+s17], $0x80, s0, s17, $0xb8;
	[tilespmem:$0x1F380] =	vst v63  }
.LBB2_12:
0xc3: {  	_ =	swait.ge [sflag:s21], $0xC800  }
0xc4: {  	s0 =	simm.s32 $0xEE00;
	[sflag:s21] =	ssyncset.done $0x0  }
0xc5: {  	s29 =	smov.u32 s15;
	s20 =	simm.s32 $0x0;
	[sflag:s21] =	ssyncadd.s32 $0xFFFF3800  }
.LBB2_13:
0xc6: {  	v8 =	vld [tilespmem:s0+$0xFFFFFD80]  }
0xc7: {  	v9 =	vld [tilespmem:s0+$0xFFFFFD90]  }
0xc8: {  	v10 =	vld [tilespmem:s0+$0xFFFFFDA0]  }
0xc9: {  	v11 =	vld [tilespmem:s0+$0xFFFFFDB0]  }
0xca: {  	v12 =	vld [tilespmem:s0+$0xFFFFFDC0]  }
0xcb: {  	v13 =	vld [tilespmem:s0+$0xFFFFFDD0]  }
0xcc: {  	v14 =	vld [tilespmem:s0+$0xFFFFFDE0]  }
0xcd: {  	v15 =	vld [tilespmem:s0+$0xFFFFFDF0]  }
0xce: {  	v16 =	vld [tilespmem:s0+$0xFFFFFE00]  }
0xcf: {  	v17 =	vld [tilespmem:s0+$0xFFFFFE10]  }
0xd0: {  	v18 =	vld [tilespmem:s0+$0xFFFFFE20]  }
0xd1: {  	v19 =	vld [tilespmem:s0+$0xFFFFFE30]  }
0xd2: {  	v20 =	vld [tilespmem:s0+$0xFFFFFE40]  }
0xd3: {  	v21 =	vld [tilespmem:s0+$0xFFFFFE50]  }
0xd4: {  	v22 =	vld [tilespmem:s0+$0xFFFFFE60]  }
0xd5: {  	v23 =	vld [tilespmem:s0+$0xFFFFFE70]  }
0xd6: {  	v24 =	vld [tilespmem:s0+$0xFFFFFE80]  }
0xd7: {  	v25 =	vld [tilespmem:s0+$0xFFFFFE90]  }
0xd8: {  	v26 =	vld [tilespmem:s0+$0xFFFFFEA0]  }
0xd9: {  	v27 =	vld [tilespmem:s0+$0xFFFFFEB0]  }
0xda: {  	v28 =	vld [tilespmem:s0+$0xFFFFFEC0]  }
0xdb: {  	v29 =	vld [tilespmem:s0+$0xFFFFFED0]  }
0xdc: {  	v30 =	vld [tilespmem:s0+$0xFFFFFEE0]  }
0xdd: {  	v31 =	vld [tilespmem:s0+$0xFFFFFEF0]  }
0xde: {  	v32 =	vld [tilespmem:s0+$0xFFFFFF00]  }
0xdf: {  	v33 =	vld [tilespmem:s0+$0xFFFFFF10]  }
0xe0: {  	v34 =	vld [tilespmem:s0+$0xFFFFFF20]  }
0xe1: {  	v35 =	vld [tilespmem:s0+$0xFFFFFF30]  }
0xe2: {  	v36 =	vld [tilespmem:s0+$0xFFFFFF40]  }
0xe3: {  	v37 =	vld [tilespmem:s0+$0xFFFFFF50]  }
0xe4: {  	v38 =	vld [tilespmem:s0+$0xFFFFFF60]  }
0xe5: {  	v39 =	vld [tilespmem:s0+$0xFFFFFF70]  }
0xe6: {  	v40 =	vld [tilespmem:s0+$0xFFFFFF80]  }
0xe7: {  	v41 =	vld [tilespmem:s0+$0xFFFFFF90]  }
0xe8: {  	v42 =	vld [tilespmem:s0+$0xFFFFFFA0]  }
0xe9: {  	v43 =	vld [tilespmem:s0+$0xFFFFFFB0];
	v8 =	vand.u32 $0xFFFF0000, v8;
	v9 =	vand.u32 $0xFFFF0000, v9;
	v16 =	vand.u32 $0xFFFF0000, v16  }
0xea: {  	v44 =	vld [tilespmem:s0+$0xFFFFFFC0];
	v10 =	vand.u32 $0xFFFF0000, v10;
	v17 =	vand.u32 $0xFFFF0000, v17;
	v11 =	vand.u32 $0xFFFF0000, v11  }
0xeb: {  	v18 =	vand.u32 $0xFFFF0000, v18;
	v12 =	vand.u32 $0xFFFF0000, v12;
	v62 =	vand.u32 $0xFFFF0000, v24;
	v24 =	vld [tilespmem:s0+$0x30]  }
0xec: {  	v19 =	vand.u32 $0xFFFF0000, v19;
	v13 =	vand.u32 $0xFFFF0000, v13;
	v45 =	vand.u32 $0xFFFF0000, v26;
	v26 =	vld [tilespmem:s0+$0x60]  }
0xed: {  	v20 =	vand.u32 $0xFFFF0000, v20;
	v14 =	vand.u32 $0xFFFF0000, v14;
	v63 =	vand.u32 $0xFFFF0000, v25;
	v25 =	vld [tilespmem:s0+$0x70]  }
0xee: {  	v21 =	vand.u32 $0xFFFF0000, v21;
	v15 =	vand.u32 $0xFFFF0000, v15;
	v47 =	vand.u32 $0xFFFF0000, v28;
	v28 =	vld [tilespmem:s0+$0x80]  }
0xef: {  	v22 =	vand.u32 $0xFFFF0000, v22;
	v23 =	vand.u32 $0xFFFF0000, v23;
	v49 =	vand.u32 $0xFFFF0000, v30;
	v30 =	vld [tilespmem:s0+$0x90]  }
0xf0: {  	v46 =	vand.u32 $0xFFFF0000, v27;
	v48 =	vand.u32 $0xFFFF0000, v29;
	v50 =	vand.u32 $0xFFFF0000, v31;
	v29 =	vld [tilespmem:s0+$0xA0]  }
0xf1: {  	v51 =	vand.u32 $0xFFFF0000, v32;
	v52 =	vand.u32 $0xFFFF0000, v33;
	v27 =	vld [tilespmem:s0+$0xB0];
	v8 =	vadd.f32 v16, v8  }
0xf2: {  	v53 =	vand.u32 $0xFFFF0000, v34;
	v32 =	vld [tilespmem:s0+$0xC0];
	v9 =	vadd.f32 v17, v9;
	v10 =	vadd.f32 v18, v10  }
0xf3: {  	v54 =	vand.u32 $0xFFFF0000, v35;
	v31 =	vld [tilespmem:s0+$0xD0];
	v11 =	vadd.f32 v19, v11;
	v12 =	vadd.f32 v20, v12  }
0xf4: {  	v55 =	vand.u32 $0xFFFF0000, v36;
	v34 =	vld [tilespmem:s0+$0xE0];
	v13 =	vadd.f32 v21, v13;
	v14 =	vadd.f32 v22, v14  }
0xf5: {  	v56 =	vand.u32 $0xFFFF0000, v37;
	v33 =	vld [tilespmem:s0+$0xF0];
	v15 =	vadd.f32 v23, v15;
	v8 =	vadd.f32 v62, v8  }
0xf6: {  	v57 =	vand.u32 $0xFFFF0000, v38;
	v36 =	vld [tilespmem:s0+$0x100];
	v9 =	vadd.f32 v63, v9;
	v10 =	vadd.f32 v45, v10  }
0xf7: {  	v58 =	vand.u32 $0xFFFF0000, v39;
	v38 =	vld [tilespmem:s0+$0x110];
	v11 =	vadd.f32 v46, v11;
	v12 =	vadd.f32 v47, v12  }
0xf8: {  	v59 =	vand.u32 $0xFFFF0000, v40;
	v16 =	vld [tilespmem:s0+$0xFFFFFFD0];
	v13 =	vadd.f32 v48, v13;
	v14 =	vadd.f32 v49, v14  }
0xf9: {  	v60 =	vand.u32 $0xFFFF0000, v41;
	v17 =	vld [tilespmem:s0+$0xFFFFFFE0];
	v15 =	vadd.f32 v50, v15;
	v8 =	vadd.f32 v51, v8  }
0xfa: {  	v61 =	vand.u32 $0xFFFF0000, v42;
	v18 =	vld [tilespmem:s0+$0xFFFFFFF0];
	v9 =	vadd.f32 v52, v9;
	v10 =	vadd.f32 v53, v10  }
0xfb: {  	v19 =	vld [tilespmem:s0+$0x0];
	v62 =	vand.u32 $0xFFFF0000, v43;
	v11 =	vadd.f32 v54, v11;
	v12 =	vadd.f32 v55, v12  }
0xfc: {  	v20 =	vld [tilespmem:s0+$0x10];
	v63 =	vand.u32 $0xFFFF0000, v44;
	v13 =	vadd.f32 v56, v13;
	v14 =	vadd.f32 v57, v14  }
0xfd: {  	v21 =	vld [tilespmem:s0+$0x20];
	v15 =	vadd.f32 v58, v15;
	v45 =	vand.u32 $0xFFFF0000, v24;
	v50 =	vand.u32 $0xFFFF0000, v26  }
0xfe: {  	v22 =	vld [tilespmem:s0+$0x40];
	v52 =	vand.u32 $0xFFFF0000, v25;
	v54 =	vand.u32 $0xFFFF0000, v28;
	v55 =	vand.u32 $0xFFFF0000, v30  }
0xff: {  	v23 =	vld [tilespmem:s0+$0x50];
	v57 =	vand.u32 $0xFFFF0000, v29;
	v33 =	vand.u32 $0xFFFF0000, v33;
	v36 =	vand.u32 $0xFFFF0000, v36  }
0x100: {  	v41 =	vld [tilespmem:s0+$0x130];
	v38 =	vand.u32 $0xFFFF0000, v38;
	v16 =	vand.u32 $0xFFFF0000, v16;
	v17 =	vand.u32 $0xFFFF0000, v17  }
0x101: {  	v39 =	vld [tilespmem:s0+$0x120];
	v18 =	vand.u32 $0xFFFF0000, v18;
	v40 =	vand.u32 $0xFFFF0000, v19;
	v42 =	vand.u32 $0xFFFF0000, v20  }
0x102: {  	v43 =	vld [tilespmem:s0+$0x140];
	v44 =	vand.u32 $0xFFFF0000, v21;
	v8 =	vadd.f32 v59, v8;
	v9 =	vadd.f32 v60, v9  }
0x103: {  	v46 =	vld [tilespmem:s0+$0x150];
	v47 =	vand.u32 $0xFFFF0000, v22;
	v10 =	vadd.f32 v61, v10;
	v11 =	vadd.f32 v62, v11  }
0x104: {  	v48 =	vld [tilespmem:s0+$0x160];
	v49 =	vand.u32 $0xFFFF0000, v23;
	v12 =	vadd.f32 v63, v12;
	v13 =	vadd.f32 v16, v13  }
0x105: {  	v51 =	vld [tilespmem:s0+$0x170];
	v19 =	vand.u32 $0xFFFF0000, v41;
	v14 =	vadd.f32 v17, v14;
	v15 =	vadd.f32 v18, v15  }
0x106: {  	v53 =	vld [tilespmem:s0+$0x180];
	v59 =	vand.u32 $0xFFFF0000, v27;
	v60 =	vand.u32 $0xFFFF0000, v32;
	v62 =	vand.u32 $0xFFFF0000, v31  }
0x107: {  	v56 =	vld [tilespmem:s0+$0x190];
	v32 =	vand.u32 $0xFFFF0000, v34;
	v8 =	vadd.f32 v40, v8;
	v9 =	vadd.f32 v42, v9  }
0x108: {  	v58 =	vld [tilespmem:s0+$0x1A0];
	v16 =	vand.u32 $0xFFFF0000, v39;
	v10 =	vadd.f32 v44, v10;
	v11 =	vadd.f32 v45, v11  }
0x109: {  	v37 =	vld [tilespmem:s0+$0x1E0];
	v17 =	vand.u32 $0xFFFF0000, v43;
	v12 =	vadd.f32 v47, v12;
	v13 =	vadd.f32 v49, v13  }
0x10a: {  	v61 =	vld [tilespmem:s0+$0x1B0];
	v18 =	vand.u32 $0xFFFF0000, v46;
	v14 =	vadd.f32 v50, v14;
	v15 =	vadd.f32 v52, v15  }
0x10b: {  	v63 =	vld [tilespmem:s0+$0x1C0];
	v42 =	vand.u32 $0xFFFF0000, v48;
	v20 =	vand.u32 $0xFFFF0000, v51;
	v44 =	vand.u32 $0xFFFF0000, v53  }
0x10c: {  	v34 =	vld [tilespmem:s0+$0x1D0];
	v46 =	vand.u32 $0xFFFF0000, v56;
	v8 =	vadd.f32 v54, v8;
	v9 =	vadd.f32 v55, v9  }
0x10d: {  	v39 =	vld [tilespmem:s0+$0x1F0];
	v48 =	vand.u32 $0xFFFF0000, v58;
	v10 =	vadd.f32 v57, v10;
	v11 =	vadd.f32 v59, v11  }
0x10e: {  	v41 =	vld [tilespmem:s0+$0x210];
	v53 =	vand.u32 $0xFFFF0000, v37;
	v12 =	vadd.f32 v60, v12;
	v13 =	vadd.f32 v62, v13  }
0x10f: {  	v43 =	vld [tilespmem:s0+$0x220];
	v14 =	vadd.f32 v32, v14;
	v15 =	vadd.f32 v33, v15;
	v22 =	vand.u32 $0xFFFF0000, v61  }
0x110: {  	v40 =	vld [tilespmem:s0+$0x200];
	v50 =	vand.u32 $0xFFFF0000, v63;
	v8 =	vadd.f32 v36, v8;
	v9 =	vadd.f32 v38, v9  }
0x111: {  	v45 =	vld [tilespmem:s0+$0x230];
	v52 =	vand.u32 $0xFFFF0000, v34;
	v10 =	vadd.f32 v16, v10;
	v11 =	vadd.f32 v19, v11  }
0x112: {  	v47 =	vld [tilespmem:s0+$0x240];
	v55 =	vand.u32 $0xFFFF0000, v39;
	v12 =	vadd.f32 v17, v12;
	v13 =	vadd.f32 v18, v13  }
0x113: {  	v49 =	vld [tilespmem:s0+$0x250];
	v14 =	vadd.f32 v42, v14;
	v15 =	vadd.f32 v20, v15;
	v19 =	vand.u32 $0xFFFF0000, v41  }
0x114: {  	v51 =	vld [tilespmem:s0+$0x260];
	v18 =	vand.u32 $0xFFFF0000, v43;
	v8 =	vadd.f32 v44, v8;
	v9 =	vadd.f32 v46, v9  }
0x115: {  	v54 =	vld [tilespmem:s0+$0x270];
	v16 =	vand.u32 $0xFFFF0000, v40;
	v10 =	vadd.f32 v48, v10;
	v11 =	vadd.f32 v22, v11  }
0x116: {  	v21 =	vand.u32 $0xFFFF0000, v45;
	v12 =	vadd.f32 v50, v12;
	v13 =	vadd.f32 v52, v13  }
0x117: {  	s22 =	smulhi.u32 $0x51EB851F, s29;
	v17 =	vand.u32 $0xFFFF0000, v47;
	v14 =	vadd.f32 v53, v14;
	v15 =	vadd.f32 v55, v15  }
0x118: {  	v20 =	vand.u32 $0xFFFF0000, v49;
	v8 =	vadd.f32 v16, v8;
	v9 =	vadd.f32 v19, v9  }
0x119: {  	s22 =	sshrl.u32 s22, $0x3;
	v56 =	vand.u32 $0xFFFF0000, v51;
	v10 =	vadd.f32 v18, v10;
	v11 =	vadd.f32 v21, v11  }
0x11a: {  	s22 =	smul.u32 $0x19, s22;
	v57 =	vand.u32 $0xFFFF0000, v54;
	v12 =	vadd.f32 v17, v12;
	v13 =	vadd.f32 v20, v13  }
0x11b: {  	s23 =	sadd.s32 s20, s15;
	v14 =	vadd.f32 v56, v14;
	v8 =	vmul.f32 $1.000000010e-01, v8;
	v9 =	vmul.f32 $1.000000010e-01, v9  }
0x11c: {  	s22 =	ssub.s32 s23, s22;
	v15 =	vadd.f32 v57, v15;
	v10 =	vmul.f32 $1.000000010e-01, v10;
	v11 =	vmul.f32 $1.000000010e-01, v11  }
0x11d: {  	p0 =	sne.s32 s22, $0x18;
	v59 =	vmul.f32 $1.000000010e-01, v13;
	v8 =	vmax.f32 v8, $0.0e+00;
	v9 =	vmax.f32 v9, $0.0e+00  }
0x11e: {  	s22 =	smulhi.u32 @!p0 $0x51EB851F, s23;
	v10 =	vmax.f32 v10, $0.0e+00;
	v8 =	vmul.f32 $3.999999910e-02, v8;
	v9 =	vmul.f32 $3.999999910e-02, v9  }
0x11f: {  	v61 =	vmul.f32 $1.000000010e-01, v15;
	v58 =	vmax.f32 v11, $0.0e+00;
	v10 =	vmul.f32 $3.999999910e-02, v10  }
0x120: {  	s22 =	sshll.u32 @!p0 s22, $0x4;
	v7 =	vadd.f32 v8, v7;
	v6 =	vadd.f32 v9, v6;
	v8 =	vmul.f32 $1.000000010e-01, v12  }
0x121: {  	s22 =	sand.u32 @!p0 $0x3FFFFF80, s22;
	v5 =	vadd.f32 v10, v5;
	v9 =	vmul.f32 $3.999999910e-02, v58;
	v10 =	vmax.f32 v59, $0.0e+00  }
0x122: {  	v60 =	vmul.f32 $1.000000010e-01, v14;
	v12 =	vmax.f32 v61, $0.0e+00;
	v10 =	vmul.f32 $3.999999910e-02, v10;
	[tilespmem:s22+$0x1E380] =	vst @!p0 v7  }
0x123: {  	s20 =	sadd.s32 $0x1, s20;
	v63 =	vmul.f32 $3.999999910e-02, v12;
	v8 =	vmax.f32 v8, $0.0e+00;
	v4 =	vadd.f32 v9, v4;
	[tilespmem:s22+$0x1E390] =	vst @!p0 v6  }
0x124: {  	p1 =	sne.s32 s20, $0x28;
	v11 =	vmax.f32 v60, $0.0e+00;
	[tilespmem:s22+$0x1E3A0] =	vst @!p0 v5;
	v8 =	vmul.f32 $3.999999910e-02, v8;
	v2 =	vadd.f32 v10, v2  }
.Ltmp7:
0x125: {  	v62 =	vmul.f32 $3.999999910e-02, v11;
	v9 =	vadd.f32 v63, v0;
	[tilespmem:s22+$0x1E3B0] =	vst @!p0 v4;
	(pc) =	sbr.rel @p1 .LBB2_13-.Ltmp7, $4  }
0x126: {  	v3 =	vadd.f32 v8, v3;
	[tilespmem:s22+$0x1E3D0] =	vst @!p0 v2  }
0x127: {  	v5 =	vpsel !p0, $0x0, v5;
	v6 =	vpsel !p0, $0x0, v6;
	v8 =	vadd.f32 v62, v1;
	[tilespmem:s22+$0x1E3F0] =	vst @!p0 v9  }
0x128: {  	v7 =	vpsel !p0, $0x0, v7;
	v4 =	vpsel !p0, $0x0, v4;
	v0 =	vpsel !p0, $0x0, v9;
	[tilespmem:s22+$0x1E3C0] =	vst @!p0 v3  }
0x129: {  	s29 =	sadd.s32 $0x1, s29;
	s0 =	sadd.s32 $0x500, s0;
	v2 =	vpsel !p0, $0x0, v2;
	v1 =	vpsel !p0, $0x0, v8;
	[tilespmem:s22+$0x1E3E0] =	vst @!p0 v8;
	v3 =	vpsel !p0, $0x0, v3  }
0x12a: {  	p0 =	seq.s32 s1, $0x9  }
0x12b: {  	s0 =	smul.u32 @!p0 $0xC80, s1;
	_ =	sdelay $0x1  }
0x12c: {  	s0 =	sshra.s32 @!p0 s0, $0x2  }
0x12d: {  	s20 =	simm.s32 @!p0 $0x190;
	s22 =	simm.s32 @!p0 $0xEB80;
	s0 =	sadd.s32 @!p0 $0x720, s0  }
0x12e: {  	[tilespmem:s22], [sflag:$0x2] =	stream.indirect.gather @!p0 [hbm4b:s3+s20], $0x80, s0, s20, $0xb8;
	[tilespmem:$0x1F380] =	vst v63  }
0x12f: {  	_ =	swait.ge [sflag:s19], $0xC800  }
0x130: {  	s29 =	simm.s32 $0x2600;
	[sflag:s19] =	ssyncset.done $0x0  }
0x131: {  	s0 =	simm.s32 $0x0;
	s20 =	smov.u32 s30;
	[sflag:s19] =	ssyncadd.s32 $0xFFFF3800  }
.LBB2_15:
0x132: {  	v8 =	vld [tilespmem:s29+$0xFFFFFD80]  }
0x133: {  	v9 =	vld [tilespmem:s29+$0xFFFFFD90]  }
0x134: {  	v10 =	vld [tilespmem:s29+$0xFFFFFDA0]  }
0x135: {  	v11 =	vld [tilespmem:s29+$0xFFFFFDB0]  }
0x136: {  	v12 =	vld [tilespmem:s29+$0xFFFFFDC0]  }
0x137: {  	v13 =	vld [tilespmem:s29+$0xFFFFFDD0]  }
0x138: {  	v14 =	vld [tilespmem:s29+$0xFFFFFDE0]  }
0x139: {  	v15 =	vld [tilespmem:s29+$0xFFFFFDF0]  }
0x13a: {  	v16 =	vld [tilespmem:s29+$0xFFFFFE00]  }
0x13b: {  	v17 =	vld [tilespmem:s29+$0xFFFFFE10]  }
0x13c: {  	v18 =	vld [tilespmem:s29+$0xFFFFFE20]  }
0x13d: {  	v19 =	vld [tilespmem:s29+$0xFFFFFE30]  }
0x13e: {  	v20 =	vld [tilespmem:s29+$0xFFFFFE40]  }
0x13f: {  	v21 =	vld [tilespmem:s29+$0xFFFFFE50]  }
0x140: {  	v22 =	vld [tilespmem:s29+$0xFFFFFE60]  }
0x141: {  	v23 =	vld [tilespmem:s29+$0xFFFFFE70]  }
0x142: {  	v24 =	vld [tilespmem:s29+$0xFFFFFE80]  }
0x143: {  	v25 =	vld [tilespmem:s29+$0xFFFFFE90]  }
0x144: {  	v26 =	vld [tilespmem:s29+$0xFFFFFEA0]  }
0x145: {  	v27 =	vld [tilespmem:s29+$0xFFFFFEB0]  }
0x146: {  	v28 =	vld [tilespmem:s29+$0xFFFFFEC0]  }
0x147: {  	v29 =	vld [tilespmem:s29+$0xFFFFFED0]  }
0x148: {  	v30 =	vld [tilespmem:s29+$0xFFFFFEE0]  }
0x149: {  	v31 =	vld [tilespmem:s29+$0xFFFFFEF0]  }
0x14a: {  	v32 =	vld [tilespmem:s29+$0xFFFFFF00]  }
0x14b: {  	v33 =	vld [tilespmem:s29+$0xFFFFFF10]  }
0x14c: {  	v34 =	vld [tilespmem:s29+$0xFFFFFF20]  }
0x14d: {  	v35 =	vld [tilespmem:s29+$0xFFFFFF30]  }
0x14e: {  	v36 =	vld [tilespmem:s29+$0xFFFFFF40]  }
0x14f: {  	v37 =	vld [tilespmem:s29+$0xFFFFFF50]  }
0x150: {  	v38 =	vld [tilespmem:s29+$0xFFFFFF60]  }
0x151: {  	v39 =	vld [tilespmem:s29+$0xFFFFFF70]  }
0x152: {  	v40 =	vld [tilespmem:s29+$0xFFFFFF80]  }
0x153: {  	v41 =	vld [tilespmem:s29+$0xFFFFFF90]  }
0x154: {  	v42 =	vld [tilespmem:s29+$0xFFFFFFA0]  }
0x155: {  	v43 =	vld [tilespmem:s29+$0xFFFFFFB0];
	v8 =	vand.u32 $0xFFFF0000, v8;
	v9 =	vand.u32 $0xFFFF0000, v9;
	v16 =	vand.u32 $0xFFFF0000, v16  }
0x156: {  	v44 =	vld [tilespmem:s29+$0xFFFFFFC0];
	v10 =	vand.u32 $0xFFFF0000, v10;
	v17 =	vand.u32 $0xFFFF0000, v17;
	v11 =	vand.u32 $0xFFFF0000, v11  }
0x157: {  	v18 =	vand.u32 $0xFFFF0000, v18;
	v12 =	vand.u32 $0xFFFF0000, v12;
	v62 =	vand.u32 $0xFFFF0000, v24;
	v24 =	vld [tilespmem:s29+$0x30]  }
0x158: {  	v19 =	vand.u32 $0xFFFF0000, v19;
	v13 =	vand.u32 $0xFFFF0000, v13;
	v45 =	vand.u32 $0xFFFF0000, v26;
	v26 =	vld [tilespmem:s29+$0x60]  }
0x159: {  	v20 =	vand.u32 $0xFFFF0000, v20;
	v14 =	vand.u32 $0xFFFF0000, v14;
	v63 =	vand.u32 $0xFFFF0000, v25;
	v25 =	vld [tilespmem:s29+$0x70]  }
0x15a: {  	v21 =	vand.u32 $0xFFFF0000, v21;
	v15 =	vand.u32 $0xFFFF0000, v15;
	v47 =	vand.u32 $0xFFFF0000, v28;
	v28 =	vld [tilespmem:s29+$0x80]  }
0x15b: {  	v22 =	vand.u32 $0xFFFF0000, v22;
	v23 =	vand.u32 $0xFFFF0000, v23;
	v49 =	vand.u32 $0xFFFF0000, v30;
	v30 =	vld [tilespmem:s29+$0x90]  }
0x15c: {  	v46 =	vand.u32 $0xFFFF0000, v27;
	v48 =	vand.u32 $0xFFFF0000, v29;
	v50 =	vand.u32 $0xFFFF0000, v31;
	v29 =	vld [tilespmem:s29+$0xA0]  }
0x15d: {  	v51 =	vand.u32 $0xFFFF0000, v32;
	v52 =	vand.u32 $0xFFFF0000, v33;
	v27 =	vld [tilespmem:s29+$0xB0];
	v8 =	vadd.f32 v16, v8  }
0x15e: {  	v53 =	vand.u32 $0xFFFF0000, v34;
	v32 =	vld [tilespmem:s29+$0xC0];
	v9 =	vadd.f32 v17, v9;
	v10 =	vadd.f32 v18, v10  }
0x15f: {  	v54 =	vand.u32 $0xFFFF0000, v35;
	v31 =	vld [tilespmem:s29+$0xD0];
	v11 =	vadd.f32 v19, v11;
	v12 =	vadd.f32 v20, v12  }
0x160: {  	v55 =	vand.u32 $0xFFFF0000, v36;
	v34 =	vld [tilespmem:s29+$0xE0];
	v13 =	vadd.f32 v21, v13;
	v14 =	vadd.f32 v22, v14  }
0x161: {  	v56 =	vand.u32 $0xFFFF0000, v37;
	v33 =	vld [tilespmem:s29+$0xF0];
	v15 =	vadd.f32 v23, v15;
	v8 =	vadd.f32 v62, v8  }
0x162: {  	v57 =	vand.u32 $0xFFFF0000, v38;
	v36 =	vld [tilespmem:s29+$0x100];
	v9 =	vadd.f32 v63, v9;
	v10 =	vadd.f32 v45, v10  }
0x163: {  	v58 =	vand.u32 $0xFFFF0000, v39;
	v38 =	vld [tilespmem:s29+$0x110];
	v11 =	vadd.f32 v46, v11;
	v12 =	vadd.f32 v47, v12  }
0x164: {  	v59 =	vand.u32 $0xFFFF0000, v40;
	v16 =	vld [tilespmem:s29+$0xFFFFFFD0];
	v13 =	vadd.f32 v48, v13;
	v14 =	vadd.f32 v49, v14  }
0x165: {  	v60 =	vand.u32 $0xFFFF0000, v41;
	v17 =	vld [tilespmem:s29+$0xFFFFFFE0];
	v15 =	vadd.f32 v50, v15;
	v8 =	vadd.f32 v51, v8  }
0x166: {  	v61 =	vand.u32 $0xFFFF0000, v42;
	v18 =	vld [tilespmem:s29+$0xFFFFFFF0];
	v9 =	vadd.f32 v52, v9;
	v10 =	vadd.f32 v53, v10  }
0x167: {  	v19 =	vld [tilespmem:s29+$0x0];
	v62 =	vand.u32 $0xFFFF0000, v43;
	v11 =	vadd.f32 v54, v11;
	v12 =	vadd.f32 v55, v12  }
0x168: {  	v20 =	vld [tilespmem:s29+$0x10];
	v63 =	vand.u32 $0xFFFF0000, v44;
	v13 =	vadd.f32 v56, v13;
	v14 =	vadd.f32 v57, v14  }
0x169: {  	v21 =	vld [tilespmem:s29+$0x20];
	v15 =	vadd.f32 v58, v15;
	v45 =	vand.u32 $0xFFFF0000, v24;
	v50 =	vand.u32 $0xFFFF0000, v26  }
0x16a: {  	v22 =	vld [tilespmem:s29+$0x40];
	v52 =	vand.u32 $0xFFFF0000, v25;
	v54 =	vand.u32 $0xFFFF0000, v28;
	v55 =	vand.u32 $0xFFFF0000, v30  }
0x16b: {  	v23 =	vld [tilespmem:s29+$0x50];
	v57 =	vand.u32 $0xFFFF0000, v29;
	v33 =	vand.u32 $0xFFFF0000, v33;
	v36 =	vand.u32 $0xFFFF0000, v36  }
0x16c: {  	v41 =	vld [tilespmem:s29+$0x130];
	v38 =	vand.u32 $0xFFFF0000, v38;
	v16 =	vand.u32 $0xFFFF0000, v16;
	v17 =	vand.u32 $0xFFFF0000, v17  }
0x16d: {  	v39 =	vld [tilespmem:s29+$0x120];
	v18 =	vand.u32 $0xFFFF0000, v18;
	v40 =	vand.u32 $0xFFFF0000, v19;
	v42 =	vand.u32 $0xFFFF0000, v20  }
0x16e: {  	v43 =	vld [tilespmem:s29+$0x140];
	v44 =	vand.u32 $0xFFFF0000, v21;
	v8 =	vadd.f32 v59, v8;
	v9 =	vadd.f32 v60, v9  }
0x16f: {  	v46 =	vld [tilespmem:s29+$0x150];
	v47 =	vand.u32 $0xFFFF0000, v22;
	v10 =	vadd.f32 v61, v10;
	v11 =	vadd.f32 v62, v11  }
0x170: {  	v48 =	vld [tilespmem:s29+$0x160];
	v49 =	vand.u32 $0xFFFF0000, v23;
	v12 =	vadd.f32 v63, v12;
	v13 =	vadd.f32 v16, v13  }
0x171: {  	v51 =	vld [tilespmem:s29+$0x170];
	v19 =	vand.u32 $0xFFFF0000, v41;
	v14 =	vadd.f32 v17, v14;
	v15 =	vadd.f32 v18, v15  }
0x172: {  	v53 =	vld [tilespmem:s29+$0x180];
	v59 =	vand.u32 $0xFFFF0000, v27;
	v60 =	vand.u32 $0xFFFF0000, v32;
	v62 =	vand.u32 $0xFFFF0000, v31  }
0x173: {  	v56 =	vld [tilespmem:s29+$0x190];
	v32 =	vand.u32 $0xFFFF0000, v34;
	v8 =	vadd.f32 v40, v8;
	v9 =	vadd.f32 v42, v9  }
0x174: {  	v58 =	vld [tilespmem:s29+$0x1A0];
	v16 =	vand.u32 $0xFFFF0000, v39;
	v10 =	vadd.f32 v44, v10;
	v11 =	vadd.f32 v45, v11  }
0x175: {  	v37 =	vld [tilespmem:s29+$0x1E0];
	v17 =	vand.u32 $0xFFFF0000, v43;
	v12 =	vadd.f32 v47, v12;
	v13 =	vadd.f32 v49, v13  }
0x176: {  	v61 =	vld [tilespmem:s29+$0x1B0];
	v18 =	vand.u32 $0xFFFF0000, v46;
	v14 =	vadd.f32 v50, v14;
	v15 =	vadd.f32 v52, v15  }
0x177: {  	v63 =	vld [tilespmem:s29+$0x1C0];
	v42 =	vand.u32 $0xFFFF0000, v48;
	v20 =	vand.u32 $0xFFFF0000, v51;
	v44 =	vand.u32 $0xFFFF0000, v53  }
0x178: {  	v34 =	vld [tilespmem:s29+$0x1D0];
	v46 =	vand.u32 $0xFFFF0000, v56;
	v8 =	vadd.f32 v54, v8;
	v9 =	vadd.f32 v55, v9  }
0x179: {  	v39 =	vld [tilespmem:s29+$0x1F0];
	v48 =	vand.u32 $0xFFFF0000, v58;
	v10 =	vadd.f32 v57, v10;
	v11 =	vadd.f32 v59, v11  }
0x17a: {  	v41 =	vld [tilespmem:s29+$0x210];
	v53 =	vand.u32 $0xFFFF0000, v37;
	v12 =	vadd.f32 v60, v12;
	v13 =	vadd.f32 v62, v13  }
0x17b: {  	v43 =	vld [tilespmem:s29+$0x220];
	v14 =	vadd.f32 v32, v14;
	v15 =	vadd.f32 v33, v15;
	v22 =	vand.u32 $0xFFFF0000, v61  }
0x17c: {  	v40 =	vld [tilespmem:s29+$0x200];
	v50 =	vand.u32 $0xFFFF0000, v63;
	v8 =	vadd.f32 v36, v8;
	v9 =	vadd.f32 v38, v9  }
0x17d: {  	v45 =	vld [tilespmem:s29+$0x230];
	v52 =	vand.u32 $0xFFFF0000, v34;
	v10 =	vadd.f32 v16, v10;
	v11 =	vadd.f32 v19, v11  }
0x17e: {  	v47 =	vld [tilespmem:s29+$0x240];
	v55 =	vand.u32 $0xFFFF0000, v39;
	v12 =	vadd.f32 v17, v12;
	v13 =	vadd.f32 v18, v13  }
0x17f: {  	v49 =	vld [tilespmem:s29+$0x250];
	v14 =	vadd.f32 v42, v14;
	v15 =	vadd.f32 v20, v15;
	v19 =	vand.u32 $0xFFFF0000, v41  }
0x180: {  	v51 =	vld [tilespmem:s29+$0x260];
	v18 =	vand.u32 $0xFFFF0000, v43;
	v8 =	vadd.f32 v44, v8;
	v9 =	vadd.f32 v46, v9  }
0x181: {  	v54 =	vld [tilespmem:s29+$0x270];
	v16 =	vand.u32 $0xFFFF0000, v40;
	v10 =	vadd.f32 v48, v10;
	v11 =	vadd.f32 v22, v11  }
0x182: {  	v21 =	vand.u32 $0xFFFF0000, v45;
	v12 =	vadd.f32 v50, v12;
	v13 =	vadd.f32 v52, v13  }
0x183: {  	s22 =	smulhi.u32 $0x51EB851F, s20;
	v17 =	vand.u32 $0xFFFF0000, v47;
	v14 =	vadd.f32 v53, v14;
	v15 =	vadd.f32 v55, v15  }
0x184: {  	v20 =	vand.u32 $0xFFFF0000, v49;
	v8 =	vadd.f32 v16, v8;
	v9 =	vadd.f32 v19, v9  }
0x185: {  	s22 =	sshrl.u32 s22, $0x3;
	v56 =	vand.u32 $0xFFFF0000, v51;
	v10 =	vadd.f32 v18, v10;
	v11 =	vadd.f32 v21, v11  }
0x186: {  	s22 =	smul.u32 $0x19, s22;
	v57 =	vand.u32 $0xFFFF0000, v54;
	v12 =	vadd.f32 v17, v12;
	v13 =	vadd.f32 v20, v13  }
0x187: {  	v14 =	vadd.f32 v56, v14;
	v8 =	vmul.f32 $1.000000010e-01, v8;
	v9 =	vmul.f32 $1.000000010e-01, v9  }
0x188: {  	s22 =	sadd.s32 s22, s31;
	v15 =	vadd.f32 v57, v15;
	v10 =	vmul.f32 $1.000000010e-01, v10;
	v11 =	vmul.f32 $1.000000010e-01, v11  }
0x189: {  	s23 =	sadd.s32 s0, s30;
	p1 =	sne.s32 s22, s0;
	v59 =	vmul.f32 $1.000000010e-01, v13;
	v8 =	vmax.f32 v8, $0.0e+00;
	v9 =	vmax.f32 v9, $0.0e+00  }
0x18a: {  	s22 =	smulhi.u32 @!p1 $0x51EB851F, s23;
	v10 =	vmax.f32 v10, $0.0e+00;
	v8 =	vmul.f32 $3.999999910e-02, v8;
	v9 =	vmul.f32 $3.999999910e-02, v9  }
0x18b: {  	v61 =	vmul.f32 $1.000000010e-01, v15;
	v58 =	vmax.f32 v11, $0.0e+00;
	v10 =	vmul.f32 $3.999999910e-02, v10  }
0x18c: {  	s22 =	sshll.u32 @!p1 s22, $0x4;
	v7 =	vadd.f32 v8, v7;
	v6 =	vadd.f32 v9, v6;
	v8 =	vmul.f32 $1.000000010e-01, v12  }
0x18d: {  	s22 =	sand.u32 @!p1 $0x3FFFFF80, s22;
	v5 =	vadd.f32 v10, v5;
	v9 =	vmul.f32 $3.999999910e-02, v58;
	v10 =	vmax.f32 v59, $0.0e+00  }
0x18e: {  	v60 =	vmul.f32 $1.000000010e-01, v14;
	v12 =	vmax.f32 v61, $0.0e+00;
	v10 =	vmul.f32 $3.999999910e-02, v10;
	[tilespmem:s22+$0x1E380] =	vst @!p1 v7  }
0x18f: {  	s0 =	sadd.s32 $0x1, s0;
	v63 =	vmul.f32 $3.999999910e-02, v12;
	v8 =	vmax.f32 v8, $0.0e+00;
	v4 =	vadd.f32 v9, v4;
	[tilespmem:s22+$0x1E390] =	vst @!p1 v6  }
0x190: {  	p2 =	sne.s32 s0, $0x28;
	v11 =	vmax.f32 v60, $0.0e+00;
	[tilespmem:s22+$0x1E3A0] =	vst @!p1 v5;
	v8 =	vmul.f32 $3.999999910e-02, v8;
	v2 =	vadd.f32 v10, v2  }
.Ltmp8:
0x191: {  	v62 =	vmul.f32 $3.999999910e-02, v11;
	v9 =	vadd.f32 v63, v0;
	[tilespmem:s22+$0x1E3B0] =	vst @!p1 v4;
	(pc) =	sbr.rel @p2 .LBB2_15-.Ltmp8, $4  }
0x192: {  	v3 =	vadd.f32 v8, v3;
	[tilespmem:s22+$0x1E3D0] =	vst @!p1 v2  }
0x193: {  	v5 =	vpsel !p1, $0x0, v5;
	v6 =	vpsel !p1, $0x0, v6;
	v8 =	vadd.f32 v62, v1;
	[tilespmem:s22+$0x1E3F0] =	vst @!p1 v9  }
0x194: {  	v7 =	vpsel !p1, $0x0, v7;
	v4 =	vpsel !p1, $0x0, v4;
	v0 =	vpsel !p1, $0x0, v9;
	[tilespmem:s22+$0x1E3C0] =	vst @!p1 v3  }
0x195: {  	s20 =	sadd.s32 $0x1, s20;
	s29 =	sadd.s32 $0x500, s29;
	v2 =	vpsel !p1, $0x0, v2;
	v1 =	vpsel !p1, $0x0, v8;
	[tilespmem:s22+$0x1E3E0] =	vst @!p1 v8;
	v3 =	vpsel !p1, $0x0, v3  }
.Ltmp9:
0x196: {  	(pc) =	sbr.rel @p0 .LBB2_18-.Ltmp9, $1  }
0x197: {  	_ =	sdelay $0x3  }
0x198: {  	s0 =	smul.u32 $0xC80, s1  }
.Ltmp10:
0x199: {  	_ = 	snop;
	(pc) =	sbr.rel .LBB2_12-.Ltmp10, $4  }
0x19a: {  	_ = 	snop  }
0x19b: {  	s1 =	sadd.s32 $0x1, s1;
	s15 =	sadd.s32 $0x50, s15;
	s0 =	sshra.s32 s0, $0x2  }
0x19c: {  	s30 =	sadd.s32 $0x50, s30;
	s31 =	sadd.s32 $0xFFFFFFB0, s31;
	s0 =	sadd.s32 $0x8B0, s0  }
0x19d: {  	[tilespmem:s16], [sflag:$0x1] =	stream.indirect.gather [hbm4b:s3+s17], $0x80, s0, s17, $0xb8;
	[tilespmem:$0x1F380] =	vst v63  }
.LBB2_19:
0x19e: {  	_ =	sfence.sel $0x180000  }
0x19f: {  	[bflag:$0x0] =	sbarrier.arrive $0xFFFF  }
0x1a0: {  	_ =	strace $0x9000004A  }
0x1a1: {  	s0 =	stileid.u32;
	[bflag:$0x2] =	sbarrier.arrive $0xFFFF  }
0x1a2: {  	p0 =	sne.s32 s0, $0x0;
	s0 =	rddreg [dreg:$0x3]  }
0x1a3: {  	s0 =	sadd.s32 @!p0 $0x100000, s0  }
0x1a4: {  	[sflag:s0] =	ssyncadd.tile.s32 @!p0 $0x1;
	_ =	shalt  }
.Lfunc_end2:
_tile_overlayer_lowered:
.L_overlay_start_2:
0x1a5: {  	(tag) =	ssettag $0x2  }
0x1a6: {  	s0 =	rddreg [dreg:$0x0];
	s2 =	stileid.u32  }
0x1a7: {  	s1 =	rddreg [dreg:$0x1];
	p0 =	sne.s32 s2, $0x0  }
0x1a8: {  	s3 =	rddreg [dreg:$0x2];
	[bflag:$0x3] =	sbarrier.arrive $0xFFFF;
	s2 =	simm.s32 @!p0 $0x1C03  }
0x1a9: {  	[timem:s3], [sflag:s2] =	dma.local @!p0 [hbm:s0], s1  }
0x1aa: {  	s0 =	simm.s32 @!p0 $0x3  }
0x1ab: {  	_ =	swait.ge @!p0 [sflag:s0], s1  }
0x1ac: {  	s1 =	ssub.s32 @!p0 $0x0, s1;
	[sflag:s0] =	ssyncset.done @!p0 $0x0  }
0x1ad: {  	[sflag:s0] =	ssyncadd.s32 @!p0 s1  }
0x1ae: {  	[bflag:$0x3] =	sbarrier.arrive $0xFFFF  }
0x1af: {  	_ =	shalt  }

</sc_bundles>
